<compile_context>
chip_gen: v7x
topology: tpu7x:2x2x1
jax: 0.10.2.dev20260603
libtpu: 0.0.44.dev20260713+nightly
codegen_flags: <defaults>
</compile_context>

<pallas_src>
import functools

import jax
import jax.numpy as jnp
from jax import lax
from jax.experimental import pallas as pl
from jax.experimental.pallas import tpu as pltpu
from jax.experimental.pallas import tpu_sc as plsc

NC, NS = 2, 16
NW = NC * NS
C = 8
NB = 8
LOOK = NB - 2


def _sc_embed(level_ids_flat, token_ids_flat, emb, level_embed):
    n = token_ids_flat.shape[0]
    d = emb.shape[1]
    nlev = level_embed.shape[0]
    rpw = n // NW
    nchunk = rpw // C
    nround = nchunk // NB
    mesh = plsc.VectorSubcoreMesh(core_axis_name="c", subcore_axis_name="s",
                                  num_cores=NC, num_subcores=NS)

    @functools.partial(
        pl.kernel,
        out_type=jax.ShapeDtypeStruct((n, d), jnp.float32),
        mesh=mesh,
        scratch_types=[
            pltpu.VMEM((rpw,), jnp.int32),
            pltpu.VMEM((rpw + 8,), jnp.int32),
            pltpu.VMEM((NB, C, d), jnp.float32),
            pltpu.VMEM((nlev, d), jnp.float32),
            pltpu.SemaphoreType.DMA((NB,)),
            pltpu.SemaphoreType.DMA((NB,)),
        ],
    )
    def k(lvl_hbm, tok_hbm, emb_hbm, lev_hbm, out_hbm,
          tok_v, lvl_v, rows, lev_v, sem_g, sem_s):
        wid = lax.axis_index("s") * NC + lax.axis_index("c")
        wbase = wid * rpw

        pltpu.sync_copy(tok_hbm.at[pl.ds(wbase, rpw)], tok_v)
        pltpu.sync_copy(lvl_hbm.at[pl.ds(wbase, rpw)], lvl_v.at[pl.ds(0, rpw)])
        pltpu.sync_copy(lev_hbm, lev_v)

        def issue_gather(b, c):
            pltpu.async_copy(emb_hbm.at[tok_v.at[pl.ds(c * C, C)]],
                             rows.at[b], sem_g.at[b])

        def wait_gather(b):
            pltpu.make_async_copy(emb_hbm.at[tok_v.at[pl.ds(0, C)]],
                                  rows.at[b], sem_g.at[b]).wait()

        def issue_store(b, c):
            base = wbase + c * C
            pltpu.async_copy(rows.at[b], out_hbm.at[pl.ds(base, C)],
                             sem_s.at[b])

        def wait_store(b):
            pltpu.make_async_copy(rows.at[b], out_hbm.at[pl.ds(0, C)],
                                  sem_s.at[b]).wait()

        for c0 in range(LOOK):
            issue_gather(c0, c0)

        def round_body(g, carry):
            for b in range(NB):
                c = g * NB + b
                v = lvl_v[pl.ds(c * C, 16)]
                levs = [v[t] for t in range(C)]

                wait_gather(b)

                bn = (b + LOOK) % NB

                @pl.when(c + LOOK >= NB)
                def _():
                    wait_store(bn)

                @pl.when(c + LOOK < nchunk)
                def _():
                    issue_gather(bn, c + LOOK)

                @plsc.parallel_loop(0, d // 16, unroll=2)
                def _(j, _b=b, _levs=levs):
                    sl = pl.ds(j * 16, 16)
                    for i in range(C):
                        plsc.addupdate(rows.at[_b, i, sl],
                                       lev_v[_levs[i], sl])

                issue_store(b, c)
            return carry

        lax.fori_loop(0, nround, round_body, 0)
        for ct in range(nchunk - NB + LOOK, nchunk):
            wait_store(ct % NB)

    return k(level_ids_flat, token_ids_flat, emb, level_embed)


def kernel(level_ids, token_ids, emb, level_embed):
    b, s = token_ids.shape
    n = b * s
    out = _sc_embed(level_ids.reshape(n), token_ids.reshape(n),
                    emb, level_embed)
    return out.reshape(b, s, emb.shape[1])

# --- scband reference (transcript-rebuilt; emitter-appended) ---
"""Pipeline reference for scband-decoder-embedding-34437047780009 (READ-ONLY COPY).

The authoritative reference and input builder live on the scoring server;
editing this copy changes nothing except your own understanding.
"""

import jax, jax.numpy as jnp
import numpy as np

def setup_inputs(seed: int = 0) -> dict:
    key = jax.random.key(seed)
    k1, k2, k3, k4 = jax.random.split(key, 4)
    B, S, d_model = 4, 4096, 1024
    max_v = 100000  # max(vocab_sizes)
    L = 4           # len(vocab_sizes)
    level_ids = jax.random.randint(k1, (B, S), 0, L, dtype=jnp.int64) if jax.config.jax_enable_x64 else jax.random.randint(k1, (B, S), 0, L, dtype=jnp.int32)
    token_ids = jax.random.randint(k2, (B, S), 0, max_v + 1, dtype=jnp.int64) if jax.config.jax_enable_x64 else jax.random.randint(k2, (B, S), 0, max_v + 1, dtype=jnp.int32)
    emb = jax.random.normal(k3, (max_v + 1, d_model), dtype=jnp.float32) * 0.02
    level_embed = jax.random.normal(k4, (L, d_model), dtype=jnp.float32) * 0.02
    return {"level_ids": level_ids, "token_ids": token_ids, "emb": emb, "level_embed": level_embed}

def reference(level_ids, token_ids, emb, level_embed):
    # tok = self.emb(token_ids)
    tok = jnp.take(emb, token_ids, axis=0)
    # lvl = self.level_embed(level_ids)
    lvl = jnp.take(level_embed, level_ids, axis=0)
    # dropout is identity in eval mode
    return tok + lvl

if __name__ == "__main__":
    import jax
    _d = setup_inputs()
    print(jax.jit(kernel)(*tuple(_d.values())))

</pallas_src>

<mosaic_0001>
#map = affine_map<(d0, d1) -> (0)>
#map1 = affine_map<(d0, d1) -> (0, 0)>
module attributes {stable_mosaic.version = 14 : i64} {
  func.func @k(%arg0: i32, %arg1: i32, %arg2: memref<16384xi32, #tpu.memory_space<hbm>>, %arg3: memref<16384xi32, #tpu.memory_space<hbm>>, %arg4: memref<100001x1024xf32, #tpu.memory_space<hbm>>, %arg5: memref<4x1024xf32, #tpu.memory_space<hbm>>, %arg6: memref<16384x1024xf32, #tpu.memory_space<hbm>>, %arg7: memref<512xi32, #tpu.memory_space<vmem>>, %arg8: memref<520xi32, #tpu.memory_space<vmem>>, %arg9: memref<8x8x1024xf32, #tpu.memory_space<vmem>>, %arg10: memref<4x1024xf32, #tpu.memory_space<vmem>>, %arg11: memref<8x!tpu.dma_semaphore, #tpu.memory_space<semaphore_mem>>, %arg12: memref<8x!tpu.dma_semaphore, #tpu.memory_space<semaphore_mem>>) attributes {dimension_semantics = [#tpu.dimension_semantics<core_parallel>, #tpu.dimension_semantics<subcore_parallel>], iteration_bounds = array<i64: 2, 16>, scalar_prefetch = 0 : i64, scratch_operands = 6 : i64, tpu.core_type = #tpu.core_type<sc_vector_subcore>, window_params = [{transform_indices = #map}, {transform_indices = #map}, {transform_indices = #map1}, {transform_indices = #map1}, {transform_indices = #map1}]} {
    %mul3A = arith.constant 2 : i32
    %mul3A_0 = arith.muli %arg1, %mul3A : i32
    %add3A = arith.addi %mul3A_0, %arg0 : i32
    %mul3A_1 = arith.constant 512 : i32
    %mul3A_2 = arith.muli %add3A, %mul3A_1 : i32
    "tpu.region"() ({
      %run_scoped3A = tpu.sem_alloc : memref<!tpu.dma_semaphore, #tpu.memory_space<semaphore_mem>>
      %dma_start3A_120 = tpu.memref_slice %arg3[%mul3A_2] : memref<16384xi32, #tpu.memory_space<hbm>> -> memref<512xi32, #tpu.memory_space<hbm>>
      %dma_start3A_121 = tpu.memref_slice %arg3[%mul3A_2] : memref<16384xi32, #tpu.memory_space<hbm>> -> memref<512xi32, #tpu.memory_space<hbm>>
      tpu.enqueue_dma source(%dma_start3A_121 : memref<512xi32, #tpu.memory_space<hbm>>) target(%arg7 : memref<512xi32, #tpu.memory_space<vmem>>) target_semaphore(%run_scoped3A : memref<!tpu.dma_semaphore, #tpu.memory_space<semaphore_mem>>)
      %dma_wait3A_122 = tpu.memref_slice %arg3[%mul3A_2] : memref<16384xi32, #tpu.memory_space<hbm>> -> memref<512xi32, #tpu.memory_space<hbm>>
      %dma_wait3A_123 = tpu.memref_slice %arg3[%mul3A_2] : memref<16384xi32, #tpu.memory_space<hbm>> -> memref<512xi32, #tpu.memory_space<hbm>>
      tpu.wait_dma2 semaphore(%run_scoped3A : memref<!tpu.dma_semaphore, #tpu.memory_space<semaphore_mem>>) src(%dma_wait3A_123 : memref<512xi32, #tpu.memory_space<hbm>>) dst(%arg7 : memref<512xi32, #tpu.memory_space<vmem>>)
      tpu.yield
    }) : () -> ()
    "tpu.region"() ({
      %run_scoped3A = tpu.sem_alloc : memref<!tpu.dma_semaphore, #tpu.memory_space<semaphore_mem>>
      %dma_start3A_120 = arith.constant 0 : i32
      %dma_start3A_121 = tpu.memref_slice %arg8[%dma_start3A_120] : memref<520xi32, #tpu.memory_space<vmem>> -> memref<512xi32, #tpu.memory_space<vmem>>
      %dma_start3A_122 = tpu.memref_slice %arg2[%mul3A_2] : memref<16384xi32, #tpu.memory_space<hbm>> -> memref<512xi32, #tpu.memory_space<hbm>>
      %dma_start3A_123 = arith.constant 0 : i32
      %dma_start3A_124 = tpu.memref_slice %arg8[%dma_start3A_123] : memref<520xi32, #tpu.memory_space<vmem>> -> memref<512xi32, #tpu.memory_space<vmem>>
      %dma_start3A_125 = tpu.memref_slice %arg2[%mul3A_2] : memref<16384xi32, #tpu.memory_space<hbm>> -> memref<512xi32, #tpu.memory_space<hbm>>
      tpu.enqueue_dma source(%dma_start3A_125 : memref<512xi32, #tpu.memory_space<hbm>>) target(%dma_start3A_124 : memref<512xi32, #tpu.memory_space<vmem>>) target_semaphore(%run_scoped3A : memref<!tpu.dma_semaphore, #tpu.memory_space<semaphore_mem>>)
      %dma_wait3A_126 = arith.constant 0 : i32
      %dma_wait3A_127 = tpu.memref_slice %arg8[%dma_wait3A_126] : memref<520xi32, #tpu.memory_space<vmem>> -> memref<512xi32, #tpu.memory_space<vmem>>
      %dma_wait3A_128 = tpu.memref_slice %arg2[%mul3A_2] : memref<16384xi32, #tpu.memory_space<hbm>> -> memref<512xi32, #tpu.memory_space<hbm>>
      %dma_wait3A_129 = arith.constant 0 : i32
      %dma_wait3A_130 = tpu.memref_slice %arg8[%dma_wait3A_129] : memref<520xi32, #tpu.memory_space<vmem>> -> memref<512xi32, #tpu.memory_space<vmem>>
      %dma_wait3A_131 = tpu.memref_slice %arg2[%mul3A_2] : memref<16384xi32, #tpu.memory_space<hbm>> -> memref<512xi32, #tpu.memory_space<hbm>>
      tpu.wait_dma2 semaphore(%run_scoped3A : memref<!tpu.dma_semaphore, #tpu.memory_space<semaphore_mem>>) src(%dma_wait3A_131 : memref<512xi32, #tpu.memory_space<hbm>>) dst(%dma_wait3A_130 : memref<512xi32, #tpu.memory_space<vmem>>)
      tpu.yield
    }) : () -> ()
    "tpu.region"() ({
      %run_scoped3A = tpu.sem_alloc : memref<!tpu.dma_semaphore, #tpu.memory_space<semaphore_mem>>
      tpu.enqueue_dma source(%arg5 : memref<4x1024xf32, #tpu.memory_space<hbm>>) target(%arg10 : memref<4x1024xf32, #tpu.memory_space<vmem>>) target_semaphore(%run_scoped3A : memref<!tpu.dma_semaphore, #tpu.memory_space<semaphore_mem>>)
      tpu.wait_dma2 semaphore(%run_scoped3A : memref<!tpu.dma_semaphore, #tpu.memory_space<semaphore_mem>>) src(%arg5 : memref<4x1024xf32, #tpu.memory_space<hbm>>) dst(%arg10 : memref<4x1024xf32, #tpu.memory_space<vmem>>)
      tpu.yield
    }) : () -> ()
    %dma_start3A = arith.constant 0 : i32
    %dma_start3A_3 = arith.constant 0 : i32
    %dma_start3A_4 = arith.constant 0 : i32
    %dma_start3A_5 = arith.constant 0 : i32
    %dma_start3A_6 = tpu.memref_slice %arg9[%dma_start3A, %dma_start3A_4, %dma_start3A_5] : memref<8x8x1024xf32, #tpu.memory_space<vmem>> -> memref<1x8x1024xf32, #tpu.memory_space<vmem>>
    %dma_start3A_7 = tpu.memref_squeeze %dma_start3A_6 : memref<1x8x1024xf32, #tpu.memory_space<vmem>> -> memref<8x1024xf32, #tpu.memory_space<vmem>>
    %dma_start3A_8 = arith.constant 0 : i32
    %dma_start3A_9 = tpu.memref_slice %arg7[%dma_start3A_8] : memref<512xi32, #tpu.memory_space<vmem>> -> memref<8xi32, #tpu.memory_space<vmem>>
    %dma_start3A_10 = arith.constant 0 : i32
    %dma_start3A_11 = arith.constant 0 : i32
    %dma_start3A_12 = tpu.memref_slice %arg4[%dma_start3A_10, %dma_start3A_11] : memref<100001x1024xf32, #tpu.memory_space<hbm>> -> memref<100001x1024xf32, #tpu.memory_space<hbm>>
    %dma_start3A_13 = tpu.memref_slice %arg11[%dma_start3A_3] : memref<8x!tpu.dma_semaphore, #tpu.memory_space<semaphore_mem>> -> memref<1x!tpu.dma_semaphore, #tpu.memory_space<semaphore_mem>>
    %dma_start3A_14 = tpu.memref_squeeze %dma_start3A_13 : memref<1x!tpu.dma_semaphore, #tpu.memory_space<semaphore_mem>> -> memref<!tpu.dma_semaphore, #tpu.memory_space<semaphore_mem>>
    tpu.enqueue_indirect_dma source(%dma_start3A_12 : memref<100001x1024xf32, #tpu.memory_space<hbm>>) target(%dma_start3A_7 : memref<8x1024xf32, #tpu.memory_space<vmem>>) offsets(%dma_start3A_9 : memref<8xi32, #tpu.memory_space<vmem>>) semaphore(%dma_start3A_14 : memref<!tpu.dma_semaphore, #tpu.memory_space<semaphore_mem>>)
    %dma_start3A_15 = arith.constant 1 : i32
    %dma_start3A_16 = arith.constant 1 : i32
    %dma_start3A_17 = arith.constant 0 : i32
    %dma_start3A_18 = arith.constant 0 : i32
    %dma_start3A_19 = tpu.memref_slice %arg9[%dma_start3A_15, %dma_start3A_17, %dma_start3A_18] : memref<8x8x1024xf32, #tpu.memory_space<vmem>> -> memref<1x8x1024xf32, #tpu.memory_space<vmem>>
    %dma_start3A_20 = tpu.memref_squeeze %dma_start3A_19 : memref<1x8x1024xf32, #tpu.memory_space<vmem>> -> memref<8x1024xf32, #tpu.memory_space<vmem>>
    %dma_start3A_21 = arith.constant 8 : i32
    %dma_start3A_22 = tpu.memref_slice %arg7[%dma_start3A_21] : memref<512xi32, #tpu.memory_space<vmem>> -> memref<8xi32, #tpu.memory_space<vmem>>
    %dma_start3A_23 = arith.constant 0 : i32
    %dma_start3A_24 = arith.constant 0 : i32
    %dma_start3A_25 = tpu.memref_slice %arg4[%dma_start3A_23, %dma_start3A_24] : memref<100001x1024xf32, #tpu.memory_space<hbm>> -> memref<100001x1024xf32, #tpu.memory_space<hbm>>
    %dma_start3A_26 = tpu.memref_slice %arg11[%dma_start3A_16] : memref<8x!tpu.dma_semaphore, #tpu.memory_space<semaphore_mem>> -> memref<1x!tpu.dma_semaphore, #tpu.memory_space<semaphore_mem>>
    %dma_start3A_27 = tpu.memref_squeeze %dma_start3A_26 : memref<1x!tpu.dma_semaphore, #tpu.memory_space<semaphore_mem>> -> memref<!tpu.dma_semaphore, #tpu.memory_space<semaphore_mem>>
    tpu.enqueue_indirect_dma source(%dma_start3A_25 : memref<100001x1024xf32, #tpu.memory_space<hbm>>) target(%dma_start3A_20 : memref<8x1024xf32, #tpu.memory_space<vmem>>) offsets(%dma_start3A_22 : memref<8xi32, #tpu.memory_space<vmem>>) semaphore(%dma_start3A_27 : memref<!tpu.dma_semaphore, #tpu.memory_space<semaphore_mem>>)
    %dma_start3A_28 = arith.constant 2 : i32
    %dma_start3A_29 = arith.constant 2 : i32
    %dma_start3A_30 = arith.constant 0 : i32
    %dma_start3A_31 = arith.constant 0 : i32
    %dma_start3A_32 = tpu.memref_slice %arg9[%dma_start3A_28, %dma_start3A_30, %dma_start3A_31] : memref<8x8x1024xf32, #tpu.memory_space<vmem>> -> memref<1x8x1024xf32, #tpu.memory_space<vmem>>
    %dma_start3A_33 = tpu.memref_squeeze %dma_start3A_32 : memref<1x8x1024xf32, #tpu.memory_space<vmem>> -> memref<8x1024xf32, #tpu.memory_space<vmem>>
    %dma_start3A_34 = arith.constant 16 : i32
    %dma_start3A_35 = tpu.memref_slice %arg7[%dma_start3A_34] : memref<512xi32, #tpu.memory_space<vmem>> -> memref<8xi32, #tpu.memory_space<vmem>>
    %dma_start3A_36 = arith.constant 0 : i32
    %dma_start3A_37 = arith.constant 0 : i32
    %dma_start3A_38 = tpu.memref_slice %arg4[%dma_start3A_36, %dma_start3A_37] : memref<100001x1024xf32, #tpu.memory_space<hbm>> -> memref<100001x1024xf32, #tpu.memory_space<hbm>>
    %dma_start3A_39 = tpu.memref_slice %arg11[%dma_start3A_29] : memref<8x!tpu.dma_semaphore, #tpu.memory_space<semaphore_mem>> -> memref<1x!tpu.dma_semaphore, #tpu.memory_space<semaphore_mem>>
    %dma_start3A_40 = tpu.memref_squeeze %dma_start3A_39 : memref<1x!tpu.dma_semaphore, #tpu.memory_space<semaphore_mem>> -> memref<!tpu.dma_semaphore, #tpu.memory_space<semaphore_mem>>
    tpu.enqueue_indirect_dma source(%dma_start3A_38 : memref<100001x1024xf32, #tpu.memory_space<hbm>>) target(%dma_start3A_33 : memref<8x1024xf32, #tpu.memory_space<vmem>>) offsets(%dma_start3A_35 : memref<8xi32, #tpu.memory_space<vmem>>) semaphore(%dma_start3A_40 : memref<!tpu.dma_semaphore, #tpu.memory_space<semaphore_mem>>)
    %dma_start3A_41 = arith.constant 3 : i32
    %dma_start3A_42 = arith.constant 3 : i32
    %dma_start3A_43 = arith.constant 0 : i32
    %dma_start3A_44 = arith.constant 0 : i32
    %dma_start3A_45 = tpu.memref_slice %arg9[%dma_start3A_41, %dma_start3A_43, %dma_start3A_44] : memref<8x8x1024xf32, #tpu.memory_space<vmem>> -> memref<1x8x1024xf32, #tpu.memory_space<vmem>>
    %dma_start3A_46 = tpu.memref_squeeze %dma_start3A_45 : memref<1x8x1024xf32, #tpu.memory_space<vmem>> -> memref<8x1024xf32, #tpu.memory_space<vmem>>
    %dma_start3A_47 = arith.constant 24 : i32
    %dma_start3A_48 = tpu.memref_slice %arg7[%dma_start3A_47] : memref<512xi32, #tpu.memory_space<vmem>> -> memref<8xi32, #tpu.memory_space<vmem>>
    %dma_start3A_49 = arith.constant 0 : i32
    %dma_start3A_50 = arith.constant 0 : i32
    %dma_start3A_51 = tpu.memref_slice %arg4[%dma_start3A_49, %dma_start3A_50] : memref<100001x1024xf32, #tpu.memory_space<hbm>> -> memref<100001x1024xf32, #tpu.memory_space<hbm>>
    %dma_start3A_52 = tpu.memref_slice %arg11[%dma_start3A_42] : memref<8x!tpu.dma_semaphore, #tpu.memory_space<semaphore_mem>> -> memref<1x!tpu.dma_semaphore, #tpu.memory_space<semaphore_mem>>
    %dma_start3A_53 = tpu.memref_squeeze %dma_start3A_52 : memref<1x!tpu.dma_semaphore, #tpu.memory_space<semaphore_mem>> -> memref<!tpu.dma_semaphore, #tpu.memory_space<semaphore_mem>>
    tpu.enqueue_indirect_dma source(%dma_start3A_51 : memref<100001x1024xf32, #tpu.memory_space<hbm>>) target(%dma_start3A_46 : memref<8x1024xf32, #tpu.memory_space<vmem>>) offsets(%dma_start3A_48 : memref<8xi32, #tpu.memory_space<vmem>>) semaphore(%dma_start3A_53 : memref<!tpu.dma_semaphore, #tpu.memory_space<semaphore_mem>>)
    %dma_start3A_54 = arith.constant 4 : i32
    %dma_start3A_55 = arith.constant 4 : i32
    %dma_start3A_56 = arith.constant 0 : i32
    %dma_start3A_57 = arith.constant 0 : i32
    %dma_start3A_58 = tpu.memref_slice %arg9[%dma_start3A_54, %dma_start3A_56, %dma_start3A_57] : memref<8x8x1024xf32, #tpu.memory_space<vmem>> -> memref<1x8x1024xf32, #tpu.memory_space<vmem>>
    %dma_start3A_59 = tpu.memref_squeeze %dma_start3A_58 : memref<1x8x1024xf32, #tpu.memory_space<vmem>> -> memref<8x1024xf32, #tpu.memory_space<vmem>>
    %dma_start3A_60 = arith.constant 32 : i32
    %dma_start3A_61 = tpu.memref_slice %arg7[%dma_start3A_60] : memref<512xi32, #tpu.memory_space<vmem>> -> memref<8xi32, #tpu.memory_space<vmem>>
    %dma_start3A_62 = arith.constant 0 : i32
    %dma_start3A_63 = arith.constant 0 : i32
    %dma_start3A_64 = tpu.memref_slice %arg4[%dma_start3A_62, %dma_start3A_63] : memref<100001x1024xf32, #tpu.memory_space<hbm>> -> memref<100001x1024xf32, #tpu.memory_space<hbm>>
    %dma_start3A_65 = tpu.memref_slice %arg11[%dma_start3A_55] : memref<8x!tpu.dma_semaphore, #tpu.memory_space<semaphore_mem>> -> memref<1x!tpu.dma_semaphore, #tpu.memory_space<semaphore_mem>>
    %dma_start3A_66 = tpu.memref_squeeze %dma_start3A_65 : memref<1x!tpu.dma_semaphore, #tpu.memory_space<semaphore_mem>> -> memref<!tpu.dma_semaphore, #tpu.memory_space<semaphore_mem>>
    tpu.enqueue_indirect_dma source(%dma_start3A_64 : memref<100001x1024xf32, #tpu.memory_space<hbm>>) target(%dma_start3A_59 : memref<8x1024xf32, #tpu.memory_space<vmem>>) offsets(%dma_start3A_61 : memref<8xi32, #tpu.memory_space<vmem>>) semaphore(%dma_start3A_66 : memref<!tpu.dma_semaphore, #tpu.memory_space<semaphore_mem>>)
    %dma_start3A_67 = arith.constant 5 : i32
    %dma_start3A_68 = arith.constant 5 : i32
    %dma_start3A_69 = arith.constant 0 : i32
    %dma_start3A_70 = arith.constant 0 : i32
    %dma_start3A_71 = tpu.memref_slice %arg9[%dma_start3A_67, %dma_start3A_69, %dma_start3A_70] : memref<8x8x1024xf32, #tpu.memory_space<vmem>> -> memref<1x8x1024xf32, #tpu.memory_space<vmem>>
    %dma_start3A_72 = tpu.memref_squeeze %dma_start3A_71 : memref<1x8x1024xf32, #tpu.memory_space<vmem>> -> memref<8x1024xf32, #tpu.memory_space<vmem>>
    %dma_start3A_73 = arith.constant 40 : i32
    %dma_start3A_74 = tpu.memref_slice %arg7[%dma_start3A_73] : memref<512xi32, #tpu.memory_space<vmem>> -> memref<8xi32, #tpu.memory_space<vmem>>
    %dma_start3A_75 = arith.constant 0 : i32
    %dma_start3A_76 = arith.constant 0 : i32
    %dma_start3A_77 = tpu.memref_slice %arg4[%dma_start3A_75, %dma_start3A_76] : memref<100001x1024xf32, #tpu.memory_space<hbm>> -> memref<100001x1024xf32, #tpu.memory_space<hbm>>
    %dma_start3A_78 = tpu.memref_slice %arg11[%dma_start3A_68] : memref<8x!tpu.dma_semaphore, #tpu.memory_space<semaphore_mem>> -> memref<1x!tpu.dma_semaphore, #tpu.memory_space<semaphore_mem>>
    %dma_start3A_79 = tpu.memref_squeeze %dma_start3A_78 : memref<1x!tpu.dma_semaphore, #tpu.memory_space<semaphore_mem>> -> memref<!tpu.dma_semaphore, #tpu.memory_space<semaphore_mem>>
    tpu.enqueue_indirect_dma source(%dma_start3A_77 : memref<100001x1024xf32, #tpu.memory_space<hbm>>) target(%dma_start3A_72 : memref<8x1024xf32, #tpu.memory_space<vmem>>) offsets(%dma_start3A_74 : memref<8xi32, #tpu.memory_space<vmem>>) semaphore(%dma_start3A_79 : memref<!tpu.dma_semaphore, #tpu.memory_space<semaphore_mem>>)
    %scan3A = arith.constant 0 : i32
    %scan3A_80 = arith.constant 0 : i32
    %scan3A_81 = arith.constant 8 : i32
    %scan3A_82 = arith.addi %scan3A_80, %scan3A_81 : i32
    %scan3A_83 = arith.constant 1 : i32
    scf.for %scan3A_120 = %scan3A_80 to %scan3A_82 step %scan3A_83  : i32 {
      %mul3A_121 = arith.constant 8 : i32
      %mul3A_122 = arith.muli %scan3A_120, %mul3A_121 : i32
      %add3A_123 = arith.constant 0 : i32
      %add3A_124 = arith.addi %mul3A_122, %add3A_123 : i32
      %mul3A_125 = arith.constant 8 : i32
      %mul3A_126 = arith.muli %add3A_124, %mul3A_125 : i32
      %get3A = arith.index_cast %mul3A_126 : i32 to index
      %get3A_127 = tpu.vector_load %arg8[%get3A] {strides = array<i32>} : memref<520xi32, #tpu.memory_space<vmem>>, vector<16xi32>,
      %get3A_128 = vector.shape_cast %get3A_127 : vector<16xi32> to vector<16xi32>
      %slice3A = vector.extract_strided_slice %get3A_128 {offsets = [0], sizes = [1], strides = [1]} : vector<16xi32> to vector<1xi32>
      %squeeze3A = vector.extract %slice3A[0] : i32 from vector<1xi32>
      %slice3A_129 = vector.extract_strided_slice %get3A_128 {offsets = [1], sizes = [1], strides = [1]} : vector<16xi32> to vector<1xi32>
      %squeeze3A_130 = vector.extract %slice3A_129[0] : i32 from vector<1xi32>
      %slice3A_131 = vector.extract_strided_slice %get3A_128 {offsets = [2], sizes = [1], strides = [1]} : vector<16xi32> to vector<1xi32>
      %squeeze3A_132 = vector.extract %slice3A_131[0] : i32 from vector<1xi32>
      %slice3A_133 = vector.extract_strided_slice %get3A_128 {offsets = [3], sizes = [1], strides = [1]} : vector<16xi32> to vector<1xi32>
      %squeeze3A_134 = vector.extract %slice3A_133[0] : i32 from vector<1xi32>
      %slice3A_135 = vector.extract_strided_slice %get3A_128 {offsets = [4], sizes = [1], strides = [1]} : vector<16xi32> to vector<1xi32>
      %squeeze3A_136 = vector.extract %slice3A_135[0] : i32 from vector<1xi32>
      %slice3A_137 = vector.extract_strided_slice %get3A_128 {offsets = [5], sizes = [1], strides = [1]} : vector<16xi32> to vector<1xi32>
      %squeeze3A_138 = vector.extract %slice3A_137[0] : i32 from vector<1xi32>
      %slice3A_139 = vector.extract_strided_slice %get3A_128 {offsets = [6], sizes = [1], strides = [1]} : vector<16xi32> to vector<1xi32>
      %squeeze3A_140 = vector.extract %slice3A_139[0] : i32 from vector<1xi32>
      %slice3A_141 = vector.extract_strided_slice %get3A_128 {offsets = [7], sizes = [1], strides = [1]} : vector<16xi32> to vector<1xi32>
      %squeeze3A_142 = vector.extract %slice3A_141[0] : i32 from vector<1xi32>
      %dma_wait3A_143 = arith.constant 0 : i32
      %dma_wait3A_144 = arith.constant 0 : i32
      %dma_wait3A_145 = arith.constant 0 : i32
      %dma_wait3A_146 = arith.constant 0 : i32
      %dma_wait3A_147 = tpu.memref_slice %arg9[%dma_wait3A_143, %dma_wait3A_145, %dma_wait3A_146] : memref<8x8x1024xf32, #tpu.memory_space<vmem>> -> memref<1x8x1024xf32, #tpu.memory_space<vmem>>
      %dma_wait3A_148 = tpu.memref_squeeze %dma_wait3A_147 : memref<1x8x1024xf32, #tpu.memory_space<vmem>> -> memref<8x1024xf32, #tpu.memory_space<vmem>>
      %dma_wait3A_149 = arith.constant 0 : i32
      %dma_wait3A_150 = tpu.memref_slice %arg7[%dma_wait3A_149] : memref<512xi32, #tpu.memory_space<vmem>> -> memref<8xi32, #tpu.memory_space<vmem>>
      %dma_wait3A_151 = arith.constant 0 : i32
      %dma_wait3A_152 = arith.constant 0 : i32
      %dma_wait3A_153 = tpu.memref_slice %arg4[%dma_wait3A_151, %dma_wait3A_152] : memref<100001x1024xf32, #tpu.memory_space<hbm>> -> memref<100001x1024xf32, #tpu.memory_space<hbm>>
      %dma_wait3A_154 = tpu.memref_slice %arg11[%dma_wait3A_144] : memref<8x!tpu.dma_semaphore, #tpu.memory_space<semaphore_mem>> -> memref<1x!tpu.dma_semaphore, #tpu.memory_space<semaphore_mem>>
      %dma_wait3A_155 = tpu.memref_squeeze %dma_wait3A_154 : memref<1x!tpu.dma_semaphore, #tpu.memory_space<semaphore_mem>> -> memref<!tpu.dma_semaphore, #tpu.memory_space<semaphore_mem>>
      tpu.wait_indirect_dma semaphore(%dma_wait3A_155 : memref<!tpu.dma_semaphore, #tpu.memory_space<semaphore_mem>>) src(%dma_wait3A_153 : memref<100001x1024xf32, #tpu.memory_space<hbm>>) dst(%dma_wait3A_148 : memref<8x1024xf32, #tpu.memory_space<vmem>>)
      %add3A_156 = arith.constant 6 : i32
      %add3A_157 = arith.addi %add3A_124, %add3A_156 : i32
      %ge3A = arith.constant 8 : i32
      %ge3A_158 = arith.cmpi sge, %add3A_157, %ge3A : i32
      %convert_element_type3A = arith.extui %ge3A_158 : i1 to i32
      %cond3A = arith.constant 0 : i32
      %cond3A_159 = arith.cmpi ne, %convert_element_type3A, %cond3A : i32
      scf.if %cond3A_159 {
        %dma_wait3A_705 = arith.constant 6 : i32
        %dma_wait3A_706 = arith.constant 6 : i32
        %dma_wait3A_707 = arith.constant 0 : i32
        %dma_wait3A_708 = arith.constant 0 : i32
        %dma_wait3A_709 = tpu.memref_slice %arg9[%dma_wait3A_705, %dma_wait3A_707, %dma_wait3A_708] : memref<8x8x1024xf32, #tpu.memory_space<vmem>> -> memref<1x8x1024xf32, #tpu.memory_space<vmem>>
        %dma_wait3A_710 = tpu.memref_squeeze %dma_wait3A_709 : memref<1x8x1024xf32, #tpu.memory_space<vmem>> -> memref<8x1024xf32, #tpu.memory_space<vmem>>
        %dma_wait3A_711 = arith.constant 0 : i32
        %dma_wait3A_712 = arith.constant 0 : i32
        %dma_wait3A_713 = tpu.memref_slice %arg6[%dma_wait3A_711, %dma_wait3A_712] : memref<16384x1024xf32, #tpu.memory_space<hbm>> -> memref<8x1024xf32, #tpu.memory_space<hbm>>
        %dma_wait3A_714 = tpu.memref_slice %arg12[%dma_wait3A_706] : memref<8x!tpu.dma_semaphore, #tpu.memory_space<semaphore_mem>> -> memref<1x!tpu.dma_semaphore, #tpu.memory_space<semaphore_mem>>
        %dma_wait3A_715 = tpu.memref_squeeze %dma_wait3A_714 : memref<1x!tpu.dma_semaphore, #tpu.memory_space<semaphore_mem>> -> memref<!tpu.dma_semaphore, #tpu.memory_space<semaphore_mem>>
        %dma_wait3A_716 = arith.constant 0 : i32
        %dma_wait3A_717 = arith.constant 0 : i32
        %dma_wait3A_718 = tpu.memref_slice %arg6[%dma_wait3A_716, %dma_wait3A_717] : memref<16384x1024xf32, #tpu.memory_space<hbm>> -> memref<8x1024xf32, #tpu.memory_space<hbm>>
        %dma_wait3A_719 = arith.constant 0 : i32
        %dma_wait3A_720 = arith.constant 0 : i32
        %dma_wait3A_721 = tpu.memref_slice %arg9[%dma_wait3A_705, %dma_wait3A_719, %dma_wait3A_720] : memref<8x8x1024xf32, #tpu.memory_space<vmem>> -> memref<1x8x1024xf32, #tpu.memory_space<vmem>>
        %dma_wait3A_722 = tpu.memref_squeeze %dma_wait3A_721 : memref<1x8x1024xf32, #tpu.memory_space<vmem>> -> memref<8x1024xf32, #tpu.memory_space<vmem>>
        tpu.wait_dma2 semaphore(%dma_wait3A_715 : memref<!tpu.dma_semaphore, #tpu.memory_space<semaphore_mem>>) src(%dma_wait3A_722 : memref<8x1024xf32, #tpu.memory_space<vmem>>) dst(%dma_wait3A_718 : memref<8x1024xf32, #tpu.memory_space<hbm>>)
      } else {
      }
      %add3A_160 = arith.constant 6 : i32
      %add3A_161 = arith.addi %add3A_124, %add3A_160 : i32
      %lt3A = arith.constant 64 : i32
      %lt3A_162 = arith.cmpi slt, %add3A_161, %lt3A : i32
      %convert_element_type3A_163 = arith.extui %lt3A_162 : i1 to i32
      %cond3A_164 = arith.constant 0 : i32
      %cond3A_165 = arith.cmpi ne, %convert_element_type3A_163, %cond3A_164 : i32
      scf.if %cond3A_165 {
        %add3A_705 = arith.constant 6 : i32
        %add3A_706 = arith.addi %add3A_124, %add3A_705 : i32
        %mul3A_707 = arith.constant 8 : i32
        %mul3A_708 = arith.muli %add3A_706, %mul3A_707 : i32
        %dma_start3A_709 = arith.constant 6 : i32
        %dma_start3A_710 = arith.constant 6 : i32
        %dma_start3A_711 = arith.constant 0 : i32
        %dma_start3A_712 = arith.constant 0 : i32
        %dma_start3A_713 = tpu.memref_slice %arg9[%dma_start3A_709, %dma_start3A_711, %dma_start3A_712] : memref<8x8x1024xf32, #tpu.memory_space<vmem>> -> memref<1x8x1024xf32, #tpu.memory_space<vmem>>
        %dma_start3A_714 = tpu.memref_squeeze %dma_start3A_713 : memref<1x8x1024xf32, #tpu.memory_space<vmem>> -> memref<8x1024xf32, #tpu.memory_space<vmem>>
        %dma_start3A_715 = tpu.memref_slice %arg7[%mul3A_708] : memref<512xi32, #tpu.memory_space<vmem>> -> memref<8xi32, #tpu.memory_space<vmem>>
        %dma_start3A_716 = arith.constant 0 : i32
        %dma_start3A_717 = arith.constant 0 : i32
        %dma_start3A_718 = tpu.memref_slice %arg4[%dma_start3A_716, %dma_start3A_717] : memref<100001x1024xf32, #tpu.memory_space<hbm>> -> memref<100001x1024xf32, #tpu.memory_space<hbm>>
        %dma_start3A_719 = tpu.memref_slice %arg11[%dma_start3A_710] : memref<8x!tpu.dma_semaphore, #tpu.memory_space<semaphore_mem>> -> memref<1x!tpu.dma_semaphore, #tpu.memory_space<semaphore_mem>>
        %dma_start3A_720 = tpu.memref_squeeze %dma_start3A_719 : memref<1x!tpu.dma_semaphore, #tpu.memory_space<semaphore_mem>> -> memref<!tpu.dma_semaphore, #tpu.memory_space<semaphore_mem>>
        tpu.enqueue_indirect_dma source(%dma_start3A_718 : memref<100001x1024xf32, #tpu.memory_space<hbm>>) target(%dma_start3A_714 : memref<8x1024xf32, #tpu.memory_space<vmem>>) offsets(%dma_start3A_715 : memref<8xi32, #tpu.memory_space<vmem>>) semaphore(%dma_start3A_720 : memref<!tpu.dma_semaphore, #tpu.memory_space<semaphore_mem>>)
      } else {
      }
      %parallel_loop3A = arith.constant 0 : i32
      %parallel_loop3A_166 = arith.constant 64 : i32
      %parallel_loop3A_167 = arith.constant 1 : i32
      scf.for %parallel_loop3A_705 = %parallel_loop3A to %parallel_loop3A_166 step %parallel_loop3A_167  : i32 {
        %parallel_loop3A_706 = arith.constant 16 : i32
        %parallel_loop3A_707 = arith.muli %parallel_loop3A_705, %parallel_loop3A_706 : i32
        %parallel_loop3A_708 = arith.index_cast %squeeze3A : i32 to index
        %parallel_loop3A_709 = arith.index_cast %parallel_loop3A_707 : i32 to index
        %parallel_loop3A_710 = tpu.vector_load %arg10[%parallel_loop3A_708, %parallel_loop3A_709] {strides = array<i32>} : memref<4x1024xf32, #tpu.memory_space<vmem>>, vector<1x16xf32>,
        %parallel_loop3A_711 = vector.shape_cast %parallel_loop3A_710 : vector<1x16xf32> to vector<16xf32>
        %parallel_loop3A_712 = arith.constant 0 : i32
        %parallel_loop3A_713 = arith.constant 0 : i32
        %parallel_loop3A_714 = arith.index_cast %parallel_loop3A_712 : i32 to index
        %parallel_loop3A_715 = arith.index_cast %parallel_loop3A_713 : i32 to index
        %parallel_loop3A_716 = arith.index_cast %parallel_loop3A_707 : i32 to index
        %parallel_loop3A_717 = tpu.vector_load %arg9[%parallel_loop3A_714, %parallel_loop3A_715, %parallel_loop3A_716] {strides = array<i32>} : memref<8x8x1024xf32, #tpu.memory_space<vmem>>, vector<1x1x16xf32>,
        %parallel_loop3A_718 = vector.shape_cast %parallel_loop3A_717 : vector<1x1x16xf32> to vector<16xf32>
        %parallel_loop3A_719 = vector.shape_cast %parallel_loop3A_711 : vector<16xf32> to vector<1x1x16xf32>
        tpu.vector_store %arg9[%parallel_loop3A_714, %parallel_loop3A_715, %parallel_loop3A_716], %parallel_loop3A_719 {add = true, strides = array<i32>} : memref<8x8x1024xf32, #tpu.memory_space<vmem>>, vector<1x1x16xf32>,
        %parallel_loop3A_720 = arith.index_cast %squeeze3A_130 : i32 to index
        %parallel_loop3A_721 = arith.index_cast %parallel_loop3A_707 : i32 to index
        %parallel_loop3A_722 = tpu.vector_load %arg10[%parallel_loop3A_720, %parallel_loop3A_721] {strides = array<i32>} : memref<4x1024xf32, #tpu.memory_space<vmem>>, vector<1x16xf32>,
        %parallel_loop3A_723 = vector.shape_cast %parallel_loop3A_722 : vector<1x16xf32> to vector<16xf32>
        %parallel_loop3A_724 = arith.constant 0 : i32
        %parallel_loop3A_725 = arith.constant 1 : i32
        %parallel_loop3A_726 = arith.index_cast %parallel_loop3A_724 : i32 to index
        %parallel_loop3A_727 = arith.index_cast %parallel_loop3A_725 : i32 to index
        %parallel_loop3A_728 = arith.index_cast %parallel_loop3A_707 : i32 to index
        %parallel_loop3A_729 = tpu.vector_load %arg9[%parallel_loop3A_726, %parallel_loop3A_727, %parallel_loop3A_728] {strides = array<i32>} : memref<8x8x1024xf32, #tpu.memory_space<vmem>>, vector<1x1x16xf32>,
        %parallel_loop3A_730 = vector.shape_cast %parallel_loop3A_729 : vector<1x1x16xf32> to vector<16xf32>
        %parallel_loop3A_731 = vector.shape_cast %parallel_loop3A_723 : vector<16xf32> to vector<1x1x16xf32>
        tpu.vector_store %arg9[%parallel_loop3A_726, %parallel_loop3A_727, %parallel_loop3A_728], %parallel_loop3A_731 {add = true, strides = array<i32>} : memref<8x8x1024xf32, #tpu.memory_space<vmem>>, vector<1x1x16xf32>,
        %parallel_loop3A_732 = arith.index_cast %squeeze3A_132 : i32 to index
        %parallel_loop3A_733 = arith.index_cast %parallel_loop3A_707 : i32 to index
        %parallel_loop3A_734 = tpu.vector_load %arg10[%parallel_loop3A_732, %parallel_loop3A_733] {strides = array<i32>} : memref<4x1024xf32, #tpu.memory_space<vmem>>, vector<1x16xf32>,
        %parallel_loop3A_735 = vector.shape_cast %parallel_loop3A_734 : vector<1x16xf32> to vector<16xf32>
        %parallel_loop3A_736 = arith.constant 0 : i32
        %parallel_loop3A_737 = arith.constant 2 : i32
        %parallel_loop3A_738 = arith.index_cast %parallel_loop3A_736 : i32 to index
        %parallel_loop3A_739 = arith.index_cast %parallel_loop3A_737 : i32 to index
        %parallel_loop3A_740 = arith.index_cast %parallel_loop3A_707 : i32 to index
        %parallel_loop3A_741 = tpu.vector_load %arg9[%parallel_loop3A_738, %parallel_loop3A_739, %parallel_loop3A_740] {strides = array<i32>} : memref<8x8x1024xf32, #tpu.memory_space<vmem>>, vector<1x1x16xf32>,
        %parallel_loop3A_742 = vector.shape_cast %parallel_loop3A_741 : vector<1x1x16xf32> to vector<16xf32>
        %parallel_loop3A_743 = vector.shape_cast %parallel_loop3A_735 : vector<16xf32> to vector<1x1x16xf32>
        tpu.vector_store %arg9[%parallel_loop3A_738, %parallel_loop3A_739, %parallel_loop3A_740], %parallel_loop3A_743 {add = true, strides = array<i32>} : memref<8x8x1024xf32, #tpu.memory_space<vmem>>, vector<1x1x16xf32>,
        %parallel_loop3A_744 = arith.index_cast %squeeze3A_134 : i32 to index
        %parallel_loop3A_745 = arith.index_cast %parallel_loop3A_707 : i32 to index
        %parallel_loop3A_746 = tpu.vector_load %arg10[%parallel_loop3A_744, %parallel_loop3A_745] {strides = array<i32>} : memref<4x1024xf32, #tpu.memory_space<vmem>>, vector<1x16xf32>,
        %parallel_loop3A_747 = vector.shape_cast %parallel_loop3A_746 : vector<1x16xf32> to vector<16xf32>
        %parallel_loop3A_748 = arith.constant 0 : i32
        %parallel_loop3A_749 = arith.constant 3 : i32
        %parallel_loop3A_750 = arith.index_cast %parallel_loop3A_748 : i32 to index
        %parallel_loop3A_751 = arith.index_cast %parallel_loop3A_749 : i32 to index
        %parallel_loop3A_752 = arith.index_cast %parallel_loop3A_707 : i32 to index
        %parallel_loop3A_753 = tpu.vector_load %arg9[%parallel_loop3A_750, %parallel_loop3A_751, %parallel_loop3A_752] {strides = array<i32>} : memref<8x8x1024xf32, #tpu.memory_space<vmem>>, vector<1x1x16xf32>,
        %parallel_loop3A_754 = vector.shape_cast %parallel_loop3A_753 : vector<1x1x16xf32> to vector<16xf32>
        %parallel_loop3A_755 = vector.shape_cast %parallel_loop3A_747 : vector<16xf32> to vector<1x1x16xf32>
        tpu.vector_store %arg9[%parallel_loop3A_750, %parallel_loop3A_751, %parallel_loop3A_752], %parallel_loop3A_755 {add = true, strides = array<i32>} : memref<8x8x1024xf32, #tpu.memory_space<vmem>>, vector<1x1x16xf32>,
        %parallel_loop3A_756 = arith.index_cast %squeeze3A_136 : i32 to index
        %parallel_loop3A_757 = arith.index_cast %parallel_loop3A_707 : i32 to index
        %parallel_loop3A_758 = tpu.vector_load %arg10[%parallel_loop3A_756, %parallel_loop3A_757] {strides = array<i32>} : memref<4x1024xf32, #tpu.memory_space<vmem>>, vector<1x16xf32>,
        %parallel_loop3A_759 = vector.shape_cast %parallel_loop3A_758 : vector<1x16xf32> to vector<16xf32>
        %parallel_loop3A_760 = arith.constant 0 : i32
        %parallel_loop3A_761 = arith.constant 4 : i32
        %parallel_loop3A_762 = arith.index_cast %parallel_loop3A_760 : i32 to index
        %parallel_loop3A_763 = arith.index_cast %parallel_loop3A_761 : i32 to index
        %parallel_loop3A_764 = arith.index_cast %parallel_loop3A_707 : i32 to index
        %parallel_loop3A_765 = tpu.vector_load %arg9[%parallel_loop3A_762, %parallel_loop3A_763, %parallel_loop3A_764] {strides = array<i32>} : memref<8x8x1024xf32, #tpu.memory_space<vmem>>, vector<1x1x16xf32>,
        %parallel_loop3A_766 = vector.shape_cast %parallel_loop3A_765 : vector<1x1x16xf32> to vector<16xf32>
        %parallel_loop3A_767 = vector.shape_cast %parallel_loop3A_759 : vector<16xf32> to vector<1x1x16xf32>
        tpu.vector_store %arg9[%parallel_loop3A_762, %parallel_loop3A_763, %parallel_loop3A_764], %parallel_loop3A_767 {add = true, strides = array<i32>} : memref<8x8x1024xf32, #tpu.memory_space<vmem>>, vector<1x1x16xf32>,
        %parallel_loop3A_768 = arith.index_cast %squeeze3A_138 : i32 to index
        %parallel_loop3A_769 = arith.index_cast %parallel_loop3A_707 : i32 to index
        %parallel_loop3A_770 = tpu.vector_load %arg10[%parallel_loop3A_768, %parallel_loop3A_769] {strides = array<i32>} : memref<4x1024xf32, #tpu.memory_space<vmem>>, vector<1x16xf32>,
        %parallel_loop3A_771 = vector.shape_cast %parallel_loop3A_770 : vector<1x16xf32> to vector<16xf32>
        %parallel_loop3A_772 = arith.constant 0 : i32
        %parallel_loop3A_773 = arith.constant 5 : i32
        %parallel_loop3A_774 = arith.index_cast %parallel_loop3A_772 : i32 to index
        %parallel_loop3A_775 = arith.index_cast %parallel_loop3A_773 : i32 to index
        %parallel_loop3A_776 = arith.index_cast %parallel_loop3A_707 : i32 to index
        %parallel_loop3A_777 = tpu.vector_load %arg9[%parallel_loop3A_774, %parallel_loop3A_775, %parallel_loop3A_776] {strides = array<i32>} : memref<8x8x1024xf32, #tpu.memory_space<vmem>>, vector<1x1x16xf32>,
        %parallel_loop3A_778 = vector.shape_cast %parallel_loop3A_777 : vector<1x1x16xf32> to vector<16xf32>
        %parallel_loop3A_779 = vector.shape_cast %parallel_loop3A_771 : vector<16xf32> to vector<1x1x16xf32>
        tpu.vector_store %arg9[%parallel_loop3A_774, %parallel_loop3A_775, %parallel_loop3A_776], %parallel_loop3A_779 {add = true, strides = array<i32>} : memref<8x8x1024xf32, #tpu.memory_space<vmem>>, vector<1x1x16xf32>,
        %parallel_loop3A_780 = arith.index_cast %squeeze3A_140 : i32 to index
        %parallel_loop3A_781 = arith.index_cast %parallel_loop3A_707 : i32 to index
        %parallel_loop3A_782 = tpu.vector_load %arg10[%parallel_loop3A_780, %parallel_loop3A_781] {strides = array<i32>} : memref<4x1024xf32, #tpu.memory_space<vmem>>, vector<1x16xf32>,
        %parallel_loop3A_783 = vector.shape_cast %parallel_loop3A_782 : vector<1x16xf32> to vector<16xf32>
        %parallel_loop3A_784 = arith.constant 0 : i32
        %parallel_loop3A_785 = arith.constant 6 : i32
        %parallel_loop3A_786 = arith.index_cast %parallel_loop3A_784 : i32 to index
        %parallel_loop3A_787 = arith.index_cast %parallel_loop3A_785 : i32 to index
        %parallel_loop3A_788 = arith.index_cast %parallel_loop3A_707 : i32 to index
        %parallel_loop3A_789 = tpu.vector_load %arg9[%parallel_loop3A_786, %parallel_loop3A_787, %parallel_loop3A_788] {strides = array<i32>} : memref<8x8x1024xf32, #tpu.memory_space<vmem>>, vector<1x1x16xf32>,
        %parallel_loop3A_790 = vector.shape_cast %parallel_loop3A_789 : vector<1x1x16xf32> to vector<16xf32>
        %parallel_loop3A_791 = vector.shape_cast %parallel_loop3A_783 : vector<16xf32> to vector<1x1x16xf32>
        tpu.vector_store %arg9[%parallel_loop3A_786, %parallel_loop3A_787, %parallel_loop3A_788], %parallel_loop3A_791 {add = true, strides = array<i32>} : memref<8x8x1024xf32, #tpu.memory_space<vmem>>, vector<1x1x16xf32>,
        %parallel_loop3A_792 = arith.index_cast %squeeze3A_142 : i32 to index
        %parallel_loop3A_793 = arith.index_cast %parallel_loop3A_707 : i32 to index
        %parallel_loop3A_794 = tpu.vector_load %arg10[%parallel_loop3A_792, %parallel_loop3A_793] {strides = array<i32>} : memref<4x1024xf32, #tpu.memory_space<vmem>>, vector<1x16xf32>,
        %parallel_loop3A_795 = vector.shape_cast %parallel_loop3A_794 : vector<1x16xf32> to vector<16xf32>
        %parallel_loop3A_796 = arith.constant 0 : i32
        %parallel_loop3A_797 = arith.constant 7 : i32
        %parallel_loop3A_798 = arith.index_cast %parallel_loop3A_796 : i32 to index
        %parallel_loop3A_799 = arith.index_cast %parallel_loop3A_797 : i32 to index
        %parallel_loop3A_800 = arith.index_cast %parallel_loop3A_707 : i32 to index
        %parallel_loop3A_801 = tpu.vector_load %arg9[%parallel_loop3A_798, %parallel_loop3A_799, %parallel_loop3A_800] {strides = array<i32>} : memref<8x8x1024xf32, #tpu.memory_space<vmem>>, vector<1x1x16xf32>,
        %parallel_loop3A_802 = vector.shape_cast %parallel_loop3A_801 : vector<1x1x16xf32> to vector<16xf32>
        %parallel_loop3A_803 = vector.shape_cast %parallel_loop3A_795 : vector<16xf32> to vector<1x1x16xf32>
        tpu.vector_store %arg9[%parallel_loop3A_798, %parallel_loop3A_799, %parallel_loop3A_800], %parallel_loop3A_803 {add = true, strides = array<i32>} : memref<8x8x1024xf32, #tpu.memory_space<vmem>>, vector<1x1x16xf32>,
      } {sc.loop_unroll_factor = 2 : i64, sc.parallel_access}
      %mul3A_168 = arith.constant 8 : i32
      %mul3A_169 = arith.muli %add3A_124, %mul3A_168 : i32
      %add3A_170 = arith.addi %mul3A_2, %mul3A_169 : i32
      %dma_start3A_171 = arith.constant 0 : i32
      %dma_start3A_172 = arith.constant 0 : i32
      %dma_start3A_173 = arith.constant 0 : i32
      %dma_start3A_174 = arith.constant 0 : i32
      %dma_start3A_175 = tpu.memref_slice %arg9[%dma_start3A_171, %dma_start3A_173, %dma_start3A_174] : memref<8x8x1024xf32, #tpu.memory_space<vmem>> -> memref<1x8x1024xf32, #tpu.memory_space<vmem>>
      %dma_start3A_176 = tpu.memref_squeeze %dma_start3A_175 : memref<1x8x1024xf32, #tpu.memory_space<vmem>> -> memref<8x1024xf32, #tpu.memory_space<vmem>>
      %dma_start3A_177 = arith.constant 0 : i32
      %dma_start3A_178 = tpu.memref_slice %arg6[%add3A_170, %dma_start3A_177] : memref<16384x1024xf32, #tpu.memory_space<hbm>> -> memref<8x1024xf32, #tpu.memory_space<hbm>>
      %dma_start3A_179 = tpu.memref_slice %arg12[%dma_start3A_172] : memref<8x!tpu.dma_semaphore, #tpu.memory_space<semaphore_mem>> -> memref<1x!tpu.dma_semaphore, #tpu.memory_space<semaphore_mem>>
      %dma_start3A_180 = tpu.memref_squeeze %dma_start3A_179 : memref<1x!tpu.dma_semaphore, #tpu.memory_space<semaphore_mem>> -> memref<!tpu.dma_semaphore, #tpu.memory_space<semaphore_mem>>
      %dma_start3A_181 = arith.constant 0 : i32
      %dma_start3A_182 = tpu.memref_slice %arg6[%add3A_170, %dma_start3A_181] : memref<16384x1024xf32, #tpu.memory_space<hbm>> -> memref<8x1024xf32, #tpu.memory_space<hbm>>
      %dma_start3A_183 = arith.constant 0 : i32
      %dma_start3A_184 = arith.constant 0 : i32
      %dma_start3A_185 = tpu.memref_slice %arg9[%dma_start3A_171, %dma_start3A_183, %dma_start3A_184] : memref<8x8x1024xf32, #tpu.memory_space<vmem>> -> memref<1x8x1024xf32, #tpu.memory_space<vmem>>
      %dma_start3A_186 = tpu.memref_squeeze %dma_start3A_185 : memref<1x8x1024xf32, #tpu.memory_space<vmem>> -> memref<8x1024xf32, #tpu.memory_space<vmem>>
      tpu.enqueue_dma source(%dma_start3A_186 : memref<8x1024xf32, #tpu.memory_space<vmem>>) target(%dma_start3A_182 : memref<8x1024xf32, #tpu.memory_space<hbm>>) target_semaphore(%dma_start3A_180 : memref<!tpu.dma_semaphore, #tpu.memory_space<semaphore_mem>>)
      %mul3A_187 = arith.constant 8 : i32
      %mul3A_188 = arith.muli %scan3A_120, %mul3A_187 : i32
      %add3A_189 = arith.constant 1 : i32
      %add3A_190 = arith.addi %mul3A_188, %add3A_189 : i32
      %mul3A_191 = arith.constant 8 : i32
      %mul3A_192 = arith.muli %add3A_190, %mul3A_191 : i32
      %get3A_193 = arith.index_cast %mul3A_192 : i32 to index
      %get3A_194 = tpu.vector_load %arg8[%get3A_193] {strides = array<i32>} : memref<520xi32, #tpu.memory_space<vmem>>, vector<16xi32>,
      %get3A_195 = vector.shape_cast %get3A_194 : vector<16xi32> to vector<16xi32>
      %slice3A_196 = vector.extract_strided_slice %get3A_195 {offsets = [0], sizes = [1], strides = [1]} : vector<16xi32> to vector<1xi32>
      %squeeze3A_197 = vector.extract %slice3A_196[0] : i32 from vector<1xi32>
      %slice3A_198 = vector.extract_strided_slice %get3A_195 {offsets = [1], sizes = [1], strides = [1]} : vector<16xi32> to vector<1xi32>
      %squeeze3A_199 = vector.extract %slice3A_198[0] : i32 from vector<1xi32>
      %slice3A_200 = vector.extract_strided_slice %get3A_195 {offsets = [2], sizes = [1], strides = [1]} : vector<16xi32> to vector<1xi32>
      %squeeze3A_201 = vector.extract %slice3A_200[0] : i32 from vector<1xi32>
      %slice3A_202 = vector.extract_strided_slice %get3A_195 {offsets = [3], sizes = [1], strides = [1]} : vector<16xi32> to vector<1xi32>
      %squeeze3A_203 = vector.extract %slice3A_202[0] : i32 from vector<1xi32>
      %slice3A_204 = vector.extract_strided_slice %get3A_195 {offsets = [4], sizes = [1], strides = [1]} : vector<16xi32> to vector<1xi32>
      %squeeze3A_205 = vector.extract %slice3A_204[0] : i32 from vector<1xi32>
      %slice3A_206 = vector.extract_strided_slice %get3A_195 {offsets = [5], sizes = [1], strides = [1]} : vector<16xi32> to vector<1xi32>
      %squeeze3A_207 = vector.extract %slice3A_206[0] : i32 from vector<1xi32>
      %slice3A_208 = vector.extract_strided_slice %get3A_195 {offsets = [6], sizes = [1], strides = [1]} : vector<16xi32> to vector<1xi32>
      %squeeze3A_209 = vector.extract %slice3A_208[0] : i32 from vector<1xi32>
      %slice3A_210 = vector.extract_strided_slice %get3A_195 {offsets = [7], sizes = [1], strides = [1]} : vector<16xi32> to vector<1xi32>
      %squeeze3A_211 = vector.extract %slice3A_210[0] : i32 from vector<1xi32>
      %dma_wait3A_212 = arith.constant 1 : i32
      %dma_wait3A_213 = arith.constant 1 : i32
      %dma_wait3A_214 = arith.constant 0 : i32
      %dma_wait3A_215 = arith.constant 0 : i32
      %dma_wait3A_216 = tpu.memref_slice %arg9[%dma_wait3A_212, %dma_wait3A_214, %dma_wait3A_215] : memref<8x8x1024xf32, #tpu.memory_space<vmem>> -> memref<1x8x1024xf32, #tpu.memory_space<vmem>>
      %dma_wait3A_217 = tpu.memref_squeeze %dma_wait3A_216 : memref<1x8x1024xf32, #tpu.memory_space<vmem>> -> memref<8x1024xf32, #tpu.memory_space<vmem>>
      %dma_wait3A_218 = arith.constant 0 : i32
      %dma_wait3A_219 = tpu.memref_slice %arg7[%dma_wait3A_218] : memref<512xi32, #tpu.memory_space<vmem>> -> memref<8xi32, #tpu.memory_space<vmem>>
      %dma_wait3A_220 = arith.constant 0 : i32
      %dma_wait3A_221 = arith.constant 0 : i32
      %dma_wait3A_222 = tpu.memref_slice %arg4[%dma_wait3A_220, %dma_wait3A_221] : memref<100001x1024xf32, #tpu.memory_space<hbm>> -> memref<100001x1024xf32, #tpu.memory_space<hbm>>
      %dma_wait3A_223 = tpu.memref_slice %arg11[%dma_wait3A_213] : memref<8x!tpu.dma_semaphore, #tpu.memory_space<semaphore_mem>> -> memref<1x!tpu.dma_semaphore, #tpu.memory_space<semaphore_mem>>
      %dma_wait3A_224 = tpu.memref_squeeze %dma_wait3A_223 : memref<1x!tpu.dma_semaphore, #tpu.memory_space<semaphore_mem>> -> memref<!tpu.dma_semaphore, #tpu.memory_space<semaphore_mem>>
      tpu.wait_indirect_dma semaphore(%dma_wait3A_224 : memref<!tpu.dma_semaphore, #tpu.memory_space<semaphore_mem>>) src(%dma_wait3A_222 : memref<100001x1024xf32, #tpu.memory_space<hbm>>) dst(%dma_wait3A_217 : memref<8x1024xf32, #tpu.memory_space<vmem>>)
      %add3A_225 = arith.constant 6 : i32
      %add3A_226 = arith.addi %add3A_190, %add3A_225 : i32
      %ge3A_227 = arith.constant 8 : i32
      %ge3A_228 = arith.cmpi sge, %add3A_226, %ge3A_227 : i32
      %convert_element_type3A_229 = arith.extui %ge3A_228 : i1 to i32
      %cond3A_230 = arith.constant 0 : i32
      %cond3A_231 = arith.cmpi ne, %convert_element_type3A_229, %cond3A_230 : i32
      scf.if %cond3A_231 {
        %dma_wait3A_705 = arith.constant 7 : i32
        %dma_wait3A_706 = arith.constant 7 : i32
        %dma_wait3A_707 = arith.constant 0 : i32
        %dma_wait3A_708 = arith.constant 0 : i32
        %dma_wait3A_709 = tpu.memref_slice %arg9[%dma_wait3A_705, %dma_wait3A_707, %dma_wait3A_708] : memref<8x8x1024xf32, #tpu.memory_space<vmem>> -> memref<1x8x1024xf32, #tpu.memory_space<vmem>>
        %dma_wait3A_710 = tpu.memref_squeeze %dma_wait3A_709 : memref<1x8x1024xf32, #tpu.memory_space<vmem>> -> memref<8x1024xf32, #tpu.memory_space<vmem>>
        %dma_wait3A_711 = arith.constant 0 : i32
        %dma_wait3A_712 = arith.constant 0 : i32
        %dma_wait3A_713 = tpu.memref_slice %arg6[%dma_wait3A_711, %dma_wait3A_712] : memref<16384x1024xf32, #tpu.memory_space<hbm>> -> memref<8x1024xf32, #tpu.memory_space<hbm>>
        %dma_wait3A_714 = tpu.memref_slice %arg12[%dma_wait3A_706] : memref<8x!tpu.dma_semaphore, #tpu.memory_space<semaphore_mem>> -> memref<1x!tpu.dma_semaphore, #tpu.memory_space<semaphore_mem>>
        %dma_wait3A_715 = tpu.memref_squeeze %dma_wait3A_714 : memref<1x!tpu.dma_semaphore, #tpu.memory_space<semaphore_mem>> -> memref<!tpu.dma_semaphore, #tpu.memory_space<semaphore_mem>>
        %dma_wait3A_716 = arith.constant 0 : i32
        %dma_wait3A_717 = arith.constant 0 : i32
        %dma_wait3A_718 = tpu.memref_slice %arg6[%dma_wait3A_716, %dma_wait3A_717] : memref<16384x1024xf32, #tpu.memory_space<hbm>> -> memref<8x1024xf32, #tpu.memory_space<hbm>>
        %dma_wait3A_719 = arith.constant 0 : i32
        %dma_wait3A_720 = arith.constant 0 : i32
        %dma_wait3A_721 = tpu.memref_slice %arg9[%dma_wait3A_705, %dma_wait3A_719, %dma_wait3A_720] : memref<8x8x1024xf32, #tpu.memory_space<vmem>> -> memref<1x8x1024xf32, #tpu.memory_space<vmem>>
        %dma_wait3A_722 = tpu.memref_squeeze %dma_wait3A_721 : memref<1x8x1024xf32, #tpu.memory_space<vmem>> -> memref<8x1024xf32, #tpu.memory_space<vmem>>
        tpu.wait_dma2 semaphore(%dma_wait3A_715 : memref<!tpu.dma_semaphore, #tpu.memory_space<semaphore_mem>>) src(%dma_wait3A_722 : memref<8x1024xf32, #tpu.memory_space<vmem>>) dst(%dma_wait3A_718 : memref<8x1024xf32, #tpu.memory_space<hbm>>)
      } else {
      }
      %add3A_232 = arith.constant 6 : i32
      %add3A_233 = arith.addi %add3A_190, %add3A_232 : i32
      %lt3A_234 = arith.constant 64 : i32
      %lt3A_235 = arith.cmpi slt, %add3A_233, %lt3A_234 : i32
      %convert_element_type3A_236 = arith.extui %lt3A_235 : i1 to i32
      %cond3A_237 = arith.constant 0 : i32
      %cond3A_238 = arith.cmpi ne, %convert_element_type3A_236, %cond3A_237 : i32
      scf.if %cond3A_238 {
        %add3A_705 = arith.constant 6 : i32
        %add3A_706 = arith.addi %add3A_190, %add3A_705 : i32
        %mul3A_707 = arith.constant 8 : i32
        %mul3A_708 = arith.muli %add3A_706, %mul3A_707 : i32
        %dma_start3A_709 = arith.constant 7 : i32
        %dma_start3A_710 = arith.constant 7 : i32
        %dma_start3A_711 = arith.constant 0 : i32
        %dma_start3A_712 = arith.constant 0 : i32
        %dma_start3A_713 = tpu.memref_slice %arg9[%dma_start3A_709, %dma_start3A_711, %dma_start3A_712] : memref<8x8x1024xf32, #tpu.memory_space<vmem>> -> memref<1x8x1024xf32, #tpu.memory_space<vmem>>
        %dma_start3A_714 = tpu.memref_squeeze %dma_start3A_713 : memref<1x8x1024xf32, #tpu.memory_space<vmem>> -> memref<8x1024xf32, #tpu.memory_space<vmem>>
        %dma_start3A_715 = tpu.memref_slice %arg7[%mul3A_708] : memref<512xi32, #tpu.memory_space<vmem>> -> memref<8xi32, #tpu.memory_space<vmem>>
        %dma_start3A_716 = arith.constant 0 : i32
        %dma_start3A_717 = arith.constant 0 : i32
        %dma_start3A_718 = tpu.memref_slice %arg4[%dma_start3A_716, %dma_start3A_717] : memref<100001x1024xf32, #tpu.memory_space<hbm>> -> memref<100001x1024xf32, #tpu.memory_space<hbm>>
        %dma_start3A_719 = tpu.memref_slice %arg11[%dma_start3A_710] : memref<8x!tpu.dma_semaphore, #tpu.memory_space<semaphore_mem>> -> memref<1x!tpu.dma_semaphore, #tpu.memory_space<semaphore_mem>>
        %dma_start3A_720 = tpu.memref_squeeze %dma_start3A_719 : memref<1x!tpu.dma_semaphore, #tpu.memory_space<semaphore_mem>> -> memref<!tpu.dma_semaphore, #tpu.memory_space<semaphore_mem>>
        tpu.enqueue_indirect_dma source(%dma_start3A_718 : memref<100001x1024xf32, #tpu.memory_space<hbm>>) target(%dma_start3A_714 : memref<8x1024xf32, #tpu.memory_space<vmem>>) offsets(%dma_start3A_715 : memref<8xi32, #tpu.memory_space<vmem>>) semaphore(%dma_start3A_720 : memref<!tpu.dma_semaphore, #tpu.memory_space<semaphore_mem>>)
      } else {
      }
      %parallel_loop3A_239 = arith.constant 0 : i32
      %parallel_loop3A_240 = arith.constant 64 : i32
      %parallel_loop3A_241 = arith.constant 1 : i32
      scf.for %parallel_loop3A_705 = %parallel_loop3A_239 to %parallel_loop3A_240 step %parallel_loop3A_241  : i32 {
        %parallel_loop3A_706 = arith.constant 16 : i32
        %parallel_loop3A_707 = arith.muli %parallel_loop3A_705, %parallel_loop3A_706 : i32
        %parallel_loop3A_708 = arith.index_cast %squeeze3A_197 : i32 to index
        %parallel_loop3A_709 = arith.index_cast %parallel_loop3A_707 : i32 to index
        %parallel_loop3A_710 = tpu.vector_load %arg10[%parallel_loop3A_708, %parallel_loop3A_709] {strides = array<i32>} : memref<4x1024xf32, #tpu.memory_space<vmem>>, vector<1x16xf32>,
        %parallel_loop3A_711 = vector.shape_cast %parallel_loop3A_710 : vector<1x16xf32> to vector<16xf32>
        %parallel_loop3A_712 = arith.constant 1 : i32
        %parallel_loop3A_713 = arith.constant 0 : i32
        %parallel_loop3A_714 = arith.index_cast %parallel_loop3A_712 : i32 to index
        %parallel_loop3A_715 = arith.index_cast %parallel_loop3A_713 : i32 to index
        %parallel_loop3A_716 = arith.index_cast %parallel_loop3A_707 : i32 to index
        %parallel_loop3A_717 = tpu.vector_load %arg9[%parallel_loop3A_714, %parallel_loop3A_715, %parallel_loop3A_716] {strides = array<i32>} : memref<8x8x1024xf32, #tpu.memory_space<vmem>>, vector<1x1x16xf32>,
        %parallel_loop3A_718 = vector.shape_cast %parallel_loop3A_717 : vector<1x1x16xf32> to vector<16xf32>
        %parallel_loop3A_719 = vector.shape_cast %parallel_loop3A_711 : vector<16xf32> to vector<1x1x16xf32>
        tpu.vector_store %arg9[%parallel_loop3A_714, %parallel_loop3A_715, %parallel_loop3A_716], %parallel_loop3A_719 {add = true, strides = array<i32>} : memref<8x8x1024xf32, #tpu.memory_space<vmem>>, vector<1x1x16xf32>,
        %parallel_loop3A_720 = arith.index_cast %squeeze3A_199 : i32 to index
        %parallel_loop3A_721 = arith.index_cast %parallel_loop3A_707 : i32 to index
        %parallel_loop3A_722 = tpu.vector_load %arg10[%parallel_loop3A_720, %parallel_loop3A_721] {strides = array<i32>} : memref<4x1024xf32, #tpu.memory_space<vmem>>, vector<1x16xf32>,
        %parallel_loop3A_723 = vector.shape_cast %parallel_loop3A_722 : vector<1x16xf32> to vector<16xf32>
        %parallel_loop3A_724 = arith.constant 1 : i32
        %parallel_loop3A_725 = arith.constant 1 : i32
        %parallel_loop3A_726 = arith.index_cast %parallel_loop3A_724 : i32 to index
        %parallel_loop3A_727 = arith.index_cast %parallel_loop3A_725 : i32 to index
        %parallel_loop3A_728 = arith.index_cast %parallel_loop3A_707 : i32 to index
        %parallel_loop3A_729 = tpu.vector_load %arg9[%parallel_loop3A_726, %parallel_loop3A_727, %parallel_loop3A_728] {strides = array<i32>} : memref<8x8x1024xf32, #tpu.memory_space<vmem>>, vector<1x1x16xf32>,
        %parallel_loop3A_730 = vector.shape_cast %parallel_loop3A_729 : vector<1x1x16xf32> to vector<16xf32>
        %parallel_loop3A_731 = vector.shape_cast %parallel_loop3A_723 : vector<16xf32> to vector<1x1x16xf32>
        tpu.vector_store %arg9[%parallel_loop3A_726, %parallel_loop3A_727, %parallel_loop3A_728], %parallel_loop3A_731 {add = true, strides = array<i32>} : memref<8x8x1024xf32, #tpu.memory_space<vmem>>, vector<1x1x16xf32>,
        %parallel_loop3A_732 = arith.index_cast %squeeze3A_201 : i32 to index
        %parallel_loop3A_733 = arith.index_cast %parallel_loop3A_707 : i32 to index
        %parallel_loop3A_734 = tpu.vector_load %arg10[%parallel_loop3A_732, %parallel_loop3A_733] {strides = array<i32>} : memref<4x1024xf32, #tpu.memory_space<vmem>>, vector<1x16xf32>,
        %parallel_loop3A_735 = vector.shape_cast %parallel_loop3A_734 : vector<1x16xf32> to vector<16xf32>
        %parallel_loop3A_736 = arith.constant 1 : i32
        %parallel_loop3A_737 = arith.constant 2 : i32
        %parallel_loop3A_738 = arith.index_cast %parallel_loop3A_736 : i32 to index
        %parallel_loop3A_739 = arith.index_cast %parallel_loop3A_737 : i32 to index
        %parallel_loop3A_740 = arith.index_cast %parallel_loop3A_707 : i32 to index
        %parallel_loop3A_741 = tpu.vector_load %arg9[%parallel_loop3A_738, %parallel_loop3A_739, %parallel_loop3A_740] {strides = array<i32>} : memref<8x8x1024xf32, #tpu.memory_space<vmem>>, vector<1x1x16xf32>,
        %parallel_loop3A_742 = vector.shape_cast %parallel_loop3A_741 : vector<1x1x16xf32> to vector<16xf32>
        %parallel_loop3A_743 = vector.shape_cast %parallel_loop3A_735 : vector<16xf32> to vector<1x1x16xf32>
        tpu.vector_store %arg9[%parallel_loop3A_738, %parallel_loop3A_739, %parallel_loop3A_740], %parallel_loop3A_743 {add = true, strides = array<i32>} : memref<8x8x1024xf32, #tpu.memory_space<vmem>>, vector<1x1x16xf32>,
        %parallel_loop3A_744 = arith.index_cast %squeeze3A_203 : i32 to index
        %parallel_loop3A_745 = arith.index_cast %parallel_loop3A_707 : i32 to index
        %parallel_loop3A_746 = tpu.vector_load %arg10[%parallel_loop3A_744, %parallel_loop3A_745] {strides = array<i32>} : memref<4x1024xf32, #tpu.memory_space<vmem>>, vector<1x16xf32>,
        %parallel_loop3A_747 = vector.shape_cast %parallel_loop3A_746 : vector<1x16xf32> to vector<16xf32>
        %parallel_loop3A_748 = arith.constant 1 : i32
        %parallel_loop3A_749 = arith.constant 3 : i32
        %parallel_loop3A_750 = arith.index_cast %parallel_loop3A_748 : i32 to index
        %parallel_loop3A_751 = arith.index_cast %parallel_loop3A_749 : i32 to index
        %parallel_loop3A_752 = arith.index_cast %parallel_loop3A_707 : i32 to index
        %parallel_loop3A_753 = tpu.vector_load %arg9[%parallel_loop3A_750, %parallel_loop3A_751, %parallel_loop3A_752] {strides = array<i32>} : memref<8x8x1024xf32, #tpu.memory_space<vmem>>, vector<1x1x16xf32>,
        %parallel_loop3A_754 = vector.shape_cast %parallel_loop3A_753 : vector<1x1x16xf32> to vector<16xf32>
        %parallel_loop3A_755 = vector.shape_cast %parallel_loop3A_747 : vector<16xf32> to vector<1x1x16xf32>
        tpu.vector_store %arg9[%parallel_loop3A_750, %parallel_loop3A_751, %parallel_loop3A_752], %parallel_loop3A_755 {add = true, strides = array<i32>} : memref<8x8x1024xf32, #tpu.memory_space<vmem>>, vector<1x1x16xf32>,
        %parallel_loop3A_756 = arith.index_cast %squeeze3A_205 : i32 to index
        %parallel_loop3A_757 = arith.index_cast %parallel_loop3A_707 : i32 to index
        %parallel_loop3A_758 = tpu.vector_load %arg10[%parallel_loop3A_756, %parallel_loop3A_757] {strides = array<i32>} : memref<4x1024xf32, #tpu.memory_space<vmem>>, vector<1x16xf32>,
        %parallel_loop3A_759 = vector.shape_cast %parallel_loop3A_758 : vector<1x16xf32> to vector<16xf32>
        %parallel_loop3A_760 = arith.constant 1 : i32
        %parallel_loop3A_761 = arith.constant 4 : i32
        %parallel_loop3A_762 = arith.index_cast %parallel_loop3A_760 : i32 to index
        %parallel_loop3A_763 = arith.index_cast %parallel_loop3A_761 : i32 to index
        %parallel_loop3A_764 = arith.index_cast %parallel_loop3A_707 : i32 to index
        %parallel_loop3A_765 = tpu.vector_load %arg9[%parallel_loop3A_762, %parallel_loop3A_763, %parallel_loop3A_764] {strides = array<i32>} : memref<8x8x1024xf32, #tpu.memory_space<vmem>>, vector<1x1x16xf32>,
        %parallel_loop3A_766 = vector.shape_cast %parallel_loop3A_765 : vector<1x1x16xf32> to vector<16xf32>
        %parallel_loop3A_767 = vector.shape_cast %parallel_loop3A_759 : vector<16xf32> to vector<1x1x16xf32>
        tpu.vector_store %arg9[%parallel_loop3A_762, %parallel_loop3A_763, %parallel_loop3A_764], %parallel_loop3A_767 {add = true, strides = array<i32>} : memref<8x8x1024xf32, #tpu.memory_space<vmem>>, vector<1x1x16xf32>,
        %parallel_loop3A_768 = arith.index_cast %squeeze3A_207 : i32 to index
        %parallel_loop3A_769 = arith.index_cast %parallel_loop3A_707 : i32 to index
        %parallel_loop3A_770 = tpu.vector_load %arg10[%parallel_loop3A_768, %parallel_loop3A_769] {strides = array<i32>} : memref<4x1024xf32, #tpu.memory_space<vmem>>, vector<1x16xf32>,
        %parallel_loop3A_771 = vector.shape_cast %parallel_loop3A_770 : vector<1x16xf32> to vector<16xf32>
        %parallel_loop3A_772 = arith.constant 1 : i32
        %parallel_loop3A_773 = arith.constant 5 : i32
        %parallel_loop3A_774 = arith.index_cast %parallel_loop3A_772 : i32 to index
        %parallel_loop3A_775 = arith.index_cast %parallel_loop3A_773 : i32 to index
        %parallel_loop3A_776 = arith.index_cast %parallel_loop3A_707 : i32 to index
        %parallel_loop3A_777 = tpu.vector_load %arg9[%parallel_loop3A_774, %parallel_loop3A_775, %parallel_loop3A_776] {strides = array<i32>} : memref<8x8x1024xf32, #tpu.memory_space<vmem>>, vector<1x1x16xf32>,
        %parallel_loop3A_778 = vector.shape_cast %parallel_loop3A_777 : vector<1x1x16xf32> to vector<16xf32>
        %parallel_loop3A_779 = vector.shape_cast %parallel_loop3A_771 : vector<16xf32> to vector<1x1x16xf32>
        tpu.vector_store %arg9[%parallel_loop3A_774, %parallel_loop3A_775, %parallel_loop3A_776], %parallel_loop3A_779 {add = true, strides = array<i32>} : memref<8x8x1024xf32, #tpu.memory_space<vmem>>, vector<1x1x16xf32>,
        %parallel_loop3A_780 = arith.index_cast %squeeze3A_209 : i32 to index
        %parallel_loop3A_781 = arith.index_cast %parallel_loop3A_707 : i32 to index
        %parallel_loop3A_782 = tpu.vector_load %arg10[%parallel_loop3A_780, %parallel_loop3A_781] {strides = array<i32>} : memref<4x1024xf32, #tpu.memory_space<vmem>>, vector<1x16xf32>,
        %parallel_loop3A_783 = vector.shape_cast %parallel_loop3A_782 : vector<1x16xf32> to vector<16xf32>
        %parallel_loop3A_784 = arith.constant 1 : i32
        %parallel_loop3A_785 = arith.constant 6 : i32
        %parallel_loop3A_786 = arith.index_cast %parallel_loop3A_784 : i32 to index
        %parallel_loop3A_787 = arith.index_cast %parallel_loop3A_785 : i32 to index
        %parallel_loop3A_788 = arith.index_cast %parallel_loop3A_707 : i32 to index
        %parallel_loop3A_789 = tpu.vector_load %arg9[%parallel_loop3A_786, %parallel_loop3A_787, %parallel_loop3A_788] {strides = array<i32>} : memref<8x8x1024xf32, #tpu.memory_space<vmem>>, vector<1x1x16xf32>,
        %parallel_loop3A_790 = vector.shape_cast %parallel_loop3A_789 : vector<1x1x16xf32> to vector<16xf32>
        %parallel_loop3A_791 = vector.shape_cast %parallel_loop3A_783 : vector<16xf32> to vector<1x1x16xf32>
        tpu.vector_store %arg9[%parallel_loop3A_786, %parallel_loop3A_787, %parallel_loop3A_788], %parallel_loop3A_791 {add = true, strides = array<i32>} : memref<8x8x1024xf32, #tpu.memory_space<vmem>>, vector<1x1x16xf32>,
        %parallel_loop3A_792 = arith.index_cast %squeeze3A_211 : i32 to index
        %parallel_loop3A_793 = arith.index_cast %parallel_loop3A_707 : i32 to index
        %parallel_loop3A_794 = tpu.vector_load %arg10[%parallel_loop3A_792, %parallel_loop3A_793] {strides = array<i32>} : memref<4x1024xf32, #tpu.memory_space<vmem>>, vector<1x16xf32>,
        %parallel_loop3A_795 = vector.shape_cast %parallel_loop3A_794 : vector<1x16xf32> to vector<16xf32>
        %parallel_loop3A_796 = arith.constant 1 : i32
        %parallel_loop3A_797 = arith.constant 7 : i32
        %parallel_loop3A_798 = arith.index_cast %parallel_loop3A_796 : i32 to index
        %parallel_loop3A_799 = arith.index_cast %parallel_loop3A_797 : i32 to index
        %parallel_loop3A_800 = arith.index_cast %parallel_loop3A_707 : i32 to index
        %parallel_loop3A_801 = tpu.vector_load %arg9[%parallel_loop3A_798, %parallel_loop3A_799, %parallel_loop3A_800] {strides = array<i32>} : memref<8x8x1024xf32, #tpu.memory_space<vmem>>, vector<1x1x16xf32>,
        %parallel_loop3A_802 = vector.shape_cast %parallel_loop3A_801 : vector<1x1x16xf32> to vector<16xf32>
        %parallel_loop3A_803 = vector.shape_cast %parallel_loop3A_795 : vector<16xf32> to vector<1x1x16xf32>
        tpu.vector_store %arg9[%parallel_loop3A_798, %parallel_loop3A_799, %parallel_loop3A_800], %parallel_loop3A_803 {add = true, strides = array<i32>} : memref<8x8x1024xf32, #tpu.memory_space<vmem>>, vector<1x1x16xf32>,
      } {sc.loop_unroll_factor = 2 : i64, sc.parallel_access}
      %mul3A_242 = arith.constant 8 : i32
      %mul3A_243 = arith.muli %add3A_190, %mul3A_242 : i32
      %add3A_244 = arith.addi %mul3A_2, %mul3A_243 : i32
      %dma_start3A_245 = arith.constant 1 : i32
      %dma_start3A_246 = arith.constant 1 : i32
      %dma_start3A_247 = arith.constant 0 : i32
      %dma_start3A_248 = arith.constant 0 : i32
      %dma_start3A_249 = tpu.memref_slice %arg9[%dma_start3A_245, %dma_start3A_247, %dma_start3A_248] : memref<8x8x1024xf32, #tpu.memory_space<vmem>> -> memref<1x8x1024xf32, #tpu.memory_space<vmem>>
      %dma_start3A_250 = tpu.memref_squeeze %dma_start3A_249 : memref<1x8x1024xf32, #tpu.memory_space<vmem>> -> memref<8x1024xf32, #tpu.memory_space<vmem>>
      %dma_start3A_251 = arith.constant 0 : i32
      %dma_start3A_252 = tpu.memref_slice %arg6[%add3A_244, %dma_start3A_251] : memref<16384x1024xf32, #tpu.memory_space<hbm>> -> memref<8x1024xf32, #tpu.memory_space<hbm>>
      %dma_start3A_253 = tpu.memref_slice %arg12[%dma_start3A_246] : memref<8x!tpu.dma_semaphore, #tpu.memory_space<semaphore_mem>> -> memref<1x!tpu.dma_semaphore, #tpu.memory_space<semaphore_mem>>
      %dma_start3A_254 = tpu.memref_squeeze %dma_start3A_253 : memref<1x!tpu.dma_semaphore, #tpu.memory_space<semaphore_mem>> -> memref<!tpu.dma_semaphore, #tpu.memory_space<semaphore_mem>>
      %dma_start3A_255 = arith.constant 0 : i32
      %dma_start3A_256 = tpu.memref_slice %arg6[%add3A_244, %dma_start3A_255] : memref<16384x1024xf32, #tpu.memory_space<hbm>> -> memref<8x1024xf32, #tpu.memory_space<hbm>>
      %dma_start3A_257 = arith.constant 0 : i32
      %dma_start3A_258 = arith.constant 0 : i32
      %dma_start3A_259 = tpu.memref_slice %arg9[%dma_start3A_245, %dma_start3A_257, %dma_start3A_258] : memref<8x8x1024xf32, #tpu.memory_space<vmem>> -> memref<1x8x1024xf32, #tpu.memory_space<vmem>>
      %dma_start3A_260 = tpu.memref_squeeze %dma_start3A_259 : memref<1x8x1024xf32, #tpu.memory_space<vmem>> -> memref<8x1024xf32, #tpu.memory_space<vmem>>
      tpu.enqueue_dma source(%dma_start3A_260 : memref<8x1024xf32, #tpu.memory_space<vmem>>) target(%dma_start3A_256 : memref<8x1024xf32, #tpu.memory_space<hbm>>) target_semaphore(%dma_start3A_254 : memref<!tpu.dma_semaphore, #tpu.memory_space<semaphore_mem>>)
      %mul3A_261 = arith.constant 8 : i32
      %mul3A_262 = arith.muli %scan3A_120, %mul3A_261 : i32
      %add3A_263 = arith.constant 2 : i32
      %add3A_264 = arith.addi %mul3A_262, %add3A_263 : i32
      %mul3A_265 = arith.constant 8 : i32
      %mul3A_266 = arith.muli %add3A_264, %mul3A_265 : i32
      %get3A_267 = arith.index_cast %mul3A_266 : i32 to index
      %get3A_268 = tpu.vector_load %arg8[%get3A_267] {strides = array<i32>} : memref<520xi32, #tpu.memory_space<vmem>>, vector<16xi32>,
      %get3A_269 = vector.shape_cast %get3A_268 : vector<16xi32> to vector<16xi32>
      %slice3A_270 = vector.extract_strided_slice %get3A_269 {offsets = [0], sizes = [1], strides = [1]} : vector<16xi32> to vector<1xi32>
      %squeeze3A_271 = vector.extract %slice3A_270[0] : i32 from vector<1xi32>
      %slice3A_272 = vector.extract_strided_slice %get3A_269 {offsets = [1], sizes = [1], strides = [1]} : vector<16xi32> to vector<1xi32>
      %squeeze3A_273 = vector.extract %slice3A_272[0] : i32 from vector<1xi32>
      %slice3A_274 = vector.extract_strided_slice %get3A_269 {offsets = [2], sizes = [1], strides = [1]} : vector<16xi32> to vector<1xi32>
      %squeeze3A_275 = vector.extract %slice3A_274[0] : i32 from vector<1xi32>
      %slice3A_276 = vector.extract_strided_slice %get3A_269 {offsets = [3], sizes = [1], strides = [1]} : vector<16xi32> to vector<1xi32>
      %squeeze3A_277 = vector.extract %slice3A_276[0] : i32 from vector<1xi32>
      %slice3A_278 = vector.extract_strided_slice %get3A_269 {offsets = [4], sizes = [1], strides = [1]} : vector<16xi32> to vector<1xi32>
      %squeeze3A_279 = vector.extract %slice3A_278[0] : i32 from vector<1xi32>
      %slice3A_280 = vector.extract_strided_slice %get3A_269 {offsets = [5], sizes = [1], strides = [1]} : vector<16xi32> to vector<1xi32>
      %squeeze3A_281 = vector.extract %slice3A_280[0] : i32 from vector<1xi32>
      %slice3A_282 = vector.extract_strided_slice %get3A_269 {offsets = [6], sizes = [1], strides = [1]} : vector<16xi32> to vector<1xi32>
      %squeeze3A_283 = vector.extract %slice3A_282[0] : i32 from vector<1xi32>
      %slice3A_284 = vector.extract_strided_slice %get3A_269 {offsets = [7], sizes = [1], strides = [1]} : vector<16xi32> to vector<1xi32>
      %squeeze3A_285 = vector.extract %slice3A_284[0] : i32 from vector<1xi32>
      %dma_wait3A_286 = arith.constant 2 : i32
      %dma_wait3A_287 = arith.constant 2 : i32
      %dma_wait3A_288 = arith.constant 0 : i32
      %dma_wait3A_289 = arith.constant 0 : i32
      %dma_wait3A_290 = tpu.memref_slice %arg9[%dma_wait3A_286, %dma_wait3A_288, %dma_wait3A_289] : memref<8x8x1024xf32, #tpu.memory_space<vmem>> -> memref<1x8x1024xf32, #tpu.memory_space<vmem>>
      %dma_wait3A_291 = tpu.memref_squeeze %dma_wait3A_290 : memref<1x8x1024xf32, #tpu.memory_space<vmem>> -> memref<8x1024xf32, #tpu.memory_space<vmem>>
      %dma_wait3A_292 = arith.constant 0 : i32
      %dma_wait3A_293 = tpu.memref_slice %arg7[%dma_wait3A_292] : memref<512xi32, #tpu.memory_space<vmem>> -> memref<8xi32, #tpu.memory_space<vmem>>
      %dma_wait3A_294 = arith.constant 0 : i32
      %dma_wait3A_295 = arith.constant 0 : i32
      %dma_wait3A_296 = tpu.memref_slice %arg4[%dma_wait3A_294, %dma_wait3A_295] : memref<100001x1024xf32, #tpu.memory_space<hbm>> -> memref<100001x1024xf32, #tpu.memory_space<hbm>>
      %dma_wait3A_297 = tpu.memref_slice %arg11[%dma_wait3A_287] : memref<8x!tpu.dma_semaphore, #tpu.memory_space<semaphore_mem>> -> memref<1x!tpu.dma_semaphore, #tpu.memory_space<semaphore_mem>>
      %dma_wait3A_298 = tpu.memref_squeeze %dma_wait3A_297 : memref<1x!tpu.dma_semaphore, #tpu.memory_space<semaphore_mem>> -> memref<!tpu.dma_semaphore, #tpu.memory_space<semaphore_mem>>
      tpu.wait_indirect_dma semaphore(%dma_wait3A_298 : memref<!tpu.dma_semaphore, #tpu.memory_space<semaphore_mem>>) src(%dma_wait3A_296 : memref<100001x1024xf32, #tpu.memory_space<hbm>>) dst(%dma_wait3A_291 : memref<8x1024xf32, #tpu.memory_space<vmem>>)
      %add3A_299 = arith.constant 6 : i32
      %add3A_300 = arith.addi %add3A_264, %add3A_299 : i32
      %ge3A_301 = arith.constant 8 : i32
      %ge3A_302 = arith.cmpi sge, %add3A_300, %ge3A_301 : i32
      %convert_element_type3A_303 = arith.extui %ge3A_302 : i1 to i32
      %cond3A_304 = arith.constant 0 : i32
      %cond3A_305 = arith.cmpi ne, %convert_element_type3A_303, %cond3A_304 : i32
      scf.if %cond3A_305 {
        %dma_wait3A_705 = arith.constant 0 : i32
        %dma_wait3A_706 = arith.constant 0 : i32
        %dma_wait3A_707 = arith.constant 0 : i32
        %dma_wait3A_708 = arith.constant 0 : i32
        %dma_wait3A_709 = tpu.memref_slice %arg9[%dma_wait3A_705, %dma_wait3A_707, %dma_wait3A_708] : memref<8x8x1024xf32, #tpu.memory_space<vmem>> -> memref<1x8x1024xf32, #tpu.memory_space<vmem>>
        %dma_wait3A_710 = tpu.memref_squeeze %dma_wait3A_709 : memref<1x8x1024xf32, #tpu.memory_space<vmem>> -> memref<8x1024xf32, #tpu.memory_space<vmem>>
        %dma_wait3A_711 = arith.constant 0 : i32
        %dma_wait3A_712 = arith.constant 0 : i32
        %dma_wait3A_713 = tpu.memref_slice %arg6[%dma_wait3A_711, %dma_wait3A_712] : memref<16384x1024xf32, #tpu.memory_space<hbm>> -> memref<8x1024xf32, #tpu.memory_space<hbm>>
        %dma_wait3A_714 = tpu.memref_slice %arg12[%dma_wait3A_706] : memref<8x!tpu.dma_semaphore, #tpu.memory_space<semaphore_mem>> -> memref<1x!tpu.dma_semaphore, #tpu.memory_space<semaphore_mem>>
        %dma_wait3A_715 = tpu.memref_squeeze %dma_wait3A_714 : memref<1x!tpu.dma_semaphore, #tpu.memory_space<semaphore_mem>> -> memref<!tpu.dma_semaphore, #tpu.memory_space<semaphore_mem>>
        %dma_wait3A_716 = arith.constant 0 : i32
        %dma_wait3A_717 = arith.constant 0 : i32
        %dma_wait3A_718 = tpu.memref_slice %arg6[%dma_wait3A_716, %dma_wait3A_717] : memref<16384x1024xf32, #tpu.memory_space<hbm>> -> memref<8x1024xf32, #tpu.memory_space<hbm>>
        %dma_wait3A_719 = arith.constant 0 : i32
        %dma_wait3A_720 = arith.constant 0 : i32
        %dma_wait3A_721 = tpu.memref_slice %arg9[%dma_wait3A_705, %dma_wait3A_719, %dma_wait3A_720] : memref<8x8x1024xf32, #tpu.memory_space<vmem>> -> memref<1x8x1024xf32, #tpu.memory_space<vmem>>
        %dma_wait3A_722 = tpu.memref_squeeze %dma_wait3A_721 : memref<1x8x1024xf32, #tpu.memory_space<vmem>> -> memref<8x1024xf32, #tpu.memory_space<vmem>>
        tpu.wait_dma2 semaphore(%dma_wait3A_715 : memref<!tpu.dma_semaphore, #tpu.memory_space<semaphore_mem>>) src(%dma_wait3A_722 : memref<8x1024xf32, #tpu.memory_space<vmem>>) dst(%dma_wait3A_718 : memref<8x1024xf32, #tpu.memory_space<hbm>>)
      } else {
      }
      %add3A_306 = arith.constant 6 : i32
      %add3A_307 = arith.addi %add3A_264, %add3A_306 : i32
      %lt3A_308 = arith.constant 64 : i32
      %lt3A_309 = arith.cmpi slt, %add3A_307, %lt3A_308 : i32
      %convert_element_type3A_310 = arith.extui %lt3A_309 : i1 to i32
      %cond3A_311 = arith.constant 0 : i32
      %cond3A_312 = arith.cmpi ne, %convert_element_type3A_310, %cond3A_311 : i32
      scf.if %cond3A_312 {
        %add3A_705 = arith.constant 6 : i32
        %add3A_706 = arith.addi %add3A_264, %add3A_705 : i32
        %mul3A_707 = arith.constant 8 : i32
        %mul3A_708 = arith.muli %add3A_706, %mul3A_707 : i32
        %dma_start3A_709 = arith.constant 0 : i32
        %dma_start3A_710 = arith.constant 0 : i32
        %dma_start3A_711 = arith.constant 0 : i32
        %dma_start3A_712 = arith.constant 0 : i32
        %dma_start3A_713 = tpu.memref_slice %arg9[%dma_start3A_709, %dma_start3A_711, %dma_start3A_712] : memref<8x8x1024xf32, #tpu.memory_space<vmem>> -> memref<1x8x1024xf32, #tpu.memory_space<vmem>>
        %dma_start3A_714 = tpu.memref_squeeze %dma_start3A_713 : memref<1x8x1024xf32, #tpu.memory_space<vmem>> -> memref<8x1024xf32, #tpu.memory_space<vmem>>
        %dma_start3A_715 = tpu.memref_slice %arg7[%mul3A_708] : memref<512xi32, #tpu.memory_space<vmem>> -> memref<8xi32, #tpu.memory_space<vmem>>
        %dma_start3A_716 = arith.constant 0 : i32
        %dma_start3A_717 = arith.constant 0 : i32
        %dma_start3A_718 = tpu.memref_slice %arg4[%dma_start3A_716, %dma_start3A_717] : memref<100001x1024xf32, #tpu.memory_space<hbm>> -> memref<100001x1024xf32, #tpu.memory_space<hbm>>
        %dma_start3A_719 = tpu.memref_slice %arg11[%dma_start3A_710] : memref<8x!tpu.dma_semaphore, #tpu.memory_space<semaphore_mem>> -> memref<1x!tpu.dma_semaphore, #tpu.memory_space<semaphore_mem>>
        %dma_start3A_720 = tpu.memref_squeeze %dma_start3A_719 : memref<1x!tpu.dma_semaphore, #tpu.memory_space<semaphore_mem>> -> memref<!tpu.dma_semaphore, #tpu.memory_space<semaphore_mem>>
        tpu.enqueue_indirect_dma source(%dma_start3A_718 : memref<100001x1024xf32, #tpu.memory_space<hbm>>) target(%dma_start3A_714 : memref<8x1024xf32, #tpu.memory_space<vmem>>) offsets(%dma_start3A_715 : memref<8xi32, #tpu.memory_space<vmem>>) semaphore(%dma_start3A_720 : memref<!tpu.dma_semaphore, #tpu.memory_space<semaphore_mem>>)
      } else {
      }
      %parallel_loop3A_313 = arith.constant 0 : i32
      %parallel_loop3A_314 = arith.constant 64 : i32
      %parallel_loop3A_315 = arith.constant 1 : i32
      scf.for %parallel_loop3A_705 = %parallel_loop3A_313 to %parallel_loop3A_314 step %parallel_loop3A_315  : i32 {
        %parallel_loop3A_706 = arith.constant 16 : i32
        %parallel_loop3A_707 = arith.muli %parallel_loop3A_705, %parallel_loop3A_706 : i32
        %parallel_loop3A_708 = arith.index_cast %squeeze3A_271 : i32 to index
        %parallel_loop3A_709 = arith.index_cast %parallel_loop3A_707 : i32 to index
        %parallel_loop3A_710 = tpu.vector_load %arg10[%parallel_loop3A_708, %parallel_loop3A_709] {strides = array<i32>} : memref<4x1024xf32, #tpu.memory_space<vmem>>, vector<1x16xf32>,
        %parallel_loop3A_711 = vector.shape_cast %parallel_loop3A_710 : vector<1x16xf32> to vector<16xf32>
        %parallel_loop3A_712 = arith.constant 2 : i32
        %parallel_loop3A_713 = arith.constant 0 : i32
        %parallel_loop3A_714 = arith.index_cast %parallel_loop3A_712 : i32 to index
        %parallel_loop3A_715 = arith.index_cast %parallel_loop3A_713 : i32 to index
        %parallel_loop3A_716 = arith.index_cast %parallel_loop3A_707 : i32 to index
        %parallel_loop3A_717 = tpu.vector_load %arg9[%parallel_loop3A_714, %parallel_loop3A_715, %parallel_loop3A_716] {strides = array<i32>} : memref<8x8x1024xf32, #tpu.memory_space<vmem>>, vector<1x1x16xf32>,
        %parallel_loop3A_718 = vector.shape_cast %parallel_loop3A_717 : vector<1x1x16xf32> to vector<16xf32>
        %parallel_loop3A_719 = vector.shape_cast %parallel_loop3A_711 : vector<16xf32> to vector<1x1x16xf32>
        tpu.vector_store %arg9[%parallel_loop3A_714, %parallel_loop3A_715, %parallel_loop3A_716], %parallel_loop3A_719 {add = true, strides = array<i32>} : memref<8x8x1024xf32, #tpu.memory_space<vmem>>, vector<1x1x16xf32>,
        %parallel_loop3A_720 = arith.index_cast %squeeze3A_273 : i32 to index
        %parallel_loop3A_721 = arith.index_cast %parallel_loop3A_707 : i32 to index
        %parallel_loop3A_722 = tpu.vector_load %arg10[%parallel_loop3A_720, %parallel_loop3A_721] {strides = array<i32>} : memref<4x1024xf32, #tpu.memory_space<vmem>>, vector<1x16xf32>,
        %parallel_loop3A_723 = vector.shape_cast %parallel_loop3A_722 : vector<1x16xf32> to vector<16xf32>
        %parallel_loop3A_724 = arith.constant 2 : i32
        %parallel_loop3A_725 = arith.constant 1 : i32
        %parallel_loop3A_726 = arith.index_cast %parallel_loop3A_724 : i32 to index
        %parallel_loop3A_727 = arith.index_cast %parallel_loop3A_725 : i32 to index
        %parallel_loop3A_728 = arith.index_cast %parallel_loop3A_707 : i32 to index
        %parallel_loop3A_729 = tpu.vector_load %arg9[%parallel_loop3A_726, %parallel_loop3A_727, %parallel_loop3A_728] {strides = array<i32>} : memref<8x8x1024xf32, #tpu.memory_space<vmem>>, vector<1x1x16xf32>,
        %parallel_loop3A_730 = vector.shape_cast %parallel_loop3A_729 : vector<1x1x16xf32> to vector<16xf32>
        %parallel_loop3A_731 = vector.shape_cast %parallel_loop3A_723 : vector<16xf32> to vector<1x1x16xf32>
        tpu.vector_store %arg9[%parallel_loop3A_726, %parallel_loop3A_727, %parallel_loop3A_728], %parallel_loop3A_731 {add = true, strides = array<i32>} : memref<8x8x1024xf32, #tpu.memory_space<vmem>>, vector<1x1x16xf32>,
        %parallel_loop3A_732 = arith.index_cast %squeeze3A_275 : i32 to index
        %parallel_loop3A_733 = arith.index_cast %parallel_loop3A_707 : i32 to index
        %parallel_loop3A_734 = tpu.vector_load %arg10[%parallel_loop3A_732, %parallel_loop3A_733] {strides = array<i32>} : memref<4x1024xf32, #tpu.memory_space<vmem>>, vector<1x16xf32>,
        %parallel_loop3A_735 = vector.shape_cast %parallel_loop3A_734 : vector<1x16xf32> to vector<16xf32>
        %parallel_loop3A_736 = arith.constant 2 : i32
        %parallel_loop3A_737 = arith.constant 2 : i32
        %parallel_loop3A_738 = arith.index_cast %parallel_loop3A_736 : i32 to index
        %parallel_loop3A_739 = arith.index_cast %parallel_loop3A_737 : i32 to index
        %parallel_loop3A_740 = arith.index_cast %parallel_loop3A_707 : i32 to index
        %parallel_loop3A_741 = tpu.vector_load %arg9[%parallel_loop3A_738, %parallel_loop3A_739, %parallel_loop3A_740] {strides = array<i32>} : memref<8x8x1024xf32, #tpu.memory_space<vmem>>, vector<1x1x16xf32>,
        %parallel_loop3A_742 = vector.shape_cast %parallel_loop3A_741 : vector<1x1x16xf32> to vector<16xf32>
        %parallel_loop3A_743 = vector.shape_cast %parallel_loop3A_735 : vector<16xf32> to vector<1x1x16xf32>
        tpu.vector_store %arg9[%parallel_loop3A_738, %parallel_loop3A_739, %parallel_loop3A_740], %parallel_loop3A_743 {add = true, strides = array<i32>} : memref<8x8x1024xf32, #tpu.memory_space<vmem>>, vector<1x1x16xf32>,
        %parallel_loop3A_744 = arith.index_cast %squeeze3A_277 : i32 to index
        %parallel_loop3A_745 = arith.index_cast %parallel_loop3A_707 : i32 to index
        %parallel_loop3A_746 = tpu.vector_load %arg10[%parallel_loop3A_744, %parallel_loop3A_745] {strides = array<i32>} : memref<4x1024xf32, #tpu.memory_space<vmem>>, vector<1x16xf32>,
        %parallel_loop3A_747 = vector.shape_cast %parallel_loop3A_746 : vector<1x16xf32> to vector<16xf32>
        %parallel_loop3A_748 = arith.constant 2 : i32
        %parallel_loop3A_749 = arith.constant 3 : i32
        %parallel_loop3A_750 = arith.index_cast %parallel_loop3A_748 : i32 to index
        %parallel_loop3A_751 = arith.index_cast %parallel_loop3A_749 : i32 to index
        %parallel_loop3A_752 = arith.index_cast %parallel_loop3A_707 : i32 to index
        %parallel_loop3A_753 = tpu.vector_load %arg9[%parallel_loop3A_750, %parallel_loop3A_751, %parallel_loop3A_752] {strides = array<i32>} : memref<8x8x1024xf32, #tpu.memory_space<vmem>>, vector<1x1x16xf32>,
        %parallel_loop3A_754 = vector.shape_cast %parallel_loop3A_753 : vector<1x1x16xf32> to vector<16xf32>
        %parallel_loop3A_755 = vector.shape_cast %parallel_loop3A_747 : vector<16xf32> to vector<1x1x16xf32>
        tpu.vector_store %arg9[%parallel_loop3A_750, %parallel_loop3A_751, %parallel_loop3A_752], %parallel_loop3A_755 {add = true, strides = array<i32>} : memref<8x8x1024xf32, #tpu.memory_space<vmem>>, vector<1x1x16xf32>,
        %parallel_loop3A_756 = arith.index_cast %squeeze3A_279 : i32 to index
        %parallel_loop3A_757 = arith.index_cast %parallel_loop3A_707 : i32 to index
        %parallel_loop3A_758 = tpu.vector_load %arg10[%parallel_loop3A_756, %parallel_loop3A_757] {strides = array<i32>} : memref<4x1024xf32, #tpu.memory_space<vmem>>, vector<1x16xf32>,
        %parallel_loop3A_759 = vector.shape_cast %parallel_loop3A_758 : vector<1x16xf32> to vector<16xf32>
        %parallel_loop3A_760 = arith.constant 2 : i32
        %parallel_loop3A_761 = arith.constant 4 : i32
        %parallel_loop3A_762 = arith.index_cast %parallel_loop3A_760 : i32 to index
        %parallel_loop3A_763 = arith.index_cast %parallel_loop3A_761 : i32 to index
        %parallel_loop3A_764 = arith.index_cast %parallel_loop3A_707 : i32 to index
        %parallel_loop3A_765 = tpu.vector_load %arg9[%parallel_loop3A_762, %parallel_loop3A_763, %parallel_loop3A_764] {strides = array<i32>} : memref<8x8x1024xf32, #tpu.memory_space<vmem>>, vector<1x1x16xf32>,
        %parallel_loop3A_766 = vector.shape_cast %parallel_loop3A_765 : vector<1x1x16xf32> to vector<16xf32>
        %parallel_loop3A_767 = vector.shape_cast %parallel_loop3A_759 : vector<16xf32> to vector<1x1x16xf32>
        tpu.vector_store %arg9[%parallel_loop3A_762, %parallel_loop3A_763, %parallel_loop3A_764], %parallel_loop3A_767 {add = true, strides = array<i32>} : memref<8x8x1024xf32, #tpu.memory_space<vmem>>, vector<1x1x16xf32>,
        %parallel_loop3A_768 = arith.index_cast %squeeze3A_281 : i32 to index
        %parallel_loop3A_769 = arith.index_cast %parallel_loop3A_707 : i32 to index
        %parallel_loop3A_770 = tpu.vector_load %arg10[%parallel_loop3A_768, %parallel_loop3A_769] {strides = array<i32>} : memref<4x1024xf32, #tpu.memory_space<vmem>>, vector<1x16xf32>,
        %parallel_loop3A_771 = vector.shape_cast %parallel_loop3A_770 : vector<1x16xf32> to vector<16xf32>
        %parallel_loop3A_772 = arith.constant 2 : i32
        %parallel_loop3A_773 = arith.constant 5 : i32
        %parallel_loop3A_774 = arith.index_cast %parallel_loop3A_772 : i32 to index
        %parallel_loop3A_775 = arith.index_cast %parallel_loop3A_773 : i32 to index
        %parallel_loop3A_776 = arith.index_cast %parallel_loop3A_707 : i32 to index
        %parallel_loop3A_777 = tpu.vector_load %arg9[%parallel_loop3A_774, %parallel_loop3A_775, %parallel_loop3A_776] {strides = array<i32>} : memref<8x8x1024xf32, #tpu.memory_space<vmem>>, vector<1x1x16xf32>,
        %parallel_loop3A_778 = vector.shape_cast %parallel_loop3A_777 : vector<1x1x16xf32> to vector<16xf32>
        %parallel_loop3A_779 = vector.shape_cast %parallel_loop3A_771 : vector<16xf32> to vector<1x1x16xf32>
        tpu.vector_store %arg9[%parallel_loop3A_774, %parallel_loop3A_775, %parallel_loop3A_776], %parallel_loop3A_779 {add = true, strides = array<i32>} : memref<8x8x1024xf32, #tpu.memory_space<vmem>>, vector<1x1x16xf32>,
        %parallel_loop3A_780 = arith.index_cast %squeeze3A_283 : i32 to index
        %parallel_loop3A_781 = arith.index_cast %parallel_loop3A_707 : i32 to index
        %parallel_loop3A_782 = tpu.vector_load %arg10[%parallel_loop3A_780, %parallel_loop3A_781] {strides = array<i32>} : memref<4x1024xf32, #tpu.memory_space<vmem>>, vector<1x16xf32>,
        %parallel_loop3A_783 = vector.shape_cast %parallel_loop3A_782 : vector<1x16xf32> to vector<16xf32>
        %parallel_loop3A_784 = arith.constant 2 : i32
        %parallel_loop3A_785 = arith.constant 6 : i32
        %parallel_loop3A_786 = arith.index_cast %parallel_loop3A_784 : i32 to index
        %parallel_loop3A_787 = arith.index_cast %parallel_loop3A_785 : i32 to index
        %parallel_loop3A_788 = arith.index_cast %parallel_loop3A_707 : i32 to index
        %parallel_loop3A_789 = tpu.vector_load %arg9[%parallel_loop3A_786, %parallel_loop3A_787, %parallel_loop3A_788] {strides = array<i32>} : memref<8x8x1024xf32, #tpu.memory_space<vmem>>, vector<1x1x16xf32>,
        %parallel_loop3A_790 = vector.shape_cast %parallel_loop3A_789 : vector<1x1x16xf32> to vector<16xf32>
        %parallel_loop3A_791 = vector.shape_cast %parallel_loop3A_783 : vector<16xf32> to vector<1x1x16xf32>
        tpu.vector_store %arg9[%parallel_loop3A_786, %parallel_loop3A_787, %parallel_loop3A_788], %parallel_loop3A_791 {add = true, strides = array<i32>} : memref<8x8x1024xf32, #tpu.memory_space<vmem>>, vector<1x1x16xf32>,
        %parallel_loop3A_792 = arith.index_cast %squeeze3A_285 : i32 to index
        %parallel_loop3A_793 = arith.index_cast %parallel_loop3A_707 : i32 to index
        %parallel_loop3A_794 = tpu.vector_load %arg10[%parallel_loop3A_792, %parallel_loop3A_793] {strides = array<i32>} : memref<4x1024xf32, #tpu.memory_space<vmem>>, vector<1x16xf32>,
        %parallel_loop3A_795 = vector.shape_cast %parallel_loop3A_794 : vector<1x16xf32> to vector<16xf32>
        %parallel_loop3A_796 = arith.constant 2 : i32
        %parallel_loop3A_797 = arith.constant 7 : i32
        %parallel_loop3A_798 = arith.index_cast %parallel_loop3A_796 : i32 to index
        %parallel_loop3A_799 = arith.index_cast %parallel_loop3A_797 : i32 to index
        %parallel_loop3A_800 = arith.index_cast %parallel_loop3A_707 : i32 to index
        %parallel_loop3A_801 = tpu.vector_load %arg9[%parallel_loop3A_798, %parallel_loop3A_799, %parallel_loop3A_800] {strides = array<i32>} : memref<8x8x1024xf32, #tpu.memory_space<vmem>>, vector<1x1x16xf32>,
        %parallel_loop3A_802 = vector.shape_cast %parallel_loop3A_801 : vector<1x1x16xf32> to vector<16xf32>
        %parallel_loop3A_803 = vector.shape_cast %parallel_loop3A_795 : vector<16xf32> to vector<1x1x16xf32>
        tpu.vector_store %arg9[%parallel_loop3A_798, %parallel_loop3A_799, %parallel_loop3A_800], %parallel_loop3A_803 {add = true, strides = array<i32>} : memref<8x8x1024xf32, #tpu.memory_space<vmem>>, vector<1x1x16xf32>,
      } {sc.loop_unroll_factor = 2 : i64, sc.parallel_access}
      %mul3A_316 = arith.constant 8 : i32
      %mul3A_317 = arith.muli %add3A_264, %mul3A_316 : i32
      %add3A_318 = arith.addi %mul3A_2, %mul3A_317 : i32
      %dma_start3A_319 = arith.constant 2 : i32
      %dma_start3A_320 = arith.constant 2 : i32
      %dma_start3A_321 = arith.constant 0 : i32
      %dma_start3A_322 = arith.constant 0 : i32
      %dma_start3A_323 = tpu.memref_slice %arg9[%dma_start3A_319, %dma_start3A_321, %dma_start3A_322] : memref<8x8x1024xf32, #tpu.memory_space<vmem>> -> memref<1x8x1024xf32, #tpu.memory_space<vmem>>
      %dma_start3A_324 = tpu.memref_squeeze %dma_start3A_323 : memref<1x8x1024xf32, #tpu.memory_space<vmem>> -> memref<8x1024xf32, #tpu.memory_space<vmem>>
      %dma_start3A_325 = arith.constant 0 : i32
      %dma_start3A_326 = tpu.memref_slice %arg6[%add3A_318, %dma_start3A_325] : memref<16384x1024xf32, #tpu.memory_space<hbm>> -> memref<8x1024xf32, #tpu.memory_space<hbm>>
      %dma_start3A_327 = tpu.memref_slice %arg12[%dma_start3A_320] : memref<8x!tpu.dma_semaphore, #tpu.memory_space<semaphore_mem>> -> memref<1x!tpu.dma_semaphore, #tpu.memory_space<semaphore_mem>>
      %dma_start3A_328 = tpu.memref_squeeze %dma_start3A_327 : memref<1x!tpu.dma_semaphore, #tpu.memory_space<semaphore_mem>> -> memref<!tpu.dma_semaphore, #tpu.memory_space<semaphore_mem>>
      %dma_start3A_329 = arith.constant 0 : i32
      %dma_start3A_330 = tpu.memref_slice %arg6[%add3A_318, %dma_start3A_329] : memref<16384x1024xf32, #tpu.memory_space<hbm>> -> memref<8x1024xf32, #tpu.memory_space<hbm>>
      %dma_start3A_331 = arith.constant 0 : i32
      %dma_start3A_332 = arith.constant 0 : i32
      %dma_start3A_333 = tpu.memref_slice %arg9[%dma_start3A_319, %dma_start3A_331, %dma_start3A_332] : memref<8x8x1024xf32, #tpu.memory_space<vmem>> -> memref<1x8x1024xf32, #tpu.memory_space<vmem>>
      %dma_start3A_334 = tpu.memref_squeeze %dma_start3A_333 : memref<1x8x1024xf32, #tpu.memory_space<vmem>> -> memref<8x1024xf32, #tpu.memory_space<vmem>>
      tpu.enqueue_dma source(%dma_start3A_334 : memref<8x1024xf32, #tpu.memory_space<vmem>>) target(%dma_start3A_330 : memref<8x1024xf32, #tpu.memory_space<hbm>>) target_semaphore(%dma_start3A_328 : memref<!tpu.dma_semaphore, #tpu.memory_space<semaphore_mem>>)
      %mul3A_335 = arith.constant 8 : i32
      %mul3A_336 = arith.muli %scan3A_120, %mul3A_335 : i32
      %add3A_337 = arith.constant 3 : i32
      %add3A_338 = arith.addi %mul3A_336, %add3A_337 : i32
      %mul3A_339 = arith.constant 8 : i32
      %mul3A_340 = arith.muli %add3A_338, %mul3A_339 : i32
      %get3A_341 = arith.index_cast %mul3A_340 : i32 to index
      %get3A_342 = tpu.vector_load %arg8[%get3A_341] {strides = array<i32>} : memref<520xi32, #tpu.memory_space<vmem>>, vector<16xi32>,
      %get3A_343 = vector.shape_cast %get3A_342 : vector<16xi32> to vector<16xi32>
      %slice3A_344 = vector.extract_strided_slice %get3A_343 {offsets = [0], sizes = [1], strides = [1]} : vector<16xi32> to vector<1xi32>
      %squeeze3A_345 = vector.extract %slice3A_344[0] : i32 from vector<1xi32>
      %slice3A_346 = vector.extract_strided_slice %get3A_343 {offsets = [1], sizes = [1], strides = [1]} : vector<16xi32> to vector<1xi32>
      %squeeze3A_347 = vector.extract %slice3A_346[0] : i32 from vector<1xi32>
      %slice3A_348 = vector.extract_strided_slice %get3A_343 {offsets = [2], sizes = [1], strides = [1]} : vector<16xi32> to vector<1xi32>
      %squeeze3A_349 = vector.extract %slice3A_348[0] : i32 from vector<1xi32>
      %slice3A_350 = vector.extract_strided_slice %get3A_343 {offsets = [3], sizes = [1], strides = [1]} : vector<16xi32> to vector<1xi32>
      %squeeze3A_351 = vector.extract %slice3A_350[0] : i32 from vector<1xi32>
      %slice3A_352 = vector.extract_strided_slice %get3A_343 {offsets = [4], sizes = [1], strides = [1]} : vector<16xi32> to vector<1xi32>
      %squeeze3A_353 = vector.extract %slice3A_352[0] : i32 from vector<1xi32>
      %slice3A_354 = vector.extract_strided_slice %get3A_343 {offsets = [5], sizes = [1], strides = [1]} : vector<16xi32> to vector<1xi32>
      %squeeze3A_355 = vector.extract %slice3A_354[0] : i32 from vector<1xi32>
      %slice3A_356 = vector.extract_strided_slice %get3A_343 {offsets = [6], sizes = [1], strides = [1]} : vector<16xi32> to vector<1xi32>
      %squeeze3A_357 = vector.extract %slice3A_356[0] : i32 from vector<1xi32>
      %slice3A_358 = vector.extract_strided_slice %get3A_343 {offsets = [7], sizes = [1], strides = [1]} : vector<16xi32> to vector<1xi32>
      %squeeze3A_359 = vector.extract %slice3A_358[0] : i32 from vector<1xi32>
      %dma_wait3A_360 = arith.constant 3 : i32
      %dma_wait3A_361 = arith.constant 3 : i32
      %dma_wait3A_362 = arith.constant 0 : i32
      %dma_wait3A_363 = arith.constant 0 : i32
      %dma_wait3A_364 = tpu.memref_slice %arg9[%dma_wait3A_360, %dma_wait3A_362, %dma_wait3A_363] : memref<8x8x1024xf32, #tpu.memory_space<vmem>> -> memref<1x8x1024xf32, #tpu.memory_space<vmem>>
      %dma_wait3A_365 = tpu.memref_squeeze %dma_wait3A_364 : memref<1x8x1024xf32, #tpu.memory_space<vmem>> -> memref<8x1024xf32, #tpu.memory_space<vmem>>
      %dma_wait3A_366 = arith.constant 0 : i32
      %dma_wait3A_367 = tpu.memref_slice %arg7[%dma_wait3A_366] : memref<512xi32, #tpu.memory_space<vmem>> -> memref<8xi32, #tpu.memory_space<vmem>>
      %dma_wait3A_368 = arith.constant 0 : i32
      %dma_wait3A_369 = arith.constant 0 : i32
      %dma_wait3A_370 = tpu.memref_slice %arg4[%dma_wait3A_368, %dma_wait3A_369] : memref<100001x1024xf32, #tpu.memory_space<hbm>> -> memref<100001x1024xf32, #tpu.memory_space<hbm>>
      %dma_wait3A_371 = tpu.memref_slice %arg11[%dma_wait3A_361] : memref<8x!tpu.dma_semaphore, #tpu.memory_space<semaphore_mem>> -> memref<1x!tpu.dma_semaphore, #tpu.memory_space<semaphore_mem>>
      %dma_wait3A_372 = tpu.memref_squeeze %dma_wait3A_371 : memref<1x!tpu.dma_semaphore, #tpu.memory_space<semaphore_mem>> -> memref<!tpu.dma_semaphore, #tpu.memory_space<semaphore_mem>>
      tpu.wait_indirect_dma semaphore(%dma_wait3A_372 : memref<!tpu.dma_semaphore, #tpu.memory_space<semaphore_mem>>) src(%dma_wait3A_370 : memref<100001x1024xf32, #tpu.memory_space<hbm>>) dst(%dma_wait3A_365 : memref<8x1024xf32, #tpu.memory_space<vmem>>)
      %add3A_373 = arith.constant 6 : i32
      %add3A_374 = arith.addi %add3A_338, %add3A_373 : i32
      %ge3A_375 = arith.constant 8 : i32
      %ge3A_376 = arith.cmpi sge, %add3A_374, %ge3A_375 : i32
      %convert_element_type3A_377 = arith.extui %ge3A_376 : i1 to i32
      %cond3A_378 = arith.constant 0 : i32
      %cond3A_379 = arith.cmpi ne, %convert_element_type3A_377, %cond3A_378 : i32
      scf.if %cond3A_379 {
        %dma_wait3A_705 = arith.constant 1 : i32
        %dma_wait3A_706 = arith.constant 1 : i32
        %dma_wait3A_707 = arith.constant 0 : i32
        %dma_wait3A_708 = arith.constant 0 : i32
        %dma_wait3A_709 = tpu.memref_slice %arg9[%dma_wait3A_705, %dma_wait3A_707, %dma_wait3A_708] : memref<8x8x1024xf32, #tpu.memory_space<vmem>> -> memref<1x8x1024xf32, #tpu.memory_space<vmem>>
        %dma_wait3A_710 = tpu.memref_squeeze %dma_wait3A_709 : memref<1x8x1024xf32, #tpu.memory_space<vmem>> -> memref<8x1024xf32, #tpu.memory_space<vmem>>
        %dma_wait3A_711 = arith.constant 0 : i32
        %dma_wait3A_712 = arith.constant 0 : i32
        %dma_wait3A_713 = tpu.memref_slice %arg6[%dma_wait3A_711, %dma_wait3A_712] : memref<16384x1024xf32, #tpu.memory_space<hbm>> -> memref<8x1024xf32, #tpu.memory_space<hbm>>
        %dma_wait3A_714 = tpu.memref_slice %arg12[%dma_wait3A_706] : memref<8x!tpu.dma_semaphore, #tpu.memory_space<semaphore_mem>> -> memref<1x!tpu.dma_semaphore, #tpu.memory_space<semaphore_mem>>
        %dma_wait3A_715 = tpu.memref_squeeze %dma_wait3A_714 : memref<1x!tpu.dma_semaphore, #tpu.memory_space<semaphore_mem>> -> memref<!tpu.dma_semaphore, #tpu.memory_space<semaphore_mem>>
        %dma_wait3A_716 = arith.constant 0 : i32
        %dma_wait3A_717 = arith.constant 0 : i32
        %dma_wait3A_718 = tpu.memref_slice %arg6[%dma_wait3A_716, %dma_wait3A_717] : memref<16384x1024xf32, #tpu.memory_space<hbm>> -> memref<8x1024xf32, #tpu.memory_space<hbm>>
        %dma_wait3A_719 = arith.constant 0 : i32
        %dma_wait3A_720 = arith.constant 0 : i32
        %dma_wait3A_721 = tpu.memref_slice %arg9[%dma_wait3A_705, %dma_wait3A_719, %dma_wait3A_720] : memref<8x8x1024xf32, #tpu.memory_space<vmem>> -> memref<1x8x1024xf32, #tpu.memory_space<vmem>>
        %dma_wait3A_722 = tpu.memref_squeeze %dma_wait3A_721 : memref<1x8x1024xf32, #tpu.memory_space<vmem>> -> memref<8x1024xf32, #tpu.memory_space<vmem>>
        tpu.wait_dma2 semaphore(%dma_wait3A_715 : memref<!tpu.dma_semaphore, #tpu.memory_space<semaphore_mem>>) src(%dma_wait3A_722 : memref<8x1024xf32, #tpu.memory_space<vmem>>) dst(%dma_wait3A_718 : memref<8x1024xf32, #tpu.memory_space<hbm>>)
      } else {
      }
      %add3A_380 = arith.constant 6 : i32
      %add3A_381 = arith.addi %add3A_338, %add3A_380 : i32
      %lt3A_382 = arith.constant 64 : i32
      %lt3A_383 = arith.cmpi slt, %add3A_381, %lt3A_382 : i32
      %convert_element_type3A_384 = arith.extui %lt3A_383 : i1 to i32
      %cond3A_385 = arith.constant 0 : i32
      %cond3A_386 = arith.cmpi ne, %convert_element_type3A_384, %cond3A_385 : i32
      scf.if %cond3A_386 {
        %add3A_705 = arith.constant 6 : i32
        %add3A_706 = arith.addi %add3A_338, %add3A_705 : i32
        %mul3A_707 = arith.constant 8 : i32
        %mul3A_708 = arith.muli %add3A_706, %mul3A_707 : i32
        %dma_start3A_709 = arith.constant 1 : i32
        %dma_start3A_710 = arith.constant 1 : i32
        %dma_start3A_711 = arith.constant 0 : i32
        %dma_start3A_712 = arith.constant 0 : i32
        %dma_start3A_713 = tpu.memref_slice %arg9[%dma_start3A_709, %dma_start3A_711, %dma_start3A_712] : memref<8x8x1024xf32, #tpu.memory_space<vmem>> -> memref<1x8x1024xf32, #tpu.memory_space<vmem>>
        %dma_start3A_714 = tpu.memref_squeeze %dma_start3A_713 : memref<1x8x1024xf32, #tpu.memory_space<vmem>> -> memref<8x1024xf32, #tpu.memory_space<vmem>>
        %dma_start3A_715 = tpu.memref_slice %arg7[%mul3A_708] : memref<512xi32, #tpu.memory_space<vmem>> -> memref<8xi32, #tpu.memory_space<vmem>>
        %dma_start3A_716 = arith.constant 0 : i32
        %dma_start3A_717 = arith.constant 0 : i32
        %dma_start3A_718 = tpu.memref_slice %arg4[%dma_start3A_716, %dma_start3A_717] : memref<100001x1024xf32, #tpu.memory_space<hbm>> -> memref<100001x1024xf32, #tpu.memory_space<hbm>>
        %dma_start3A_719 = tpu.memref_slice %arg11[%dma_start3A_710] : memref<8x!tpu.dma_semaphore, #tpu.memory_space<semaphore_mem>> -> memref<1x!tpu.dma_semaphore, #tpu.memory_space<semaphore_mem>>
        %dma_start3A_720 = tpu.memref_squeeze %dma_start3A_719 : memref<1x!tpu.dma_semaphore, #tpu.memory_space<semaphore_mem>> -> memref<!tpu.dma_semaphore, #tpu.memory_space<semaphore_mem>>
        tpu.enqueue_indirect_dma source(%dma_start3A_718 : memref<100001x1024xf32, #tpu.memory_space<hbm>>) target(%dma_start3A_714 : memref<8x1024xf32, #tpu.memory_space<vmem>>) offsets(%dma_start3A_715 : memref<8xi32, #tpu.memory_space<vmem>>) semaphore(%dma_start3A_720 : memref<!tpu.dma_semaphore, #tpu.memory_space<semaphore_mem>>)
      } else {
      }
      %parallel_loop3A_387 = arith.constant 0 : i32
      %parallel_loop3A_388 = arith.constant 64 : i32
      %parallel_loop3A_389 = arith.constant 1 : i32
      scf.for %parallel_loop3A_705 = %parallel_loop3A_387 to %parallel_loop3A_388 step %parallel_loop3A_389  : i32 {
        %parallel_loop3A_706 = arith.constant 16 : i32
        %parallel_loop3A_707 = arith.muli %parallel_loop3A_705, %parallel_loop3A_706 : i32
        %parallel_loop3A_708 = arith.index_cast %squeeze3A_345 : i32 to index
        %parallel_loop3A_709 = arith.index_cast %parallel_loop3A_707 : i32 to index
        %parallel_loop3A_710 = tpu.vector_load %arg10[%parallel_loop3A_708, %parallel_loop3A_709] {strides = array<i32>} : memref<4x1024xf32, #tpu.memory_space<vmem>>, vector<1x16xf32>,
        %parallel_loop3A_711 = vector.shape_cast %parallel_loop3A_710 : vector<1x16xf32> to vector<16xf32>
        %parallel_loop3A_712 = arith.constant 3 : i32
        %parallel_loop3A_713 = arith.constant 0 : i32
        %parallel_loop3A_714 = arith.index_cast %parallel_loop3A_712 : i32 to index
        %parallel_loop3A_715 = arith.index_cast %parallel_loop3A_713 : i32 to index
        %parallel_loop3A_716 = arith.index_cast %parallel_loop3A_707 : i32 to index
        %parallel_loop3A_717 = tpu.vector_load %arg9[%parallel_loop3A_714, %parallel_loop3A_715, %parallel_loop3A_716] {strides = array<i32>} : memref<8x8x1024xf32, #tpu.memory_space<vmem>>, vector<1x1x16xf32>,
        %parallel_loop3A_718 = vector.shape_cast %parallel_loop3A_717 : vector<1x1x16xf32> to vector<16xf32>
        %parallel_loop3A_719 = vector.shape_cast %parallel_loop3A_711 : vector<16xf32> to vector<1x1x16xf32>
        tpu.vector_store %arg9[%parallel_loop3A_714, %parallel_loop3A_715, %parallel_loop3A_716], %parallel_loop3A_719 {add = true, strides = array<i32>} : memref<8x8x1024xf32, #tpu.memory_space<vmem>>, vector<1x1x16xf32>,
        %parallel_loop3A_720 = arith.index_cast %squeeze3A_347 : i32 to index
        %parallel_loop3A_721 = arith.index_cast %parallel_loop3A_707 : i32 to index
        %parallel_loop3A_722 = tpu.vector_load %arg10[%parallel_loop3A_720, %parallel_loop3A_721] {strides = array<i32>} : memref<4x1024xf32, #tpu.memory_space<vmem>>, vector<1x16xf32>,
        %parallel_loop3A_723 = vector.shape_cast %parallel_loop3A_722 : vector<1x16xf32> to vector<16xf32>
        %parallel_loop3A_724 = arith.constant 3 : i32
        %parallel_loop3A_725 = arith.constant 1 : i32
        %parallel_loop3A_726 = arith.index_cast %parallel_loop3A_724 : i32 to index
        %parallel_loop3A_727 = arith.index_cast %parallel_loop3A_725 : i32 to index
        %parallel_loop3A_728 = arith.index_cast %parallel_loop3A_707 : i32 to index
        %parallel_loop3A_729 = tpu.vector_load %arg9[%parallel_loop3A_726, %parallel_loop3A_727, %parallel_loop3A_728] {strides = array<i32>} : memref<8x8x1024xf32, #tpu.memory_space<vmem>>, vector<1x1x16xf32>,
        %parallel_loop3A_730 = vector.shape_cast %parallel_loop3A_729 : vector<1x1x16xf32> to vector<16xf32>
        %parallel_loop3A_731 = vector.shape_cast %parallel_loop3A_723 : vector<16xf32> to vector<1x1x16xf32>
        tpu.vector_store %arg9[%parallel_loop3A_726, %parallel_loop3A_727, %parallel_loop3A_728], %parallel_loop3A_731 {add = true, strides = array<i32>} : memref<8x8x1024xf32, #tpu.memory_space<vmem>>, vector<1x1x16xf32>,
        %parallel_loop3A_732 = arith.index_cast %squeeze3A_349 : i32 to index
        %parallel_loop3A_733 = arith.index_cast %parallel_loop3A_707 : i32 to index
        %parallel_loop3A_734 = tpu.vector_load %arg10[%parallel_loop3A_732, %parallel_loop3A_733] {strides = array<i32>} : memref<4x1024xf32, #tpu.memory_space<vmem>>, vector<1x16xf32>,
        %parallel_loop3A_735 = vector.shape_cast %parallel_loop3A_734 : vector<1x16xf32> to vector<16xf32>
        %parallel_loop3A_736 = arith.constant 3 : i32
        %parallel_loop3A_737 = arith.constant 2 : i32
        %parallel_loop3A_738 = arith.index_cast %parallel_loop3A_736 : i32 to index
        %parallel_loop3A_739 = arith.index_cast %parallel_loop3A_737 : i32 to index
        %parallel_loop3A_740 = arith.index_cast %parallel_loop3A_707 : i32 to index
        %parallel_loop3A_741 = tpu.vector_load %arg9[%parallel_loop3A_738, %parallel_loop3A_739, %parallel_loop3A_740] {strides = array<i32>} : memref<8x8x1024xf32, #tpu.memory_space<vmem>>, vector<1x1x16xf32>,
        %parallel_loop3A_742 = vector.shape_cast %parallel_loop3A_741 : vector<1x1x16xf32> to vector<16xf32>
        %parallel_loop3A_743 = vector.shape_cast %parallel_loop3A_735 : vector<16xf32> to vector<1x1x16xf32>
        tpu.vector_store %arg9[%parallel_loop3A_738, %parallel_loop3A_739, %parallel_loop3A_740], %parallel_loop3A_743 {add = true, strides = array<i32>} : memref<8x8x1024xf32, #tpu.memory_space<vmem>>, vector<1x1x16xf32>,
        %parallel_loop3A_744 = arith.index_cast %squeeze3A_351 : i32 to index
        %parallel_loop3A_745 = arith.index_cast %parallel_loop3A_707 : i32 to index
        %parallel_loop3A_746 = tpu.vector_load %arg10[%parallel_loop3A_744, %parallel_loop3A_745] {strides = array<i32>} : memref<4x1024xf32, #tpu.memory_space<vmem>>, vector<1x16xf32>,
        %parallel_loop3A_747 = vector.shape_cast %parallel_loop3A_746 : vector<1x16xf32> to vector<16xf32>
        %parallel_loop3A_748 = arith.constant 3 : i32
        %parallel_loop3A_749 = arith.constant 3 : i32
        %parallel_loop3A_750 = arith.index_cast %parallel_loop3A_748 : i32 to index
        %parallel_loop3A_751 = arith.index_cast %parallel_loop3A_749 : i32 to index
        %parallel_loop3A_752 = arith.index_cast %parallel_loop3A_707 : i32 to index
        %parallel_loop3A_753 = tpu.vector_load %arg9[%parallel_loop3A_750, %parallel_loop3A_751, %parallel_loop3A_752] {strides = array<i32>} : memref<8x8x1024xf32, #tpu.memory_space<vmem>>, vector<1x1x16xf32>,
        %parallel_loop3A_754 = vector.shape_cast %parallel_loop3A_753 : vector<1x1x16xf32> to vector<16xf32>
        %parallel_loop3A_755 = vector.shape_cast %parallel_loop3A_747 : vector<16xf32> to vector<1x1x16xf32>
        tpu.vector_store %arg9[%parallel_loop3A_750, %parallel_loop3A_751, %parallel_loop3A_752], %parallel_loop3A_755 {add = true, strides = array<i32>} : memref<8x8x1024xf32, #tpu.memory_space<vmem>>, vector<1x1x16xf32>,
        %parallel_loop3A_756 = arith.index_cast %squeeze3A_353 : i32 to index
        %parallel_loop3A_757 = arith.index_cast %parallel_loop3A_707 : i32 to index
        %parallel_loop3A_758 = tpu.vector_load %arg10[%parallel_loop3A_756, %parallel_loop3A_757] {strides = array<i32>} : memref<4x1024xf32, #tpu.memory_space<vmem>>, vector<1x16xf32>,
        %parallel_loop3A_759 = vector.shape_cast %parallel_loop3A_758 : vector<1x16xf32> to vector<16xf32>
        %parallel_loop3A_760 = arith.constant 3 : i32
        %parallel_loop3A_761 = arith.constant 4 : i32
        %parallel_loop3A_762 = arith.index_cast %parallel_loop3A_760 : i32 to index
        %parallel_loop3A_763 = arith.index_cast %parallel_loop3A_761 : i32 to index
        %parallel_loop3A_764 = arith.index_cast %parallel_loop3A_707 : i32 to index
        %parallel_loop3A_765 = tpu.vector_load %arg9[%parallel_loop3A_762, %parallel_loop3A_763, %parallel_loop3A_764] {strides = array<i32>} : memref<8x8x1024xf32, #tpu.memory_space<vmem>>, vector<1x1x16xf32>,
        %parallel_loop3A_766 = vector.shape_cast %parallel_loop3A_765 : vector<1x1x16xf32> to vector<16xf32>
        %parallel_loop3A_767 = vector.shape_cast %parallel_loop3A_759 : vector<16xf32> to vector<1x1x16xf32>
        tpu.vector_store %arg9[%parallel_loop3A_762, %parallel_loop3A_763, %parallel_loop3A_764], %parallel_loop3A_767 {add = true, strides = array<i32>} : memref<8x8x1024xf32, #tpu.memory_space<vmem>>, vector<1x1x16xf32>,
        %parallel_loop3A_768 = arith.index_cast %squeeze3A_355 : i32 to index
        %parallel_loop3A_769 = arith.index_cast %parallel_loop3A_707 : i32 to index
        %parallel_loop3A_770 = tpu.vector_load %arg10[%parallel_loop3A_768, %parallel_loop3A_769] {strides = array<i32>} : memref<4x1024xf32, #tpu.memory_space<vmem>>, vector<1x16xf32>,
        %parallel_loop3A_771 = vector.shape_cast %parallel_loop3A_770 : vector<1x16xf32> to vector<16xf32>
        %parallel_loop3A_772 = arith.constant 3 : i32
        %parallel_loop3A_773 = arith.constant 5 : i32
        %parallel_loop3A_774 = arith.index_cast %parallel_loop3A_772 : i32 to index
        %parallel_loop3A_775 = arith.index_cast %parallel_loop3A_773 : i32 to index
        %parallel_loop3A_776 = arith.index_cast %parallel_loop3A_707 : i32 to index
        %parallel_loop3A_777 = tpu.vector_load %arg9[%parallel_loop3A_774, %parallel_loop3A_775, %parallel_loop3A_776] {strides = array<i32>} : memref<8x8x1024xf32, #tpu.memory_space<vmem>>, vector<1x1x16xf32>,
        %parallel_loop3A_778 = vector.shape_cast %parallel_loop3A_777 : vector<1x1x16xf32> to vector<16xf32>
        %parallel_loop3A_779 = vector.shape_cast %parallel_loop3A_771 : vector<16xf32> to vector<1x1x16xf32>
        tpu.vector_store %arg9[%parallel_loop3A_774, %parallel_loop3A_775, %parallel_loop3A_776], %parallel_loop3A_779 {add = true, strides = array<i32>} : memref<8x8x1024xf32, #tpu.memory_space<vmem>>, vector<1x1x16xf32>,
        %parallel_loop3A_780 = arith.index_cast %squeeze3A_357 : i32 to index
        %parallel_loop3A_781 = arith.index_cast %parallel_loop3A_707 : i32 to index
        %parallel_loop3A_782 = tpu.vector_load %arg10[%parallel_loop3A_780, %parallel_loop3A_781] {strides = array<i32>} : memref<4x1024xf32, #tpu.memory_space<vmem>>, vector<1x16xf32>,
        %parallel_loop3A_783 = vector.shape_cast %parallel_loop3A_782 : vector<1x16xf32> to vector<16xf32>
        %parallel_loop3A_784 = arith.constant 3 : i32
        %parallel_loop3A_785 = arith.constant 6 : i32
        %parallel_loop3A_786 = arith.index_cast %parallel_loop3A_784 : i32 to index
        %parallel_loop3A_787 = arith.index_cast %parallel_loop3A_785 : i32 to index
        %parallel_loop3A_788 = arith.index_cast %parallel_loop3A_707 : i32 to index
        %parallel_loop3A_789 = tpu.vector_load %arg9[%parallel_loop3A_786, %parallel_loop3A_787, %parallel_loop3A_788] {strides = array<i32>} : memref<8x8x1024xf32, #tpu.memory_space<vmem>>, vector<1x1x16xf32>,
        %parallel_loop3A_790 = vector.shape_cast %parallel_loop3A_789 : vector<1x1x16xf32> to vector<16xf32>
        %parallel_loop3A_791 = vector.shape_cast %parallel_loop3A_783 : vector<16xf32> to vector<1x1x16xf32>
        tpu.vector_store %arg9[%parallel_loop3A_786, %parallel_loop3A_787, %parallel_loop3A_788], %parallel_loop3A_791 {add = true, strides = array<i32>} : memref<8x8x1024xf32, #tpu.memory_space<vmem>>, vector<1x1x16xf32>,
        %parallel_loop3A_792 = arith.index_cast %squeeze3A_359 : i32 to index
        %parallel_loop3A_793 = arith.index_cast %parallel_loop3A_707 : i32 to index
        %parallel_loop3A_794 = tpu.vector_load %arg10[%parallel_loop3A_792, %parallel_loop3A_793] {strides = array<i32>} : memref<4x1024xf32, #tpu.memory_space<vmem>>, vector<1x16xf32>,
        %parallel_loop3A_795 = vector.shape_cast %parallel_loop3A_794 : vector<1x16xf32> to vector<16xf32>
        %parallel_loop3A_796 = arith.constant 3 : i32
        %parallel_loop3A_797 = arith.constant 7 : i32
        %parallel_loop3A_798 = arith.index_cast %parallel_loop3A_796 : i32 to index
        %parallel_loop3A_799 = arith.index_cast %parallel_loop3A_797 : i32 to index
        %parallel_loop3A_800 = arith.index_cast %parallel_loop3A_707 : i32 to index
        %parallel_loop3A_801 = tpu.vector_load %arg9[%parallel_loop3A_798, %parallel_loop3A_799, %parallel_loop3A_800] {strides = array<i32>} : memref<8x8x1024xf32, #tpu.memory_space<vmem>>, vector<1x1x16xf32>,
        %parallel_loop3A_802 = vector.shape_cast %parallel_loop3A_801 : vector<1x1x16xf32> to vector<16xf32>
        %parallel_loop3A_803 = vector.shape_cast %parallel_loop3A_795 : vector<16xf32> to vector<1x1x16xf32>
        tpu.vector_store %arg9[%parallel_loop3A_798, %parallel_loop3A_799, %parallel_loop3A_800], %parallel_loop3A_803 {add = true, strides = array<i32>} : memref<8x8x1024xf32, #tpu.memory_space<vmem>>, vector<1x1x16xf32>,
      } {sc.loop_unroll_factor = 2 : i64, sc.parallel_access}
      %mul3A_390 = arith.constant 8 : i32
      %mul3A_391 = arith.muli %add3A_338, %mul3A_390 : i32
      %add3A_392 = arith.addi %mul3A_2, %mul3A_391 : i32
      %dma_start3A_393 = arith.constant 3 : i32
      %dma_start3A_394 = arith.constant 3 : i32
      %dma_start3A_395 = arith.constant 0 : i32
      %dma_start3A_396 = arith.constant 0 : i32
      %dma_start3A_397 = tpu.memref_slice %arg9[%dma_start3A_393, %dma_start3A_395, %dma_start3A_396] : memref<8x8x1024xf32, #tpu.memory_space<vmem>> -> memref<1x8x1024xf32, #tpu.memory_space<vmem>>
      %dma_start3A_398 = tpu.memref_squeeze %dma_start3A_397 : memref<1x8x1024xf32, #tpu.memory_space<vmem>> -> memref<8x1024xf32, #tpu.memory_space<vmem>>
      %dma_start3A_399 = arith.constant 0 : i32
      %dma_start3A_400 = tpu.memref_slice %arg6[%add3A_392, %dma_start3A_399] : memref<16384x1024xf32, #tpu.memory_space<hbm>> -> memref<8x1024xf32, #tpu.memory_space<hbm>>
      %dma_start3A_401 = tpu.memref_slice %arg12[%dma_start3A_394] : memref<8x!tpu.dma_semaphore, #tpu.memory_space<semaphore_mem>> -> memref<1x!tpu.dma_semaphore, #tpu.memory_space<semaphore_mem>>
      %dma_start3A_402 = tpu.memref_squeeze %dma_start3A_401 : memref<1x!tpu.dma_semaphore, #tpu.memory_space<semaphore_mem>> -> memref<!tpu.dma_semaphore, #tpu.memory_space<semaphore_mem>>
      %dma_start3A_403 = arith.constant 0 : i32
      %dma_start3A_404 = tpu.memref_slice %arg6[%add3A_392, %dma_start3A_403] : memref<16384x1024xf32, #tpu.memory_space<hbm>> -> memref<8x1024xf32, #tpu.memory_space<hbm>>
      %dma_start3A_405 = arith.constant 0 : i32
      %dma_start3A_406 = arith.constant 0 : i32
      %dma_start3A_407 = tpu.memref_slice %arg9[%dma_start3A_393, %dma_start3A_405, %dma_start3A_406] : memref<8x8x1024xf32, #tpu.memory_space<vmem>> -> memref<1x8x1024xf32, #tpu.memory_space<vmem>>
      %dma_start3A_408 = tpu.memref_squeeze %dma_start3A_407 : memref<1x8x1024xf32, #tpu.memory_space<vmem>> -> memref<8x1024xf32, #tpu.memory_space<vmem>>
      tpu.enqueue_dma source(%dma_start3A_408 : memref<8x1024xf32, #tpu.memory_space<vmem>>) target(%dma_start3A_404 : memref<8x1024xf32, #tpu.memory_space<hbm>>) target_semaphore(%dma_start3A_402 : memref<!tpu.dma_semaphore, #tpu.memory_space<semaphore_mem>>)
      %mul3A_409 = arith.constant 8 : i32
      %mul3A_410 = arith.muli %scan3A_120, %mul3A_409 : i32
      %add3A_411 = arith.constant 4 : i32
      %add3A_412 = arith.addi %mul3A_410, %add3A_411 : i32
      %mul3A_413 = arith.constant 8 : i32
      %mul3A_414 = arith.muli %add3A_412, %mul3A_413 : i32
      %get3A_415 = arith.index_cast %mul3A_414 : i32 to index
      %get3A_416 = tpu.vector_load %arg8[%get3A_415] {strides = array<i32>} : memref<520xi32, #tpu.memory_space<vmem>>, vector<16xi32>,
      %get3A_417 = vector.shape_cast %get3A_416 : vector<16xi32> to vector<16xi32>
      %slice3A_418 = vector.extract_strided_slice %get3A_417 {offsets = [0], sizes = [1], strides = [1]} : vector<16xi32> to vector<1xi32>
      %squeeze3A_419 = vector.extract %slice3A_418[0] : i32 from vector<1xi32>
      %slice3A_420 = vector.extract_strided_slice %get3A_417 {offsets = [1], sizes = [1], strides = [1]} : vector<16xi32> to vector<1xi32>
      %squeeze3A_421 = vector.extract %slice3A_420[0] : i32 from vector<1xi32>
      %slice3A_422 = vector.extract_strided_slice %get3A_417 {offsets = [2], sizes = [1], strides = [1]} : vector<16xi32> to vector<1xi32>
      %squeeze3A_423 = vector.extract %slice3A_422[0] : i32 from vector<1xi32>
      %slice3A_424 = vector.extract_strided_slice %get3A_417 {offsets = [3], sizes = [1], strides = [1]} : vector<16xi32> to vector<1xi32>
      %squeeze3A_425 = vector.extract %slice3A_424[0] : i32 from vector<1xi32>
      %slice3A_426 = vector.extract_strided_slice %get3A_417 {offsets = [4], sizes = [1], strides = [1]} : vector<16xi32> to vector<1xi32>
      %squeeze3A_427 = vector.extract %slice3A_426[0] : i32 from vector<1xi32>
      %slice3A_428 = vector.extract_strided_slice %get3A_417 {offsets = [5], sizes = [1], strides = [1]} : vector<16xi32> to vector<1xi32>
      %squeeze3A_429 = vector.extract %slice3A_428[0] : i32 from vector<1xi32>
      %slice3A_430 = vector.extract_strided_slice %get3A_417 {offsets = [6], sizes = [1], strides = [1]} : vector<16xi32> to vector<1xi32>
      %squeeze3A_431 = vector.extract %slice3A_430[0] : i32 from vector<1xi32>
      %slice3A_432 = vector.extract_strided_slice %get3A_417 {offsets = [7], sizes = [1], strides = [1]} : vector<16xi32> to vector<1xi32>
      %squeeze3A_433 = vector.extract %slice3A_432[0] : i32 from vector<1xi32>
      %dma_wait3A_434 = arith.constant 4 : i32
      %dma_wait3A_435 = arith.constant 4 : i32
      %dma_wait3A_436 = arith.constant 0 : i32
      %dma_wait3A_437 = arith.constant 0 : i32
      %dma_wait3A_438 = tpu.memref_slice %arg9[%dma_wait3A_434, %dma_wait3A_436, %dma_wait3A_437] : memref<8x8x1024xf32, #tpu.memory_space<vmem>> -> memref<1x8x1024xf32, #tpu.memory_space<vmem>>
      %dma_wait3A_439 = tpu.memref_squeeze %dma_wait3A_438 : memref<1x8x1024xf32, #tpu.memory_space<vmem>> -> memref<8x1024xf32, #tpu.memory_space<vmem>>
      %dma_wait3A_440 = arith.constant 0 : i32
      %dma_wait3A_441 = tpu.memref_slice %arg7[%dma_wait3A_440] : memref<512xi32, #tpu.memory_space<vmem>> -> memref<8xi32, #tpu.memory_space<vmem>>
      %dma_wait3A_442 = arith.constant 0 : i32
      %dma_wait3A_443 = arith.constant 0 : i32
      %dma_wait3A_444 = tpu.memref_slice %arg4[%dma_wait3A_442, %dma_wait3A_443] : memref<100001x1024xf32, #tpu.memory_space<hbm>> -> memref<100001x1024xf32, #tpu.memory_space<hbm>>
      %dma_wait3A_445 = tpu.memref_slice %arg11[%dma_wait3A_435] : memref<8x!tpu.dma_semaphore, #tpu.memory_space<semaphore_mem>> -> memref<1x!tpu.dma_semaphore, #tpu.memory_space<semaphore_mem>>
      %dma_wait3A_446 = tpu.memref_squeeze %dma_wait3A_445 : memref<1x!tpu.dma_semaphore, #tpu.memory_space<semaphore_mem>> -> memref<!tpu.dma_semaphore, #tpu.memory_space<semaphore_mem>>
      tpu.wait_indirect_dma semaphore(%dma_wait3A_446 : memref<!tpu.dma_semaphore, #tpu.memory_space<semaphore_mem>>) src(%dma_wait3A_444 : memref<100001x1024xf32, #tpu.memory_space<hbm>>) dst(%dma_wait3A_439 : memref<8x1024xf32, #tpu.memory_space<vmem>>)
      %add3A_447 = arith.constant 6 : i32
      %add3A_448 = arith.addi %add3A_412, %add3A_447 : i32
      %ge3A_449 = arith.constant 8 : i32
      %ge3A_450 = arith.cmpi sge, %add3A_448, %ge3A_449 : i32
      %convert_element_type3A_451 = arith.extui %ge3A_450 : i1 to i32
      %cond3A_452 = arith.constant 0 : i32
      %cond3A_453 = arith.cmpi ne, %convert_element_type3A_451, %cond3A_452 : i32
      scf.if %cond3A_453 {
        %dma_wait3A_705 = arith.constant 2 : i32
        %dma_wait3A_706 = arith.constant 2 : i32
        %dma_wait3A_707 = arith.constant 0 : i32
        %dma_wait3A_708 = arith.constant 0 : i32
        %dma_wait3A_709 = tpu.memref_slice %arg9[%dma_wait3A_705, %dma_wait3A_707, %dma_wait3A_708] : memref<8x8x1024xf32, #tpu.memory_space<vmem>> -> memref<1x8x1024xf32, #tpu.memory_space<vmem>>
        %dma_wait3A_710 = tpu.memref_squeeze %dma_wait3A_709 : memref<1x8x1024xf32, #tpu.memory_space<vmem>> -> memref<8x1024xf32, #tpu.memory_space<vmem>>
        %dma_wait3A_711 = arith.constant 0 : i32
        %dma_wait3A_712 = arith.constant 0 : i32
        %dma_wait3A_713 = tpu.memref_slice %arg6[%dma_wait3A_711, %dma_wait3A_712] : memref<16384x1024xf32, #tpu.memory_space<hbm>> -> memref<8x1024xf32, #tpu.memory_space<hbm>>
        %dma_wait3A_714 = tpu.memref_slice %arg12[%dma_wait3A_706] : memref<8x!tpu.dma_semaphore, #tpu.memory_space<semaphore_mem>> -> memref<1x!tpu.dma_semaphore, #tpu.memory_space<semaphore_mem>>
        %dma_wait3A_715 = tpu.memref_squeeze %dma_wait3A_714 : memref<1x!tpu.dma_semaphore, #tpu.memory_space<semaphore_mem>> -> memref<!tpu.dma_semaphore, #tpu.memory_space<semaphore_mem>>
        %dma_wait3A_716 = arith.constant 0 : i32
        %dma_wait3A_717 = arith.constant 0 : i32
        %dma_wait3A_718 = tpu.memref_slice %arg6[%dma_wait3A_716, %dma_wait3A_717] : memref<16384x1024xf32, #tpu.memory_space<hbm>> -> memref<8x1024xf32, #tpu.memory_space<hbm>>
        %dma_wait3A_719 = arith.constant 0 : i32
        %dma_wait3A_720 = arith.constant 0 : i32
        %dma_wait3A_721 = tpu.memref_slice %arg9[%dma_wait3A_705, %dma_wait3A_719, %dma_wait3A_720] : memref<8x8x1024xf32, #tpu.memory_space<vmem>> -> memref<1x8x1024xf32, #tpu.memory_space<vmem>>
        %dma_wait3A_722 = tpu.memref_squeeze %dma_wait3A_721 : memref<1x8x1024xf32, #tpu.memory_space<vmem>> -> memref<8x1024xf32, #tpu.memory_space<vmem>>
        tpu.wait_dma2 semaphore(%dma_wait3A_715 : memref<!tpu.dma_semaphore, #tpu.memory_space<semaphore_mem>>) src(%dma_wait3A_722 : memref<8x1024xf32, #tpu.memory_space<vmem>>) dst(%dma_wait3A_718 : memref<8x1024xf32, #tpu.memory_space<hbm>>)
      } else {
      }
      %add3A_454 = arith.constant 6 : i32
      %add3A_455 = arith.addi %add3A_412, %add3A_454 : i32
      %lt3A_456 = arith.constant 64 : i32
      %lt3A_457 = arith.cmpi slt, %add3A_455, %lt3A_456 : i32
      %convert_element_type3A_458 = arith.extui %lt3A_457 : i1 to i32
      %cond3A_459 = arith.constant 0 : i32
      %cond3A_460 = arith.cmpi ne, %convert_element_type3A_458, %cond3A_459 : i32
      scf.if %cond3A_460 {
        %add3A_705 = arith.constant 6 : i32
        %add3A_706 = arith.addi %add3A_412, %add3A_705 : i32
        %mul3A_707 = arith.constant 8 : i32
        %mul3A_708 = arith.muli %add3A_706, %mul3A_707 : i32
        %dma_start3A_709 = arith.constant 2 : i32
        %dma_start3A_710 = arith.constant 2 : i32
        %dma_start3A_711 = arith.constant 0 : i32
        %dma_start3A_712 = arith.constant 0 : i32
        %dma_start3A_713 = tpu.memref_slice %arg9[%dma_start3A_709, %dma_start3A_711, %dma_start3A_712] : memref<8x8x1024xf32, #tpu.memory_space<vmem>> -> memref<1x8x1024xf32, #tpu.memory_space<vmem>>
        %dma_start3A_714 = tpu.memref_squeeze %dma_start3A_713 : memref<1x8x1024xf32, #tpu.memory_space<vmem>> -> memref<8x1024xf32, #tpu.memory_space<vmem>>
        %dma_start3A_715 = tpu.memref_slice %arg7[%mul3A_708] : memref<512xi32, #tpu.memory_space<vmem>> -> memref<8xi32, #tpu.memory_space<vmem>>
        %dma_start3A_716 = arith.constant 0 : i32
        %dma_start3A_717 = arith.constant 0 : i32
        %dma_start3A_718 = tpu.memref_slice %arg4[%dma_start3A_716, %dma_start3A_717] : memref<100001x1024xf32, #tpu.memory_space<hbm>> -> memref<100001x1024xf32, #tpu.memory_space<hbm>>
        %dma_start3A_719 = tpu.memref_slice %arg11[%dma_start3A_710] : memref<8x!tpu.dma_semaphore, #tpu.memory_space<semaphore_mem>> -> memref<1x!tpu.dma_semaphore, #tpu.memory_space<semaphore_mem>>
        %dma_start3A_720 = tpu.memref_squeeze %dma_start3A_719 : memref<1x!tpu.dma_semaphore, #tpu.memory_space<semaphore_mem>> -> memref<!tpu.dma_semaphore, #tpu.memory_space<semaphore_mem>>
        tpu.enqueue_indirect_dma source(%dma_start3A_718 : memref<100001x1024xf32, #tpu.memory_space<hbm>>) target(%dma_start3A_714 : memref<8x1024xf32, #tpu.memory_space<vmem>>) offsets(%dma_start3A_715 : memref<8xi32, #tpu.memory_space<vmem>>) semaphore(%dma_start3A_720 : memref<!tpu.dma_semaphore, #tpu.memory_space<semaphore_mem>>)
      } else {
      }
      %parallel_loop3A_461 = arith.constant 0 : i32
      %parallel_loop3A_462 = arith.constant 64 : i32
      %parallel_loop3A_463 = arith.constant 1 : i32
      scf.for %parallel_loop3A_705 = %parallel_loop3A_461 to %parallel_loop3A_462 step %parallel_loop3A_463  : i32 {
        %parallel_loop3A_706 = arith.constant 16 : i32
        %parallel_loop3A_707 = arith.muli %parallel_loop3A_705, %parallel_loop3A_706 : i32
        %parallel_loop3A_708 = arith.index_cast %squeeze3A_419 : i32 to index
        %parallel_loop3A_709 = arith.index_cast %parallel_loop3A_707 : i32 to index
        %parallel_loop3A_710 = tpu.vector_load %arg10[%parallel_loop3A_708, %parallel_loop3A_709] {strides = array<i32>} : memref<4x1024xf32, #tpu.memory_space<vmem>>, vector<1x16xf32>,
        %parallel_loop3A_711 = vector.shape_cast %parallel_loop3A_710 : vector<1x16xf32> to vector<16xf32>
        %parallel_loop3A_712 = arith.constant 4 : i32
        %parallel_loop3A_713 = arith.constant 0 : i32
        %parallel_loop3A_714 = arith.index_cast %parallel_loop3A_712 : i32 to index
        %parallel_loop3A_715 = arith.index_cast %parallel_loop3A_713 : i32 to index
        %parallel_loop3A_716 = arith.index_cast %parallel_loop3A_707 : i32 to index
        %parallel_loop3A_717 = tpu.vector_load %arg9[%parallel_loop3A_714, %parallel_loop3A_715, %parallel_loop3A_716] {strides = array<i32>} : memref<8x8x1024xf32, #tpu.memory_space<vmem>>, vector<1x1x16xf32>,
        %parallel_loop3A_718 = vector.shape_cast %parallel_loop3A_717 : vector<1x1x16xf32> to vector<16xf32>
        %parallel_loop3A_719 = vector.shape_cast %parallel_loop3A_711 : vector<16xf32> to vector<1x1x16xf32>
        tpu.vector_store %arg9[%parallel_loop3A_714, %parallel_loop3A_715, %parallel_loop3A_716], %parallel_loop3A_719 {add = true, strides = array<i32>} : memref<8x8x1024xf32, #tpu.memory_space<vmem>>, vector<1x1x16xf32>,
        %parallel_loop3A_720 = arith.index_cast %squeeze3A_421 : i32 to index
        %parallel_loop3A_721 = arith.index_cast %parallel_loop3A_707 : i32 to index
        %parallel_loop3A_722 = tpu.vector_load %arg10[%parallel_loop3A_720, %parallel_loop3A_721] {strides = array<i32>} : memref<4x1024xf32, #tpu.memory_space<vmem>>, vector<1x16xf32>,
        %parallel_loop3A_723 = vector.shape_cast %parallel_loop3A_722 : vector<1x16xf32> to vector<16xf32>
        %parallel_loop3A_724 = arith.constant 4 : i32
        %parallel_loop3A_725 = arith.constant 1 : i32
        %parallel_loop3A_726 = arith.index_cast %parallel_loop3A_724 : i32 to index
        %parallel_loop3A_727 = arith.index_cast %parallel_loop3A_725 : i32 to index
        %parallel_loop3A_728 = arith.index_cast %parallel_loop3A_707 : i32 to index
        %parallel_loop3A_729 = tpu.vector_load %arg9[%parallel_loop3A_726, %parallel_loop3A_727, %parallel_loop3A_728] {strides = array<i32>} : memref<8x8x1024xf32, #tpu.memory_space<vmem>>, vector<1x1x16xf32>,
        %parallel_loop3A_730 = vector.shape_cast %parallel_loop3A_729 : vector<1x1x16xf32> to vector<16xf32>
        %parallel_loop3A_731 = vector.shape_cast %parallel_loop3A_723 : vector<16xf32> to vector<1x1x16xf32>
        tpu.vector_store %arg9[%parallel_loop3A_726, %parallel_loop3A_727, %parallel_loop3A_728], %parallel_loop3A_731 {add = true, strides = array<i32>} : memref<8x8x1024xf32, #tpu.memory_space<vmem>>, vector<1x1x16xf32>,
        %parallel_loop3A_732 = arith.index_cast %squeeze3A_423 : i32 to index
        %parallel_loop3A_733 = arith.index_cast %parallel_loop3A_707 : i32 to index
        %parallel_loop3A_734 = tpu.vector_load %arg10[%parallel_loop3A_732, %parallel_loop3A_733] {strides = array<i32>} : memref<4x1024xf32, #tpu.memory_space<vmem>>, vector<1x16xf32>,
        %parallel_loop3A_735 = vector.shape_cast %parallel_loop3A_734 : vector<1x16xf32> to vector<16xf32>
        %parallel_loop3A_736 = arith.constant 4 : i32
        %parallel_loop3A_737 = arith.constant 2 : i32
        %parallel_loop3A_738 = arith.index_cast %parallel_loop3A_736 : i32 to index
        %parallel_loop3A_739 = arith.index_cast %parallel_loop3A_737 : i32 to index
        %parallel_loop3A_740 = arith.index_cast %parallel_loop3A_707 : i32 to index
        %parallel_loop3A_741 = tpu.vector_load %arg9[%parallel_loop3A_738, %parallel_loop3A_739, %parallel_loop3A_740] {strides = array<i32>} : memref<8x8x1024xf32, #tpu.memory_space<vmem>>, vector<1x1x16xf32>,
        %parallel_loop3A_742 = vector.shape_cast %parallel_loop3A_741 : vector<1x1x16xf32> to vector<16xf32>
        %parallel_loop3A_743 = vector.shape_cast %parallel_loop3A_735 : vector<16xf32> to vector<1x1x16xf32>
        tpu.vector_store %arg9[%parallel_loop3A_738, %parallel_loop3A_739, %parallel_loop3A_740], %parallel_loop3A_743 {add = true, strides = array<i32>} : memref<8x8x1024xf32, #tpu.memory_space<vmem>>, vector<1x1x16xf32>,
        %parallel_loop3A_744 = arith.index_cast %squeeze3A_425 : i32 to index
        %parallel_loop3A_745 = arith.index_cast %parallel_loop3A_707 : i32 to index
        %parallel_loop3A_746 = tpu.vector_load %arg10[%parallel_loop3A_744, %parallel_loop3A_745] {strides = array<i32>} : memref<4x1024xf32, #tpu.memory_space<vmem>>, vector<1x16xf32>,
        %parallel_loop3A_747 = vector.shape_cast %parallel_loop3A_746 : vector<1x16xf32> to vector<16xf32>
        %parallel_loop3A_748 = arith.constant 4 : i32
        %parallel_loop3A_749 = arith.constant 3 : i32
        %parallel_loop3A_750 = arith.index_cast %parallel_loop3A_748 : i32 to index
        %parallel_loop3A_751 = arith.index_cast %parallel_loop3A_749 : i32 to index
        %parallel_loop3A_752 = arith.index_cast %parallel_loop3A_707 : i32 to index
        %parallel_loop3A_753 = tpu.vector_load %arg9[%parallel_loop3A_750, %parallel_loop3A_751, %parallel_loop3A_752] {strides = array<i32>} : memref<8x8x1024xf32, #tpu.memory_space<vmem>>, vector<1x1x16xf32>,
        %parallel_loop3A_754 = vector.shape_cast %parallel_loop3A_753 : vector<1x1x16xf32> to vector<16xf32>
        %parallel_loop3A_755 = vector.shape_cast %parallel_loop3A_747 : vector<16xf32> to vector<1x1x16xf32>
        tpu.vector_store %arg9[%parallel_loop3A_750, %parallel_loop3A_751, %parallel_loop3A_752], %parallel_loop3A_755 {add = true, strides = array<i32>} : memref<8x8x1024xf32, #tpu.memory_space<vmem>>, vector<1x1x16xf32>,
        %parallel_loop3A_756 = arith.index_cast %squeeze3A_427 : i32 to index
        %parallel_loop3A_757 = arith.index_cast %parallel_loop3A_707 : i32 to index
        %parallel_loop3A_758 = tpu.vector_load %arg10[%parallel_loop3A_756, %parallel_loop3A_757] {strides = array<i32>} : memref<4x1024xf32, #tpu.memory_space<vmem>>, vector<1x16xf32>,
        %parallel_loop3A_759 = vector.shape_cast %parallel_loop3A_758 : vector<1x16xf32> to vector<16xf32>
        %parallel_loop3A_760 = arith.constant 4 : i32
        %parallel_loop3A_761 = arith.constant 4 : i32
        %parallel_loop3A_762 = arith.index_cast %parallel_loop3A_760 : i32 to index
        %parallel_loop3A_763 = arith.index_cast %parallel_loop3A_761 : i32 to index
        %parallel_loop3A_764 = arith.index_cast %parallel_loop3A_707 : i32 to index
        %parallel_loop3A_765 = tpu.vector_load %arg9[%parallel_loop3A_762, %parallel_loop3A_763, %parallel_loop3A_764] {strides = array<i32>} : memref<8x8x1024xf32, #tpu.memory_space<vmem>>, vector<1x1x16xf32>,
        %parallel_loop3A_766 = vector.shape_cast %parallel_loop3A_765 : vector<1x1x16xf32> to vector<16xf32>
        %parallel_loop3A_767 = vector.shape_cast %parallel_loop3A_759 : vector<16xf32> to vector<1x1x16xf32>
        tpu.vector_store %arg9[%parallel_loop3A_762, %parallel_loop3A_763, %parallel_loop3A_764], %parallel_loop3A_767 {add = true, strides = array<i32>} : memref<8x8x1024xf32, #tpu.memory_space<vmem>>, vector<1x1x16xf32>,
        %parallel_loop3A_768 = arith.index_cast %squeeze3A_429 : i32 to index
        %parallel_loop3A_769 = arith.index_cast %parallel_loop3A_707 : i32 to index
        %parallel_loop3A_770 = tpu.vector_load %arg10[%parallel_loop3A_768, %parallel_loop3A_769] {strides = array<i32>} : memref<4x1024xf32, #tpu.memory_space<vmem>>, vector<1x16xf32>,
        %parallel_loop3A_771 = vector.shape_cast %parallel_loop3A_770 : vector<1x16xf32> to vector<16xf32>
        %parallel_loop3A_772 = arith.constant 4 : i32
        %parallel_loop3A_773 = arith.constant 5 : i32
        %parallel_loop3A_774 = arith.index_cast %parallel_loop3A_772 : i32 to index
        %parallel_loop3A_775 = arith.index_cast %parallel_loop3A_773 : i32 to index
        %parallel_loop3A_776 = arith.index_cast %parallel_loop3A_707 : i32 to index
        %parallel_loop3A_777 = tpu.vector_load %arg9[%parallel_loop3A_774, %parallel_loop3A_775, %parallel_loop3A_776] {strides = array<i32>} : memref<8x8x1024xf32, #tpu.memory_space<vmem>>, vector<1x1x16xf32>,
        %parallel_loop3A_778 = vector.shape_cast %parallel_loop3A_777 : vector<1x1x16xf32> to vector<16xf32>
        %parallel_loop3A_779 = vector.shape_cast %parallel_loop3A_771 : vector<16xf32> to vector<1x1x16xf32>
        tpu.vector_store %arg9[%parallel_loop3A_774, %parallel_loop3A_775, %parallel_loop3A_776], %parallel_loop3A_779 {add = true, strides = array<i32>} : memref<8x8x1024xf32, #tpu.memory_space<vmem>>, vector<1x1x16xf32>,
        %parallel_loop3A_780 = arith.index_cast %squeeze3A_431 : i32 to index
        %parallel_loop3A_781 = arith.index_cast %parallel_loop3A_707 : i32 to index
        %parallel_loop3A_782 = tpu.vector_load %arg10[%parallel_loop3A_780, %parallel_loop3A_781] {strides = array<i32>} : memref<4x1024xf32, #tpu.memory_space<vmem>>, vector<1x16xf32>,
        %parallel_loop3A_783 = vector.shape_cast %parallel_loop3A_782 : vector<1x16xf32> to vector<16xf32>
        %parallel_loop3A_784 = arith.constant 4 : i32
        %parallel_loop3A_785 = arith.constant 6 : i32
        %parallel_loop3A_786 = arith.index_cast %parallel_loop3A_784 : i32 to index
        %parallel_loop3A_787 = arith.index_cast %parallel_loop3A_785 : i32 to index
        %parallel_loop3A_788 = arith.index_cast %parallel_loop3A_707 : i32 to index
        %parallel_loop3A_789 = tpu.vector_load %arg9[%parallel_loop3A_786, %parallel_loop3A_787, %parallel_loop3A_788] {strides = array<i32>} : memref<8x8x1024xf32, #tpu.memory_space<vmem>>, vector<1x1x16xf32>,
        %parallel_loop3A_790 = vector.shape_cast %parallel_loop3A_789 : vector<1x1x16xf32> to vector<16xf32>
        %parallel_loop3A_791 = vector.shape_cast %parallel_loop3A_783 : vector<16xf32> to vector<1x1x16xf32>
        tpu.vector_store %arg9[%parallel_loop3A_786, %parallel_loop3A_787, %parallel_loop3A_788], %parallel_loop3A_791 {add = true, strides = array<i32>} : memref<8x8x1024xf32, #tpu.memory_space<vmem>>, vector<1x1x16xf32>,
        %parallel_loop3A_792 = arith.index_cast %squeeze3A_433 : i32 to index
        %parallel_loop3A_793 = arith.index_cast %parallel_loop3A_707 : i32 to index
        %parallel_loop3A_794 = tpu.vector_load %arg10[%parallel_loop3A_792, %parallel_loop3A_793] {strides = array<i32>} : memref<4x1024xf32, #tpu.memory_space<vmem>>, vector<1x16xf32>,
        %parallel_loop3A_795 = vector.shape_cast %parallel_loop3A_794 : vector<1x16xf32> to vector<16xf32>
        %parallel_loop3A_796 = arith.constant 4 : i32
        %parallel_loop3A_797 = arith.constant 7 : i32
        %parallel_loop3A_798 = arith.index_cast %parallel_loop3A_796 : i32 to index
        %parallel_loop3A_799 = arith.index_cast %parallel_loop3A_797 : i32 to index
        %parallel_loop3A_800 = arith.index_cast %parallel_loop3A_707 : i32 to index
        %parallel_loop3A_801 = tpu.vector_load %arg9[%parallel_loop3A_798, %parallel_loop3A_799, %parallel_loop3A_800] {strides = array<i32>} : memref<8x8x1024xf32, #tpu.memory_space<vmem>>, vector<1x1x16xf32>,
        %parallel_loop3A_802 = vector.shape_cast %parallel_loop3A_801 : vector<1x1x16xf32> to vector<16xf32>
        %parallel_loop3A_803 = vector.shape_cast %parallel_loop3A_795 : vector<16xf32> to vector<1x1x16xf32>
        tpu.vector_store %arg9[%parallel_loop3A_798, %parallel_loop3A_799, %parallel_loop3A_800], %parallel_loop3A_803 {add = true, strides = array<i32>} : memref<8x8x1024xf32, #tpu.memory_space<vmem>>, vector<1x1x16xf32>,
      } {sc.loop_unroll_factor = 2 : i64, sc.parallel_access}
      %mul3A_464 = arith.constant 8 : i32
      %mul3A_465 = arith.muli %add3A_412, %mul3A_464 : i32
      %add3A_466 = arith.addi %mul3A_2, %mul3A_465 : i32
      %dma_start3A_467 = arith.constant 4 : i32
      %dma_start3A_468 = arith.constant 4 : i32
      %dma_start3A_469 = arith.constant 0 : i32
      %dma_start3A_470 = arith.constant 0 : i32
      %dma_start3A_471 = tpu.memref_slice %arg9[%dma_start3A_467, %dma_start3A_469, %dma_start3A_470] : memref<8x8x1024xf32, #tpu.memory_space<vmem>> -> memref<1x8x1024xf32, #tpu.memory_space<vmem>>
      %dma_start3A_472 = tpu.memref_squeeze %dma_start3A_471 : memref<1x8x1024xf32, #tpu.memory_space<vmem>> -> memref<8x1024xf32, #tpu.memory_space<vmem>>
      %dma_start3A_473 = arith.constant 0 : i32
      %dma_start3A_474 = tpu.memref_slice %arg6[%add3A_466, %dma_start3A_473] : memref<16384x1024xf32, #tpu.memory_space<hbm>> -> memref<8x1024xf32, #tpu.memory_space<hbm>>
      %dma_start3A_475 = tpu.memref_slice %arg12[%dma_start3A_468] : memref<8x!tpu.dma_semaphore, #tpu.memory_space<semaphore_mem>> -> memref<1x!tpu.dma_semaphore, #tpu.memory_space<semaphore_mem>>
      %dma_start3A_476 = tpu.memref_squeeze %dma_start3A_475 : memref<1x!tpu.dma_semaphore, #tpu.memory_space<semaphore_mem>> -> memref<!tpu.dma_semaphore, #tpu.memory_space<semaphore_mem>>
      %dma_start3A_477 = arith.constant 0 : i32
      %dma_start3A_478 = tpu.memref_slice %arg6[%add3A_466, %dma_start3A_477] : memref<16384x1024xf32, #tpu.memory_space<hbm>> -> memref<8x1024xf32, #tpu.memory_space<hbm>>
      %dma_start3A_479 = arith.constant 0 : i32
      %dma_start3A_480 = arith.constant 0 : i32
      %dma_start3A_481 = tpu.memref_slice %arg9[%dma_start3A_467, %dma_start3A_479, %dma_start3A_480] : memref<8x8x1024xf32, #tpu.memory_space<vmem>> -> memref<1x8x1024xf32, #tpu.memory_space<vmem>>
      %dma_start3A_482 = tpu.memref_squeeze %dma_start3A_481 : memref<1x8x1024xf32, #tpu.memory_space<vmem>> -> memref<8x1024xf32, #tpu.memory_space<vmem>>
      tpu.enqueue_dma source(%dma_start3A_482 : memref<8x1024xf32, #tpu.memory_space<vmem>>) target(%dma_start3A_478 : memref<8x1024xf32, #tpu.memory_space<hbm>>) target_semaphore(%dma_start3A_476 : memref<!tpu.dma_semaphore, #tpu.memory_space<semaphore_mem>>)
      %mul3A_483 = arith.constant 8 : i32
      %mul3A_484 = arith.muli %scan3A_120, %mul3A_483 : i32
      %add3A_485 = arith.constant 5 : i32
      %add3A_486 = arith.addi %mul3A_484, %add3A_485 : i32
      %mul3A_487 = arith.constant 8 : i32
      %mul3A_488 = arith.muli %add3A_486, %mul3A_487 : i32
      %get3A_489 = arith.index_cast %mul3A_488 : i32 to index
      %get3A_490 = tpu.vector_load %arg8[%get3A_489] {strides = array<i32>} : memref<520xi32, #tpu.memory_space<vmem>>, vector<16xi32>,
      %get3A_491 = vector.shape_cast %get3A_490 : vector<16xi32> to vector<16xi32>
      %slice3A_492 = vector.extract_strided_slice %get3A_491 {offsets = [0], sizes = [1], strides = [1]} : vector<16xi32> to vector<1xi32>
      %squeeze3A_493 = vector.extract %slice3A_492[0] : i32 from vector<1xi32>
      %slice3A_494 = vector.extract_strided_slice %get3A_491 {offsets = [1], sizes = [1], strides = [1]} : vector<16xi32> to vector<1xi32>
      %squeeze3A_495 = vector.extract %slice3A_494[0] : i32 from vector<1xi32>
      %slice3A_496 = vector.extract_strided_slice %get3A_491 {offsets = [2], sizes = [1], strides = [1]} : vector<16xi32> to vector<1xi32>
      %squeeze3A_497 = vector.extract %slice3A_496[0] : i32 from vector<1xi32>
      %slice3A_498 = vector.extract_strided_slice %get3A_491 {offsets = [3], sizes = [1], strides = [1]} : vector<16xi32> to vector<1xi32>
      %squeeze3A_499 = vector.extract %slice3A_498[0] : i32 from vector<1xi32>
      %slice3A_500 = vector.extract_strided_slice %get3A_491 {offsets = [4], sizes = [1], strides = [1]} : vector<16xi32> to vector<1xi32>
      %squeeze3A_501 = vector.extract %slice3A_500[0] : i32 from vector<1xi32>
      %slice3A_502 = vector.extract_strided_slice %get3A_491 {offsets = [5], sizes = [1], strides = [1]} : vector<16xi32> to vector<1xi32>
      %squeeze3A_503 = vector.extract %slice3A_502[0] : i32 from vector<1xi32>
      %slice3A_504 = vector.extract_strided_slice %get3A_491 {offsets = [6], sizes = [1], strides = [1]} : vector<16xi32> to vector<1xi32>
      %squeeze3A_505 = vector.extract %slice3A_504[0] : i32 from vector<1xi32>
      %slice3A_506 = vector.extract_strided_slice %get3A_491 {offsets = [7], sizes = [1], strides = [1]} : vector<16xi32> to vector<1xi32>
      %squeeze3A_507 = vector.extract %slice3A_506[0] : i32 from vector<1xi32>
      %dma_wait3A_508 = arith.constant 5 : i32
      %dma_wait3A_509 = arith.constant 5 : i32
      %dma_wait3A_510 = arith.constant 0 : i32
      %dma_wait3A_511 = arith.constant 0 : i32
      %dma_wait3A_512 = tpu.memref_slice %arg9[%dma_wait3A_508, %dma_wait3A_510, %dma_wait3A_511] : memref<8x8x1024xf32, #tpu.memory_space<vmem>> -> memref<1x8x1024xf32, #tpu.memory_space<vmem>>
      %dma_wait3A_513 = tpu.memref_squeeze %dma_wait3A_512 : memref<1x8x1024xf32, #tpu.memory_space<vmem>> -> memref<8x1024xf32, #tpu.memory_space<vmem>>
      %dma_wait3A_514 = arith.constant 0 : i32
      %dma_wait3A_515 = tpu.memref_slice %arg7[%dma_wait3A_514] : memref<512xi32, #tpu.memory_space<vmem>> -> memref<8xi32, #tpu.memory_space<vmem>>
      %dma_wait3A_516 = arith.constant 0 : i32
      %dma_wait3A_517 = arith.constant 0 : i32
      %dma_wait3A_518 = tpu.memref_slice %arg4[%dma_wait3A_516, %dma_wait3A_517] : memref<100001x1024xf32, #tpu.memory_space<hbm>> -> memref<100001x1024xf32, #tpu.memory_space<hbm>>
      %dma_wait3A_519 = tpu.memref_slice %arg11[%dma_wait3A_509] : memref<8x!tpu.dma_semaphore, #tpu.memory_space<semaphore_mem>> -> memref<1x!tpu.dma_semaphore, #tpu.memory_space<semaphore_mem>>
      %dma_wait3A_520 = tpu.memref_squeeze %dma_wait3A_519 : memref<1x!tpu.dma_semaphore, #tpu.memory_space<semaphore_mem>> -> memref<!tpu.dma_semaphore, #tpu.memory_space<semaphore_mem>>
      tpu.wait_indirect_dma semaphore(%dma_wait3A_520 : memref<!tpu.dma_semaphore, #tpu.memory_space<semaphore_mem>>) src(%dma_wait3A_518 : memref<100001x1024xf32, #tpu.memory_space<hbm>>) dst(%dma_wait3A_513 : memref<8x1024xf32, #tpu.memory_space<vmem>>)
      %add3A_521 = arith.constant 6 : i32
      %add3A_522 = arith.addi %add3A_486, %add3A_521 : i32
      %ge3A_523 = arith.constant 8 : i32
      %ge3A_524 = arith.cmpi sge, %add3A_522, %ge3A_523 : i32
      %convert_element_type3A_525 = arith.extui %ge3A_524 : i1 to i32
      %cond3A_526 = arith.constant 0 : i32
      %cond3A_527 = arith.cmpi ne, %convert_element_type3A_525, %cond3A_526 : i32
      scf.if %cond3A_527 {
        %dma_wait3A_705 = arith.constant 3 : i32
        %dma_wait3A_706 = arith.constant 3 : i32
        %dma_wait3A_707 = arith.constant 0 : i32
        %dma_wait3A_708 = arith.constant 0 : i32
        %dma_wait3A_709 = tpu.memref_slice %arg9[%dma_wait3A_705, %dma_wait3A_707, %dma_wait3A_708] : memref<8x8x1024xf32, #tpu.memory_space<vmem>> -> memref<1x8x1024xf32, #tpu.memory_space<vmem>>
        %dma_wait3A_710 = tpu.memref_squeeze %dma_wait3A_709 : memref<1x8x1024xf32, #tpu.memory_space<vmem>> -> memref<8x1024xf32, #tpu.memory_space<vmem>>
        %dma_wait3A_711 = arith.constant 0 : i32
        %dma_wait3A_712 = arith.constant 0 : i32
        %dma_wait3A_713 = tpu.memref_slice %arg6[%dma_wait3A_711, %dma_wait3A_712] : memref<16384x1024xf32, #tpu.memory_space<hbm>> -> memref<8x1024xf32, #tpu.memory_space<hbm>>
        %dma_wait3A_714 = tpu.memref_slice %arg12[%dma_wait3A_706] : memref<8x!tpu.dma_semaphore, #tpu.memory_space<semaphore_mem>> -> memref<1x!tpu.dma_semaphore, #tpu.memory_space<semaphore_mem>>
        %dma_wait3A_715 = tpu.memref_squeeze %dma_wait3A_714 : memref<1x!tpu.dma_semaphore, #tpu.memory_space<semaphore_mem>> -> memref<!tpu.dma_semaphore, #tpu.memory_space<semaphore_mem>>
        %dma_wait3A_716 = arith.constant 0 : i32
        %dma_wait3A_717 = arith.constant 0 : i32
        %dma_wait3A_718 = tpu.memref_slice %arg6[%dma_wait3A_716, %dma_wait3A_717] : memref<16384x1024xf32, #tpu.memory_space<hbm>> -> memref<8x1024xf32, #tpu.memory_space<hbm>>
        %dma_wait3A_719 = arith.constant 0 : i32
        %dma_wait3A_720 = arith.constant 0 : i32
        %dma_wait3A_721 = tpu.memref_slice %arg9[%dma_wait3A_705, %dma_wait3A_719, %dma_wait3A_720] : memref<8x8x1024xf32, #tpu.memory_space<vmem>> -> memref<1x8x1024xf32, #tpu.memory_space<vmem>>
        %dma_wait3A_722 = tpu.memref_squeeze %dma_wait3A_721 : memref<1x8x1024xf32, #tpu.memory_space<vmem>> -> memref<8x1024xf32, #tpu.memory_space<vmem>>
        tpu.wait_dma2 semaphore(%dma_wait3A_715 : memref<!tpu.dma_semaphore, #tpu.memory_space<semaphore_mem>>) src(%dma_wait3A_722 : memref<8x1024xf32, #tpu.memory_space<vmem>>) dst(%dma_wait3A_718 : memref<8x1024xf32, #tpu.memory_space<hbm>>)
      } else {
      }
      %add3A_528 = arith.constant 6 : i32
      %add3A_529 = arith.addi %add3A_486, %add3A_528 : i32
      %lt3A_530 = arith.constant 64 : i32
      %lt3A_531 = arith.cmpi slt, %add3A_529, %lt3A_530 : i32
      %convert_element_type3A_532 = arith.extui %lt3A_531 : i1 to i32
      %cond3A_533 = arith.constant 0 : i32
      %cond3A_534 = arith.cmpi ne, %convert_element_type3A_532, %cond3A_533 : i32
      scf.if %cond3A_534 {
        %add3A_705 = arith.constant 6 : i32
        %add3A_706 = arith.addi %add3A_486, %add3A_705 : i32
        %mul3A_707 = arith.constant 8 : i32
        %mul3A_708 = arith.muli %add3A_706, %mul3A_707 : i32
        %dma_start3A_709 = arith.constant 3 : i32
        %dma_start3A_710 = arith.constant 3 : i32
        %dma_start3A_711 = arith.constant 0 : i32
        %dma_start3A_712 = arith.constant 0 : i32
        %dma_start3A_713 = tpu.memref_slice %arg9[%dma_start3A_709, %dma_start3A_711, %dma_start3A_712] : memref<8x8x1024xf32, #tpu.memory_space<vmem>> -> memref<1x8x1024xf32, #tpu.memory_space<vmem>>
        %dma_start3A_714 = tpu.memref_squeeze %dma_start3A_713 : memref<1x8x1024xf32, #tpu.memory_space<vmem>> -> memref<8x1024xf32, #tpu.memory_space<vmem>>
        %dma_start3A_715 = tpu.memref_slice %arg7[%mul3A_708] : memref<512xi32, #tpu.memory_space<vmem>> -> memref<8xi32, #tpu.memory_space<vmem>>
        %dma_start3A_716 = arith.constant 0 : i32
        %dma_start3A_717 = arith.constant 0 : i32
        %dma_start3A_718 = tpu.memref_slice %arg4[%dma_start3A_716, %dma_start3A_717] : memref<100001x1024xf32, #tpu.memory_space<hbm>> -> memref<100001x1024xf32, #tpu.memory_space<hbm>>
        %dma_start3A_719 = tpu.memref_slice %arg11[%dma_start3A_710] : memref<8x!tpu.dma_semaphore, #tpu.memory_space<semaphore_mem>> -> memref<1x!tpu.dma_semaphore, #tpu.memory_space<semaphore_mem>>
        %dma_start3A_720 = tpu.memref_squeeze %dma_start3A_719 : memref<1x!tpu.dma_semaphore, #tpu.memory_space<semaphore_mem>> -> memref<!tpu.dma_semaphore, #tpu.memory_space<semaphore_mem>>
        tpu.enqueue_indirect_dma source(%dma_start3A_718 : memref<100001x1024xf32, #tpu.memory_space<hbm>>) target(%dma_start3A_714 : memref<8x1024xf32, #tpu.memory_space<vmem>>) offsets(%dma_start3A_715 : memref<8xi32, #tpu.memory_space<vmem>>) semaphore(%dma_start3A_720 : memref<!tpu.dma_semaphore, #tpu.memory_space<semaphore_mem>>)
      } else {
      }
      %parallel_loop3A_535 = arith.constant 0 : i32
      %parallel_loop3A_536 = arith.constant 64 : i32
      %parallel_loop3A_537 = arith.constant 1 : i32
      scf.for %parallel_loop3A_705 = %parallel_loop3A_535 to %parallel_loop3A_536 step %parallel_loop3A_537  : i32 {
        %parallel_loop3A_706 = arith.constant 16 : i32
        %parallel_loop3A_707 = arith.muli %parallel_loop3A_705, %parallel_loop3A_706 : i32
        %parallel_loop3A_708 = arith.index_cast %squeeze3A_493 : i32 to index
        %parallel_loop3A_709 = arith.index_cast %parallel_loop3A_707 : i32 to index
        %parallel_loop3A_710 = tpu.vector_load %arg10[%parallel_loop3A_708, %parallel_loop3A_709] {strides = array<i32>} : memref<4x1024xf32, #tpu.memory_space<vmem>>, vector<1x16xf32>,
        %parallel_loop3A_711 = vector.shape_cast %parallel_loop3A_710 : vector<1x16xf32> to vector<16xf32>
        %parallel_loop3A_712 = arith.constant 5 : i32
        %parallel_loop3A_713 = arith.constant 0 : i32
        %parallel_loop3A_714 = arith.index_cast %parallel_loop3A_712 : i32 to index
        %parallel_loop3A_715 = arith.index_cast %parallel_loop3A_713 : i32 to index
        %parallel_loop3A_716 = arith.index_cast %parallel_loop3A_707 : i32 to index
        %parallel_loop3A_717 = tpu.vector_load %arg9[%parallel_loop3A_714, %parallel_loop3A_715, %parallel_loop3A_716] {strides = array<i32>} : memref<8x8x1024xf32, #tpu.memory_space<vmem>>, vector<1x1x16xf32>,
        %parallel_loop3A_718 = vector.shape_cast %parallel_loop3A_717 : vector<1x1x16xf32> to vector<16xf32>
        %parallel_loop3A_719 = vector.shape_cast %parallel_loop3A_711 : vector<16xf32> to vector<1x1x16xf32>
        tpu.vector_store %arg9[%parallel_loop3A_714, %parallel_loop3A_715, %parallel_loop3A_716], %parallel_loop3A_719 {add = true, strides = array<i32>} : memref<8x8x1024xf32, #tpu.memory_space<vmem>>, vector<1x1x16xf32>,
        %parallel_loop3A_720 = arith.index_cast %squeeze3A_495 : i32 to index
        %parallel_loop3A_721 = arith.index_cast %parallel_loop3A_707 : i32 to index
        %parallel_loop3A_722 = tpu.vector_load %arg10[%parallel_loop3A_720, %parallel_loop3A_721] {strides = array<i32>} : memref<4x1024xf32, #tpu.memory_space<vmem>>, vector<1x16xf32>,
        %parallel_loop3A_723 = vector.shape_cast %parallel_loop3A_722 : vector<1x16xf32> to vector<16xf32>
        %parallel_loop3A_724 = arith.constant 5 : i32
        %parallel_loop3A_725 = arith.constant 1 : i32
        %parallel_loop3A_726 = arith.index_cast %parallel_loop3A_724 : i32 to index
        %parallel_loop3A_727 = arith.index_cast %parallel_loop3A_725 : i32 to index
        %parallel_loop3A_728 = arith.index_cast %parallel_loop3A_707 : i32 to index
        %parallel_loop3A_729 = tpu.vector_load %arg9[%parallel_loop3A_726, %parallel_loop3A_727, %parallel_loop3A_728] {strides = array<i32>} : memref<8x8x1024xf32, #tpu.memory_space<vmem>>, vector<1x1x16xf32>,
        %parallel_loop3A_730 = vector.shape_cast %parallel_loop3A_729 : vector<1x1x16xf32> to vector<16xf32>
        %parallel_loop3A_731 = vector.shape_cast %parallel_loop3A_723 : vector<16xf32> to vector<1x1x16xf32>
        tpu.vector_store %arg9[%parallel_loop3A_726, %parallel_loop3A_727, %parallel_loop3A_728], %parallel_loop3A_731 {add = true, strides = array<i32>} : memref<8x8x1024xf32, #tpu.memory_space<vmem>>, vector<1x1x16xf32>,
        %parallel_loop3A_732 = arith.index_cast %squeeze3A_497 : i32 to index
        %parallel_loop3A_733 = arith.index_cast %parallel_loop3A_707 : i32 to index
        %parallel_loop3A_734 = tpu.vector_load %arg10[%parallel_loop3A_732, %parallel_loop3A_733] {strides = array<i32>} : memref<4x1024xf32, #tpu.memory_space<vmem>>, vector<1x16xf32>,
        %parallel_loop3A_735 = vector.shape_cast %parallel_loop3A_734 : vector<1x16xf32> to vector<16xf32>
        %parallel_loop3A_736 = arith.constant 5 : i32
        %parallel_loop3A_737 = arith.constant 2 : i32
        %parallel_loop3A_738 = arith.index_cast %parallel_loop3A_736 : i32 to index
        %parallel_loop3A_739 = arith.index_cast %parallel_loop3A_737 : i32 to index
        %parallel_loop3A_740 = arith.index_cast %parallel_loop3A_707 : i32 to index
        %parallel_loop3A_741 = tpu.vector_load %arg9[%parallel_loop3A_738, %parallel_loop3A_739, %parallel_loop3A_740] {strides = array<i32>} : memref<8x8x1024xf32, #tpu.memory_space<vmem>>, vector<1x1x16xf32>,
        %parallel_loop3A_742 = vector.shape_cast %parallel_loop3A_741 : vector<1x1x16xf32> to vector<16xf32>
        %parallel_loop3A_743 = vector.shape_cast %parallel_loop3A_735 : vector<16xf32> to vector<1x1x16xf32>
        tpu.vector_store %arg9[%parallel_loop3A_738, %parallel_loop3A_739, %parallel_loop3A_740], %parallel_loop3A_743 {add = true, strides = array<i32>} : memref<8x8x1024xf32, #tpu.memory_space<vmem>>, vector<1x1x16xf32>,
        %parallel_loop3A_744 = arith.index_cast %squeeze3A_499 : i32 to index
        %parallel_loop3A_745 = arith.index_cast %parallel_loop3A_707 : i32 to index
        %parallel_loop3A_746 = tpu.vector_load %arg10[%parallel_loop3A_744, %parallel_loop3A_745] {strides = array<i32>} : memref<4x1024xf32, #tpu.memory_space<vmem>>, vector<1x16xf32>,
        %parallel_loop3A_747 = vector.shape_cast %parallel_loop3A_746 : vector<1x16xf32> to vector<16xf32>
        %parallel_loop3A_748 = arith.constant 5 : i32
        %parallel_loop3A_749 = arith.constant 3 : i32
        %parallel_loop3A_750 = arith.index_cast %parallel_loop3A_748 : i32 to index
        %parallel_loop3A_751 = arith.index_cast %parallel_loop3A_749 : i32 to index
        %parallel_loop3A_752 = arith.index_cast %parallel_loop3A_707 : i32 to index
        %parallel_loop3A_753 = tpu.vector_load %arg9[%parallel_loop3A_750, %parallel_loop3A_751, %parallel_loop3A_752] {strides = array<i32>} : memref<8x8x1024xf32, #tpu.memory_space<vmem>>, vector<1x1x16xf32>,
        %parallel_loop3A_754 = vector.shape_cast %parallel_loop3A_753 : vector<1x1x16xf32> to vector<16xf32>
        %parallel_loop3A_755 = vector.shape_cast %parallel_loop3A_747 : vector<16xf32> to vector<1x1x16xf32>
        tpu.vector_store %arg9[%parallel_loop3A_750, %parallel_loop3A_751, %parallel_loop3A_752], %parallel_loop3A_755 {add = true, strides = array<i32>} : memref<8x8x1024xf32, #tpu.memory_space<vmem>>, vector<1x1x16xf32>,
        %parallel_loop3A_756 = arith.index_cast %squeeze3A_501 : i32 to index
        %parallel_loop3A_757 = arith.index_cast %parallel_loop3A_707 : i32 to index
        %parallel_loop3A_758 = tpu.vector_load %arg10[%parallel_loop3A_756, %parallel_loop3A_757] {strides = array<i32>} : memref<4x1024xf32, #tpu.memory_space<vmem>>, vector<1x16xf32>,
        %parallel_loop3A_759 = vector.shape_cast %parallel_loop3A_758 : vector<1x16xf32> to vector<16xf32>
        %parallel_loop3A_760 = arith.constant 5 : i32
        %parallel_loop3A_761 = arith.constant 4 : i32
        %parallel_loop3A_762 = arith.index_cast %parallel_loop3A_760 : i32 to index
        %parallel_loop3A_763 = arith.index_cast %parallel_loop3A_761 : i32 to index
        %parallel_loop3A_764 = arith.index_cast %parallel_loop3A_707 : i32 to index
        %parallel_loop3A_765 = tpu.vector_load %arg9[%parallel_loop3A_762, %parallel_loop3A_763, %parallel_loop3A_764] {strides = array<i32>} : memref<8x8x1024xf32, #tpu.memory_space<vmem>>, vector<1x1x16xf32>,
        %parallel_loop3A_766 = vector.shape_cast %parallel_loop3A_765 : vector<1x1x16xf32> to vector<16xf32>
        %parallel_loop3A_767 = vector.shape_cast %parallel_loop3A_759 : vector<16xf32> to vector<1x1x16xf32>
        tpu.vector_store %arg9[%parallel_loop3A_762, %parallel_loop3A_763, %parallel_loop3A_764], %parallel_loop3A_767 {add = true, strides = array<i32>} : memref<8x8x1024xf32, #tpu.memory_space<vmem>>, vector<1x1x16xf32>,
        %parallel_loop3A_768 = arith.index_cast %squeeze3A_503 : i32 to index
        %parallel_loop3A_769 = arith.index_cast %parallel_loop3A_707 : i32 to index
        %parallel_loop3A_770 = tpu.vector_load %arg10[%parallel_loop3A_768, %parallel_loop3A_769] {strides = array<i32>} : memref<4x1024xf32, #tpu.memory_space<vmem>>, vector<1x16xf32>,
        %parallel_loop3A_771 = vector.shape_cast %parallel_loop3A_770 : vector<1x16xf32> to vector<16xf32>
        %parallel_loop3A_772 = arith.constant 5 : i32
        %parallel_loop3A_773 = arith.constant 5 : i32
        %parallel_loop3A_774 = arith.index_cast %parallel_loop3A_772 : i32 to index
        %parallel_loop3A_775 = arith.index_cast %parallel_loop3A_773 : i32 to index
        %parallel_loop3A_776 = arith.index_cast %parallel_loop3A_707 : i32 to index
        %parallel_loop3A_777 = tpu.vector_load %arg9[%parallel_loop3A_774, %parallel_loop3A_775, %parallel_loop3A_776] {strides = array<i32>} : memref<8x8x1024xf32, #tpu.memory_space<vmem>>, vector<1x1x16xf32>,
        %parallel_loop3A_778 = vector.shape_cast %parallel_loop3A_777 : vector<1x1x16xf32> to vector<16xf32>
        %parallel_loop3A_779 = vector.shape_cast %parallel_loop3A_771 : vector<16xf32> to vector<1x1x16xf32>
        tpu.vector_store %arg9[%parallel_loop3A_774, %parallel_loop3A_775, %parallel_loop3A_776], %parallel_loop3A_779 {add = true, strides = array<i32>} : memref<8x8x1024xf32, #tpu.memory_space<vmem>>, vector<1x1x16xf32>,
        %parallel_loop3A_780 = arith.index_cast %squeeze3A_505 : i32 to index
        %parallel_loop3A_781 = arith.index_cast %parallel_loop3A_707 : i32 to index
        %parallel_loop3A_782 = tpu.vector_load %arg10[%parallel_loop3A_780, %parallel_loop3A_781] {strides = array<i32>} : memref<4x1024xf32, #tpu.memory_space<vmem>>, vector<1x16xf32>,
        %parallel_loop3A_783 = vector.shape_cast %parallel_loop3A_782 : vector<1x16xf32> to vector<16xf32>
        %parallel_loop3A_784 = arith.constant 5 : i32
        %parallel_loop3A_785 = arith.constant 6 : i32
        %parallel_loop3A_786 = arith.index_cast %parallel_loop3A_784 : i32 to index
        %parallel_loop3A_787 = arith.index_cast %parallel_loop3A_785 : i32 to index
        %parallel_loop3A_788 = arith.index_cast %parallel_loop3A_707 : i32 to index
        %parallel_loop3A_789 = tpu.vector_load %arg9[%parallel_loop3A_786, %parallel_loop3A_787, %parallel_loop3A_788] {strides = array<i32>} : memref<8x8x1024xf32, #tpu.memory_space<vmem>>, vector<1x1x16xf32>,
        %parallel_loop3A_790 = vector.shape_cast %parallel_loop3A_789 : vector<1x1x16xf32> to vector<16xf32>
        %parallel_loop3A_791 = vector.shape_cast %parallel_loop3A_783 : vector<16xf32> to vector<1x1x16xf32>
        tpu.vector_store %arg9[%parallel_loop3A_786, %parallel_loop3A_787, %parallel_loop3A_788], %parallel_loop3A_791 {add = true, strides = array<i32>} : memref<8x8x1024xf32, #tpu.memory_space<vmem>>, vector<1x1x16xf32>,
        %parallel_loop3A_792 = arith.index_cast %squeeze3A_507 : i32 to index
        %parallel_loop3A_793 = arith.index_cast %parallel_loop3A_707 : i32 to index
        %parallel_loop3A_794 = tpu.vector_load %arg10[%parallel_loop3A_792, %parallel_loop3A_793] {strides = array<i32>} : memref<4x1024xf32, #tpu.memory_space<vmem>>, vector<1x16xf32>,
        %parallel_loop3A_795 = vector.shape_cast %parallel_loop3A_794 : vector<1x16xf32> to vector<16xf32>
        %parallel_loop3A_796 = arith.constant 5 : i32
        %parallel_loop3A_797 = arith.constant 7 : i32
        %parallel_loop3A_798 = arith.index_cast %parallel_loop3A_796 : i32 to index
        %parallel_loop3A_799 = arith.index_cast %parallel_loop3A_797 : i32 to index
        %parallel_loop3A_800 = arith.index_cast %parallel_loop3A_707 : i32 to index
        %parallel_loop3A_801 = tpu.vector_load %arg9[%parallel_loop3A_798, %parallel_loop3A_799, %parallel_loop3A_800] {strides = array<i32>} : memref<8x8x1024xf32, #tpu.memory_space<vmem>>, vector<1x1x16xf32>,
        %parallel_loop3A_802 = vector.shape_cast %parallel_loop3A_801 : vector<1x1x16xf32> to vector<16xf32>
        %parallel_loop3A_803 = vector.shape_cast %parallel_loop3A_795 : vector<16xf32> to vector<1x1x16xf32>
        tpu.vector_store %arg9[%parallel_loop3A_798, %parallel_loop3A_799, %parallel_loop3A_800], %parallel_loop3A_803 {add = true, strides = array<i32>} : memref<8x8x1024xf32, #tpu.memory_space<vmem>>, vector<1x1x16xf32>,
      } {sc.loop_unroll_factor = 2 : i64, sc.parallel_access}
      %mul3A_538 = arith.constant 8 : i32
      %mul3A_539 = arith.muli %add3A_486, %mul3A_538 : i32
      %add3A_540 = arith.addi %mul3A_2, %mul3A_539 : i32
      %dma_start3A_541 = arith.constant 5 : i32
      %dma_start3A_542 = arith.constant 5 : i32
      %dma_start3A_543 = arith.constant 0 : i32
      %dma_start3A_544 = arith.constant 0 : i32
      %dma_start3A_545 = tpu.memref_slice %arg9[%dma_start3A_541, %dma_start3A_543, %dma_start3A_544] : memref<8x8x1024xf32, #tpu.memory_space<vmem>> -> memref<1x8x1024xf32, #tpu.memory_space<vmem>>
      %dma_start3A_546 = tpu.memref_squeeze %dma_start3A_545 : memref<1x8x1024xf32, #tpu.memory_space<vmem>> -> memref<8x1024xf32, #tpu.memory_space<vmem>>
      %dma_start3A_547 = arith.constant 0 : i32
      %dma_start3A_548 = tpu.memref_slice %arg6[%add3A_540, %dma_start3A_547] : memref<16384x1024xf32, #tpu.memory_space<hbm>> -> memref<8x1024xf32, #tpu.memory_space<hbm>>
      %dma_start3A_549 = tpu.memref_slice %arg12[%dma_start3A_542] : memref<8x!tpu.dma_semaphore, #tpu.memory_space<semaphore_mem>> -> memref<1x!tpu.dma_semaphore, #tpu.memory_space<semaphore_mem>>
      %dma_start3A_550 = tpu.memref_squeeze %dma_start3A_549 : memref<1x!tpu.dma_semaphore, #tpu.memory_space<semaphore_mem>> -> memref<!tpu.dma_semaphore, #tpu.memory_space<semaphore_mem>>
      %dma_start3A_551 = arith.constant 0 : i32
      %dma_start3A_552 = tpu.memref_slice %arg6[%add3A_540, %dma_start3A_551] : memref<16384x1024xf32, #tpu.memory_space<hbm>> -> memref<8x1024xf32, #tpu.memory_space<hbm>>
      %dma_start3A_553 = arith.constant 0 : i32
      %dma_start3A_554 = arith.constant 0 : i32
      %dma_start3A_555 = tpu.memref_slice %arg9[%dma_start3A_541, %dma_start3A_553, %dma_start3A_554] : memref<8x8x1024xf32, #tpu.memory_space<vmem>> -> memref<1x8x1024xf32, #tpu.memory_space<vmem>>
      %dma_start3A_556 = tpu.memref_squeeze %dma_start3A_555 : memref<1x8x1024xf32, #tpu.memory_space<vmem>> -> memref<8x1024xf32, #tpu.memory_space<vmem>>
      tpu.enqueue_dma source(%dma_start3A_556 : memref<8x1024xf32, #tpu.memory_space<vmem>>) target(%dma_start3A_552 : memref<8x1024xf32, #tpu.memory_space<hbm>>) target_semaphore(%dma_start3A_550 : memref<!tpu.dma_semaphore, #tpu.memory_space<semaphore_mem>>)
      %mul3A_557 = arith.constant 8 : i32
      %mul3A_558 = arith.muli %scan3A_120, %mul3A_557 : i32
      %add3A_559 = arith.constant 6 : i32
      %add3A_560 = arith.addi %mul3A_558, %add3A_559 : i32
      %mul3A_561 = arith.constant 8 : i32
      %mul3A_562 = arith.muli %add3A_560, %mul3A_561 : i32
      %get3A_563 = arith.index_cast %mul3A_562 : i32 to index
      %get3A_564 = tpu.vector_load %arg8[%get3A_563] {strides = array<i32>} : memref<520xi32, #tpu.memory_space<vmem>>, vector<16xi32>,
      %get3A_565 = vector.shape_cast %get3A_564 : vector<16xi32> to vector<16xi32>
      %slice3A_566 = vector.extract_strided_slice %get3A_565 {offsets = [0], sizes = [1], strides = [1]} : vector<16xi32> to vector<1xi32>
      %squeeze3A_567 = vector.extract %slice3A_566[0] : i32 from vector<1xi32>
      %slice3A_568 = vector.extract_strided_slice %get3A_565 {offsets = [1], sizes = [1], strides = [1]} : vector<16xi32> to vector<1xi32>
      %squeeze3A_569 = vector.extract %slice3A_568[0] : i32 from vector<1xi32>
      %slice3A_570 = vector.extract_strided_slice %get3A_565 {offsets = [2], sizes = [1], strides = [1]} : vector<16xi32> to vector<1xi32>
      %squeeze3A_571 = vector.extract %slice3A_570[0] : i32 from vector<1xi32>
      %slice3A_572 = vector.extract_strided_slice %get3A_565 {offsets = [3], sizes = [1], strides = [1]} : vector<16xi32> to vector<1xi32>
      %squeeze3A_573 = vector.extract %slice3A_572[0] : i32 from vector<1xi32>
      %slice3A_574 = vector.extract_strided_slice %get3A_565 {offsets = [4], sizes = [1], strides = [1]} : vector<16xi32> to vector<1xi32>
      %squeeze3A_575 = vector.extract %slice3A_574[0] : i32 from vector<1xi32>
      %slice3A_576 = vector.extract_strided_slice %get3A_565 {offsets = [5], sizes = [1], strides = [1]} : vector<16xi32> to vector<1xi32>
      %squeeze3A_577 = vector.extract %slice3A_576[0] : i32 from vector<1xi32>
      %slice3A_578 = vector.extract_strided_slice %get3A_565 {offsets = [6], sizes = [1], strides = [1]} : vector<16xi32> to vector<1xi32>
      %squeeze3A_579 = vector.extract %slice3A_578[0] : i32 from vector<1xi32>
      %slice3A_580 = vector.extract_strided_slice %get3A_565 {offsets = [7], sizes = [1], strides = [1]} : vector<16xi32> to vector<1xi32>
      %squeeze3A_581 = vector.extract %slice3A_580[0] : i32 from vector<1xi32>
      %dma_wait3A_582 = arith.constant 6 : i32
      %dma_wait3A_583 = arith.constant 6 : i32
      %dma_wait3A_584 = arith.constant 0 : i32
      %dma_wait3A_585 = arith.constant 0 : i32
      %dma_wait3A_586 = tpu.memref_slice %arg9[%dma_wait3A_582, %dma_wait3A_584, %dma_wait3A_585] : memref<8x8x1024xf32, #tpu.memory_space<vmem>> -> memref<1x8x1024xf32, #tpu.memory_space<vmem>>
      %dma_wait3A_587 = tpu.memref_squeeze %dma_wait3A_586 : memref<1x8x1024xf32, #tpu.memory_space<vmem>> -> memref<8x1024xf32, #tpu.memory_space<vmem>>
      %dma_wait3A_588 = arith.constant 0 : i32
      %dma_wait3A_589 = tpu.memref_slice %arg7[%dma_wait3A_588] : memref<512xi32, #tpu.memory_space<vmem>> -> memref<8xi32, #tpu.memory_space<vmem>>
      %dma_wait3A_590 = arith.constant 0 : i32
      %dma_wait3A_591 = arith.constant 0 : i32
      %dma_wait3A_592 = tpu.memref_slice %arg4[%dma_wait3A_590, %dma_wait3A_591] : memref<100001x1024xf32, #tpu.memory_space<hbm>> -> memref<100001x1024xf32, #tpu.memory_space<hbm>>
      %dma_wait3A_593 = tpu.memref_slice %arg11[%dma_wait3A_583] : memref<8x!tpu.dma_semaphore, #tpu.memory_space<semaphore_mem>> -> memref<1x!tpu.dma_semaphore, #tpu.memory_space<semaphore_mem>>
      %dma_wait3A_594 = tpu.memref_squeeze %dma_wait3A_593 : memref<1x!tpu.dma_semaphore, #tpu.memory_space<semaphore_mem>> -> memref<!tpu.dma_semaphore, #tpu.memory_space<semaphore_mem>>
      tpu.wait_indirect_dma semaphore(%dma_wait3A_594 : memref<!tpu.dma_semaphore, #tpu.memory_space<semaphore_mem>>) src(%dma_wait3A_592 : memref<100001x1024xf32, #tpu.memory_space<hbm>>) dst(%dma_wait3A_587 : memref<8x1024xf32, #tpu.memory_space<vmem>>)
      %add3A_595 = arith.constant 6 : i32
      %add3A_596 = arith.addi %add3A_560, %add3A_595 : i32
      %ge3A_597 = arith.constant 8 : i32
      %ge3A_598 = arith.cmpi sge, %add3A_596, %ge3A_597 : i32
      %convert_element_type3A_599 = arith.extui %ge3A_598 : i1 to i32
      %cond3A_600 = arith.constant 0 : i32
      %cond3A_601 = arith.cmpi ne, %convert_element_type3A_599, %cond3A_600 : i32
      scf.if %cond3A_601 {
        %dma_wait3A_705 = arith.constant 4 : i32
        %dma_wait3A_706 = arith.constant 4 : i32
        %dma_wait3A_707 = arith.constant 0 : i32
        %dma_wait3A_708 = arith.constant 0 : i32
        %dma_wait3A_709 = tpu.memref_slice %arg9[%dma_wait3A_705, %dma_wait3A_707, %dma_wait3A_708] : memref<8x8x1024xf32, #tpu.memory_space<vmem>> -> memref<1x8x1024xf32, #tpu.memory_space<vmem>>
        %dma_wait3A_710 = tpu.memref_squeeze %dma_wait3A_709 : memref<1x8x1024xf32, #tpu.memory_space<vmem>> -> memref<8x1024xf32, #tpu.memory_space<vmem>>
        %dma_wait3A_711 = arith.constant 0 : i32
        %dma_wait3A_712 = arith.constant 0 : i32
        %dma_wait3A_713 = tpu.memref_slice %arg6[%dma_wait3A_711, %dma_wait3A_712] : memref<16384x1024xf32, #tpu.memory_space<hbm>> -> memref<8x1024xf32, #tpu.memory_space<hbm>>
        %dma_wait3A_714 = tpu.memref_slice %arg12[%dma_wait3A_706] : memref<8x!tpu.dma_semaphore, #tpu.memory_space<semaphore_mem>> -> memref<1x!tpu.dma_semaphore, #tpu.memory_space<semaphore_mem>>
        %dma_wait3A_715 = tpu.memref_squeeze %dma_wait3A_714 : memref<1x!tpu.dma_semaphore, #tpu.memory_space<semaphore_mem>> -> memref<!tpu.dma_semaphore, #tpu.memory_space<semaphore_mem>>
        %dma_wait3A_716 = arith.constant 0 : i32
        %dma_wait3A_717 = arith.constant 0 : i32
        %dma_wait3A_718 = tpu.memref_slice %arg6[%dma_wait3A_716, %dma_wait3A_717] : memref<16384x1024xf32, #tpu.memory_space<hbm>> -> memref<8x1024xf32, #tpu.memory_space<hbm>>
        %dma_wait3A_719 = arith.constant 0 : i32
        %dma_wait3A_720 = arith.constant 0 : i32
        %dma_wait3A_721 = tpu.memref_slice %arg9[%dma_wait3A_705, %dma_wait3A_719, %dma_wait3A_720] : memref<8x8x1024xf32, #tpu.memory_space<vmem>> -> memref<1x8x1024xf32, #tpu.memory_space<vmem>>
        %dma_wait3A_722 = tpu.memref_squeeze %dma_wait3A_721 : memref<1x8x1024xf32, #tpu.memory_space<vmem>> -> memref<8x1024xf32, #tpu.memory_space<vmem>>
        tpu.wait_dma2 semaphore(%dma_wait3A_715 : memref<!tpu.dma_semaphore, #tpu.memory_space<semaphore_mem>>) src(%dma_wait3A_722 : memref<8x1024xf32, #tpu.memory_space<vmem>>) dst(%dma_wait3A_718 : memref<8x1024xf32, #tpu.memory_space<hbm>>)
      } else {
      }
      %add3A_602 = arith.constant 6 : i32
      %add3A_603 = arith.addi %add3A_560, %add3A_602 : i32
      %lt3A_604 = arith.constant 64 : i32
      %lt3A_605 = arith.cmpi slt, %add3A_603, %lt3A_604 : i32
      %convert_element_type3A_606 = arith.extui %lt3A_605 : i1 to i32
      %cond3A_607 = arith.constant 0 : i32
      %cond3A_608 = arith.cmpi ne, %convert_element_type3A_606, %cond3A_607 : i32
      scf.if %cond3A_608 {
        %add3A_705 = arith.constant 6 : i32
        %add3A_706 = arith.addi %add3A_560, %add3A_705 : i32
        %mul3A_707 = arith.constant 8 : i32
        %mul3A_708 = arith.muli %add3A_706, %mul3A_707 : i32
        %dma_start3A_709 = arith.constant 4 : i32
        %dma_start3A_710 = arith.constant 4 : i32
        %dma_start3A_711 = arith.constant 0 : i32
        %dma_start3A_712 = arith.constant 0 : i32
        %dma_start3A_713 = tpu.memref_slice %arg9[%dma_start3A_709, %dma_start3A_711, %dma_start3A_712] : memref<8x8x1024xf32, #tpu.memory_space<vmem>> -> memref<1x8x1024xf32, #tpu.memory_space<vmem>>
        %dma_start3A_714 = tpu.memref_squeeze %dma_start3A_713 : memref<1x8x1024xf32, #tpu.memory_space<vmem>> -> memref<8x1024xf32, #tpu.memory_space<vmem>>
        %dma_start3A_715 = tpu.memref_slice %arg7[%mul3A_708] : memref<512xi32, #tpu.memory_space<vmem>> -> memref<8xi32, #tpu.memory_space<vmem>>
        %dma_start3A_716 = arith.constant 0 : i32
        %dma_start3A_717 = arith.constant 0 : i32
        %dma_start3A_718 = tpu.memref_slice %arg4[%dma_start3A_716, %dma_start3A_717] : memref<100001x1024xf32, #tpu.memory_space<hbm>> -> memref<100001x1024xf32, #tpu.memory_space<hbm>>
        %dma_start3A_719 = tpu.memref_slice %arg11[%dma_start3A_710] : memref<8x!tpu.dma_semaphore, #tpu.memory_space<semaphore_mem>> -> memref<1x!tpu.dma_semaphore, #tpu.memory_space<semaphore_mem>>
        %dma_start3A_720 = tpu.memref_squeeze %dma_start3A_719 : memref<1x!tpu.dma_semaphore, #tpu.memory_space<semaphore_mem>> -> memref<!tpu.dma_semaphore, #tpu.memory_space<semaphore_mem>>
        tpu.enqueue_indirect_dma source(%dma_start3A_718 : memref<100001x1024xf32, #tpu.memory_space<hbm>>) target(%dma_start3A_714 : memref<8x1024xf32, #tpu.memory_space<vmem>>) offsets(%dma_start3A_715 : memref<8xi32, #tpu.memory_space<vmem>>) semaphore(%dma_start3A_720 : memref<!tpu.dma_semaphore, #tpu.memory_space<semaphore_mem>>)
      } else {
      }
      %parallel_loop3A_609 = arith.constant 0 : i32
      %parallel_loop3A_610 = arith.constant 64 : i32
      %parallel_loop3A_611 = arith.constant 1 : i32
      scf.for %parallel_loop3A_705 = %parallel_loop3A_609 to %parallel_loop3A_610 step %parallel_loop3A_611  : i32 {
        %parallel_loop3A_706 = arith.constant 16 : i32
        %parallel_loop3A_707 = arith.muli %parallel_loop3A_705, %parallel_loop3A_706 : i32
        %parallel_loop3A_708 = arith.index_cast %squeeze3A_567 : i32 to index
        %parallel_loop3A_709 = arith.index_cast %parallel_loop3A_707 : i32 to index
        %parallel_loop3A_710 = tpu.vector_load %arg10[%parallel_loop3A_708, %parallel_loop3A_709] {strides = array<i32>} : memref<4x1024xf32, #tpu.memory_space<vmem>>, vector<1x16xf32>,
        %parallel_loop3A_711 = vector.shape_cast %parallel_loop3A_710 : vector<1x16xf32> to vector<16xf32>
        %parallel_loop3A_712 = arith.constant 6 : i32
        %parallel_loop3A_713 = arith.constant 0 : i32
        %parallel_loop3A_714 = arith.index_cast %parallel_loop3A_712 : i32 to index
        %parallel_loop3A_715 = arith.index_cast %parallel_loop3A_713 : i32 to index
        %parallel_loop3A_716 = arith.index_cast %parallel_loop3A_707 : i32 to index
        %parallel_loop3A_717 = tpu.vector_load %arg9[%parallel_loop3A_714, %parallel_loop3A_715, %parallel_loop3A_716] {strides = array<i32>} : memref<8x8x1024xf32, #tpu.memory_space<vmem>>, vector<1x1x16xf32>,
        %parallel_loop3A_718 = vector.shape_cast %parallel_loop3A_717 : vector<1x1x16xf32> to vector<16xf32>
        %parallel_loop3A_719 = vector.shape_cast %parallel_loop3A_711 : vector<16xf32> to vector<1x1x16xf32>
        tpu.vector_store %arg9[%parallel_loop3A_714, %parallel_loop3A_715, %parallel_loop3A_716], %parallel_loop3A_719 {add = true, strides = array<i32>} : memref<8x8x1024xf32, #tpu.memory_space<vmem>>, vector<1x1x16xf32>,
        %parallel_loop3A_720 = arith.index_cast %squeeze3A_569 : i32 to index
        %parallel_loop3A_721 = arith.index_cast %parallel_loop3A_707 : i32 to index
        %parallel_loop3A_722 = tpu.vector_load %arg10[%parallel_loop3A_720, %parallel_loop3A_721] {strides = array<i32>} : memref<4x1024xf32, #tpu.memory_space<vmem>>, vector<1x16xf32>,
        %parallel_loop3A_723 = vector.shape_cast %parallel_loop3A_722 : vector<1x16xf32> to vector<16xf32>
        %parallel_loop3A_724 = arith.constant 6 : i32
        %parallel_loop3A_725 = arith.constant 1 : i32
        %parallel_loop3A_726 = arith.index_cast %parallel_loop3A_724 : i32 to index
        %parallel_loop3A_727 = arith.index_cast %parallel_loop3A_725 : i32 to index
        %parallel_loop3A_728 = arith.index_cast %parallel_loop3A_707 : i32 to index
        %parallel_loop3A_729 = tpu.vector_load %arg9[%parallel_loop3A_726, %parallel_loop3A_727, %parallel_loop3A_728] {strides = array<i32>} : memref<8x8x1024xf32, #tpu.memory_space<vmem>>, vector<1x1x16xf32>,
        %parallel_loop3A_730 = vector.shape_cast %parallel_loop3A_729 : vector<1x1x16xf32> to vector<16xf32>
        %parallel_loop3A_731 = vector.shape_cast %parallel_loop3A_723 : vector<16xf32> to vector<1x1x16xf32>
        tpu.vector_store %arg9[%parallel_loop3A_726, %parallel_loop3A_727, %parallel_loop3A_728], %parallel_loop3A_731 {add = true, strides = array<i32>} : memref<8x8x1024xf32, #tpu.memory_space<vmem>>, vector<1x1x16xf32>,
        %parallel_loop3A_732 = arith.index_cast %squeeze3A_571 : i32 to index
        %parallel_loop3A_733 = arith.index_cast %parallel_loop3A_707 : i32 to index
        %parallel_loop3A_734 = tpu.vector_load %arg10[%parallel_loop3A_732, %parallel_loop3A_733] {strides = array<i32>} : memref<4x1024xf32, #tpu.memory_space<vmem>>, vector<1x16xf32>,
        %parallel_loop3A_735 = vector.shape_cast %parallel_loop3A_734 : vector<1x16xf32> to vector<16xf32>
        %parallel_loop3A_736 = arith.constant 6 : i32
        %parallel_loop3A_737 = arith.constant 2 : i32
        %parallel_loop3A_738 = arith.index_cast %parallel_loop3A_736 : i32 to index
        %parallel_loop3A_739 = arith.index_cast %parallel_loop3A_737 : i32 to index
        %parallel_loop3A_740 = arith.index_cast %parallel_loop3A_707 : i32 to index
        %parallel_loop3A_741 = tpu.vector_load %arg9[%parallel_loop3A_738, %parallel_loop3A_739, %parallel_loop3A_740] {strides = array<i32>} : memref<8x8x1024xf32, #tpu.memory_space<vmem>>, vector<1x1x16xf32>,
        %parallel_loop3A_742 = vector.shape_cast %parallel_loop3A_741 : vector<1x1x16xf32> to vector<16xf32>
        %parallel_loop3A_743 = vector.shape_cast %parallel_loop3A_735 : vector<16xf32> to vector<1x1x16xf32>
        tpu.vector_store %arg9[%parallel_loop3A_738, %parallel_loop3A_739, %parallel_loop3A_740], %parallel_loop3A_743 {add = true, strides = array<i32>} : memref<8x8x1024xf32, #tpu.memory_space<vmem>>, vector<1x1x16xf32>,
        %parallel_loop3A_744 = arith.index_cast %squeeze3A_573 : i32 to index
        %parallel_loop3A_745 = arith.index_cast %parallel_loop3A_707 : i32 to index
        %parallel_loop3A_746 = tpu.vector_load %arg10[%parallel_loop3A_744, %parallel_loop3A_745] {strides = array<i32>} : memref<4x1024xf32, #tpu.memory_space<vmem>>, vector<1x16xf32>,
        %parallel_loop3A_747 = vector.shape_cast %parallel_loop3A_746 : vector<1x16xf32> to vector<16xf32>
        %parallel_loop3A_748 = arith.constant 6 : i32
        %parallel_loop3A_749 = arith.constant 3 : i32
        %parallel_loop3A_750 = arith.index_cast %parallel_loop3A_748 : i32 to index
        %parallel_loop3A_751 = arith.index_cast %parallel_loop3A_749 : i32 to index
        %parallel_loop3A_752 = arith.index_cast %parallel_loop3A_707 : i32 to index
        %parallel_loop3A_753 = tpu.vector_load %arg9[%parallel_loop3A_750, %parallel_loop3A_751, %parallel_loop3A_752] {strides = array<i32>} : memref<8x8x1024xf32, #tpu.memory_space<vmem>>, vector<1x1x16xf32>,
        %parallel_loop3A_754 = vector.shape_cast %parallel_loop3A_753 : vector<1x1x16xf32> to vector<16xf32>
        %parallel_loop3A_755 = vector.shape_cast %parallel_loop3A_747 : vector<16xf32> to vector<1x1x16xf32>
        tpu.vector_store %arg9[%parallel_loop3A_750, %parallel_loop3A_751, %parallel_loop3A_752], %parallel_loop3A_755 {add = true, strides = array<i32>} : memref<8x8x1024xf32, #tpu.memory_space<vmem>>, vector<1x1x16xf32>,
        %parallel_loop3A_756 = arith.index_cast %squeeze3A_575 : i32 to index
        %parallel_loop3A_757 = arith.index_cast %parallel_loop3A_707 : i32 to index
        %parallel_loop3A_758 = tpu.vector_load %arg10[%parallel_loop3A_756, %parallel_loop3A_757] {strides = array<i32>} : memref<4x1024xf32, #tpu.memory_space<vmem>>, vector<1x16xf32>,
        %parallel_loop3A_759 = vector.shape_cast %parallel_loop3A_758 : vector<1x16xf32> to vector<16xf32>
        %parallel_loop3A_760 = arith.constant 6 : i32
        %parallel_loop3A_761 = arith.constant 4 : i32
        %parallel_loop3A_762 = arith.index_cast %parallel_loop3A_760 : i32 to index
        %parallel_loop3A_763 = arith.index_cast %parallel_loop3A_761 : i32 to index
        %parallel_loop3A_764 = arith.index_cast %parallel_loop3A_707 : i32 to index
        %parallel_loop3A_765 = tpu.vector_load %arg9[%parallel_loop3A_762, %parallel_loop3A_763, %parallel_loop3A_764] {strides = array<i32>} : memref<8x8x1024xf32, #tpu.memory_space<vmem>>, vector<1x1x16xf32>,
        %parallel_loop3A_766 = vector.shape_cast %parallel_loop3A_765 : vector<1x1x16xf32> to vector<16xf32>
        %parallel_loop3A_767 = vector.shape_cast %parallel_loop3A_759 : vector<16xf32> to vector<1x1x16xf32>
        tpu.vector_store %arg9[%parallel_loop3A_762, %parallel_loop3A_763, %parallel_loop3A_764], %parallel_loop3A_767 {add = true, strides = array<i32>} : memref<8x8x1024xf32, #tpu.memory_space<vmem>>, vector<1x1x16xf32>,
        %parallel_loop3A_768 = arith.index_cast %squeeze3A_577 : i32 to index
        %parallel_loop3A_769 = arith.index_cast %parallel_loop3A_707 : i32 to index
        %parallel_loop3A_770 = tpu.vector_load %arg10[%parallel_loop3A_768, %parallel_loop3A_769] {strides = array<i32>} : memref<4x1024xf32, #tpu.memory_space<vmem>>, vector<1x16xf32>,
        %parallel_loop3A_771 = vector.shape_cast %parallel_loop3A_770 : vector<1x16xf32> to vector<16xf32>
        %parallel_loop3A_772 = arith.constant 6 : i32
        %parallel_loop3A_773 = arith.constant 5 : i32
        %parallel_loop3A_774 = arith.index_cast %parallel_loop3A_772 : i32 to index
        %parallel_loop3A_775 = arith.index_cast %parallel_loop3A_773 : i32 to index
        %parallel_loop3A_776 = arith.index_cast %parallel_loop3A_707 : i32 to index
        %parallel_loop3A_777 = tpu.vector_load %arg9[%parallel_loop3A_774, %parallel_loop3A_775, %parallel_loop3A_776] {strides = array<i32>} : memref<8x8x1024xf32, #tpu.memory_space<vmem>>, vector<1x1x16xf32>,
        %parallel_loop3A_778 = vector.shape_cast %parallel_loop3A_777 : vector<1x1x16xf32> to vector<16xf32>
        %parallel_loop3A_779 = vector.shape_cast %parallel_loop3A_771 : vector<16xf32> to vector<1x1x16xf32>
        tpu.vector_store %arg9[%parallel_loop3A_774, %parallel_loop3A_775, %parallel_loop3A_776], %parallel_loop3A_779 {add = true, strides = array<i32>} : memref<8x8x1024xf32, #tpu.memory_space<vmem>>, vector<1x1x16xf32>,
        %parallel_loop3A_780 = arith.index_cast %squeeze3A_579 : i32 to index
        %parallel_loop3A_781 = arith.index_cast %parallel_loop3A_707 : i32 to index
        %parallel_loop3A_782 = tpu.vector_load %arg10[%parallel_loop3A_780, %parallel_loop3A_781] {strides = array<i32>} : memref<4x1024xf32, #tpu.memory_space<vmem>>, vector<1x16xf32>,
        %parallel_loop3A_783 = vector.shape_cast %parallel_loop3A_782 : vector<1x16xf32> to vector<16xf32>
        %parallel_loop3A_784 = arith.constant 6 : i32
        %parallel_loop3A_785 = arith.constant 6 : i32
        %parallel_loop3A_786 = arith.index_cast %parallel_loop3A_784 : i32 to index
        %parallel_loop3A_787 = arith.index_cast %parallel_loop3A_785 : i32 to index
        %parallel_loop3A_788 = arith.index_cast %parallel_loop3A_707 : i32 to index
        %parallel_loop3A_789 = tpu.vector_load %arg9[%parallel_loop3A_786, %parallel_loop3A_787, %parallel_loop3A_788] {strides = array<i32>} : memref<8x8x1024xf32, #tpu.memory_space<vmem>>, vector<1x1x16xf32>,
        %parallel_loop3A_790 = vector.shape_cast %parallel_loop3A_789 : vector<1x1x16xf32> to vector<16xf32>
        %parallel_loop3A_791 = vector.shape_cast %parallel_loop3A_783 : vector<16xf32> to vector<1x1x16xf32>
        tpu.vector_store %arg9[%parallel_loop3A_786, %parallel_loop3A_787, %parallel_loop3A_788], %parallel_loop3A_791 {add = true, strides = array<i32>} : memref<8x8x1024xf32, #tpu.memory_space<vmem>>, vector<1x1x16xf32>,
        %parallel_loop3A_792 = arith.index_cast %squeeze3A_581 : i32 to index
        %parallel_loop3A_793 = arith.index_cast %parallel_loop3A_707 : i32 to index
        %parallel_loop3A_794 = tpu.vector_load %arg10[%parallel_loop3A_792, %parallel_loop3A_793] {strides = array<i32>} : memref<4x1024xf32, #tpu.memory_space<vmem>>, vector<1x16xf32>,
        %parallel_loop3A_795 = vector.shape_cast %parallel_loop3A_794 : vector<1x16xf32> to vector<16xf32>
        %parallel_loop3A_796 = arith.constant 6 : i32
        %parallel_loop3A_797 = arith.constant 7 : i32
        %parallel_loop3A_798 = arith.index_cast %parallel_loop3A_796 : i32 to index
        %parallel_loop3A_799 = arith.index_cast %parallel_loop3A_797 : i32 to index
        %parallel_loop3A_800 = arith.index_cast %parallel_loop3A_707 : i32 to index
        %parallel_loop3A_801 = tpu.vector_load %arg9[%parallel_loop3A_798, %parallel_loop3A_799, %parallel_loop3A_800] {strides = array<i32>} : memref<8x8x1024xf32, #tpu.memory_space<vmem>>, vector<1x1x16xf32>,
        %parallel_loop3A_802 = vector.shape_cast %parallel_loop3A_801 : vector<1x1x16xf32> to vector<16xf32>
        %parallel_loop3A_803 = vector.shape_cast %parallel_loop3A_795 : vector<16xf32> to vector<1x1x16xf32>
        tpu.vector_store %arg9[%parallel_loop3A_798, %parallel_loop3A_799, %parallel_loop3A_800], %parallel_loop3A_803 {add = true, strides = array<i32>} : memref<8x8x1024xf32, #tpu.memory_space<vmem>>, vector<1x1x16xf32>,
      } {sc.loop_unroll_factor = 2 : i64, sc.parallel_access}
      %mul3A_612 = arith.constant 8 : i32
      %mul3A_613 = arith.muli %add3A_560, %mul3A_612 : i32
      %add3A_614 = arith.addi %mul3A_2, %mul3A_613 : i32
      %dma_start3A_615 = arith.constant 6 : i32
      %dma_start3A_616 = arith.constant 6 : i32
      %dma_start3A_617 = arith.constant 0 : i32
      %dma_start3A_618 = arith.constant 0 : i32
      %dma_start3A_619 = tpu.memref_slice %arg9[%dma_start3A_615, %dma_start3A_617, %dma_start3A_618] : memref<8x8x1024xf32, #tpu.memory_space<vmem>> -> memref<1x8x1024xf32, #tpu.memory_space<vmem>>
      %dma_start3A_620 = tpu.memref_squeeze %dma_start3A_619 : memref<1x8x1024xf32, #tpu.memory_space<vmem>> -> memref<8x1024xf32, #tpu.memory_space<vmem>>
      %dma_start3A_621 = arith.constant 0 : i32
      %dma_start3A_622 = tpu.memref_slice %arg6[%add3A_614, %dma_start3A_621] : memref<16384x1024xf32, #tpu.memory_space<hbm>> -> memref<8x1024xf32, #tpu.memory_space<hbm>>
      %dma_start3A_623 = tpu.memref_slice %arg12[%dma_start3A_616] : memref<8x!tpu.dma_semaphore, #tpu.memory_space<semaphore_mem>> -> memref<1x!tpu.dma_semaphore, #tpu.memory_space<semaphore_mem>>
      %dma_start3A_624 = tpu.memref_squeeze %dma_start3A_623 : memref<1x!tpu.dma_semaphore, #tpu.memory_space<semaphore_mem>> -> memref<!tpu.dma_semaphore, #tpu.memory_space<semaphore_mem>>
      %dma_start3A_625 = arith.constant 0 : i32
      %dma_start3A_626 = tpu.memref_slice %arg6[%add3A_614, %dma_start3A_625] : memref<16384x1024xf32, #tpu.memory_space<hbm>> -> memref<8x1024xf32, #tpu.memory_space<hbm>>
      %dma_start3A_627 = arith.constant 0 : i32
      %dma_start3A_628 = arith.constant 0 : i32
      %dma_start3A_629 = tpu.memref_slice %arg9[%dma_start3A_615, %dma_start3A_627, %dma_start3A_628] : memref<8x8x1024xf32, #tpu.memory_space<vmem>> -> memref<1x8x1024xf32, #tpu.memory_space<vmem>>
      %dma_start3A_630 = tpu.memref_squeeze %dma_start3A_629 : memref<1x8x1024xf32, #tpu.memory_space<vmem>> -> memref<8x1024xf32, #tpu.memory_space<vmem>>
      tpu.enqueue_dma source(%dma_start3A_630 : memref<8x1024xf32, #tpu.memory_space<vmem>>) target(%dma_start3A_626 : memref<8x1024xf32, #tpu.memory_space<hbm>>) target_semaphore(%dma_start3A_624 : memref<!tpu.dma_semaphore, #tpu.memory_space<semaphore_mem>>)
      %mul3A_631 = arith.constant 8 : i32
      %mul3A_632 = arith.muli %scan3A_120, %mul3A_631 : i32
      %add3A_633 = arith.constant 7 : i32
      %add3A_634 = arith.addi %mul3A_632, %add3A_633 : i32
      %mul3A_635 = arith.constant 8 : i32
      %mul3A_636 = arith.muli %add3A_634, %mul3A_635 : i32
      %get3A_637 = arith.index_cast %mul3A_636 : i32 to index
      %get3A_638 = tpu.vector_load %arg8[%get3A_637] {strides = array<i32>} : memref<520xi32, #tpu.memory_space<vmem>>, vector<16xi32>,
      %get3A_639 = vector.shape_cast %get3A_638 : vector<16xi32> to vector<16xi32>
      %slice3A_640 = vector.extract_strided_slice %get3A_639 {offsets = [0], sizes = [1], strides = [1]} : vector<16xi32> to vector<1xi32>
      %squeeze3A_641 = vector.extract %slice3A_640[0] : i32 from vector<1xi32>
      %slice3A_642 = vector.extract_strided_slice %get3A_639 {offsets = [1], sizes = [1], strides = [1]} : vector<16xi32> to vector<1xi32>
      %squeeze3A_643 = vector.extract %slice3A_642[0] : i32 from vector<1xi32>
      %slice3A_644 = vector.extract_strided_slice %get3A_639 {offsets = [2], sizes = [1], strides = [1]} : vector<16xi32> to vector<1xi32>
      %squeeze3A_645 = vector.extract %slice3A_644[0] : i32 from vector<1xi32>
      %slice3A_646 = vector.extract_strided_slice %get3A_639 {offsets = [3], sizes = [1], strides = [1]} : vector<16xi32> to vector<1xi32>
      %squeeze3A_647 = vector.extract %slice3A_646[0] : i32 from vector<1xi32>
      %slice3A_648 = vector.extract_strided_slice %get3A_639 {offsets = [4], sizes = [1], strides = [1]} : vector<16xi32> to vector<1xi32>
      %squeeze3A_649 = vector.extract %slice3A_648[0] : i32 from vector<1xi32>
      %slice3A_650 = vector.extract_strided_slice %get3A_639 {offsets = [5], sizes = [1], strides = [1]} : vector<16xi32> to vector<1xi32>
      %squeeze3A_651 = vector.extract %slice3A_650[0] : i32 from vector<1xi32>
      %slice3A_652 = vector.extract_strided_slice %get3A_639 {offsets = [6], sizes = [1], strides = [1]} : vector<16xi32> to vector<1xi32>
      %squeeze3A_653 = vector.extract %slice3A_652[0] : i32 from vector<1xi32>
      %slice3A_654 = vector.extract_strided_slice %get3A_639 {offsets = [7], sizes = [1], strides = [1]} : vector<16xi32> to vector<1xi32>
      %squeeze3A_655 = vector.extract %slice3A_654[0] : i32 from vector<1xi32>
      %dma_wait3A_656 = arith.constant 7 : i32
      %dma_wait3A_657 = arith.constant 7 : i32
      %dma_wait3A_658 = arith.constant 0 : i32
      %dma_wait3A_659 = arith.constant 0 : i32
      %dma_wait3A_660 = tpu.memref_slice %arg9[%dma_wait3A_656, %dma_wait3A_658, %dma_wait3A_659] : memref<8x8x1024xf32, #tpu.memory_space<vmem>> -> memref<1x8x1024xf32, #tpu.memory_space<vmem>>
      %dma_wait3A_661 = tpu.memref_squeeze %dma_wait3A_660 : memref<1x8x1024xf32, #tpu.memory_space<vmem>> -> memref<8x1024xf32, #tpu.memory_space<vmem>>
      %dma_wait3A_662 = arith.constant 0 : i32
      %dma_wait3A_663 = tpu.memref_slice %arg7[%dma_wait3A_662] : memref<512xi32, #tpu.memory_space<vmem>> -> memref<8xi32, #tpu.memory_space<vmem>>
      %dma_wait3A_664 = arith.constant 0 : i32
      %dma_wait3A_665 = arith.constant 0 : i32
      %dma_wait3A_666 = tpu.memref_slice %arg4[%dma_wait3A_664, %dma_wait3A_665] : memref<100001x1024xf32, #tpu.memory_space<hbm>> -> memref<100001x1024xf32, #tpu.memory_space<hbm>>
      %dma_wait3A_667 = tpu.memref_slice %arg11[%dma_wait3A_657] : memref<8x!tpu.dma_semaphore, #tpu.memory_space<semaphore_mem>> -> memref<1x!tpu.dma_semaphore, #tpu.memory_space<semaphore_mem>>
      %dma_wait3A_668 = tpu.memref_squeeze %dma_wait3A_667 : memref<1x!tpu.dma_semaphore, #tpu.memory_space<semaphore_mem>> -> memref<!tpu.dma_semaphore, #tpu.memory_space<semaphore_mem>>
      tpu.wait_indirect_dma semaphore(%dma_wait3A_668 : memref<!tpu.dma_semaphore, #tpu.memory_space<semaphore_mem>>) src(%dma_wait3A_666 : memref<100001x1024xf32, #tpu.memory_space<hbm>>) dst(%dma_wait3A_661 : memref<8x1024xf32, #tpu.memory_space<vmem>>)
      %add3A_669 = arith.constant 6 : i32
      %add3A_670 = arith.addi %add3A_634, %add3A_669 : i32
      %ge3A_671 = arith.constant 8 : i32
      %ge3A_672 = arith.cmpi sge, %add3A_670, %ge3A_671 : i32
      %convert_element_type3A_673 = arith.extui %ge3A_672 : i1 to i32
      %cond3A_674 = arith.constant 0 : i32
      %cond3A_675 = arith.cmpi ne, %convert_element_type3A_673, %cond3A_674 : i32
      scf.if %cond3A_675 {
        %dma_wait3A_705 = arith.constant 5 : i32
        %dma_wait3A_706 = arith.constant 5 : i32
        %dma_wait3A_707 = arith.constant 0 : i32
        %dma_wait3A_708 = arith.constant 0 : i32
        %dma_wait3A_709 = tpu.memref_slice %arg9[%dma_wait3A_705, %dma_wait3A_707, %dma_wait3A_708] : memref<8x8x1024xf32, #tpu.memory_space<vmem>> -> memref<1x8x1024xf32, #tpu.memory_space<vmem>>
        %dma_wait3A_710 = tpu.memref_squeeze %dma_wait3A_709 : memref<1x8x1024xf32, #tpu.memory_space<vmem>> -> memref<8x1024xf32, #tpu.memory_space<vmem>>
        %dma_wait3A_711 = arith.constant 0 : i32
        %dma_wait3A_712 = arith.constant 0 : i32
        %dma_wait3A_713 = tpu.memref_slice %arg6[%dma_wait3A_711, %dma_wait3A_712] : memref<16384x1024xf32, #tpu.memory_space<hbm>> -> memref<8x1024xf32, #tpu.memory_space<hbm>>
        %dma_wait3A_714 = tpu.memref_slice %arg12[%dma_wait3A_706] : memref<8x!tpu.dma_semaphore, #tpu.memory_space<semaphore_mem>> -> memref<1x!tpu.dma_semaphore, #tpu.memory_space<semaphore_mem>>
        %dma_wait3A_715 = tpu.memref_squeeze %dma_wait3A_714 : memref<1x!tpu.dma_semaphore, #tpu.memory_space<semaphore_mem>> -> memref<!tpu.dma_semaphore, #tpu.memory_space<semaphore_mem>>
        %dma_wait3A_716 = arith.constant 0 : i32
        %dma_wait3A_717 = arith.constant 0 : i32
        %dma_wait3A_718 = tpu.memref_slice %arg6[%dma_wait3A_716, %dma_wait3A_717] : memref<16384x1024xf32, #tpu.memory_space<hbm>> -> memref<8x1024xf32, #tpu.memory_space<hbm>>
        %dma_wait3A_719 = arith.constant 0 : i32
        %dma_wait3A_720 = arith.constant 0 : i32
        %dma_wait3A_721 = tpu.memref_slice %arg9[%dma_wait3A_705, %dma_wait3A_719, %dma_wait3A_720] : memref<8x8x1024xf32, #tpu.memory_space<vmem>> -> memref<1x8x1024xf32, #tpu.memory_space<vmem>>
        %dma_wait3A_722 = tpu.memref_squeeze %dma_wait3A_721 : memref<1x8x1024xf32, #tpu.memory_space<vmem>> -> memref<8x1024xf32, #tpu.memory_space<vmem>>
        tpu.wait_dma2 semaphore(%dma_wait3A_715 : memref<!tpu.dma_semaphore, #tpu.memory_space<semaphore_mem>>) src(%dma_wait3A_722 : memref<8x1024xf32, #tpu.memory_space<vmem>>) dst(%dma_wait3A_718 : memref<8x1024xf32, #tpu.memory_space<hbm>>)
      } else {
      }
      %add3A_676 = arith.constant 6 : i32
      %add3A_677 = arith.addi %add3A_634, %add3A_676 : i32
      %lt3A_678 = arith.constant 64 : i32
      %lt3A_679 = arith.cmpi slt, %add3A_677, %lt3A_678 : i32
      %convert_element_type3A_680 = arith.extui %lt3A_679 : i1 to i32
      %cond3A_681 = arith.constant 0 : i32
      %cond3A_682 = arith.cmpi ne, %convert_element_type3A_680, %cond3A_681 : i32
      scf.if %cond3A_682 {
        %add3A_705 = arith.constant 6 : i32
        %add3A_706 = arith.addi %add3A_634, %add3A_705 : i32
        %mul3A_707 = arith.constant 8 : i32
        %mul3A_708 = arith.muli %add3A_706, %mul3A_707 : i32
        %dma_start3A_709 = arith.constant 5 : i32
        %dma_start3A_710 = arith.constant 5 : i32
        %dma_start3A_711 = arith.constant 0 : i32
        %dma_start3A_712 = arith.constant 0 : i32
        %dma_start3A_713 = tpu.memref_slice %arg9[%dma_start3A_709, %dma_start3A_711, %dma_start3A_712] : memref<8x8x1024xf32, #tpu.memory_space<vmem>> -> memref<1x8x1024xf32, #tpu.memory_space<vmem>>
        %dma_start3A_714 = tpu.memref_squeeze %dma_start3A_713 : memref<1x8x1024xf32, #tpu.memory_space<vmem>> -> memref<8x1024xf32, #tpu.memory_space<vmem>>
        %dma_start3A_715 = tpu.memref_slice %arg7[%mul3A_708] : memref<512xi32, #tpu.memory_space<vmem>> -> memref<8xi32, #tpu.memory_space<vmem>>
        %dma_start3A_716 = arith.constant 0 : i32
        %dma_start3A_717 = arith.constant 0 : i32
        %dma_start3A_718 = tpu.memref_slice %arg4[%dma_start3A_716, %dma_start3A_717] : memref<100001x1024xf32, #tpu.memory_space<hbm>> -> memref<100001x1024xf32, #tpu.memory_space<hbm>>
        %dma_start3A_719 = tpu.memref_slice %arg11[%dma_start3A_710] : memref<8x!tpu.dma_semaphore, #tpu.memory_space<semaphore_mem>> -> memref<1x!tpu.dma_semaphore, #tpu.memory_space<semaphore_mem>>
        %dma_start3A_720 = tpu.memref_squeeze %dma_start3A_719 : memref<1x!tpu.dma_semaphore, #tpu.memory_space<semaphore_mem>> -> memref<!tpu.dma_semaphore, #tpu.memory_space<semaphore_mem>>
        tpu.enqueue_indirect_dma source(%dma_start3A_718 : memref<100001x1024xf32, #tpu.memory_space<hbm>>) target(%dma_start3A_714 : memref<8x1024xf32, #tpu.memory_space<vmem>>) offsets(%dma_start3A_715 : memref<8xi32, #tpu.memory_space<vmem>>) semaphore(%dma_start3A_720 : memref<!tpu.dma_semaphore, #tpu.memory_space<semaphore_mem>>)
      } else {
      }
      %parallel_loop3A_683 = arith.constant 0 : i32
      %parallel_loop3A_684 = arith.constant 64 : i32
      %parallel_loop3A_685 = arith.constant 1 : i32
      scf.for %parallel_loop3A_705 = %parallel_loop3A_683 to %parallel_loop3A_684 step %parallel_loop3A_685  : i32 {
        %parallel_loop3A_706 = arith.constant 16 : i32
        %parallel_loop3A_707 = arith.muli %parallel_loop3A_705, %parallel_loop3A_706 : i32
        %parallel_loop3A_708 = arith.index_cast %squeeze3A_641 : i32 to index
        %parallel_loop3A_709 = arith.index_cast %parallel_loop3A_707 : i32 to index
        %parallel_loop3A_710 = tpu.vector_load %arg10[%parallel_loop3A_708, %parallel_loop3A_709] {strides = array<i32>} : memref<4x1024xf32, #tpu.memory_space<vmem>>, vector<1x16xf32>,
        %parallel_loop3A_711 = vector.shape_cast %parallel_loop3A_710 : vector<1x16xf32> to vector<16xf32>
        %parallel_loop3A_712 = arith.constant 7 : i32
        %parallel_loop3A_713 = arith.constant 0 : i32
        %parallel_loop3A_714 = arith.index_cast %parallel_loop3A_712 : i32 to index
        %parallel_loop3A_715 = arith.index_cast %parallel_loop3A_713 : i32 to index
        %parallel_loop3A_716 = arith.index_cast %parallel_loop3A_707 : i32 to index
        %parallel_loop3A_717 = tpu.vector_load %arg9[%parallel_loop3A_714, %parallel_loop3A_715, %parallel_loop3A_716] {strides = array<i32>} : memref<8x8x1024xf32, #tpu.memory_space<vmem>>, vector<1x1x16xf32>,
        %parallel_loop3A_718 = vector.shape_cast %parallel_loop3A_717 : vector<1x1x16xf32> to vector<16xf32>
        %parallel_loop3A_719 = vector.shape_cast %parallel_loop3A_711 : vector<16xf32> to vector<1x1x16xf32>
        tpu.vector_store %arg9[%parallel_loop3A_714, %parallel_loop3A_715, %parallel_loop3A_716], %parallel_loop3A_719 {add = true, strides = array<i32>} : memref<8x8x1024xf32, #tpu.memory_space<vmem>>, vector<1x1x16xf32>,
        %parallel_loop3A_720 = arith.index_cast %squeeze3A_643 : i32 to index
        %parallel_loop3A_721 = arith.index_cast %parallel_loop3A_707 : i32 to index
        %parallel_loop3A_722 = tpu.vector_load %arg10[%parallel_loop3A_720, %parallel_loop3A_721] {strides = array<i32>} : memref<4x1024xf32, #tpu.memory_space<vmem>>, vector<1x16xf32>,
        %parallel_loop3A_723 = vector.shape_cast %parallel_loop3A_722 : vector<1x16xf32> to vector<16xf32>
        %parallel_loop3A_724 = arith.constant 7 : i32
        %parallel_loop3A_725 = arith.constant 1 : i32
        %parallel_loop3A_726 = arith.index_cast %parallel_loop3A_724 : i32 to index
        %parallel_loop3A_727 = arith.index_cast %parallel_loop3A_725 : i32 to index
        %parallel_loop3A_728 = arith.index_cast %parallel_loop3A_707 : i32 to index
        %parallel_loop3A_729 = tpu.vector_load %arg9[%parallel_loop3A_726, %parallel_loop3A_727, %parallel_loop3A_728] {strides = array<i32>} : memref<8x8x1024xf32, #tpu.memory_space<vmem>>, vector<1x1x16xf32>,
        %parallel_loop3A_730 = vector.shape_cast %parallel_loop3A_729 : vector<1x1x16xf32> to vector<16xf32>
        %parallel_loop3A_731 = vector.shape_cast %parallel_loop3A_723 : vector<16xf32> to vector<1x1x16xf32>
        tpu.vector_store %arg9[%parallel_loop3A_726, %parallel_loop3A_727, %parallel_loop3A_728], %parallel_loop3A_731 {add = true, strides = array<i32>} : memref<8x8x1024xf32, #tpu.memory_space<vmem>>, vector<1x1x16xf32>,
        %parallel_loop3A_732 = arith.index_cast %squeeze3A_645 : i32 to index
        %parallel_loop3A_733 = arith.index_cast %parallel_loop3A_707 : i32 to index
        %parallel_loop3A_734 = tpu.vector_load %arg10[%parallel_loop3A_732, %parallel_loop3A_733] {strides = array<i32>} : memref<4x1024xf32, #tpu.memory_space<vmem>>, vector<1x16xf32>,
        %parallel_loop3A_735 = vector.shape_cast %parallel_loop3A_734 : vector<1x16xf32> to vector<16xf32>
        %parallel_loop3A_736 = arith.constant 7 : i32
        %parallel_loop3A_737 = arith.constant 2 : i32
        %parallel_loop3A_738 = arith.index_cast %parallel_loop3A_736 : i32 to index
        %parallel_loop3A_739 = arith.index_cast %parallel_loop3A_737 : i32 to index
        %parallel_loop3A_740 = arith.index_cast %parallel_loop3A_707 : i32 to index
        %parallel_loop3A_741 = tpu.vector_load %arg9[%parallel_loop3A_738, %parallel_loop3A_739, %parallel_loop3A_740] {strides = array<i32>} : memref<8x8x1024xf32, #tpu.memory_space<vmem>>, vector<1x1x16xf32>,
        %parallel_loop3A_742 = vector.shape_cast %parallel_loop3A_741 : vector<1x1x16xf32> to vector<16xf32>
        %parallel_loop3A_743 = vector.shape_cast %parallel_loop3A_735 : vector<16xf32> to vector<1x1x16xf32>
        tpu.vector_store %arg9[%parallel_loop3A_738, %parallel_loop3A_739, %parallel_loop3A_740], %parallel_loop3A_743 {add = true, strides = array<i32>} : memref<8x8x1024xf32, #tpu.memory_space<vmem>>, vector<1x1x16xf32>,
        %parallel_loop3A_744 = arith.index_cast %squeeze3A_647 : i32 to index
        %parallel_loop3A_745 = arith.index_cast %parallel_loop3A_707 : i32 to index
        %parallel_loop3A_746 = tpu.vector_load %arg10[%parallel_loop3A_744, %parallel_loop3A_745] {strides = array<i32>} : memref<4x1024xf32, #tpu.memory_space<vmem>>, vector<1x16xf32>,
        %parallel_loop3A_747 = vector.shape_cast %parallel_loop3A_746 : vector<1x16xf32> to vector<16xf32>
        %parallel_loop3A_748 = arith.constant 7 : i32
        %parallel_loop3A_749 = arith.constant 3 : i32
        %parallel_loop3A_750 = arith.index_cast %parallel_loop3A_748 : i32 to index
        %parallel_loop3A_751 = arith.index_cast %parallel_loop3A_749 : i32 to index
        %parallel_loop3A_752 = arith.index_cast %parallel_loop3A_707 : i32 to index
        %parallel_loop3A_753 = tpu.vector_load %arg9[%parallel_loop3A_750, %parallel_loop3A_751, %parallel_loop3A_752] {strides = array<i32>} : memref<8x8x1024xf32, #tpu.memory_space<vmem>>, vector<1x1x16xf32>,
        %parallel_loop3A_754 = vector.shape_cast %parallel_loop3A_753 : vector<1x1x16xf32> to vector<16xf32>
        %parallel_loop3A_755 = vector.shape_cast %parallel_loop3A_747 : vector<16xf32> to vector<1x1x16xf32>
        tpu.vector_store %arg9[%parallel_loop3A_750, %parallel_loop3A_751, %parallel_loop3A_752], %parallel_loop3A_755 {add = true, strides = array<i32>} : memref<8x8x1024xf32, #tpu.memory_space<vmem>>, vector<1x1x16xf32>,
        %parallel_loop3A_756 = arith.index_cast %squeeze3A_649 : i32 to index
        %parallel_loop3A_757 = arith.index_cast %parallel_loop3A_707 : i32 to index
        %parallel_loop3A_758 = tpu.vector_load %arg10[%parallel_loop3A_756, %parallel_loop3A_757] {strides = array<i32>} : memref<4x1024xf32, #tpu.memory_space<vmem>>, vector<1x16xf32>,
        %parallel_loop3A_759 = vector.shape_cast %parallel_loop3A_758 : vector<1x16xf32> to vector<16xf32>
        %parallel_loop3A_760 = arith.constant 7 : i32
        %parallel_loop3A_761 = arith.constant 4 : i32
        %parallel_loop3A_762 = arith.index_cast %parallel_loop3A_760 : i32 to index
        %parallel_loop3A_763 = arith.index_cast %parallel_loop3A_761 : i32 to index
        %parallel_loop3A_764 = arith.index_cast %parallel_loop3A_707 : i32 to index
        %parallel_loop3A_765 = tpu.vector_load %arg9[%parallel_loop3A_762, %parallel_loop3A_763, %parallel_loop3A_764] {strides = array<i32>} : memref<8x8x1024xf32, #tpu.memory_space<vmem>>, vector<1x1x16xf32>,
        %parallel_loop3A_766 = vector.shape_cast %parallel_loop3A_765 : vector<1x1x16xf32> to vector<16xf32>
        %parallel_loop3A_767 = vector.shape_cast %parallel_loop3A_759 : vector<16xf32> to vector<1x1x16xf32>
        tpu.vector_store %arg9[%parallel_loop3A_762, %parallel_loop3A_763, %parallel_loop3A_764], %parallel_loop3A_767 {add = true, strides = array<i32>} : memref<8x8x1024xf32, #tpu.memory_space<vmem>>, vector<1x1x16xf32>,
        %parallel_loop3A_768 = arith.index_cast %squeeze3A_651 : i32 to index
        %parallel_loop3A_769 = arith.index_cast %parallel_loop3A_707 : i32 to index
        %parallel_loop3A_770 = tpu.vector_load %arg10[%parallel_loop3A_768, %parallel_loop3A_769] {strides = array<i32>} : memref<4x1024xf32, #tpu.memory_space<vmem>>, vector<1x16xf32>,
        %parallel_loop3A_771 = vector.shape_cast %parallel_loop3A_770 : vector<1x16xf32> to vector<16xf32>
        %parallel_loop3A_772 = arith.constant 7 : i32
        %parallel_loop3A_773 = arith.constant 5 : i32
        %parallel_loop3A_774 = arith.index_cast %parallel_loop3A_772 : i32 to index
        %parallel_loop3A_775 = arith.index_cast %parallel_loop3A_773 : i32 to index
        %parallel_loop3A_776 = arith.index_cast %parallel_loop3A_707 : i32 to index
        %parallel_loop3A_777 = tpu.vector_load %arg9[%parallel_loop3A_774, %parallel_loop3A_775, %parallel_loop3A_776] {strides = array<i32>} : memref<8x8x1024xf32, #tpu.memory_space<vmem>>, vector<1x1x16xf32>,
        %parallel_loop3A_778 = vector.shape_cast %parallel_loop3A_777 : vector<1x1x16xf32> to vector<16xf32>
        %parallel_loop3A_779 = vector.shape_cast %parallel_loop3A_771 : vector<16xf32> to vector<1x1x16xf32>
        tpu.vector_store %arg9[%parallel_loop3A_774, %parallel_loop3A_775, %parallel_loop3A_776], %parallel_loop3A_779 {add = true, strides = array<i32>} : memref<8x8x1024xf32, #tpu.memory_space<vmem>>, vector<1x1x16xf32>,
        %parallel_loop3A_780 = arith.index_cast %squeeze3A_653 : i32 to index
        %parallel_loop3A_781 = arith.index_cast %parallel_loop3A_707 : i32 to index
        %parallel_loop3A_782 = tpu.vector_load %arg10[%parallel_loop3A_780, %parallel_loop3A_781] {strides = array<i32>} : memref<4x1024xf32, #tpu.memory_space<vmem>>, vector<1x16xf32>,
        %parallel_loop3A_783 = vector.shape_cast %parallel_loop3A_782 : vector<1x16xf32> to vector<16xf32>
        %parallel_loop3A_784 = arith.constant 7 : i32
        %parallel_loop3A_785 = arith.constant 6 : i32
        %parallel_loop3A_786 = arith.index_cast %parallel_loop3A_784 : i32 to index
        %parallel_loop3A_787 = arith.index_cast %parallel_loop3A_785 : i32 to index
        %parallel_loop3A_788 = arith.index_cast %parallel_loop3A_707 : i32 to index
        %parallel_loop3A_789 = tpu.vector_load %arg9[%parallel_loop3A_786, %parallel_loop3A_787, %parallel_loop3A_788] {strides = array<i32>} : memref<8x8x1024xf32, #tpu.memory_space<vmem>>, vector<1x1x16xf32>,
        %parallel_loop3A_790 = vector.shape_cast %parallel_loop3A_789 : vector<1x1x16xf32> to vector<16xf32>
        %parallel_loop3A_791 = vector.shape_cast %parallel_loop3A_783 : vector<16xf32> to vector<1x1x16xf32>
        tpu.vector_store %arg9[%parallel_loop3A_786, %parallel_loop3A_787, %parallel_loop3A_788], %parallel_loop3A_791 {add = true, strides = array<i32>} : memref<8x8x1024xf32, #tpu.memory_space<vmem>>, vector<1x1x16xf32>,
        %parallel_loop3A_792 = arith.index_cast %squeeze3A_655 : i32 to index
        %parallel_loop3A_793 = arith.index_cast %parallel_loop3A_707 : i32 to index
        %parallel_loop3A_794 = tpu.vector_load %arg10[%parallel_loop3A_792, %parallel_loop3A_793] {strides = array<i32>} : memref<4x1024xf32, #tpu.memory_space<vmem>>, vector<1x16xf32>,
        %parallel_loop3A_795 = vector.shape_cast %parallel_loop3A_794 : vector<1x16xf32> to vector<16xf32>
        %parallel_loop3A_796 = arith.constant 7 : i32
        %parallel_loop3A_797 = arith.constant 7 : i32
        %parallel_loop3A_798 = arith.index_cast %parallel_loop3A_796 : i32 to index
        %parallel_loop3A_799 = arith.index_cast %parallel_loop3A_797 : i32 to index
        %parallel_loop3A_800 = arith.index_cast %parallel_loop3A_707 : i32 to index
        %parallel_loop3A_801 = tpu.vector_load %arg9[%parallel_loop3A_798, %parallel_loop3A_799, %parallel_loop3A_800] {strides = array<i32>} : memref<8x8x1024xf32, #tpu.memory_space<vmem>>, vector<1x1x16xf32>,
        %parallel_loop3A_802 = vector.shape_cast %parallel_loop3A_801 : vector<1x1x16xf32> to vector<16xf32>
        %parallel_loop3A_803 = vector.shape_cast %parallel_loop3A_795 : vector<16xf32> to vector<1x1x16xf32>
        tpu.vector_store %arg9[%parallel_loop3A_798, %parallel_loop3A_799, %parallel_loop3A_800], %parallel_loop3A_803 {add = true, strides = array<i32>} : memref<8x8x1024xf32, #tpu.memory_space<vmem>>, vector<1x1x16xf32>,
      } {sc.loop_unroll_factor = 2 : i64, sc.parallel_access}
      %mul3A_686 = arith.constant 8 : i32
      %mul3A_687 = arith.muli %add3A_634, %mul3A_686 : i32
      %add3A_688 = arith.addi %mul3A_2, %mul3A_687 : i32
      %dma_start3A_689 = arith.constant 7 : i32
      %dma_start3A_690 = arith.constant 7 : i32
      %dma_start3A_691 = arith.constant 0 : i32
      %dma_start3A_692 = arith.constant 0 : i32
      %dma_start3A_693 = tpu.memref_slice %arg9[%dma_start3A_689, %dma_start3A_691, %dma_start3A_692] : memref<8x8x1024xf32, #tpu.memory_space<vmem>> -> memref<1x8x1024xf32, #tpu.memory_space<vmem>>
      %dma_start3A_694 = tpu.memref_squeeze %dma_start3A_693 : memref<1x8x1024xf32, #tpu.memory_space<vmem>> -> memref<8x1024xf32, #tpu.memory_space<vmem>>
      %dma_start3A_695 = arith.constant 0 : i32
      %dma_start3A_696 = tpu.memref_slice %arg6[%add3A_688, %dma_start3A_695] : memref<16384x1024xf32, #tpu.memory_space<hbm>> -> memref<8x1024xf32, #tpu.memory_space<hbm>>
      %dma_start3A_697 = tpu.memref_slice %arg12[%dma_start3A_690] : memref<8x!tpu.dma_semaphore, #tpu.memory_space<semaphore_mem>> -> memref<1x!tpu.dma_semaphore, #tpu.memory_space<semaphore_mem>>
      %dma_start3A_698 = tpu.memref_squeeze %dma_start3A_697 : memref<1x!tpu.dma_semaphore, #tpu.memory_space<semaphore_mem>> -> memref<!tpu.dma_semaphore, #tpu.memory_space<semaphore_mem>>
      %dma_start3A_699 = arith.constant 0 : i32
      %dma_start3A_700 = tpu.memref_slice %arg6[%add3A_688, %dma_start3A_699] : memref<16384x1024xf32, #tpu.memory_space<hbm>> -> memref<8x1024xf32, #tpu.memory_space<hbm>>
      %dma_start3A_701 = arith.constant 0 : i32
      %dma_start3A_702 = arith.constant 0 : i32
      %dma_start3A_703 = tpu.memref_slice %arg9[%dma_start3A_689, %dma_start3A_701, %dma_start3A_702] : memref<8x8x1024xf32, #tpu.memory_space<vmem>> -> memref<1x8x1024xf32, #tpu.memory_space<vmem>>
      %dma_start3A_704 = tpu.memref_squeeze %dma_start3A_703 : memref<1x8x1024xf32, #tpu.memory_space<vmem>> -> memref<8x1024xf32, #tpu.memory_space<vmem>>
      tpu.enqueue_dma source(%dma_start3A_704 : memref<8x1024xf32, #tpu.memory_space<vmem>>) target(%dma_start3A_700 : memref<8x1024xf32, #tpu.memory_space<hbm>>) target_semaphore(%dma_start3A_698 : memref<!tpu.dma_semaphore, #tpu.memory_space<semaphore_mem>>)
    }
    %scan3A_84 = arith.constant 8 : i32
    %dma_wait3A = arith.constant 6 : i32
    %dma_wait3A_85 = arith.constant 6 : i32
    %dma_wait3A_86 = arith.constant 0 : i32
    %dma_wait3A_87 = arith.constant 0 : i32
    %dma_wait3A_88 = tpu.memref_slice %arg9[%dma_wait3A, %dma_wait3A_86, %dma_wait3A_87] : memref<8x8x1024xf32, #tpu.memory_space<vmem>> -> memref<1x8x1024xf32, #tpu.memory_space<vmem>>
    %dma_wait3A_89 = tpu.memref_squeeze %dma_wait3A_88 : memref<1x8x1024xf32, #tpu.memory_space<vmem>> -> memref<8x1024xf32, #tpu.memory_space<vmem>>
    %dma_wait3A_90 = arith.constant 0 : i32
    %dma_wait3A_91 = arith.constant 0 : i32
    %dma_wait3A_92 = tpu.memref_slice %arg6[%dma_wait3A_90, %dma_wait3A_91] : memref<16384x1024xf32, #tpu.memory_space<hbm>> -> memref<8x1024xf32, #tpu.memory_space<hbm>>
    %dma_wait3A_93 = tpu.memref_slice %arg12[%dma_wait3A_85] : memref<8x!tpu.dma_semaphore, #tpu.memory_space<semaphore_mem>> -> memref<1x!tpu.dma_semaphore, #tpu.memory_space<semaphore_mem>>
    %dma_wait3A_94 = tpu.memref_squeeze %dma_wait3A_93 : memref<1x!tpu.dma_semaphore, #tpu.memory_space<semaphore_mem>> -> memref<!tpu.dma_semaphore, #tpu.memory_space<semaphore_mem>>
    %dma_wait3A_95 = arith.constant 0 : i32
    %dma_wait3A_96 = arith.constant 0 : i32
    %dma_wait3A_97 = tpu.memref_slice %arg6[%dma_wait3A_95, %dma_wait3A_96] : memref<16384x1024xf32, #tpu.memory_space<hbm>> -> memref<8x1024xf32, #tpu.memory_space<hbm>>
    %dma_wait3A_98 = arith.constant 0 : i32
    %dma_wait3A_99 = arith.constant 0 : i32
    %dma_wait3A_100 = tpu.memref_slice %arg9[%dma_wait3A, %dma_wait3A_98, %dma_wait3A_99] : memref<8x8x1024xf32, #tpu.memory_space<vmem>> -> memref<1x8x1024xf32, #tpu.memory_space<vmem>>
    %dma_wait3A_101 = tpu.memref_squeeze %dma_wait3A_100 : memref<1x8x1024xf32, #tpu.memory_space<vmem>> -> memref<8x1024xf32, #tpu.memory_space<vmem>>
    tpu.wait_dma2 semaphore(%dma_wait3A_94 : memref<!tpu.dma_semaphore, #tpu.memory_space<semaphore_mem>>) src(%dma_wait3A_101 : memref<8x1024xf32, #tpu.memory_space<vmem>>) dst(%dma_wait3A_97 : memref<8x1024xf32, #tpu.memory_space<hbm>>)
    %dma_wait3A_102 = arith.constant 7 : i32
    %dma_wait3A_103 = arith.constant 7 : i32
    %dma_wait3A_104 = arith.constant 0 : i32
    %dma_wait3A_105 = arith.constant 0 : i32
    %dma_wait3A_106 = tpu.memref_slice %arg9[%dma_wait3A_102, %dma_wait3A_104, %dma_wait3A_105] : memref<8x8x1024xf32, #tpu.memory_space<vmem>> -> memref<1x8x1024xf32, #tpu.memory_space<vmem>>
    %dma_wait3A_107 = tpu.memref_squeeze %dma_wait3A_106 : memref<1x8x1024xf32, #tpu.memory_space<vmem>> -> memref<8x1024xf32, #tpu.memory_space<vmem>>
    %dma_wait3A_108 = arith.constant 0 : i32
    %dma_wait3A_109 = arith.constant 0 : i32
    %dma_wait3A_110 = tpu.memref_slice %arg6[%dma_wait3A_108, %dma_wait3A_109] : memref<16384x1024xf32, #tpu.memory_space<hbm>> -> memref<8x1024xf32, #tpu.memory_space<hbm>>
    %dma_wait3A_111 = tpu.memref_slice %arg12[%dma_wait3A_103] : memref<8x!tpu.dma_semaphore, #tpu.memory_space<semaphore_mem>> -> memref<1x!tpu.dma_semaphore, #tpu.memory_space<semaphore_mem>>
    %dma_wait3A_112 = tpu.memref_squeeze %dma_wait3A_111 : memref<1x!tpu.dma_semaphore, #tpu.memory_space<semaphore_mem>> -> memref<!tpu.dma_semaphore, #tpu.memory_space<semaphore_mem>>
    %dma_wait3A_113 = arith.constant 0 : i32
    %dma_wait3A_114 = arith.constant 0 : i32
    %dma_wait3A_115 = tpu.memref_slice %arg6[%dma_wait3A_113, %dma_wait3A_114] : memref<16384x1024xf32, #tpu.memory_space<hbm>> -> memref<8x1024xf32, #tpu.memory_space<hbm>>
    %dma_wait3A_116 = arith.constant 0 : i32
    %dma_wait3A_117 = arith.constant 0 : i32
    %dma_wait3A_118 = tpu.memref_slice %arg9[%dma_wait3A_102, %dma_wait3A_116, %dma_wait3A_117] : memref<8x8x1024xf32, #tpu.memory_space<vmem>> -> memref<1x8x1024xf32, #tpu.memory_space<vmem>>
    %dma_wait3A_119 = tpu.memref_squeeze %dma_wait3A_118 : memref<1x8x1024xf32, #tpu.memory_space<vmem>> -> memref<8x1024xf32, #tpu.memory_space<vmem>>
    tpu.wait_dma2 semaphore(%dma_wait3A_112 : memref<!tpu.dma_semaphore, #tpu.memory_space<semaphore_mem>>) src(%dma_wait3A_119 : memref<8x1024xf32, #tpu.memory_space<vmem>>) dst(%dma_wait3A_115 : memref<8x1024xf32, #tpu.memory_space<hbm>>)
    return
  }
}

</mosaic_0001>

<sc_bundles>
// kernel: kernel.3.cloned.1.call-start
scs
__scs_entry_jumppad:
0x0: {  	(pc) =	sbr.rel $0x88, $3  }
0x1: {  	(tag) =	ssettag $0x0;
	lr =	simm.s32 $0x1  }
0x2: {  	[smem:$0x3F9D] =	sst lr;
	_ =	strace $0xD0000000  }
0x3: {  	_ = 	snop  }
0x4: {  	_ = 	snop  }
0x5: {  	_ = 	snop  }
0x6: {  	_ = 	snop  }
0x7: {  	_ = 	snop  }
__scs_overlays_trampoline_lowered:
0x8: {  	[smem:$0x3FAC] =	sst s0  }
0x9: {  	[smem:$0x3FAD] =	sst s1  }
0xa: {  	[smem:$0x3FAE] =	sst s2  }
0xb: {  	[smem:$0x3FAF] =	sst s3  }
0xc: {  	[smem:$0x3FB0] =	sst s4  }
0xd: {  	[smem:$0x3FB1] =	sst s5  }
0xe: {  	[smem:$0x3FB2] =	sst s6  }
0xf: {  	[smem:$0x3FB3] =	sst s7  }
0x10: {  	[smem:$0x3FB4] =	sst s8  }
0x11: {  	[smem:$0x3FB5] =	sst s9;
	s0 =	simm.s32 @!p0 $0x0  }
0x12: {  	s1 =	sld [smem:$0x3F9B];
	s0 =	simm.s32 @p0 $0x1  }
0x13: {  	[smem:$0x3FB6] =	sst s0;
	s0 =	simm.s32 @!p1 $0x0  }
0x14: {  	s2 =	sld [smem:$0x3F9A];
	s0 =	simm.s32 @p1 $0x1  }
0x15: {  	[smem:$0x3FB7] =	sst s0;
	s0 =	simm.s32 @!p2 $0x0  }
0x16: {  	s3 =	sld [smem:$0x3FDB];
	s0 =	simm.s32 @p2 $0x1  }
0x17: {  	s4 =	simm.s32 $0x1BF5;
	[smem:$0x3FB9] =	sst s0  }
0x18: {  	s0 =	sld [smem:$0x3F9C];
	_ =	swait.ge [sflag:s4], $0x0  }
0x19: {  	s7 =	sld [smem:$0x3F9D]  }
0x1a: {  	s8 =	sadd.s32 $0xFFFFE003, lr  }
0x1b: {  	s9 =	sadd.s32 $0xFFFFFEF7, lr;
	s5 =	simm.s32 $0xFFFFFFFF;
	p2 =	slt.u32 s8, $0xFFFFF086  }
0x1c: {  	p1 =	slt.u32 s9, $0xF7A;
	s5 =	simm.s32 @!p2 $0x0  }
0x1d: {  	s5 =	simm.s32 @p1 $0x1;
	p0 =	seq.s32 s7, s2  }
0x1e: {  	s7 =	smul.u32 @!p0 $0xF7A, s2;
	p2 =	seq.s32 @!p0 s5, $0x0  }
0x1f: {  	s9 =	smul.u32 $0xF7A, s1;
	s8 =	simm.s32 @!p0 $0x1BF5;
	p2 =	por !p2, p0  }
0x20: {  	[sflag:s8] =	ssyncset.s32 @!p0 $0xFFFFF086;
	s6 =	sadd.s32 @!p0 s3, s7;
	s7 =	simm.s32 @!p0 $0x108  }
0x21: {  	s3 =	sadd.s32 s3, s9;
	s6 =	sadd.s32 @!p0 $0x88, s6;
	s7 =	simm.s32 @p2 $0x1082  }
0x22: {  	[simem:s7], [sflag:s8] =	dma.local @!p0 [hbm:s6], $0xF7A  }
0x23: {  	s9 =	sor.u32 $0xD0000000, s2;
	s6 =	simm.s32 $0x108;
	_ =	swait.ge @!p0 [sflag:s8], $0x0  }
0x24: {  	s3 =	sadd.s32 $0x88, s3;
	s6 =	simm.s32 @!p1 $0x1082;
	[sflag:s4] =	ssyncset.s32 $0xFFFFF086  }
0x25: {  	[simem:s6], [sflag:s4] =	dma.local [hbm:s3], $0xF7A  }
0x26: {  	[smem:$0x3F9D] =	sst s1;
	(tag) =	ssettag s2;
	_ =	strace s9  }
0x27: {  	s1 =	sld [smem:$0x3FAD]  }
0x28: {  	s2 =	sld [smem:$0x3FAE]  }
0x29: {  	s4 =	sld [smem:$0x3FB0]  }
0x2a: {  	p0 =	seq.s32 s5, $0x0;
	s5 =	sld [smem:$0x3FB1]  }
0x2b: {  	s6 =	sld [smem:$0x3FB2]  }
0x2c: {  	s7 =	sld [smem:$0x3FB3]  }
0x2d: {  	s3 =	simm.s32 $0x108;
	s8 =	sld [smem:$0x3FB4]  }
0x2e: {  	s3 =	simm.s32 @!p0 $0x1082;
	s9 =	sld [smem:$0x3FB5]  }
0x2f: {  	lr =	sadd.s32 s0, s3;
	s0 =	sld [smem:$0x3FAC]  }
0x30: {  	s3 =	sld [smem:$0x3FAF]  }
0x31: {  	[smem:$0x3FB8] =	sst s10  }
0x32: {  	s10 =	sld [smem:$0x3FB6];
	_ =	sdelay $0x3  }
0x33: {  	p0 =	seq.s32 s10, $0x1;
	s10 =	sld [smem:$0x3FB8];
	_ =	sdelay $0x3  }
0x34: {  	[smem:$0x3FB8] =	sst s10  }
0x35: {  	s10 =	sld [smem:$0x3FB7];
	_ =	sdelay $0x3  }
0x36: {  	p1 =	seq.s32 s10, $0x1;
	s10 =	sld [smem:$0x3FB8];
	_ =	sdelay $0x3  }
0x37: {  	[smem:$0x3FB8] =	sst s10  }
0x38: {  	s10 =	sld [smem:$0x3FB9]  }
0x39: {  	_ = 	snop;
	(pc) =	sbr.ind lr, $3  }
0x3a: {  	_ = 	snop  }
0x3b: {  	_ = 	snop  }
0x3c: {  	p2 =	seq.s32 s10, $0x1;
	s10 =	sld [smem:$0x3FB8]  }
0x3d: {  	_ =	shalt  }
0x3e: {  	_ =	shalt  }
0x3f: {  	_ =	shalt  }
0x40: {  	_ =	shalt  }
0x41: {  	_ =	shalt  }
0x42: {  	_ =	shalt  }
0x43: {  	_ =	shalt  }
0x44: {  	_ =	shalt  }
0x45: {  	_ =	shalt  }
0x46: {  	_ =	shalt  }
0x47: {  	_ =	shalt  }
0x48: {  	_ =	shalt  }
0x49: {  	_ =	shalt  }
0x4a: {  	_ =	shalt  }
0x4b: {  	_ =	shalt  }
0x4c: {  	_ =	shalt  }
0x4d: {  	_ =	shalt  }
0x4e: {  	_ =	shalt  }
0x4f: {  	_ =	shalt  }
0x50: {  	_ =	shalt  }
0x51: {  	_ =	shalt  }
0x52: {  	_ =	shalt  }
0x53: {  	_ =	shalt  }
0x54: {  	_ =	shalt  }
0x55: {  	_ =	shalt  }
0x56: {  	_ =	shalt  }
0x57: {  	_ =	shalt  }
0x58: {  	_ =	shalt  }
0x59: {  	_ =	shalt  }
0x5a: {  	_ =	shalt  }
0x5b: {  	_ =	shalt  }
0x5c: {  	_ =	shalt  }
0x5d: {  	_ =	shalt  }
0x5e: {  	_ =	shalt  }
0x5f: {  	_ =	shalt  }
0x60: {  	_ =	shalt  }
0x61: {  	_ =	shalt  }
0x62: {  	_ =	shalt  }
0x63: {  	_ =	shalt  }
0x64: {  	_ =	shalt  }
0x65: {  	_ =	shalt  }
0x66: {  	_ =	shalt  }
0x67: {  	_ =	shalt  }
0x68: {  	_ =	shalt  }
0x69: {  	_ =	shalt  }
0x6a: {  	_ =	shalt  }
0x6b: {  	_ =	shalt  }
0x6c: {  	_ =	shalt  }
0x6d: {  	_ =	shalt  }
0x6e: {  	_ =	shalt  }
0x6f: {  	_ =	shalt  }
0x70: {  	_ =	shalt  }
0x71: {  	_ =	shalt  }
0x72: {  	_ =	shalt  }
0x73: {  	_ =	shalt  }
0x74: {  	_ =	shalt  }
0x75: {  	_ =	shalt  }
0x76: {  	_ =	shalt  }
0x77: {  	_ =	shalt  }
0x78: {  	_ =	shalt  }
0x79: {  	_ =	shalt  }
0x7a: {  	_ =	shalt  }
0x7b: {  	_ =	shalt  }
0x7c: {  	_ =	shalt  }
0x7d: {  	_ =	shalt  }
0x7e: {  	_ =	shalt  }
0x7f: {  	_ =	shalt  }
0x80: {  	_ =	shalt  }
0x81: {  	_ =	shalt  }
0x82: {  	_ =	shalt  }
0x83: {  	_ =	shalt  }
0x84: {  	_ =	shalt  }
0x85: {  	_ =	shalt  }
0x86: {  	_ =	shalt  }
0x87: {  	_ =	shalt  }
.Lfunc_end0:
.L_simem_size_0:
called_computation_lowered:
.L_overlay_start_0:
0x88: {  	s2 =	sld [smem:$0x3FD9]  }
0x89: {  	s3 =	sld [smem:$0x3FFE];
	_ =	sdelay $0x1  }
0x8a: {  	s1 =	srdreg.scid  }
0x8b: {  	s0 =	sand.u32 $0x1, s1  }
0x8c: {  	s17 =	sshll.u32 s0, $0xA;
	s2 =	sadd.s32 s3, s2  }
0x8d: {  	s2 =	sadd.s32 s2, s17  }
0x8e: {  	[smem:$0x3FC4] =	sst s2  }
0x8f: {  	_ = 	snop  }
0x90: {  	s2 =	sld [smem:$0x3FC7]  }
0x91: {  	s18 =	sld [smem:$0x3FC6]  }
0x92: {  	s4 =	sld [smem:$0x3FD0];
	(tm) =	ssettm $0x1  }
0x93: {  	s5 =	sld [smem:$0x3FFB];
	_ =	sdelay $0x3  }
0x94: {  	_ =	strace s5  }
0x95: {  	s5 =	sld [smem:$0x3FFC];
	_ =	sdelay $0x3  }
0x96: {  	_ =	strace s5  }
0x97: {  	s5 =	sld [smem:$0x3FFD];
	_ =	sdelay $0x3  }
0x98: {  	_ =	strace s5  }
0x99: {  	_ =	strace $0x8FFFFFFF  }
0x9a: {  	s19 =	sld [smem:$0x3FDB];
	_ =	sdelay $0x1  }
0x9b: {  	s6 =	simm.s32 $_scs_section_size  }
0x9c: {  	s7 =	simm.s32 $_size__tile_overlayer_lowered;
	s8 =	simm.s32 $_tile_overlayer_lowered  }
0x9d: {  	s22 =	simm.s32 $0x1BFF;
	s21 =	sshll.u32 s8, $0x1;
	s5 =	sadd.s32 s6, s19  }
0x9e: {  	s9 =	simm.s32 $0x0;
	s20 =	sshll.u32 s7, $0x1;
	s7 =	sadd.s32 s21, s5  }
0x9f: {  	[timem:s9], [sflag:s22] =	dma.local [hbm:s7], s20  }
0xa0: {  	_ =	swait.ge [sflag:s22], s20  }
0xa1: {  	s6 =	ssub.s32 $0x0, s20;
	[sflag:s22] =	ssyncset.done $0x0  }
0xa2: {  	[sflag:s22] =	ssyncadd.s32 s6;
	_ =	sdelay $0x1  }
0xa3: {  	s23 =	simm.s32 $0x1B8B  }
0xa4: {  	_ =	swait.ge [sflag:s23], $0x1  }
0xa5: {  	[sflag:s23] =	ssyncset.done $0x0  }
0xa6: {  	s25 =	simm.s32 $0x1B8E;
	s24 =	sld [smem:$0x3FFE];
	[sflag:s23] =	ssyncadd.s32 $0xFFFFFFFF  }
0xa7: {  	s26 =	simm.s32 $execute0_lowered;
	[smem:$0x3FD2] =	sst s25  }
0xa8: {  	s7 =	sshll.u32 s26, $0x1;
	_ =	strace $0x80000046;
	[dreg:$0x1] =	wrdreg $0xFFFFFFFF  }
0xa9: {  	s28 =	simm.s32 $_size_execute0_lowered;
	s5 =	sadd.s32 s5, s7;
	[dreg:$0x0] =	wrdreg $0x0  }
0xaa: {  	s7 =	sshll.u32 s28, $0x1;
	[dreg:$0x2] =	wrdreg s5  }
0xab: {  	[dreg:$0x3] =	wrdreg s7  }
0xac: {  	[dreg:$0x4] =	wrdreg $0xC0  }
0xad: {  	_ =	task [dreg:s9], $0x5FFFF  }
0xae: {  	[dreg:$0x1] =	wrdreg $0xFFFFFFFF  }
0xaf: {  	[dreg:$0x0] =	wrdreg $0x60  }
0xb0: {  	[dreg:$0x2] =	wrdreg s24  }
0xb1: {  	[dreg:$0x3] =	wrdreg s2  }
0xb2: {  	[dreg:$0x4] =	wrdreg s18  }
0xb3: {  	[dreg:$0x5] =	wrdreg s4  }
0xb4: {  	[dreg:$0x6] =	wrdreg $0x9  }
0xb5: {  	_ =	task.clear_ibuf [dreg:s9], $0x7FFFF;
	_ =	strace $0x90000046  }
0xb6: {  	s29 =	simm.s32 $0x9;
	_ =	strace $0x80000048  }
0xb7: {  	_ =	swait.ge [sflag:s29], $0x1  }
0xb8: {  	[sflag:s29] =	ssyncadd.s32 $0xFFFFFFFF  }
0xb9: {  	_ =	strace $0x90000048  }
0xba: {  	_ =	sfence  }
0xbb: {  	s30 =	sld [smem:$0x0];
	_ =	sdelay $0x2  }
0xbc: {  	s31 =	sshll.u32 s1, $0xD;
	s1 =	sshrl.u32 s1, $0x2  }
0xbd: {  	s3 =	sand.u32 $0x4000, s31;
	s1 =	sadd.s32 s1, s30  }
0xbe: {  	s0 =	sor.u32 s3, s0;
	s1 =	sshll.u32 s1, $0x11  }
0xbf: {  	s0 =	sor.u32 s1, s0  }
0xc0: {  	s0 =	sadd.s32 $0x8F2B, s0  }
0xc1: {  	[sflag:s0] =	ssyncadd.remote.s32 $0x1  }
0xc2: {  	_ =	sfence.sel $0xFFFF  }
0xc3: {  	[dreg:$0x0] =	wrdreg $0xFFFFFFFF;
	(pc) =	sbr.abs _section_cstart, $3  }
0xc4: {  	[dreg:$0x1] =	wrdreg $0xFFFFFFFF  }
0xc5: {  	_ =	task.clear_ibuf [dreg:s9], $0x2FFFF;
	_ =	strace $0x9FFFFFFF  }
0xc6: {  	(tm) =	ssettm $0x7FFFFFFF  }
0xc7: {  	_ =	shalt  }
tec
execute0_lowered:
.L_overlay_start_1:
0x0: {  	(tag) =	ssettag $0x1  }
0x1: {  	s0 =	rddreg [dreg:$0x0]  }
0x2: {  	s28 =	rddreg [dreg:$0x1];
	s2 =	srdreg.scid  }
0x3: {  	s1 =	stileid.u32;
	s6 =	rddreg [dreg:$0x3]  }
0x4: {  	s9 =	simm.s32 $0x0;
	s2 =	sand.u32 $0x1, s2;
	s3 =	sshll.u32 s1, $0xA  }
0x5: {  	[smem:$0x7FF] =	sst s9;
	s5 =	sshll.u32 s2, $0x9;
	s2 =	ssub.s32 $0x2, s2  }
0x6: {  	s30 =	sadd.s32 $0x100, s28;
	s5 =	sor.u32 s5, s3;
	s26 =	sshrl.u32 s2, $0x1  }
0x7: {  	_ =	strace $0x80000047;
	s3 =	sshrl.u32 s5, $0x3;
	s2 =	ssub.s32 s2, s26  }
0x8: {  	[smem:$0x7FC] =	sst s30;
	s0 =	sadd.s32 s3, s0;
	s31 =	smax.u32 s2, $0x1  }
0x9: {  	v0 =	vlaneseq.u32;
	s10 =	sadd.s32 $0x200, s28;
	s29 =	sadd.s32 $0xC00, s0;
	[smem:$0x7FD] =	sst s31  }
0xa: {  	s11 =	sadd.s32 $0x300, s28;
	v1 =	vshrl.u32 v0, $0x3;
	s0 =	sadd.s32 $0x400, s0;
	[smem:$0x7FA] =	sst s29  }
0xb: {  	vm0 =	vmmov $0xffff;
	v0 =	vand.u32 $0x7, v0;
	v1 =	vmul.u32 $0x8, v1;
	s26 =	simm.s32 $0xC480;
	s2 =	simm.s32 $0x0;
	[smem:$0x7FB] =	sst s0  }
.LBB2_1:
0xc: {  	s0 =	sld [smem:$0x7FA];
	_ =	sdelay $0x1  }
0xd: {  	[smem:$0x7F9] =	sst s2;
	s1 =	simm.s32 $0x11  }
0xe: {  	[tilespmem:s9], [sflag:$0x11] =	stream.linear.gather [hbm4b:s0+s9], $0x200, $0x38;
	[tilespmem:$0x11480] =	vst v63  }
0xf: {  	_ =	swait.ge [sflag:s1], $0x200  }
0x10: {  	s22 =	sld [smem:$0x7FB]  }
0x11: {  	[sflag:s1] =	ssyncset.done $0x0  }
0x12: {  	s23 =	simm.s32 $0x200;
	[sflag:s1] =	ssyncadd.s32 $0xFFFFFE00  }
0x13: {  	[tilespmem:s23], [sflag:$0x11] =	stream.linear.gather [hbm4b:s22+s9], $0x200, $0x38;
	[tilespmem:$0x11480] =	vst v63  }
0x14: {  	_ =	swait.ge [sflag:s1], $0x200  }
0x15: {  	[sflag:s1] =	ssyncset.done $0x0  }
0x16: {  	[sflag:s1] =	ssyncadd.s32 $0xFFFFFE00  }
0x17: {  	s25 =	simm.s32 $0x10480;
	s24 =	rddreg [dreg:$0x2]  }
0x18: {  	[tilespmem:s25], [sflag:$0x11] =	stream.linear.gather [hbm4b:s24+s9], $0x1000, $0x38;
	[tilespmem:$0x11480] =	vst v63  }
0x19: {  	_ =	swait.ge [sflag:s1], $0x1000  }
0x1a: {  	[sflag:s1] =	ssyncset.done $0x0  }
0x1b: {  	[sflag:s1] =	ssyncadd.s32 $0xFFFFF000  }
0x1c: {  	v2 =	vld.msk [tilespmem:$0x0], $0xff;
	_ =	sdelay $0x4  }
0x1d: {  	v3 =	vshll.u32 v2, $0x3  }
0x1e: {  	v2 =	vand.u32 $0x7, v2;
	v3 =	vand.u32 $0xFFFFFFC0, v3  }
0x1f: {  	v2 =	vor.u32 v2, v3  }
0x20: {  	v2 =	vperm.xlane v2, v0;
	_ =	sdelay $0x1  }
0x21: {  	v2 =	vadd.s32 v1, v2;
	_ =	sdelay $0x3  }
0x22: {  	s29 =	simm.s32 $0x480;
	s30 =	sld [smem:$0x7FC]  }
0x23: {  	[tilespmem:s29], [sflag:$0x1] =	stream.indirect_vreg.gather [hbm4b:s28+s9], $0x80, v2, vm0, $0xb8;
	[tilespmem:$0x11480] =	vst v63  }
0x24: {  	s31 =	simm.s32 $0xC80  }
0x25: {  	[tilespmem:s31], [sflag:$0x1] =	stream.indirect_vreg.gather [hbm4b:s30+s9], $0x80, v2, vm0, $0xb8;
	[tilespmem:$0x11480] =	vst v63  }
0x26: {  	s2 =	simm.s32 $0x1480  }
0x27: {  	[tilespmem:s2], [sflag:$0x1] =	stream.indirect_vreg.gather [hbm4b:s10+s9], $0x80, v2, vm0, $0xb8;
	[tilespmem:$0x11480] =	vst v63  }
0x28: {  	s3 =	simm.s32 $0x1C80  }
0x29: {  	[tilespmem:s3], [sflag:$0x1] =	stream.indirect_vreg.gather [hbm4b:s11+s9], $0x80, v2, vm0, $0xb8;
	[tilespmem:$0x11480] =	vst v63  }
0x2a: {  	v2 =	vld.msk [tilespmem:$0x8], $0xff;
	_ =	sdelay $0x4  }
0x2b: {  	v3 =	vshll.u32 v2, $0x3  }
0x2c: {  	v2 =	vand.u32 $0x7, v2;
	v3 =	vand.u32 $0xFFFFFFC0, v3  }
0x2d: {  	v2 =	vor.u32 v2, v3  }
0x2e: {  	v2 =	vperm.xlane v2, v0;
	_ =	sdelay $0x1  }
0x2f: {  	v2 =	vadd.s32 v1, v2;
	_ =	sdelay $0x3  }
0x30: {  	s4 =	simm.s32 $0x2480  }
0x31: {  	[tilespmem:s4], [sflag:$0x2] =	stream.indirect_vreg.gather [hbm4b:s28+s9], $0x80, v2, vm0, $0xb8;
	[tilespmem:$0x11480] =	vst v63  }
0x32: {  	s7 =	simm.s32 $0x2C80  }
0x33: {  	[tilespmem:s7], [sflag:$0x2] =	stream.indirect_vreg.gather [hbm4b:s30+s9], $0x80, v2, vm0, $0xb8;
	[tilespmem:$0x11480] =	vst v63  }
0x34: {  	s8 =	simm.s32 $0x3480  }
0x35: {  	[tilespmem:s8], [sflag:$0x2] =	stream.indirect_vreg.gather [hbm4b:s10+s9], $0x80, v2, vm0, $0xb8;
	[tilespmem:$0x11480] =	vst v63  }
0x36: {  	s12 =	simm.s32 $0x3C80  }
0x37: {  	[tilespmem:s12], [sflag:$0x2] =	stream.indirect_vreg.gather [hbm4b:s11+s9], $0x80, v2, vm0, $0xb8;
	[tilespmem:$0x11480] =	vst v63  }
0x38: {  	v2 =	vld.msk [tilespmem:$0x10], $0xff;
	_ =	sdelay $0x4  }
0x39: {  	v3 =	vshll.u32 v2, $0x3  }
0x3a: {  	v2 =	vand.u32 $0x7, v2;
	v3 =	vand.u32 $0xFFFFFFC0, v3  }
0x3b: {  	v2 =	vor.u32 v2, v3  }
0x3c: {  	v2 =	vperm.xlane v2, v0;
	_ =	sdelay $0x1  }
0x3d: {  	v2 =	vadd.s32 v1, v2;
	_ =	sdelay $0x3  }
0x3e: {  	s13 =	simm.s32 $0x4480  }
0x3f: {  	[tilespmem:s13], [sflag:$0x3] =	stream.indirect_vreg.gather [hbm4b:s28+s9], $0x80, v2, vm0, $0xb8;
	[tilespmem:$0x11480] =	vst v63  }
0x40: {  	s14 =	simm.s32 $0x4C80  }
0x41: {  	[tilespmem:s14], [sflag:$0x3] =	stream.indirect_vreg.gather [hbm4b:s30+s9], $0x80, v2, vm0, $0xb8;
	[tilespmem:$0x11480] =	vst v63  }
0x42: {  	s15 =	simm.s32 $0x5480  }
0x43: {  	[tilespmem:s15], [sflag:$0x3] =	stream.indirect_vreg.gather [hbm4b:s10+s9], $0x80, v2, vm0, $0xb8;
	[tilespmem:$0x11480] =	vst v63  }
0x44: {  	s16 =	simm.s32 $0x5C80  }
0x45: {  	[tilespmem:s16], [sflag:$0x3] =	stream.indirect_vreg.gather [hbm4b:s11+s9], $0x80, v2, vm0, $0xb8;
	[tilespmem:$0x11480] =	vst v63  }
0x46: {  	v2 =	vld.msk [tilespmem:$0x18], $0xff;
	_ =	sdelay $0x4  }
0x47: {  	v3 =	vshll.u32 v2, $0x3  }
0x48: {  	v2 =	vand.u32 $0x7, v2;
	v3 =	vand.u32 $0xFFFFFFC0, v3  }
0x49: {  	v2 =	vor.u32 v2, v3  }
0x4a: {  	v2 =	vperm.xlane v2, v0;
	_ =	sdelay $0x1  }
0x4b: {  	v2 =	vadd.s32 v1, v2;
	_ =	sdelay $0x3  }
0x4c: {  	s17 =	simm.s32 $0x6480  }
0x4d: {  	[tilespmem:s17], [sflag:$0x4] =	stream.indirect_vreg.gather [hbm4b:s28+s9], $0x80, v2, vm0, $0xb8;
	[tilespmem:$0x11480] =	vst v63  }
0x4e: {  	s18 =	simm.s32 $0x6C80  }
0x4f: {  	[tilespmem:s18], [sflag:$0x4] =	stream.indirect_vreg.gather [hbm4b:s30+s9], $0x80, v2, vm0, $0xb8;
	[tilespmem:$0x11480] =	vst v63  }
0x50: {  	s19 =	simm.s32 $0x7480  }
0x51: {  	[tilespmem:s19], [sflag:$0x4] =	stream.indirect_vreg.gather [hbm4b:s10+s9], $0x80, v2, vm0, $0xb8;
	[tilespmem:$0x11480] =	vst v63  }
0x52: {  	s20 =	simm.s32 $0x7C80  }
0x53: {  	[tilespmem:s20], [sflag:$0x4] =	stream.indirect_vreg.gather [hbm4b:s11+s9], $0x80, v2, vm0, $0xb8;
	[tilespmem:$0x11480] =	vst v63  }
0x54: {  	v2 =	vld.msk [tilespmem:$0x20], $0xff;
	_ =	sdelay $0x4  }
0x55: {  	v3 =	vshll.u32 v2, $0x3  }
0x56: {  	v2 =	vand.u32 $0x7, v2;
	v3 =	vand.u32 $0xFFFFFFC0, v3  }
0x57: {  	v2 =	vor.u32 v2, v3  }
0x58: {  	v2 =	vperm.xlane v2, v0;
	_ =	sdelay $0x1  }
0x59: {  	v2 =	vadd.s32 v1, v2;
	_ =	sdelay $0x3  }
0x5a: {  	s21 =	simm.s32 $0x8480  }
0x5b: {  	[tilespmem:s21], [sflag:$0x5] =	stream.indirect_vreg.gather [hbm4b:s28+s9], $0x80, v2, vm0, $0xb8;
	[tilespmem:$0x11480] =	vst v63  }
0x5c: {  	s22 =	simm.s32 $0x8C80  }
0x5d: {  	[tilespmem:s22], [sflag:$0x5] =	stream.indirect_vreg.gather [hbm4b:s30+s9], $0x80, v2, vm0, $0xb8;
	[tilespmem:$0x11480] =	vst v63  }
0x5e: {  	s23 =	simm.s32 $0x9480  }
0x5f: {  	[tilespmem:s23], [sflag:$0x5] =	stream.indirect_vreg.gather [hbm4b:s10+s9], $0x80, v2, vm0, $0xb8;
	[tilespmem:$0x11480] =	vst v63  }
0x60: {  	s24 =	simm.s32 $0x9C80  }
0x61: {  	[tilespmem:s24], [sflag:$0x5] =	stream.indirect_vreg.gather [hbm4b:s11+s9], $0x80, v2, vm0, $0xb8;
	[tilespmem:$0x11480] =	vst v63  }
0x62: {  	v2 =	vld.msk [tilespmem:$0x28], $0xff;
	_ =	sdelay $0x4  }
0x63: {  	v3 =	vshll.u32 v2, $0x3  }
0x64: {  	v2 =	vand.u32 $0x7, v2;
	v3 =	vand.u32 $0xFFFFFFC0, v3  }
0x65: {  	v2 =	vor.u32 v2, v3  }
0x66: {  	v2 =	vperm.xlane v2, v0;
	_ =	sdelay $0x1  }
0x67: {  	v2 =	vadd.s32 v1, v2;
	_ =	sdelay $0x3  }
0x68: {  	s25 =	simm.s32 $0xA480  }
0x69: {  	[tilespmem:s25], [sflag:$0x6] =	stream.indirect_vreg.gather [hbm4b:s28+s9], $0x80, v2, vm0, $0xb8;
	[tilespmem:$0x11480] =	vst v63  }
0x6a: {  	s29 =	simm.s32 $0xAC80  }
0x6b: {  	[tilespmem:s29], [sflag:$0x6] =	stream.indirect_vreg.gather [hbm4b:s30+s9], $0x80, v2, vm0, $0xb8;
	[tilespmem:$0x11480] =	vst v63  }
0x6c: {  	s30 =	simm.s32 $0xB480  }
0x6d: {  	[tilespmem:s30], [sflag:$0x6] =	stream.indirect_vreg.gather [hbm4b:s10+s9], $0x80, v2, vm0, $0xb8;
	[tilespmem:$0x11480] =	vst v63  }
0x6e: {  	s31 =	simm.s32 $0xBC80;
	s3 =	simm.s32 $0x0  }
0x6f: {  	[tilespmem:s31], [sflag:$0x6] =	stream.indirect_vreg.gather [hbm4b:s11+s9], $0x80, v2, vm0, $0xb8;
	[tilespmem:$0x11480] =	vst v63  }
.LBB2_2:
0x70: {  	s20 =	sshll.u32 s3, $0x6  }
0x71: {  	v2 =	vld [tilespmem:s20+$0x200];
	_ =	sdelay $0x4  }
0x72: {  	(v2sf) =	vpush v2, $0x0  }
0x73: {  	(v2sf) =	vpush v2, $0x1  }
0x74: {  	(v2sf) =	vpush v2, $0x2  }
0x75: {  	(v2sf) =	vpush v2, $0x3  }
0x76: {  	(v2sf) =	vpush v2, $0x4  }
0x77: {  	(v2sf) =	vpush v2, $0x5  }
0x78: {  	(v2sf) =	vpush v2, $0x6  }
0x79: {  	(v2sf) =	vpush v2, $0x7;
	_ =	sdelay $0x7  }
0x7a: {  	s15 =	spop (v2sf)  }
0x7b: {  	s17 =	spop (v2sf)  }
0x7c: {  	s18 =	spop (v2sf)  }
0x7d: {  	s19 =	spop (v2sf)  }
0x7e: {  	s21 =	spop (v2sf)  }
0x7f: {  	s8 =	spop (v2sf)  }
0x80: {  	s7 =	spop (v2sf)  }
0x81: {  	s1 =	simm.s32 $0x1;
	s0 =	spop (v2sf)  }
0x82: {  	_ =	swait.ge [sflag:s1], $0x2000  }
0x83: {  	p0 =	seq.s32 s3, $0x0;
	[sflag:s1] =	ssyncset.done $0x0  }
0x84: {  	s14 =	sshll.u32 s3, $0x3;
	s22 =	simm.s32 @!p0 $0xF;
	[sflag:s1] =	ssyncadd.s32 $0xFFFFE000  }
0x85: {  	s16 =	sor.u32 $0x6, s14;
	_ =	swait.ge @!p0 [sflag:s22], $0x2000  }
0x86: {  	s16 =	sshll.u32 s16, $0x3;
	[sflag:s22] =	ssyncset.done @!p0 $0x0  }
0x87: {  	s25 =	sand.u32 $0x3FFFFFF8, s16;
	[sflag:s22] =	ssyncadd.s32 @!p0 $0xFFFFE000  }
0x88: {  	v2 =	vld.msk [tilespmem:s25+$0x0], $0xff;
	_ =	sdelay $0x4  }
0x89: {  	s9 =	smov.u32 s5;
	s5 =	smov.u32 s6;
	s6 =	smov.u32 s28;
	v3 =	vshll.u32 v2, $0x3  }
0x8a: {  	s2 =	simm.s32 $0xCC80;
	s23 =	sshll.u32 s15, $0xA;
	s15 =	sshll.u32 s15, $0x7;
	v2 =	vand.u32 $0x7, v2;
	v3 =	vand.u32 $0xFFFFFFC0, v3  }
0x8b: {  	s23 =	sand.u32 $0xFFFFF000, s23;
	s15 =	sand.u32 $0x180, s15;
	s4 =	sshll.u32 s17, $0xA;
	v2 =	vor.u32 v2, v3  }
0x8c: {  	s17 =	sshll.u32 s17, $0x7;
	s15 =	sor.u32 s15, s23;
	s12 =	sand.u32 $0xFFFFF000, s4;
	v2 =	vperm.xlane v2, v0  }
0x8d: {  	s17 =	sand.u32 $0x180, s17;
	s13 =	sshll.u32 s18, $0xA;
	s18 =	sshll.u32 s18, $0x7  }
0x8e: {  	s15 =	sadd.s32 $0x10480, s15;
	s18 =	sand.u32 $0x180, s18;
	s1 =	sshll.u32 s8, $0xA;
	v2 =	vadd.s32 v1, v2  }
0x8f: {  	s8 =	sshll.u32 s8, $0x7;
	[dreg:$0x5] =	wrdreg s15;
	s15 =	sor.u32 s17, s12  }
0x90: {  	s17 =	sand.u32 $0xFFFFF000, s13;
	s8 =	sand.u32 $0x180, s8;
	s13 =	simm.s32 $0x0  }
0x91: {  	s15 =	sadd.s32 $0x10480, s15;
	s17 =	sor.u32 s18, s17;
	s12 =	rddreg [dreg:$0x5]  }
0x92: {  	s18 =	sshll.u32 s19, $0xA;
	s22 =	simm.s32 $0x0;
	[dreg:$0x6] =	wrdreg s15  }
0x93: {  	[tilespmem:s26], [sflag:$0x7] =	stream.indirect_vreg.gather [hbm4b:s28+s22], $0x80, v2, vm0, $0xb8;
	[tilespmem:$0x11480] =	vst v63  }
0x94: {  	s19 =	sshll.u32 s19, $0x7;
	s30 =	sand.u32 $0xFFFFFE00, s13;
	s26 =	sld [smem:$0x7FC]  }
0x95: {  	s15 =	sadd.s32 $0x10480, s17;
	s23 =	sand.u32 $0xFFFFF000, s18;
	s24 =	sand.u32 $0x180, s19  }
0x96: {  	[dreg:$0x7] =	wrdreg s15;
	s15 =	sor.u32 s24, s23;
	s25 =	sshll.u32 s21, $0xA  }
0x97: {  	[tilespmem:s2], [sflag:$0x7] =	stream.indirect_vreg.gather [hbm4b:s26+s22], $0x80, v2, vm0, $0xb8;
	[tilespmem:$0x11480] =	vst v63  }
0x98: {  	s15 =	sadd.s32 $0x10480, s15;
	s17 =	sand.u32 $0xFFFFF000, s25;
	s26 =	sshll.u32 s21, $0x7  }
0x99: {  	[dreg:$0x8] =	wrdreg s15;
	s28 =	simm.s32 $0xD480;
	s18 =	sand.u32 $0x180, s26  }
0x9a: {  	[tilespmem:s28], [sflag:$0x7] =	stream.indirect_vreg.gather [hbm4b:s10+s22], $0x80, v2, vm0, $0xb8;
	[tilespmem:$0x11480] =	vst v63  }
0x9b: {  	s2 =	simm.s32 $0xDC80;
	s28 =	sor.u32 s18, s17;
	s17 =	sand.u32 $0xFFFFF000, s1  }
0x9c: {  	[tilespmem:s2], [sflag:$0x7] =	stream.indirect_vreg.gather [hbm4b:s11+s22], $0x80, v2, vm0, $0xb8;
	[tilespmem:$0x11480] =	vst v63  }
0x9d: {  	s8 =	sor.u32 s8, s17;
	s2 =	sshll.u32 s7, $0xA;
	s7 =	sshll.u32 s7, $0x7  }
0x9e: {  	s8 =	sadd.s32 $0x10480, s8;
	s4 =	sand.u32 $0xFFFFF000, s2;
	s7 =	sand.u32 $0x180, s7  }
0x9f: {  	s18 =	sand.u32 $0x60, s22;
	[dreg:$0xa] =	wrdreg s8;
	s7 =	sor.u32 s7, s4  }
0xa0: {  	s8 =	sshll.u32 s0, $0xA;
	s0 =	sshll.u32 s0, $0x7;
	s7 =	sadd.s32 $0x10480, s7  }
0xa1: {  	s0 =	sand.u32 $0x180, s0;
	[dreg:$0xb] =	wrdreg s7;
	s7 =	sand.u32 $0xFFFFF000, s8  }
0xa2: {  	s15 =	sadd.s32 $0x10480, s28;
	s17 =	sadd.s32 s30, s12;
	s0 =	sor.u32 s0, s7  }
0xa3: {  	[dreg:$0x9] =	wrdreg s15;
	s15 =	sor.u32 $0x10, s18;
	s0 =	sadd.s32 $0x10480, s0  }
0xa4: {  	s19 =	sadd.s32 s15, s17;
	[dreg:$0xc] =	wrdreg s0  }
0xa5: {  	v2 =	vld [tilespmem:s19+$0x0]  }
0xa6: {  	s22 =	simm.s32 $0x0  }
0xa7: {  	s21 =	sadd.s32 s18, s17;
	s24 =	sand.u32 $0x3FFFFC00, s22  }
0xa8: {  	s23 =	rddreg [dreg:$0x6];
	s0 =	sadd.s32 $0x480, s24;
	v3 =	vld [tilespmem:s21+$0x0]  }
0xa9: {  	s25 =	sadd.s32 s30, s23;
	s19 =	sor.u32 s15, s0  }
0xaa: {  	s8 =	sadd.s32 s15, s25;
	[tilespmem:s19+$0x0] =	vst.add.f32.msk $0xffff, v2  }
0xab: {  	v2 =	vld [tilespmem:s8+$0x0]  }
0xac: {  	s24 =	sor.u32 s18, s0  }
0xad: {  	s26 =	sadd.s32 s18, s25;
	[tilespmem:s24+$0x0] =	vst.add.f32.msk $0xffff, v3  }
0xae: {  	s28 =	rddreg [dreg:$0x7];
	v3 =	vld [tilespmem:s26+$0x0]  }
0xaf: {  	s1 =	sadd.s32 s30, s28  }
0xb0: {  	s7 =	sadd.s32 s15, s1;
	[tilespmem:s19+$0x80] =	vst.add.f32.msk $0xffff, v2  }
0xb1: {  	v2 =	vld [tilespmem:s7+$0x0];
	_ =	sdelay $0x1  }
0xb2: {  	s0 =	sadd.s32 s18, s1;
	[tilespmem:s24+$0x80] =	vst.add.f32.msk $0xffff, v3  }
0xb3: {  	s2 =	rddreg [dreg:$0x8];
	v3 =	vld [tilespmem:s0+$0x0]  }
0xb4: {  	s12 =	sor.u32 $0x100, s19;
	s4 =	sadd.s32 s30, s2  }
0xb5: {  	s13 =	sadd.s32 s15, s4;
	[tilespmem:s12+$0x0] =	vst.add.f32.msk $0xffff, v2  }
0xb6: {  	v2 =	vld [tilespmem:s13+$0x0]  }
0xb7: {  	s17 =	sor.u32 $0x100, s24  }
0xb8: {  	s0 =	sadd.s32 s18, s4;
	[tilespmem:s17+$0x0] =	vst.add.f32.msk $0xffff, v3  }
0xb9: {  	s21 =	rddreg [dreg:$0x9];
	v3 =	vld [tilespmem:s0+$0x0]  }
0xba: {  	s7 =	sadd.s32 s30, s21  }
0xbb: {  	s22 =	sadd.s32 s15, s7;
	[tilespmem:s19+$0x180] =	vst.add.f32.msk $0xffff, v2  }
0xbc: {  	s31 =	simm.s32 $0x20;
	s25 =	simm.s32 $0x80;
	v2 =	vld [tilespmem:s22+$0x0]  }
0xbd: {  	s23 =	rddreg [dreg:$0x5];
	s17 =	sand.u32 $0xFFFFFE00, s25;
	s0 =	sand.u32 $0x60, s31  }
0xbe: {  	s8 =	sadd.s32 s17, s23;
	s23 =	sor.u32 $0x10, s0;
	s7 =	sadd.s32 s18, s7;
	[tilespmem:s24+$0x180] =	vst.add.f32.msk $0xffff, v3  }
0xbf: {  	s28 =	sadd.s32 s23, s8;
	v3 =	vld [tilespmem:s7+$0x0]  }
0xc0: {  	s1 =	sor.u32 $0x200, s19;
	v4 =	vld [tilespmem:s28+$0x0];
	s26 =	rddreg [dreg:$0xa]  }
0xc1: {  	s4 =	simm.s32 $0x100;
	s2 =	sadd.s32 s0, s8;
	s21 =	sadd.s32 s30, s26;
	[tilespmem:s1+$0x0] =	vst.add.f32.msk $0xffff, v2  }
0xc2: {  	s13 =	sand.u32 $0x3FFFFC00, s4;
	s29 =	sadd.s32 s15, s21;
	v2 =	vld [tilespmem:s2+$0x0]  }
0xc3: {  	s12 =	rddreg [dreg:$0x6];
	s25 =	sor.u32 $0x200, s24;
	s7 =	sadd.s32 $0x480, s13;
	v5 =	vld [tilespmem:s29+$0x0]  }
0xc4: {  	s26 =	sadd.s32 s17, s12;
	[tilespmem:s25+$0x0] =	vst.add.f32.msk $0xffff, v3;
	s29 =	sor.u32 s23, s7  }
0xc5: {  	s13 =	sadd.s32 s23, s26;
	[tilespmem:s29+$0x0] =	vst.add.f32.msk $0xffff, v4  }
0xc6: {  	s22 =	sor.u32 s0, s7;
	v3 =	vld [tilespmem:s13+$0x0]  }
0xc7: {  	s12 =	rddreg [dreg:$0xb];
	[tilespmem:s22+$0x0] =	vst.add.f32.msk $0xffff, v2  }
0xc8: {  	s8 =	sadd.s32 s0, s26;
	s7 =	sadd.s32 s30, s12;
	[tilespmem:s19+$0x280] =	vst.add.f32.msk $0xffff, v5  }
0xc9: {  	s1 =	sadd.s32 s15, s7;
	s28 =	rddreg [dreg:$0x7];
	v2 =	vld [tilespmem:s8+$0x0]  }
0xca: {  	v4 =	vld [tilespmem:s1+$0x0];
	s2 =	sadd.s32 s17, s28  }
0xcb: {  	[tilespmem:s29+$0x80] =	vst.add.f32.msk $0xffff, v3;
	s25 =	sadd.s32 s23, s2  }
0xcc: {  	s8 =	sadd.s32 s0, s2;
	s2 =	sadd.s32 s18, s21;
	v3 =	vld [tilespmem:s25+$0x0]  }
0xcd: {  	v5 =	vld [tilespmem:s2+$0x0]  }
0xce: {  	s26 =	sor.u32 $0x300, s19;
	s4 =	rddreg [dreg:$0xc];
	[tilespmem:s22+$0x80] =	vst.add.f32.msk $0xffff, v2  }
0xcf: {  	s12 =	sadd.s32 s30, s4;
	[tilespmem:s26+$0x0] =	vst.add.f32.msk $0xffff, v4  }
0xd0: {  	s1 =	sadd.s32 s15, s12;
	v2 =	vld [tilespmem:s8+$0x0]  }
0xd1: {  	s15 =	sor.u32 $0x100, s29;
	s28 =	rddreg [dreg:$0x8];
	v4 =	vld [tilespmem:s1+$0x0]  }
0xd2: {  	s4 =	sadd.s32 s17, s28;
	[tilespmem:s15+$0x0] =	vst.add.f32.msk $0xffff, v3  }
0xd3: {  	s21 =	sadd.s32 s23, s4;
	[tilespmem:s24+$0x280] =	vst.add.f32.msk $0xffff, v5  }
0xd4: {  	s25 =	sor.u32 $0x100, s22;
	v3 =	vld [tilespmem:s21+$0x0]  }
0xd5: {  	s8 =	sadd.s32 s0, s4;
	[tilespmem:s25+$0x0] =	vst.add.f32.msk $0xffff, v2  }
0xd6: {  	s7 =	sadd.s32 s18, s7;
	v6 =	vld [tilespmem:s8+$0x0]  }
0xd7: {  	v2 =	vld [tilespmem:s7+$0x0];
	s13 =	rddreg [dreg:$0x9]  }
0xd8: {  	[tilespmem:s19+$0x380] =	vst.add.f32.msk $0xffff, v4;
	s26 =	sadd.s32 s17, s13  }
0xd9: {  	[tilespmem:s29+$0x180] =	vst.add.f32.msk $0xffff, v3;
	s28 =	sadd.s32 s23, s26  }
0xda: {  	s30 =	sor.u32 $0x300, s24;
	v4 =	vld [tilespmem:s28+$0x0]  }
0xdb: {  	s15 =	simm.s32 $0x2;
	s21 =	sadd.s32 s18, s12;
	s7 =	sadd.s32 s0, s26;
	[tilespmem:s22+$0x180] =	vst.add.f32.msk $0xffff, v6  }
0xdc: {  	s18 =	sor.u32 $0x300, s22;
	s19 =	sor.u32 $0x200, s22;
	v3 =	vld [tilespmem:s7+$0x0];
	s7 =	rddreg [dreg:$0xa]  }
.LBB2_3:
0xdd: {  	_ =	sdelay $0x1  }
0xde: {  	s15 =	sadd.s32 $0x2, s15;
	[tilespmem:s30+$0x0] =	vst.add.f32.msk $0xffff, v2  }
0xdf: {  	s8 =	rddreg [dreg:$0x5];
	s13 =	sor.u32 $0x200, s29;
	s12 =	sshll.u32 s15, $0x6;
	v5 =	vld [tilespmem:s21+$0x0]  }
0xe0: {  	s31 =	sadd.s32 $0x20, s31;
	s7 =	sadd.s32 s17, s7;
	s12 =	sand.u32 $0xFFFFFE00, s12;
	[tilespmem:s13+$0x0] =	vst.add.f32.msk $0xffff, v4  }
0xe1: {  	s25 =	sand.u32 $0x60, s31;
	s1 =	sadd.s32 s23, s7;
	s8 =	sadd.s32 s12, s8;
	[tilespmem:s19+$0x0] =	vst.add.f32.msk $0xffff, v3  }
0xe2: {  	s2 =	sadd.s32 s25, s8;
	v2 =	vld [tilespmem:s1+$0x0]  }
0xe3: {  	s26 =	sor.u32 $0x10, s25;
	v4 =	vld [tilespmem:s2+$0x0]  }
0xe4: {  	s8 =	sadd.s32 s26, s8;
	s13 =	sshll.u32 s15, $0x7  }
0xe5: {  	s7 =	sadd.s32 s0, s7;
	v3 =	vld [tilespmem:s8+$0x0];
	s8 =	sand.u32 $0x3FFFFC00, s13  }
0xe6: {  	s4 =	rddreg [dreg:$0xb];
	s30 =	smov.u32 s18;
	v6 =	vld [tilespmem:s7+$0x0];
	s28 =	sadd.s32 $0x480, s8  }
0xe7: {  	s18 =	rddreg [dreg:$0x6];
	s21 =	sadd.s32 s17, s4;
	s7 =	sor.u32 s25, s28;
	[tilespmem:s29+$0x280] =	vst.add.f32.msk $0xffff, v2  }
0xe8: {  	s19 =	sadd.s32 s23, s21;
	s13 =	sadd.s32 s12, s18;
	[tilespmem:s7+$0x0] =	vst.add.f32.msk $0xffff, v4  }
0xe9: {  	s1 =	sadd.s32 s25, s13;
	v2 =	vld [tilespmem:s19+$0x0]  }
0xea: {  	v4 =	vld [tilespmem:s1+$0x0]  }
0xeb: {  	s28 =	sor.u32 s26, s28  }
0xec: {  	s2 =	rddreg [dreg:$0xc];
	s13 =	sadd.s32 s26, s13;
	[tilespmem:s28+$0x0] =	vst.add.f32.msk $0xffff, v3  }
0xed: {  	s8 =	sadd.s32 s0, s21;
	s2 =	sadd.s32 s17, s2;
	s1 =	sor.u32 $0x300, s29;
	v3 =	vld [tilespmem:s13+$0x0]  }
0xee: {  	s17 =	smov.u32 s12;
	s21 =	sadd.s32 s0, s2;
	s13 =	rddreg [dreg:$0x7];
	[tilespmem:s1+$0x0] =	vst.add.f32.msk $0xffff, v2  }
0xef: {  	s12 =	sadd.s32 s23, s2;
	s0 =	smov.u32 s25;
	s13 =	sadd.s32 s17, s13;
	[tilespmem:s7+$0x80] =	vst.add.f32.msk $0xffff, v4  }
0xf0: {  	s25 =	sadd.s32 s0, s13;
	v2 =	vld [tilespmem:s12+$0x0]  }
0xf1: {  	s23 =	smov.u32 s26;
	v4 =	vld [tilespmem:s25+$0x0]  }
0xf2: {  	s2 =	sadd.s32 s23, s13;
	[tilespmem:s28+$0x80] =	vst.add.f32.msk $0xffff, v3  }
0xf3: {  	v3 =	vld [tilespmem:s2+$0x0]  }
0xf4: {  	s26 =	rddreg [dreg:$0x8];
	[tilespmem:s22+$0x280] =	vst.add.f32.msk $0xffff, v6  }
0xf5: {  	s4 =	sor.u32 $0x100, s7;
	s12 =	sadd.s32 s17, s26;
	[tilespmem:s29+$0x380] =	vst.add.f32.msk $0xffff, v2  }
0xf6: {  	s25 =	sadd.s32 s0, s12;
	s29 =	smov.u32 s28;
	[tilespmem:s4+$0x0] =	vst.add.f32.msk $0xffff, v4  }
0xf7: {  	s13 =	sor.u32 $0x100, s29;
	v6 =	vld [tilespmem:s25+$0x0]  }
0xf8: {  	s1 =	sadd.s32 s23, s12;
	[tilespmem:s13+$0x0] =	vst.add.f32.msk $0xffff, v3  }
0xf9: {  	v3 =	vld [tilespmem:s1+$0x0];
	_ =	sdelay $0x1  }
0xfa: {  	p1 =	slt.u32 s15, $0x3E;
	s26 =	rddreg [dreg:$0x9];
	v2 =	vld [tilespmem:s8+$0x0]  }
.Ltmp0:
0xfb: {  	[tilespmem:s24+$0x380] =	vst.add.f32.msk $0xffff, v5;
	s24 =	smov.u32 s22;
	s22 =	smov.u32 s7;
	(pc) =	sbr.rel @p1 .LBB2_3-.Ltmp0, $4  }
0xfc: {  	s1 =	sadd.s32 s17, s26;
	[tilespmem:s22+$0x180] =	vst.add.f32.msk $0xffff, v6  }
0xfd: {  	s28 =	sadd.s32 s0, s1;
	[tilespmem:s29+$0x180] =	vst.add.f32.msk $0xffff, v3  }
0xfe: {  	s1 =	sadd.s32 s23, s1;
	v3 =	vld [tilespmem:s28+$0x0]  }
0xff: {  	s18 =	sor.u32 $0x300, s7;
	s19 =	sor.u32 $0x200, s7;
	s7 =	rddreg [dreg:$0xa];
	v4 =	vld [tilespmem:s1+$0x0]  }
0x100: {  	_ =	sdelay $0x2  }
0x101: {  	s1 =	sadd.s32 s17, s7;
	s2 =	sor.u32 $0x200, s29  }
0x102: {  	s25 =	sadd.s32 s23, s1;
	[tilespmem:s2+$0x0] =	vst.add.f32.msk $0xffff, v4  }
0x103: {  	v4 =	vld [tilespmem:s25+$0x0]  }
0x104: {  	s1 =	sadd.s32 s0, s1;
	[tilespmem:s19+$0x0] =	vst.add.f32.msk $0xffff, v3  }
0x105: {  	v3 =	vld [tilespmem:s1+$0x0]  }
0x106: {  	s26 =	rddreg [dreg:$0xb]  }
0x107: {  	s4 =	sadd.s32 s17, s26  }
0x108: {  	s2 =	sadd.s32 s23, s4;
	[tilespmem:s29+$0x280] =	vst.add.f32.msk $0xffff, v4  }
0x109: {  	v4 =	vld [tilespmem:s2+$0x0]  }
0x10a: {  	s1 =	sadd.s32 s0, s4;
	s7 =	rddreg [dreg:$0xc];
	[tilespmem:s22+$0x280] =	vst.add.f32.msk $0xffff, v3  }
0x10b: {  	v3 =	vld [tilespmem:s1+$0x0]  }
0x10c: {  	[tilespmem:s30+$0x0] =	vst.add.f32.msk $0xffff, v2  }
0x10d: {  	s12 =	sor.u32 $0x300, s29;
	v2 =	vld [tilespmem:s21+$0x0];
	s8 =	sadd.s32 s17, s7  }
0x10e: {  	s13 =	sadd.s32 s23, s8;
	[tilespmem:s12+$0x0] =	vst.add.f32.msk $0xffff, v4  }
0x10f: {  	v4 =	vld [tilespmem:s13+$0x0]  }
0x110: {  	s15 =	sadd.s32 s0, s8;
	[tilespmem:s18+$0x0] =	vst.add.f32.msk $0xffff, v3  }
0x111: {  	v3 =	vld [tilespmem:s15+$0x0];
	_ =	sdelay $0x2  }
0x112: {  	[tilespmem:s24+$0x380] =	vst.add.f32.msk $0xffff, v2;
	s17 =	sadd.s32 s9, s20  }
0x113: {  	s0 =	sshll.u32 s17, $0x7;
	[tilespmem:s29+$0x380] =	vst.add.f32.msk $0xffff, v4  }
0x114: {  	s19 =	simm.s32 $0x480;
	s0 =	sadd.s32 s5, s0;
	s18 =	simm.s32 $0x0;
	[tilespmem:s22+$0x380] =	vst.add.f32.msk $0xffff, v3  }
0x115: {  	[hbm4b:s0+s18] =	stream.linear.scatter [tilespmem:s19], [sflag:$0x9], $0x2000, $0x38;
	[tilespmem:$0x11480] =	vst v63  }
0x116: {  	v2 =	vld [tilespmem:s20+$0x208];
	_ =	sdelay $0x4  }
0x117: {  	(v2sf) =	vpush v2, $0x0  }
0x118: {  	(v2sf) =	vpush v2, $0x1  }
0x119: {  	(v2sf) =	vpush v2, $0x2  }
0x11a: {  	(v2sf) =	vpush v2, $0x3  }
0x11b: {  	(v2sf) =	vpush v2, $0x4  }
0x11c: {  	(v2sf) =	vpush v2, $0x5  }
0x11d: {  	(v2sf) =	vpush v2, $0x6  }
0x11e: {  	(v2sf) =	vpush v2, $0x7;
	_ =	sdelay $0x7  }
0x11f: {  	s21 =	spop (v2sf)  }
0x120: {  	s22 =	spop (v2sf)  }
0x121: {  	s4 =	spop (v2sf)  }
0x122: {  	s8 =	spop (v2sf)  }
0x123: {  	s12 =	spop (v2sf)  }
0x124: {  	s13 =	spop (v2sf)  }
0x125: {  	s7 =	spop (v2sf)  }
0x126: {  	s15 =	simm.s32 $0x2;
	s0 =	spop (v2sf)  }
0x127: {  	_ =	swait.ge [sflag:s15], $0x2000  }
0x128: {  	[sflag:s15] =	ssyncset.done $0x0  }
0x129: {  	[sflag:s15] =	ssyncadd.s32 $0xFFFFE000;
	s15 =	simm.s32 @!p0 $0x10  }
0x12a: {  	s14 =	sor.u32 $0x7, s14;
	_ =	swait.ge @!p0 [sflag:s15], $0x2000  }
0x12b: {  	s14 =	sshll.u32 s14, $0x3;
	[sflag:s15] =	ssyncset.done @!p0 $0x0  }
0x12c: {  	s23 =	sand.u32 $0x3FFFFFF8, s14;
	[sflag:s15] =	ssyncadd.s32 @!p0 $0xFFFFE000  }
0x12d: {  	v2 =	vld.msk [tilespmem:s23+$0x0], $0xff;
	_ =	sdelay $0x4  }
0x12e: {  	v3 =	vshll.u32 v2, $0x3  }
0x12f: {  	v2 =	vand.u32 $0x7, v2;
	v3 =	vand.u32 $0xFFFFFFC0, v3  }
0x130: {  	v2 =	vor.u32 v2, v3  }
0x131: {  	v2 =	vperm.xlane v2, v0;
	_ =	sdelay $0x1  }
0x132: {  	v2 =	vadd.s32 v1, v2  }
0x133: {  	s28 =	smov.u32 s6;
	s24 =	simm.s32 $0xE480  }
0x134: {  	s26 =	simm.s32 $0xEC80;
	s17 =	simm.s32 $0xF480;
	s18 =	simm.s32 $0xFC80  }
0x135: {  	s19 =	sshll.u32 s21, $0xA;
	s1 =	sshll.u32 s21, $0x7;
	s21 =	sshll.u32 s22, $0xA  }
0x136: {  	s2 =	sshll.u32 s22, $0x7;
	s25 =	sld [smem:$0x7FC];
	s15 =	simm.s32 $0x0  }
0x137: {  	[tilespmem:s24], [sflag:$0x8] =	stream.indirect_vreg.gather [hbm4b:s28+s15], $0x80, v2, vm0, $0xb8;
	[tilespmem:$0x11480] =	vst v63  }
0x138: {  	s1 =	sand.u32 $0x180, s1;
	s22 =	sand.u32 $0xFFFFF000, s21;
	s2 =	sand.u32 $0x180, s2  }
0x139: {  	[tilespmem:s26], [sflag:$0x8] =	stream.indirect_vreg.gather [hbm4b:s25+s15], $0x80, v2, vm0, $0xb8;
	[tilespmem:$0x11480] =	vst v63  }
0x13a: {  	s21 =	sshll.u32 s13, $0xA;
	s23 =	sshll.u32 s4, $0xA;
	s4 =	sshll.u32 s4, $0x7  }
0x13b: {  	[tilespmem:s17], [sflag:$0x8] =	stream.indirect_vreg.gather [hbm4b:s10+s15], $0x80, v2, vm0, $0xb8;
	[tilespmem:$0x11480] =	vst v63  }
0x13c: {  	s4 =	sand.u32 $0x180, s4;
	s25 =	sshll.u32 s8, $0xA;
	s17 =	sand.u32 $0xFFFFF000, s19  }
0x13d: {  	s26 =	sshll.u32 s8, $0x7;
	s6 =	sand.u32 $0xFFFFF000, s25;
	s1 =	sor.u32 s1, s17  }
0x13e: {  	[tilespmem:s18], [sflag:$0x8] =	stream.indirect_vreg.gather [hbm4b:s11+s15], $0x80, v2, vm0, $0xb8;
	[tilespmem:$0x11480] =	vst v63  }
0x13f: {  	s8 =	sand.u32 $0x180, s26;
	s17 =	sshll.u32 s12, $0xA;
	s1 =	sadd.s32 $0x10480, s1  }
0x140: {  	s18 =	sshll.u32 s12, $0x7;
	[dreg:$0xd] =	wrdreg s1;
	s1 =	sor.u32 s2, s22  }
0x141: {  	s2 =	sand.u32 $0xFFFFF000, s23;
	s22 =	sshll.u32 s13, $0x7;
	s23 =	sshll.u32 s7, $0xA  }
0x142: {  	s7 =	sshll.u32 s7, $0x7;
	s1 =	sadd.s32 $0x10480, s1;
	s24 =	sor.u32 s4, s2  }
0x143: {  	s2 =	sand.u32 $0xFFFFF000, s17;
	s4 =	sand.u32 $0x180, s18;
	s7 =	sand.u32 $0x180, s7  }
0x144: {  	[dreg:$0xe] =	wrdreg s1;
	s1 =	sadd.s32 $0x10480, s24;
	s19 =	sor.u32 s4, s2  }
0x145: {  	s2 =	sand.u32 $0xFFFFF000, s21;
	s4 =	sand.u32 $0x180, s22;
	s24 =	sand.u32 $0xFFFFF000, s23  }
0x146: {  	s23 =	sand.u32 $0x60, s15;
	[dreg:$0xf] =	wrdreg s1;
	s1 =	sor.u32 s8, s6  }
0x147: {  	s2 =	sor.u32 s4, s2;
	s26 =	sor.u32 s7, s24;
	s6 =	sshll.u32 s0, $0xA  }
0x148: {  	s0 =	sshll.u32 s0, $0x7;
	s7 =	rddreg [dreg:$0xd];
	s8 =	simm.s32 $0x0  }
0x149: {  	s15 =	sor.u32 $0x10, s23;
	s1 =	sadd.s32 $0x10480, s1;
	s25 =	sadd.s32 $0x10480, s2  }
0x14a: {  	s4 =	sadd.s32 $0x10480, s26;
	[dreg:$0x10] =	wrdreg s1;
	s1 =	sadd.s32 $0x10480, s19  }
0x14b: {  	s0 =	sand.u32 $0x180, s0;
	[dreg:$0x11] =	wrdreg s1;
	s1 =	sand.u32 $0xFFFFF000, s6  }
0x14c: {  	[dreg:$0x12] =	wrdreg s25;
	s19 =	sand.u32 $0xFFFFFE00, s8;
	s0 =	sor.u32 s0, s1  }
0x14d: {  	[dreg:$0x13] =	wrdreg s4;
	s12 =	sadd.s32 s19, s7;
	s0 =	sadd.s32 $0x10480, s0  }
0x14e: {  	s13 =	sadd.s32 s15, s12;
	[dreg:$0x14] =	wrdreg s0  }
0x14f: {  	v2 =	vld [tilespmem:s13+$0x0]  }
0x150: {  	s18 =	simm.s32 $0x0  }
0x151: {  	s18 =	sand.u32 $0x3FFFFC00, s18;
	s17 =	sadd.s32 s23, s12  }
0x152: {  	s21 =	rddreg [dreg:$0xe];
	s22 =	sadd.s32 $0x2480, s18;
	v3 =	vld [tilespmem:s17+$0x0]  }
0x153: {  	s25 =	sor.u32 s15, s22;
	s24 =	sadd.s32 s19, s21  }
0x154: {  	s26 =	sadd.s32 s15, s24;
	[tilespmem:s25+$0x0] =	vst.add.f32.msk $0xffff, v2  }
0x155: {  	v2 =	vld [tilespmem:s26+$0x0]  }
0x156: {  	s0 =	sor.u32 s23, s22  }
0x157: {  	s2 =	sadd.s32 s23, s24;
	[tilespmem:s0+$0x0] =	vst.add.f32.msk $0xffff, v3  }
0x158: {  	s6 =	sadd.s32 $0x2500, s18;
	s4 =	rddreg [dreg:$0xf];
	v3 =	vld [tilespmem:s2+$0x0]  }
0x159: {  	s7 =	sor.u32 s15, s6;
	s1 =	sadd.s32 s19, s4  }
0x15a: {  	s8 =	sadd.s32 s15, s1;
	[tilespmem:s7+$0x0] =	vst.add.f32.msk $0xffff, v2  }
0x15b: {  	v2 =	vld [tilespmem:s8+$0x0]  }
0x15c: {  	s0 =	sor.u32 s23, s6  }
0x15d: {  	s12 =	sadd.s32 s23, s1;
	[tilespmem:s0+$0x0] =	vst.add.f32.msk $0xffff, v3  }
0x15e: {  	s17 =	sadd.s32 $0x2580, s18;
	s13 =	rddreg [dreg:$0x10];
	v3 =	vld [tilespmem:s12+$0x0]  }
0x15f: {  	s21 =	sor.u32 s15, s17;
	s1 =	sadd.s32 s19, s13  }
0x160: {  	s22 =	sadd.s32 s15, s1;
	[tilespmem:s21+$0x0] =	vst.add.f32.msk $0xffff, v2  }
0x161: {  	v2 =	vld [tilespmem:s22+$0x0]  }
0x162: {  	s0 =	sor.u32 s23, s17  }
0x163: {  	s26 =	sadd.s32 $0x2600, s18;
	s7 =	rddreg [dreg:$0xd];
	[tilespmem:s0+$0x0] =	vst.add.f32.msk $0xffff, v3  }
0x164: {  	s4 =	sor.u32 s15, s26;
	s24 =	sadd.s32 s23, s1;
	s25 =	rddreg [dreg:$0x11]  }
0x165: {  	s8 =	simm.s32 $0x20;
	s12 =	simm.s32 $0x80;
	v3 =	vld [tilespmem:s24+$0x0];
	s1 =	sadd.s32 s19, s25  }
0x166: {  	s17 =	sand.u32 $0xFFFFFE00, s12;
	s24 =	sand.u32 $0x60, s8;
	s6 =	sadd.s32 s15, s1;
	[tilespmem:s4+$0x0] =	vst.add.f32.msk $0xffff, v2  }
0x167: {  	s22 =	sadd.s32 s17, s7;
	s29 =	sor.u32 $0x10, s24;
	v2 =	vld [tilespmem:s6+$0x0]  }
0x168: {  	s0 =	sor.u32 s23, s26;
	s26 =	sadd.s32 s29, s22  }
0x169: {  	v4 =	vld [tilespmem:s26+$0x0]  }
0x16a: {  	s25 =	sadd.s32 $0x2680, s18;
	s21 =	sadd.s32 s23, s1;
	[tilespmem:s0+$0x0] =	vst.add.f32.msk $0xffff, v3  }
0x16b: {  	s8 =	simm.s32 $0x100;
	s13 =	rddreg [dreg:$0x12];
	v3 =	vld [tilespmem:s21+$0x0];
	s6 =	sor.u32 s15, s25  }
0x16c: {  	s7 =	sadd.s32 s24, s22;
	s0 =	sand.u32 $0x3FFFFC00, s8;
	s4 =	sadd.s32 s19, s13;
	[tilespmem:s6+$0x0] =	vst.add.f32.msk $0xffff, v2  }
0x16d: {  	s22 =	sadd.s32 $0x2480, s0;
	s13 =	sadd.s32 s15, s4;
	v2 =	vld [tilespmem:s7+$0x0]  }
0x16e: {  	s12 =	rddreg [dreg:$0xe];
	s26 =	sor.u32 s29, s22;
	v5 =	vld [tilespmem:s13+$0x0]  }
0x16f: {  	s21 =	sor.u32 s23, s25;
	s25 =	sadd.s32 s17, s12;
	[tilespmem:s26+$0x0] =	vst.add.f32.msk $0xffff, v4  }
0x170: {  	[tilespmem:s21+$0x0] =	vst.add.f32.msk $0xffff, v3;
	s13 =	sadd.s32 s29, s25  }
0x171: {  	s12 =	sadd.s32 $0x2700, s18;
	s2 =	sor.u32 s24, s22;
	v3 =	vld [tilespmem:s13+$0x0]  }
0x172: {  	s21 =	sor.u32 s15, s12;
	s6 =	rddreg [dreg:$0x13];
	[tilespmem:s2+$0x0] =	vst.add.f32.msk $0xffff, v2  }
0x173: {  	s1 =	sadd.s32 s24, s25;
	s2 =	sadd.s32 s19, s6;
	[tilespmem:s21+$0x0] =	vst.add.f32.msk $0xffff, v5  }
0x174: {  	s8 =	sadd.s32 s15, s2;
	v2 =	vld [tilespmem:s1+$0x0]  }
0x175: {  	s25 =	sadd.s32 $0x2500, s0;
	s22 =	rddreg [dreg:$0xf];
	v4 =	vld [tilespmem:s8+$0x0]  }
0x176: {  	s26 =	sor.u32 s29, s25;
	s7 =	sadd.s32 s17, s22  }
0x177: {  	[tilespmem:s26+$0x0] =	vst.add.f32.msk $0xffff, v3;
	s21 =	sadd.s32 s29, s7  }
0x178: {  	s1 =	sor.u32 s24, s25;
	s8 =	sadd.s32 $0x2780, s18;
	v3 =	vld [tilespmem:s21+$0x0]  }
0x179: {  	s6 =	rddreg [dreg:$0x14];
	s22 =	sor.u32 s15, s8;
	[tilespmem:s1+$0x0] =	vst.add.f32.msk $0xffff, v2  }
0x17a: {  	s13 =	sadd.s32 s19, s6;
	s25 =	sadd.s32 s24, s7;
	[tilespmem:s22+$0x0] =	vst.add.f32.msk $0xffff, v4  }
0x17b: {  	s6 =	sadd.s32 s15, s13;
	v2 =	vld [tilespmem:s25+$0x0]  }
0x17c: {  	s4 =	sadd.s32 s23, s4;
	s19 =	sadd.s32 $0x2580, s0;
	s26 =	rddreg [dreg:$0x10];
	v4 =	vld [tilespmem:s6+$0x0]  }
0x17d: {  	v5 =	vld [tilespmem:s4+$0x0];
	s22 =	sor.u32 s29, s19;
	s21 =	sadd.s32 s17, s26  }
0x17e: {  	[tilespmem:s22+$0x0] =	vst.add.f32.msk $0xffff, v3;
	s25 =	sadd.s32 s29, s21  }
0x17f: {  	s7 =	sadd.s32 $0x2800, s18;
	s1 =	sor.u32 s24, s19;
	v3 =	vld [tilespmem:s25+$0x0]  }
0x180: {  	s26 =	sor.u32 s15, s7;
	[tilespmem:s1+$0x0] =	vst.add.f32.msk $0xffff, v2  }
0x181: {  	s6 =	sadd.s32 s24, s21;
	[tilespmem:s26+$0x0] =	vst.add.f32.msk $0xffff, v4  }
0x182: {  	s12 =	sor.u32 s23, s12;
	v4 =	vld [tilespmem:s6+$0x0]  }
0x183: {  	s18 =	sadd.s32 s23, s2;
	[tilespmem:s12+$0x0] =	vst.add.f32.msk $0xffff, v5;
	s19 =	sadd.s32 $0x2600, s0;
	s15 =	rddreg [dreg:$0x11]  }
0x184: {  	s25 =	sor.u32 s29, s19;
	v2 =	vld [tilespmem:s18+$0x0];
	s21 =	sadd.s32 s17, s15  }
0x185: {  	[tilespmem:s25+$0x0] =	vst.add.f32.msk $0xffff, v3;
	s26 =	sadd.s32 s29, s21  }
0x186: {  	s31 =	simm.s32 $0x2;
	s30 =	simm.s32 $0x40;
	s2 =	sor.u32 s24, s19;
	v3 =	vld [tilespmem:s26+$0x0]  }
0x187: {  	s22 =	sor.u32 $0x8, s20;
	s18 =	sor.u32 s23, s8;
	s1 =	sadd.s32 s24, s21;
	[tilespmem:s2+$0x0] =	vst.add.f32.msk $0xffff, v4  }
0x188: {  	s15 =	sadd.s32 s23, s13;
	s23 =	sor.u32 s23, s7;
	s7 =	rddreg [dreg:$0x12];
	v4 =	vld [tilespmem:s1+$0x0]  }
.LBB2_5:
0x189: {  	_ =	sdelay $0x1  }
0x18a: {  	s31 =	sadd.s32 $0x2, s31;
	s2 =	sadd.s32 $0x2680, s0;
	[tilespmem:s18+$0x0] =	vst.add.f32.msk $0xffff, v2  }
0x18b: {  	s1 =	rddreg [dreg:$0xd];
	s4 =	sshll.u32 s31, $0x6;
	s12 =	sor.u32 s29, s2;
	v5 =	vld [tilespmem:s15+$0x0]  }
0x18c: {  	s8 =	sadd.s32 s17, s7;
	s2 =	sor.u32 s24, s2;
	s7 =	sand.u32 $0xFFFFFE00, s4;
	[tilespmem:s12+$0x0] =	vst.add.f32.msk $0xffff, v3  }
0x18d: {  	s19 =	sand.u32 $0x60, s30;
	s26 =	sadd.s32 s29, s8;
	s1 =	sadd.s32 s7, s1;
	[tilespmem:s2+$0x0] =	vst.add.f32.msk $0xffff, v4  }
0x18e: {  	s6 =	sadd.s32 s19, s1;
	v2 =	vld [tilespmem:s26+$0x0]  }
0x18f: {  	s21 =	sor.u32 $0x10, s19;
	v4 =	vld [tilespmem:s6+$0x0]  }
0x190: {  	s13 =	sadd.s32 s24, s8;
	s15 =	sshll.u32 s31, $0x7;
	s1 =	sadd.s32 s21, s1  }
0x191: {  	s18 =	rddreg [dreg:$0xe];
	s4 =	sand.u32 $0x3FFFFC00, s15;
	v3 =	vld [tilespmem:s1+$0x0];
	s6 =	sadd.s32 $0x2700, s0  }
0x192: {  	s12 =	rddreg [dreg:$0x13];
	v6 =	vld [tilespmem:s13+$0x0];
	s13 =	sadd.s32 $0x2480, s4;
	s25 =	sor.u32 s29, s6  }
0x193: {  	s15 =	sadd.s32 s17, s12;
	s12 =	sor.u32 s24, s6;
	s6 =	sor.u32 s19, s13;
	[tilespmem:s25+$0x0] =	vst.add.f32.msk $0xffff, v2  }
0x194: {  	s8 =	sadd.s32 s7, s18;
	s26 =	sadd.s32 s29, s15;
	[tilespmem:s6+$0x0] =	vst.add.f32.msk $0xffff, v4  }
0x195: {  	s18 =	sadd.s32 s19, s8;
	v2 =	vld [tilespmem:s26+$0x0]  }
0x196: {  	s13 =	sor.u32 s21, s13;
	v4 =	vld [tilespmem:s18+$0x0]  }
0x197: {  	s8 =	sadd.s32 s21, s8;
	[tilespmem:s13+$0x0] =	vst.add.f32.msk $0xffff, v3  }
0x198: {  	s25 =	rddreg [dreg:$0x14];
	s26 =	sadd.s32 $0x2780, s0;
	v3 =	vld [tilespmem:s8+$0x0]  }
0x199: {  	s6 =	sadd.s32 s17, s25;
	s25 =	sadd.s32 $0x2500, s4;
	s17 =	sor.u32 s29, s26  }
0x19a: {  	s18 =	sor.u32 s24, s26;
	s26 =	sor.u32 s19, s25;
	[tilespmem:s17+$0x0] =	vst.add.f32.msk $0xffff, v2  }
0x19b: {  	s8 =	rddreg [dreg:$0xf];
	s2 =	sadd.s32 s29, s6;
	[tilespmem:s26+$0x0] =	vst.add.f32.msk $0xffff, v4  }
0x19c: {  	s8 =	sadd.s32 s7, s8;
	s17 =	sor.u32 s21, s25;
	v2 =	vld [tilespmem:s2+$0x0]  }
0x19d: {  	s1 =	sadd.s32 s24, s15;
	s15 =	sadd.s32 s24, s6;
	s6 =	sadd.s32 s19, s8;
	[tilespmem:s17+$0x0] =	vst.add.f32.msk $0xffff, v3  }
0x19e: {  	s8 =	sadd.s32 s21, s8;
	v4 =	vld [tilespmem:s6+$0x0]  }
0x19f: {  	s13 =	sadd.s32 $0x2800, s0;
	s0 =	smov.u32 s4;
	v3 =	vld [tilespmem:s8+$0x0]  }
0x1a0: {  	s25 =	sor.u32 s29, s13;
	s26 =	sadd.s32 $0x2580, s0  }
0x1a1: {  	s29 =	smov.u32 s21;
	s2 =	sor.u32 s24, s13;
	s24 =	smov.u32 s19;
	[tilespmem:s12+$0x0] =	vst.add.f32.msk $0xffff, v6  }
0x1a2: {  	s17 =	smov.u32 s7;
	s7 =	rddreg [dreg:$0x10];
	s6 =	sor.u32 s24, s26;
	[tilespmem:s25+$0x0] =	vst.add.f32.msk $0xffff, v2  }
0x1a3: {  	s7 =	sadd.s32 s17, s7;
	s8 =	sor.u32 s29, s26;
	[tilespmem:s6+$0x0] =	vst.add.f32.msk $0xffff, v4  }
0x1a4: {  	s13 =	sadd.s32 s24, s7;
	[tilespmem:s8+$0x0] =	vst.add.f32.msk $0xffff, v3  }
0x1a5: {  	s7 =	sadd.s32 s29, s7;
	v4 =	vld [tilespmem:s13+$0x0]  }
0x1a6: {  	v3 =	vld [tilespmem:s7+$0x0];
	_ =	sdelay $0x1  }
0x1a7: {  	p0 =	slt.u32 s31, $0x3E;
	s21 =	sadd.s32 $0x2600, s0;
	v2 =	vld [tilespmem:s1+$0x0]  }
.Ltmp1:
0x1a8: {  	s19 =	rddreg [dreg:$0x11];
	s25 =	sor.u32 s24, s21;
	[tilespmem:s23+$0x0] =	vst.add.f32.msk $0xffff, v5;
	(pc) =	sbr.rel @p0 .LBB2_5-.Ltmp1, $4  }
0x1a9: {  	s4 =	sadd.s32 s17, s19;
	s7 =	sor.u32 s29, s21;
	[tilespmem:s25+$0x0] =	vst.add.f32.msk $0xffff, v4  }
0x1aa: {  	s26 =	sadd.s32 s24, s4;
	[tilespmem:s7+$0x0] =	vst.add.f32.msk $0xffff, v3  }
0x1ab: {  	s4 =	sadd.s32 s29, s4;
	v4 =	vld [tilespmem:s26+$0x0]  }
0x1ac: {  	s30 =	sadd.s32 $0x20, s30;
	s23 =	smov.u32 s2;
	s7 =	rddreg [dreg:$0x12];
	v3 =	vld [tilespmem:s4+$0x0]  }
0x1ad: {  	_ =	sdelay $0x1  }
0x1ae: {  	s1 =	sadd.s32 $0x2680, s0  }
0x1af: {  	s2 =	sadd.s32 s17, s7;
	s4 =	sor.u32 s29, s1  }
0x1b0: {  	s19 =	sadd.s32 s29, s2;
	[tilespmem:s4+$0x0] =	vst.add.f32.msk $0xffff, v3  }
0x1b1: {  	s1 =	sor.u32 s24, s1;
	v3 =	vld [tilespmem:s19+$0x0]  }
0x1b2: {  	s2 =	sadd.s32 s24, s2;
	[tilespmem:s1+$0x0] =	vst.add.f32.msk $0xffff, v4  }
0x1b3: {  	v4 =	vld [tilespmem:s2+$0x0]  }
0x1b4: {  	s21 =	sadd.s32 $0x2700, s0;
	s1 =	rddreg [dreg:$0x13]  }
0x1b5: {  	s25 =	sor.u32 s29, s21;
	s1 =	sadd.s32 s17, s1  }
0x1b6: {  	s26 =	sadd.s32 s29, s1;
	[tilespmem:s25+$0x0] =	vst.add.f32.msk $0xffff, v3  }
0x1b7: {  	s2 =	sor.u32 s24, s21;
	v3 =	vld [tilespmem:s26+$0x0]  }
0x1b8: {  	s1 =	sadd.s32 s24, s1;
	s6 =	rddreg [dreg:$0x14];
	[tilespmem:s2+$0x0] =	vst.add.f32.msk $0xffff, v4  }
0x1b9: {  	v4 =	vld [tilespmem:s1+$0x0]  }
0x1ba: {  	[tilespmem:s18+$0x0] =	vst.add.f32.msk $0xffff, v2;
	s7 =	sadd.s32 $0x2780, s0  }
0x1bb: {  	v2 =	vld [tilespmem:s15+$0x0];
	s12 =	sor.u32 s29, s7;
	s8 =	sadd.s32 s17, s6  }
0x1bc: {  	s13 =	sadd.s32 s29, s8;
	[tilespmem:s12+$0x0] =	vst.add.f32.msk $0xffff, v3  }
0x1bd: {  	s1 =	sor.u32 s24, s7;
	v3 =	vld [tilespmem:s13+$0x0]  }
0x1be: {  	s2 =	sadd.s32 s24, s8;
	[tilespmem:s1+$0x0] =	vst.add.f32.msk $0xffff, v4  }
0x1bf: {  	v4 =	vld [tilespmem:s2+$0x0];
	_ =	sdelay $0x1  }
0x1c0: {  	s15 =	sadd.s32 $0x2800, s0  }
0x1c1: {  	s18 =	sadd.s32 s9, s22;
	[tilespmem:s23+$0x0] =	vst.add.f32.msk $0xffff, v2;
	s17 =	sor.u32 s29, s15  }
0x1c2: {  	s0 =	sor.u32 s24, s15;
	s1 =	sshll.u32 s18, $0x7;
	[tilespmem:s17+$0x0] =	vst.add.f32.msk $0xffff, v3  }
0x1c3: {  	s22 =	simm.s32 $0x2480;
	s21 =	simm.s32 $0x0;
	s19 =	sadd.s32 s5, s1;
	[tilespmem:s0+$0x0] =	vst.add.f32.msk $0xffff, v4  }
0x1c4: {  	[hbm4b:s19+s21] =	stream.linear.scatter [tilespmem:s22], [sflag:$0xA], $0x2000, $0x38;
	[tilespmem:$0x11480] =	vst v63  }
0x1c5: {  	v2 =	vld [tilespmem:s20+$0x210];
	_ =	sdelay $0x4  }
0x1c6: {  	(v2sf) =	vpush v2, $0x0  }
0x1c7: {  	(v2sf) =	vpush v2, $0x1  }
0x1c8: {  	(v2sf) =	vpush v2, $0x2  }
0x1c9: {  	(v2sf) =	vpush v2, $0x3  }
0x1ca: {  	(v2sf) =	vpush v2, $0x4  }
0x1cb: {  	(v2sf) =	vpush v2, $0x5  }
0x1cc: {  	(v2sf) =	vpush v2, $0x6  }
0x1cd: {  	(v2sf) =	vpush v2, $0x7;
	_ =	sdelay $0x7  }
0x1ce: {  	s23 =	spop (v2sf)  }
0x1cf: {  	s25 =	spop (v2sf)  }
0x1d0: {  	s26 =	spop (v2sf)  }
0x1d1: {  	s8 =	spop (v2sf)  }
0x1d2: {  	s12 =	spop (v2sf)  }
0x1d3: {  	s15 =	spop (v2sf)  }
0x1d4: {  	s7 =	spop (v2sf)  }
0x1d5: {  	s13 =	simm.s32 $0x3;
	s0 =	spop (v2sf)  }
0x1d6: {  	_ =	swait.ge [sflag:s13], $0x2000  }
0x1d7: {  	[sflag:s13] =	ssyncset.done $0x0  }
0x1d8: {  	s17 =	simm.s32 $0x9;
	[sflag:s13] =	ssyncadd.s32 $0xFFFFE000  }
0x1d9: {  	p0 =	seq.s32 s3, $0x7;
	_ =	swait.ge [sflag:s17], $0x2000  }
0x1da: {  	s13 =	sshll.u32 @!p0 s3, $0x6;
	[sflag:s17] =	ssyncset.done $0x0  }
0x1db: {  	s24 =	sand.u32 @!p0 $0x3FFFFFC0, s13;
	[sflag:s17] =	ssyncadd.s32 $0xFFFFE000  }
0x1dc: {  	v2 =	vld.msk @!p0 [tilespmem:s24+$0x40], $0xff;
	_ =	sdelay $0x4  }
0x1dd: {  	v3 =	vshll.u32 @!p0 v2, $0x3  }
0x1de: {  	v4 =	vlaneseq.u32 @!p0;
	v2 =	vand.u32 @!p0 $0x7, v2;
	v3 =	vand.u32 @!p0 $0xFFFFFFC0, v3  }
0x1df: {  	v2 =	vor.u32 @!p0 v2, v3;
	v3 =	vand.u32 @!p0 $0x7, v4;
	v4 =	vshrl.u32 @!p0 v4, $0x3  }
0x1e0: {  	v2 =	vperm.xlane @!p0 v2, v3;
	v3 =	vmul.u32 @!p0 $0x8, v4;
	_ =	sdelay $0x1  }
0x1e1: {  	v2 =	vadd.s32 @!p0 v3, v2;
	_ =	sdelay $0x1  }
0x1e2: {  	s6 =	smov.u32 s5;
	s18 =	sshll.u32 s23, $0xA;
	s1 =	sshll.u32 s23, $0x7  }
0x1e3: {  	s1 =	sand.u32 $0x180, s1;
	s19 =	sshll.u32 s25, $0xA;
	s2 =	sshll.u32 s25, $0x7  }
0x1e4: {  	vm1 =	vmmov @!p0 $0xffff;
	s13 =	simm.s32 @!p0 $0x0;
	s5 =	sld [smem:$0x7FC];
	s17 =	simm.s32 @!p0 $0x480  }
0x1e5: {  	[tilespmem:s17], [sflag:$0x1] =	stream.indirect_vreg.gather @!p0 [hbm4b:s28+s13], $0x80, v2, vm1, $0xb8;
	[tilespmem:$0x11480] =	vst v63  }
0x1e6: {  	s21 =	sand.u32 $0xFFFFF000, s19;
	s2 =	sand.u32 $0x180, s2;
	s17 =	simm.s32 @!p0 $0xC80  }
0x1e7: {  	[tilespmem:s17], [sflag:$0x1] =	stream.indirect_vreg.gather @!p0 [hbm4b:s5+s13], $0x80, v2, vm1, $0xb8;
	[tilespmem:$0x11480] =	vst v63  }
0x1e8: {  	s22 =	sshll.u32 s26, $0xA;
	s4 =	sshll.u32 s26, $0x7;
	s17 =	simm.s32 @!p0 $0x1480  }
0x1e9: {  	[tilespmem:s17], [sflag:$0x1] =	stream.indirect_vreg.gather @!p0 [hbm4b:s10+s13], $0x80, v2, vm1, $0xb8;
	[tilespmem:$0x11480] =	vst v63  }
0x1ea: {  	s4 =	sand.u32 $0x180, s4;
	s26 =	sshll.u32 s8, $0x7;
	s17 =	simm.s32 @!p0 $0x1C80  }
0x1eb: {  	[tilespmem:s17], [sflag:$0x1] =	stream.indirect_vreg.gather @!p0 [hbm4b:s11+s13], $0x80, v2, vm1, $0xb8;
	[tilespmem:$0x11480] =	vst v63  }
0x1ec: {  	s25 =	sshll.u32 s8, $0xA;
	s8 =	sand.u32 $0x180, s26;
	s13 =	sand.u32 $0xFFFFF000, s18  }
0x1ed: {  	s19 =	sshll.u32 s15, $0xA;
	s5 =	sand.u32 $0xFFFFF000, s25;
	s1 =	sor.u32 s1, s13  }
0x1ee: {  	s17 =	sshll.u32 s12, $0x7;
	s13 =	sshll.u32 s12, $0xA;
	s1 =	sadd.s32 $0x10480, s1  }
0x1ef: {  	[dreg:$0x15] =	wrdreg s1;
	s1 =	sor.u32 s2, s21;
	s2 =	sand.u32 $0xFFFFF000, s22  }
0x1f0: {  	s21 =	sshll.u32 s15, $0x7;
	s22 =	sshll.u32 s7, $0xA;
	s7 =	sshll.u32 s7, $0x7  }
0x1f1: {  	s1 =	sadd.s32 $0x10480, s1;
	s23 =	sor.u32 s4, s2;
	s2 =	sand.u32 $0xFFFFF000, s13  }
0x1f2: {  	s4 =	sand.u32 $0x180, s17;
	s7 =	sand.u32 $0x180, s7;
	[dreg:$0x16] =	wrdreg s1  }
0x1f3: {  	s1 =	sadd.s32 $0x10480, s23;
	s18 =	sor.u32 s4, s2;
	s2 =	sand.u32 $0xFFFFF000, s19  }
0x1f4: {  	s4 =	sand.u32 $0x180, s21;
	s23 =	sand.u32 $0xFFFFF000, s22;
	[dreg:$0x17] =	wrdreg s1  }
0x1f5: {  	s1 =	sor.u32 s8, s5;
	s2 =	sor.u32 s4, s2;
	s26 =	sor.u32 s7, s23  }
0x1f6: {  	s4 =	sshll.u32 s0, $0xA;
	s0 =	sshll.u32 s0, $0x7;
	s5 =	rddreg [dreg:$0x15]  }
0x1f7: {  	s7 =	simm.s32 $0x0;
	s8 =	simm.s32 $0x0;
	s1 =	sadd.s32 $0x10480, s1  }
0x1f8: {  	s25 =	sadd.s32 $0x10480, s2;
	s2 =	sadd.s32 $0x10480, s26;
	[dreg:$0x18] =	wrdreg s1  }
0x1f9: {  	s0 =	sand.u32 $0x180, s0;
	s1 =	sadd.s32 $0x10480, s18;
	[dreg:$0x1a] =	wrdreg s25  }
0x1fa: {  	s31 =	sand.u32 $0x60, s7;
	[dreg:$0x19] =	wrdreg s1;
	s1 =	sand.u32 $0xFFFFF000, s4  }
0x1fb: {  	s19 =	sand.u32 $0xFFFFFE00, s8;
	[dreg:$0x1b] =	wrdreg s2;
	s0 =	sor.u32 s0, s1  }
0x1fc: {  	s12 =	sadd.s32 s19, s5;
	s15 =	sor.u32 $0x10, s31;
	s0 =	sadd.s32 $0x10480, s0  }
0x1fd: {  	s13 =	sadd.s32 s15, s12;
	[dreg:$0x1c] =	wrdreg s0  }
0x1fe: {  	v2 =	vld [tilespmem:s13+$0x0]  }
0x1ff: {  	s18 =	simm.s32 $0x0  }
0x200: {  	s17 =	sadd.s32 s31, s12;
	s18 =	sand.u32 $0x3FFFFC00, s18  }
0x201: {  	s21 =	rddreg [dreg:$0x16];
	s22 =	sadd.s32 $0x4480, s18;
	v3 =	vld [tilespmem:s17+$0x0]  }
0x202: {  	s23 =	sadd.s32 s19, s21;
	s25 =	sor.u32 s15, s22  }
0x203: {  	s26 =	sadd.s32 s15, s23;
	[tilespmem:s25+$0x0] =	vst.add.f32.msk $0xffff, v2  }
0x204: {  	v2 =	vld [tilespmem:s26+$0x0]  }
0x205: {  	s0 =	sor.u32 s31, s22  }
0x206: {  	s1 =	sadd.s32 s31, s23;
	[tilespmem:s0+$0x0] =	vst.add.f32.msk $0xffff, v3  }
0x207: {  	s4 =	sadd.s32 $0x4500, s18;
	s2 =	rddreg [dreg:$0x17];
	v3 =	vld [tilespmem:s1+$0x0]  }
0x208: {  	s5 =	sor.u32 s15, s4;
	s1 =	sadd.s32 s19, s2  }
0x209: {  	s7 =	sadd.s32 s15, s1;
	[tilespmem:s5+$0x0] =	vst.add.f32.msk $0xffff, v2  }
0x20a: {  	v2 =	vld [tilespmem:s7+$0x0]  }
0x20b: {  	s0 =	sor.u32 s31, s4  }
0x20c: {  	s8 =	sadd.s32 s31, s1;
	[tilespmem:s0+$0x0] =	vst.add.f32.msk $0xffff, v3  }
0x20d: {  	s13 =	sadd.s32 $0x4580, s18;
	s12 =	rddreg [dreg:$0x18];
	v3 =	vld [tilespmem:s8+$0x0]  }
0x20e: {  	s17 =	sor.u32 s15, s13;
	s1 =	sadd.s32 s19, s12  }
0x20f: {  	s21 =	sadd.s32 s15, s1;
	[tilespmem:s17+$0x0] =	vst.add.f32.msk $0xffff, v2  }
0x210: {  	v2 =	vld [tilespmem:s21+$0x0]  }
0x211: {  	s0 =	sor.u32 s31, s13  }
0x212: {  	s22 =	sadd.s32 s31, s1;
	[tilespmem:s0+$0x0] =	vst.add.f32.msk $0xffff, v3  }
0x213: {  	s25 =	sadd.s32 $0x4600, s18;
	s23 =	rddreg [dreg:$0x19];
	v3 =	vld [tilespmem:s22+$0x0]  }
0x214: {  	s26 =	sor.u32 s15, s25;
	s1 =	sadd.s32 s19, s23  }
0x215: {  	s4 =	sadd.s32 s15, s1;
	[tilespmem:s26+$0x0] =	vst.add.f32.msk $0xffff, v2  }
0x216: {  	s5 =	rddreg [dreg:$0x15];
	s7 =	simm.s32 $0x20;
	s8 =	simm.s32 $0x80;
	v2 =	vld [tilespmem:s4+$0x0]  }
0x217: {  	s29 =	sand.u32 $0x60, s7;
	s0 =	sor.u32 s31, s25;
	s23 =	sand.u32 $0xFFFFFE00, s8  }
0x218: {  	s1 =	sadd.s32 s31, s1;
	s2 =	sadd.s32 s23, s5;
	[tilespmem:s0+$0x0] =	vst.add.f32.msk $0xffff, v3;
	s0 =	sor.u32 $0x10, s29  }
0x219: {  	s13 =	sadd.s32 $0x4680, s18;
	v3 =	vld [tilespmem:s1+$0x0];
	s17 =	sadd.s32 s0, s2  }
0x21a: {  	s21 =	sor.u32 s15, s13;
	s12 =	rddreg [dreg:$0x1a];
	v4 =	vld [tilespmem:s17+$0x0]  }
0x21b: {  	s22 =	simm.s32 $0x100;
	s2 =	sadd.s32 s29, s2;
	s7 =	sadd.s32 s19, s12;
	[tilespmem:s21+$0x0] =	vst.add.f32.msk $0xffff, v2  }
0x21c: {  	s17 =	sand.u32 $0x3FFFFC00, s22;
	s26 =	sadd.s32 s15, s7;
	v2 =	vld [tilespmem:s2+$0x0]  }
0x21d: {  	s25 =	rddreg [dreg:$0x16];
	s1 =	sor.u32 s31, s13;
	s5 =	sadd.s32 $0x4480, s17;
	v5 =	vld [tilespmem:s26+$0x0]  }
0x21e: {  	s13 =	sadd.s32 s23, s25;
	[tilespmem:s1+$0x0] =	vst.add.f32.msk $0xffff, v3;
	s21 =	sor.u32 s0, s5  }
0x21f: {  	s25 =	sadd.s32 s0, s13;
	[tilespmem:s21+$0x0] =	vst.add.f32.msk $0xffff, v4  }
0x220: {  	s12 =	sadd.s32 $0x4700, s18;
	s2 =	sor.u32 s29, s5;
	v3 =	vld [tilespmem:s25+$0x0]  }
0x221: {  	s22 =	rddreg [dreg:$0x1b];
	s26 =	sor.u32 s15, s12;
	[tilespmem:s2+$0x0] =	vst.add.f32.msk $0xffff, v2  }
0x222: {  	s1 =	sadd.s32 s29, s13;
	s2 =	sadd.s32 s19, s22;
	[tilespmem:s26+$0x0] =	vst.add.f32.msk $0xffff, v5  }
0x223: {  	s8 =	sadd.s32 s15, s2;
	v2 =	vld [tilespmem:s1+$0x0]  }
0x224: {  	s13 =	sadd.s32 $0x4500, s17;
	s5 =	rddreg [dreg:$0x17];
	v4 =	vld [tilespmem:s8+$0x0]  }
0x225: {  	s21 =	sor.u32 s0, s13;
	s4 =	sadd.s32 s23, s5  }
0x226: {  	[tilespmem:s21+$0x0] =	vst.add.f32.msk $0xffff, v3;
	s25 =	sadd.s32 s0, s4  }
0x227: {  	s1 =	sor.u32 s29, s13;
	s8 =	sadd.s32 $0x4780, s18;
	v3 =	vld [tilespmem:s25+$0x0]  }
0x228: {  	s22 =	rddreg [dreg:$0x1c];
	s26 =	sor.u32 s15, s8;
	[tilespmem:s1+$0x0] =	vst.add.f32.msk $0xffff, v2  }
0x229: {  	s13 =	sadd.s32 s19, s22;
	s4 =	sadd.s32 s29, s4;
	[tilespmem:s26+$0x0] =	vst.add.f32.msk $0xffff, v4  }
0x22a: {  	s19 =	sadd.s32 s15, s13;
	v2 =	vld [tilespmem:s4+$0x0]  }
0x22b: {  	s7 =	sadd.s32 s31, s7;
	s21 =	sadd.s32 $0x4580, s17;
	s5 =	rddreg [dreg:$0x18];
	v4 =	vld [tilespmem:s19+$0x0]  }
0x22c: {  	v5 =	vld [tilespmem:s7+$0x0];
	s22 =	sor.u32 s0, s21;
	s4 =	sadd.s32 s23, s5  }
0x22d: {  	[tilespmem:s22+$0x0] =	vst.add.f32.msk $0xffff, v3;
	s25 =	sadd.s32 s0, s4  }
0x22e: {  	s7 =	sadd.s32 $0x4800, s18;
	s1 =	sor.u32 s29, s21;
	v3 =	vld [tilespmem:s25+$0x0]  }
0x22f: {  	s26 =	sor.u32 s15, s7;
	[tilespmem:s1+$0x0] =	vst.add.f32.msk $0xffff, v2  }
0x230: {  	s5 =	sadd.s32 s29, s4;
	[tilespmem:s26+$0x0] =	vst.add.f32.msk $0xffff, v4  }
0x231: {  	s12 =	sor.u32 s31, s12;
	v4 =	vld [tilespmem:s5+$0x0]  }
0x232: {  	s18 =	sadd.s32 s31, s2;
	[tilespmem:s12+$0x0] =	vst.add.f32.msk $0xffff, v5;
	s19 =	sadd.s32 $0x4600, s17;
	s15 =	rddreg [dreg:$0x19]  }
0x233: {  	s25 =	sor.u32 s0, s19;
	v2 =	vld [tilespmem:s18+$0x0];
	s21 =	sadd.s32 s23, s15  }
0x234: {  	[tilespmem:s25+$0x0] =	vst.add.f32.msk $0xffff, v3;
	s26 =	sadd.s32 s0, s21  }
0x235: {  	s30 =	simm.s32 $0x2;
	s22 =	sor.u32 $0x10, s20;
	s2 =	sor.u32 s29, s19;
	v3 =	vld [tilespmem:s26+$0x0]  }
0x236: {  	s19 =	sor.u32 s31, s8;
	s18 =	sadd.s32 s31, s13;
	s1 =	sadd.s32 s29, s21;
	[tilespmem:s2+$0x0] =	vst.add.f32.msk $0xffff, v4  }
0x237: {  	s31 =	sor.u32 s31, s7;
	s15 =	simm.s32 $0x40;
	s7 =	rddreg [dreg:$0x1a];
	v4 =	vld [tilespmem:s1+$0x0]  }
.LBB2_7:
0x238: {  	_ = 	snop  }
0x239: {  	s30 =	sadd.s32 $0x2, s30;
	s2 =	sadd.s32 $0x4680, s17;
	[tilespmem:s19+$0x0] =	vst.add.f32.msk $0xffff, v2  }
0x23a: {  	s1 =	rddreg [dreg:$0x15];
	s4 =	sshll.u32 s30, $0x6;
	s13 =	sor.u32 s0, s2;
	v5 =	vld [tilespmem:s18+$0x0]  }
0x23b: {  	s12 =	sadd.s32 s23, s7;
	s2 =	sor.u32 s29, s2;
	s8 =	sand.u32 $0xFFFFFE00, s4;
	[tilespmem:s13+$0x0] =	vst.add.f32.msk $0xffff, v3  }
0x23c: {  	s21 =	sand.u32 $0x60, s15;
	s19 =	sadd.s32 s0, s12;
	s1 =	sadd.s32 s8, s1;
	[tilespmem:s2+$0x0] =	vst.add.f32.msk $0xffff, v4  }
0x23d: {  	s25 =	sadd.s32 s21, s1;
	v2 =	vld [tilespmem:s19+$0x0]  }
0x23e: {  	s7 =	sor.u32 $0x10, s21;
	v4 =	vld [tilespmem:s25+$0x0]  }
0x23f: {  	s5 =	sadd.s32 s29, s12;
	s12 =	sshll.u32 s30, $0x7;
	s1 =	sadd.s32 s7, s1  }
0x240: {  	s26 =	rddreg [dreg:$0x1b];
	s4 =	sand.u32 $0x3FFFFC00, s12;
	s13 =	sadd.s32 $0x4700, s17;
	v3 =	vld [tilespmem:s1+$0x0]  }
0x241: {  	v6 =	vld [tilespmem:s5+$0x0];
	s1 =	sadd.s32 s23, s26;
	s26 =	sor.u32 s0, s13;
	s5 =	sadd.s32 $0x4480, s4  }
0x242: {  	s25 =	sor.u32 s21, s5;
	[tilespmem:s26+$0x0] =	vst.add.f32.msk $0xffff, v2  }
0x243: {  	s18 =	rddreg [dreg:$0x16];
	s19 =	sadd.s32 s0, s1;
	[tilespmem:s25+$0x0] =	vst.add.f32.msk $0xffff, v4  }
0x244: {  	s12 =	sadd.s32 s8, s18;
	s18 =	sor.u32 s7, s5;
	v2 =	vld [tilespmem:s19+$0x0]  }
0x245: {  	s26 =	sadd.s32 s21, s12;
	s12 =	sadd.s32 s7, s12;
	[tilespmem:s18+$0x0] =	vst.add.f32.msk $0xffff, v3  }
0x246: {  	v3 =	vld [tilespmem:s12+$0x0]  }
0x247: {  	s5 =	rddreg [dreg:$0x1c];
	s25 =	sadd.s32 $0x4780, s17;
	v4 =	vld [tilespmem:s26+$0x0]  }
0x248: {  	s2 =	sadd.s32 s23, s5;
	s26 =	sor.u32 s0, s25  }
0x249: {  	s5 =	sadd.s32 $0x4500, s4;
	s18 =	sadd.s32 s29, s2;
	s2 =	sadd.s32 s0, s2;
	[tilespmem:s26+$0x0] =	vst.add.f32.msk $0xffff, v2  }
0x24a: {  	s12 =	rddreg [dreg:$0x17];
	s26 =	sor.u32 s21, s5;
	s5 =	sor.u32 s7, s5;
	v2 =	vld [tilespmem:s2+$0x0]  }
0x24b: {  	s12 =	sadd.s32 s8, s12;
	[tilespmem:s5+$0x0] =	vst.add.f32.msk $0xffff, v3  }
0x24c: {  	s19 =	sor.u32 s29, s25;
	s25 =	sadd.s32 s21, s12;
	s12 =	sadd.s32 s7, s12;
	[tilespmem:s26+$0x0] =	vst.add.f32.msk $0xffff, v4  }
0x24d: {  	s13 =	sor.u32 s29, s13;
	v3 =	vld [tilespmem:s12+$0x0]  }
0x24e: {  	s1 =	sadd.s32 s29, s1;
	s23 =	smov.u32 s8;
	s5 =	sadd.s32 $0x4800, s17;
	v4 =	vld [tilespmem:s25+$0x0]  }
0x24f: {  	s17 =	smov.u32 s4;
	s2 =	sor.u32 s29, s5;
	s25 =	sor.u32 s0, s5  }
0x250: {  	s29 =	smov.u32 s21;
	s4 =	sadd.s32 $0x4580, s17;
	s0 =	smov.u32 s7;
	[tilespmem:s13+$0x0] =	vst.add.f32.msk $0xffff, v6  }
0x251: {  	s8 =	rddreg [dreg:$0x18];
	s26 =	sor.u32 s29, s4;
	s4 =	sor.u32 s0, s4;
	[tilespmem:s25+$0x0] =	vst.add.f32.msk $0xffff, v2  }
0x252: {  	s8 =	sadd.s32 s23, s8;
	[tilespmem:s4+$0x0] =	vst.add.f32.msk $0xffff, v3  }
0x253: {  	s5 =	sadd.s32 s29, s8;
	s8 =	sadd.s32 s0, s8;
	[tilespmem:s26+$0x0] =	vst.add.f32.msk $0xffff, v4  }
0x254: {  	v3 =	vld [tilespmem:s8+$0x0]  }
0x255: {  	v4 =	vld [tilespmem:s5+$0x0];
	_ =	sdelay $0x1  }
0x256: {  	p1 =	slt.u32 s30, $0x3E;
	s21 =	sadd.s32 $0x4600, s17;
	v2 =	vld [tilespmem:s1+$0x0]  }
.Ltmp2:
0x257: {  	s13 =	rddreg [dreg:$0x19];
	s7 =	sor.u32 s0, s21;
	[tilespmem:s31+$0x0] =	vst.add.f32.msk $0xffff, v5;
	(pc) =	sbr.rel @p1 .LBB2_7-.Ltmp2, $4  }
0x258: {  	s25 =	sor.u32 s29, s21;
	s4 =	sadd.s32 s23, s13;
	[tilespmem:s7+$0x0] =	vst.add.f32.msk $0xffff, v3  }
0x259: {  	s26 =	sadd.s32 s29, s4;
	s4 =	sadd.s32 s0, s4;
	[tilespmem:s25+$0x0] =	vst.add.f32.msk $0xffff, v4  }
0x25a: {  	v3 =	vld [tilespmem:s4+$0x0]  }
0x25b: {  	s15 =	sadd.s32 $0x20, s15;
	s31 =	smov.u32 s2;
	s7 =	rddreg [dreg:$0x1a];
	v4 =	vld [tilespmem:s26+$0x0]  }
0x25c: {  	_ = 	snop  }
0x25d: {  	s1 =	sadd.s32 $0x4680, s17  }
0x25e: {  	s2 =	sadd.s32 s23, s7;
	s4 =	sor.u32 s0, s1  }
0x25f: {  	s13 =	sadd.s32 s0, s2;
	[tilespmem:s4+$0x0] =	vst.add.f32.msk $0xffff, v3  }
0x260: {  	s1 =	sor.u32 s29, s1;
	v3 =	vld [tilespmem:s13+$0x0]  }
0x261: {  	s2 =	sadd.s32 s29, s2;
	[tilespmem:s1+$0x0] =	vst.add.f32.msk $0xffff, v4  }
0x262: {  	v4 =	vld [tilespmem:s2+$0x0]  }
0x263: {  	s15 =	sadd.s32 $0x4700, s17;
	s1 =	rddreg [dreg:$0x1b]  }
0x264: {  	s21 =	sor.u32 s0, s15;
	s1 =	sadd.s32 s23, s1  }
0x265: {  	s25 =	sadd.s32 s0, s1;
	[tilespmem:s21+$0x0] =	vst.add.f32.msk $0xffff, v3  }
0x266: {  	s2 =	sor.u32 s29, s15;
	v3 =	vld [tilespmem:s25+$0x0]  }
0x267: {  	s1 =	sadd.s32 s29, s1;
	s26 =	rddreg [dreg:$0x1c];
	[tilespmem:s2+$0x0] =	vst.add.f32.msk $0xffff, v4  }
0x268: {  	v4 =	vld [tilespmem:s1+$0x0]  }
0x269: {  	[tilespmem:s19+$0x0] =	vst.add.f32.msk $0xffff, v2;
	s5 =	sadd.s32 $0x4780, s17  }
0x26a: {  	v2 =	vld [tilespmem:s18+$0x0];
	s8 =	sor.u32 s0, s5;
	s7 =	sadd.s32 s23, s26  }
0x26b: {  	s12 =	sadd.s32 s0, s7;
	[tilespmem:s8+$0x0] =	vst.add.f32.msk $0xffff, v3  }
0x26c: {  	s1 =	sor.u32 s29, s5;
	v3 =	vld [tilespmem:s12+$0x0]  }
0x26d: {  	s2 =	sadd.s32 s29, s7;
	[tilespmem:s1+$0x0] =	vst.add.f32.msk $0xffff, v4  }
0x26e: {  	v4 =	vld [tilespmem:s2+$0x0];
	_ =	sdelay $0x1  }
0x26f: {  	s13 =	sadd.s32 $0x4800, s17  }
0x270: {  	s17 =	sadd.s32 s9, s22;
	s15 =	sor.u32 s0, s13;
	[tilespmem:s31+$0x0] =	vst.add.f32.msk $0xffff, v2  }
0x271: {  	s18 =	simm.s32 $0x4480;
	s0 =	sshll.u32 s17, $0x7;
	s1 =	sor.u32 s29, s13;
	[tilespmem:s15+$0x0] =	vst.add.f32.msk $0xffff, v3  }
0x272: {  	s5 =	smov.u32 s9;
	s9 =	simm.s32 $0x0;
	s0 =	sadd.s32 s6, s0;
	[tilespmem:s1+$0x0] =	vst.add.f32.msk $0xffff, v4  }
0x273: {  	[hbm4b:s0+s9] =	stream.linear.scatter [tilespmem:s18], [sflag:$0xB], $0x2000, $0x38;
	[tilespmem:$0x11480] =	vst v63  }
0x274: {  	v2 =	vld [tilespmem:s20+$0x218];
	_ =	sdelay $0x4  }
0x275: {  	(v2sf) =	vpush v2, $0x0  }
0x276: {  	(v2sf) =	vpush v2, $0x1  }
0x277: {  	(v2sf) =	vpush v2, $0x2  }
0x278: {  	(v2sf) =	vpush v2, $0x3  }
0x279: {  	(v2sf) =	vpush v2, $0x4  }
0x27a: {  	(v2sf) =	vpush v2, $0x5  }
0x27b: {  	(v2sf) =	vpush v2, $0x6  }
0x27c: {  	(v2sf) =	vpush v2, $0x7;
	_ =	sdelay $0x7  }
0x27d: {  	s19 =	spop (v2sf)  }
0x27e: {  	s21 =	spop (v2sf)  }
0x27f: {  	s22 =	spop (v2sf)  }
0x280: {  	s12 =	spop (v2sf)  }
0x281: {  	s13 =	spop (v2sf)  }
0x282: {  	s8 =	spop (v2sf)  }
0x283: {  	s7 =	spop (v2sf)  }
0x284: {  	s15 =	simm.s32 $0x4;
	s0 =	spop (v2sf)  }
0x285: {  	_ =	swait.ge [sflag:s15], $0x2000  }
0x286: {  	[sflag:s15] =	ssyncset.done $0x0  }
0x287: {  	s23 =	simm.s32 $0xA;
	[sflag:s15] =	ssyncadd.s32 $0xFFFFE000  }
0x288: {  	_ =	swait.ge [sflag:s23], $0x2000  }
0x289: {  	[sflag:s23] =	ssyncset.done $0x0  }
0x28a: {  	[sflag:s23] =	ssyncadd.s32 $0xFFFFE000  }
0x28b: {  	v2 =	vld.msk @!p0 [tilespmem:s24+$0x48], $0xff;
	_ =	sdelay $0x4  }
0x28c: {  	v3 =	vshll.u32 @!p0 v2, $0x3  }
0x28d: {  	v4 =	vlaneseq.u32 @!p0;
	v2 =	vand.u32 @!p0 $0x7, v2;
	v3 =	vand.u32 @!p0 $0xFFFFFFC0, v3  }
0x28e: {  	v2 =	vor.u32 @!p0 v2, v3;
	v3 =	vand.u32 @!p0 $0x7, v4;
	v4 =	vshrl.u32 @!p0 v4, $0x3  }
0x28f: {  	v2 =	vperm.xlane @!p0 v2, v3;
	v3 =	vmul.u32 @!p0 $0x8, v4;
	_ =	sdelay $0x1  }
0x290: {  	v2 =	vadd.s32 @!p0 v3, v2  }
0x291: {  	s17 =	simm.s32 @!p0 $0x2480;
	s1 =	sshll.u32 s19, $0x7  }
0x292: {  	s25 =	sshll.u32 s19, $0xA;
	s1 =	sand.u32 $0x180, s1;
	s2 =	sshll.u32 s21, $0x7  }
0x293: {  	s26 =	sshll.u32 s21, $0xA;
	s2 =	sand.u32 $0x180, s2;
	s4 =	sshll.u32 s22, $0x7  }
0x294: {  	s4 =	sand.u32 $0x180, s4;
	s15 =	simm.s32 @!p0 $0x0;
	s18 =	sld [smem:$0x7FC]  }
0x295: {  	[tilespmem:s17], [sflag:$0x2] =	stream.indirect_vreg.gather @!p0 [hbm4b:s28+s15], $0x80, v2, vm1, $0xb8;
	[tilespmem:$0x11480] =	vst v63  }
0x296: {  	s19 =	sshll.u32 s12, $0xA;
	s21 =	sshll.u32 s12, $0x7;
	s17 =	simm.s32 @!p0 $0x2C80  }
0x297: {  	[tilespmem:s17], [sflag:$0x2] =	stream.indirect_vreg.gather @!p0 [hbm4b:s18+s15], $0x80, v2, vm1, $0xb8;
	[tilespmem:$0x11480] =	vst v63  }
0x298: {  	s12 =	sshll.u32 s7, $0xA;
	s7 =	sshll.u32 s7, $0x7;
	s17 =	simm.s32 @!p0 $0x3480  }
0x299: {  	[tilespmem:s17], [sflag:$0x2] =	stream.indirect_vreg.gather @!p0 [hbm4b:s10+s15], $0x80, v2, vm1, $0xb8;
	[tilespmem:$0x11480] =	vst v63  }
0x29a: {  	s7 =	sand.u32 $0x180, s7;
	s23 =	sand.u32 $0x180, s21;
	s17 =	simm.s32 @!p0 $0x3C80  }
0x29b: {  	[tilespmem:s17], [sflag:$0x2] =	stream.indirect_vreg.gather @!p0 [hbm4b:s11+s15], $0x80, v2, vm1, $0xb8;
	[tilespmem:$0x11480] =	vst v63  }
0x29c: {  	s15 =	sand.u32 $0xFFFFF000, s25;
	s17 =	sshll.u32 s22, $0xA;
	s22 =	sand.u32 $0xFFFFF000, s19  }
0x29d: {  	s25 =	sshll.u32 s13, $0xA;
	s19 =	sshll.u32 s0, $0xA;
	s0 =	sshll.u32 s0, $0x7  }
0x29e: {  	s1 =	sor.u32 s1, s15;
	s15 =	sand.u32 $0xFFFFF000, s26;
	s26 =	sshll.u32 s13, $0x7  }
0x29f: {  	s13 =	sand.u32 $0xFFFFF000, s12;
	s0 =	sand.u32 $0x180, s0;
	s1 =	sadd.s32 $0x10480, s1  }
0x2a0: {  	[dreg:$0x1d] =	wrdreg s1;
	s1 =	sor.u32 s2, s15;
	s2 =	sand.u32 $0xFFFFF000, s17  }
0x2a1: {  	s17 =	sor.u32 s7, s13;
	s1 =	sadd.s32 $0x10480, s1;
	s18 =	sor.u32 s4, s2  }
0x2a2: {  	s2 =	sand.u32 $0xFFFFF000, s25;
	s4 =	sand.u32 $0x180, s26;
	s21 =	rddreg [dreg:$0x1d]  }
0x2a3: {  	[dreg:$0x1e] =	wrdreg s1;
	s1 =	sadd.s32 $0x10480, s18;
	s2 =	sor.u32 s4, s2  }
0x2a4: {  	s18 =	sadd.s32 $0x10480, s17;
	[dreg:$0x1f] =	wrdreg s1;
	s1 =	sor.u32 s23, s22  }
0x2a5: {  	s4 =	sshll.u32 s8, $0xA;
	[smem:$0x7F4] =	sst s18;
	s1 =	sadd.s32 $0x10480, s1  }
0x2a6: {  	s8 =	sshll.u32 s8, $0x7;
	s22 =	simm.s32 $0x0;
	[smem:$0x7F6] =	sst s1  }
0x2a7: {  	s1 =	sadd.s32 $0x10480, s2;
	s2 =	sand.u32 $0xFFFFF000, s4;
	s4 =	sand.u32 $0x180, s8  }
0x2a8: {  	s23 =	simm.s32 $0x0;
	s31 =	sand.u32 $0x60, s22;
	s2 =	sor.u32 s4, s2  }
0x2a9: {  	[smem:$0x7F7] =	sst s1;
	s1 =	sand.u32 $0xFFFFF000, s19;
	s19 =	sand.u32 $0xFFFFFE00, s23  }
0x2aa: {  	s15 =	sadd.s32 $0x10480, s2;
	s0 =	sor.u32 s0, s1;
	s25 =	sadd.s32 s19, s21  }
0x2ab: {  	[smem:$0x7F8] =	sst s15;
	s0 =	sadd.s32 $0x10480, s0;
	s15 =	sor.u32 $0x10, s31  }
0x2ac: {  	[smem:$0x7F5] =	sst s0;
	s26 =	sadd.s32 s15, s25  }
0x2ad: {  	s2 =	sadd.s32 s31, s25;
	v2 =	vld [tilespmem:s26+$0x0]  }
0x2ae: {  	s4 =	simm.s32 $0x0;
	v3 =	vld [tilespmem:s2+$0x0]  }
0x2af: {  	s18 =	sand.u32 $0x3FFFFC00, s4  }
0x2b0: {  	s8 =	sadd.s32 $0x6480, s18  }
0x2b1: {  	s7 =	rddreg [dreg:$0x1e];
	s13 =	sor.u32 s15, s8  }
0x2b2: {  	s12 =	sadd.s32 s19, s7;
	s0 =	sor.u32 s31, s8;
	[tilespmem:s13+$0x0] =	vst.add.f32.msk $0xffff, v2  }
0x2b3: {  	s17 =	sadd.s32 s15, s12;
	[tilespmem:s0+$0x0] =	vst.add.f32.msk $0xffff, v3  }
0x2b4: {  	s21 =	sadd.s32 s31, s12;
	v2 =	vld [tilespmem:s17+$0x0]  }
0x2b5: {  	v3 =	vld [tilespmem:s21+$0x0];
	_ =	sdelay $0x1  }
0x2b6: {  	s23 =	sadd.s32 $0x6500, s18  }
0x2b7: {  	s25 =	sor.u32 s15, s23;
	s22 =	rddreg [dreg:$0x1f]  }
0x2b8: {  	s0 =	sor.u32 s31, s23;
	s1 =	sadd.s32 s19, s22;
	[tilespmem:s25+$0x0] =	vst.add.f32.msk $0xffff, v2  }
0x2b9: {  	s26 =	sadd.s32 s15, s1;
	[tilespmem:s0+$0x0] =	vst.add.f32.msk $0xffff, v3  }
0x2ba: {  	s4 =	sadd.s32 s31, s1;
	v2 =	vld [tilespmem:s26+$0x0]  }
0x2bb: {  	v3 =	vld [tilespmem:s4+$0x0]  }
0x2bc: {  	s7 =	sld [smem:$0x7F6]  }
0x2bd: {  	s8 =	sadd.s32 $0x6580, s18  }
0x2be: {  	s12 =	sor.u32 s15, s8  }
0x2bf: {  	s0 =	sor.u32 s31, s8;
	s1 =	sadd.s32 s19, s7;
	[tilespmem:s12+$0x0] =	vst.add.f32.msk $0xffff, v2  }
0x2c0: {  	s13 =	sadd.s32 s15, s1;
	[tilespmem:s0+$0x0] =	vst.add.f32.msk $0xffff, v3  }
0x2c1: {  	v2 =	vld [tilespmem:s13+$0x0]  }
0x2c2: {  	s17 =	sadd.s32 s31, s1;
	s21 =	sld [smem:$0x7F7]  }
0x2c3: {  	v3 =	vld [tilespmem:s17+$0x0]  }
0x2c4: {  	s22 =	sadd.s32 $0x6600, s18  }
0x2c5: {  	s23 =	sor.u32 s15, s22;
	s1 =	sadd.s32 s19, s21  }
0x2c6: {  	s8 =	simm.s32 $0x80;
	s25 =	sadd.s32 s15, s1;
	[tilespmem:s23+$0x0] =	vst.add.f32.msk $0xffff, v2  }
0x2c7: {  	s26 =	rddreg [dreg:$0x1d];
	s7 =	simm.s32 $0x20;
	s0 =	sor.u32 s31, s22;
	v2 =	vld [tilespmem:s25+$0x0]  }
0x2c8: {  	s29 =	sand.u32 $0x60, s7;
	s1 =	sadd.s32 s31, s1;
	[tilespmem:s0+$0x0] =	vst.add.f32.msk $0xffff, v3;
	s23 =	sand.u32 $0xFFFFFE00, s8  }
0x2c9: {  	s0 =	sor.u32 $0x10, s29;
	s12 =	sld [smem:$0x7F8];
	s2 =	sadd.s32 s23, s26  }
0x2ca: {  	s13 =	sadd.s32 $0x6680, s18;
	v3 =	vld [tilespmem:s1+$0x0];
	s17 =	sadd.s32 s0, s2  }
0x2cb: {  	s21 =	sor.u32 s15, s13;
	v4 =	vld [tilespmem:s17+$0x0]  }
0x2cc: {  	s22 =	simm.s32 $0x100;
	s2 =	sadd.s32 s29, s2;
	s7 =	sadd.s32 s19, s12;
	[tilespmem:s21+$0x0] =	vst.add.f32.msk $0xffff, v2  }
0x2cd: {  	s17 =	sand.u32 $0x3FFFFC00, s22;
	s26 =	sadd.s32 s15, s7;
	v2 =	vld [tilespmem:s2+$0x0]  }
0x2ce: {  	s25 =	rddreg [dreg:$0x1e];
	s1 =	sor.u32 s31, s13;
	s13 =	sadd.s32 $0x6480, s17;
	v5 =	vld [tilespmem:s26+$0x0]  }
0x2cf: {  	s22 =	sor.u32 s0, s13;
	[tilespmem:s1+$0x0] =	vst.add.f32.msk $0xffff, v3;
	s21 =	sadd.s32 s23, s25  }
0x2d0: {  	s25 =	sld [smem:$0x7F4];
	s26 =	sadd.s32 s0, s21;
	[tilespmem:s22+$0x0] =	vst.add.f32.msk $0xffff, v4  }
0x2d1: {  	s12 =	sadd.s32 $0x6700, s18;
	s2 =	sor.u32 s29, s13;
	v3 =	vld [tilespmem:s26+$0x0]  }
0x2d2: {  	s13 =	sor.u32 s15, s12;
	[tilespmem:s2+$0x0] =	vst.add.f32.msk $0xffff, v2  }
0x2d3: {  	s1 =	sadd.s32 s29, s21;
	s2 =	sadd.s32 s19, s25;
	[tilespmem:s13+$0x0] =	vst.add.f32.msk $0xffff, v5  }
0x2d4: {  	s8 =	sadd.s32 s15, s2;
	v2 =	vld [tilespmem:s1+$0x0]  }
0x2d5: {  	s22 =	sadd.s32 $0x6500, s17;
	s21 =	rddreg [dreg:$0x1f];
	v4 =	vld [tilespmem:s8+$0x0]  }
0x2d6: {  	s25 =	sor.u32 s0, s22;
	s4 =	sadd.s32 s23, s21  }
0x2d7: {  	s26 =	sld [smem:$0x7F5];
	[tilespmem:s25+$0x0] =	vst.add.f32.msk $0xffff, v3;
	s21 =	sadd.s32 s0, s4  }
0x2d8: {  	s1 =	sor.u32 s29, s22;
	s8 =	sadd.s32 $0x6780, s18;
	v3 =	vld [tilespmem:s21+$0x0]  }
0x2d9: {  	s22 =	sor.u32 s15, s8;
	[tilespmem:s1+$0x0] =	vst.add.f32.msk $0xffff, v2  }
0x2da: {  	s25 =	sadd.s32 s29, s4;
	s13 =	sadd.s32 s19, s26;
	[tilespmem:s22+$0x0] =	vst.add.f32.msk $0xffff, v4;
	s26 =	sld [smem:$0x7F6]  }
0x2db: {  	s19 =	sadd.s32 s15, s13;
	v2 =	vld [tilespmem:s25+$0x0]  }
0x2dc: {  	s7 =	sadd.s32 s31, s7;
	s21 =	sadd.s32 $0x6580, s17;
	v4 =	vld [tilespmem:s19+$0x0]  }
0x2dd: {  	v5 =	vld [tilespmem:s7+$0x0];
	s22 =	sor.u32 s0, s21;
	s4 =	sadd.s32 s23, s26  }
0x2de: {  	[tilespmem:s22+$0x0] =	vst.add.f32.msk $0xffff, v3;
	s25 =	sadd.s32 s0, s4  }
0x2df: {  	s7 =	sadd.s32 $0x6800, s18;
	s1 =	sor.u32 s29, s21;
	v3 =	vld [tilespmem:s25+$0x0]  }
0x2e0: {  	s26 =	sor.u32 s15, s7;
	[tilespmem:s1+$0x0] =	vst.add.f32.msk $0xffff, v2  }
0x2e1: {  	s4 =	sadd.s32 s29, s4;
	[tilespmem:s26+$0x0] =	vst.add.f32.msk $0xffff, v4;
	s15 =	sld [smem:$0x7F7]  }
0x2e2: {  	s12 =	sor.u32 s31, s12;
	v4 =	vld [tilespmem:s4+$0x0]  }
0x2e3: {  	s18 =	sadd.s32 s31, s2;
	[tilespmem:s12+$0x0] =	vst.add.f32.msk $0xffff, v5;
	s19 =	sadd.s32 $0x6600, s17  }
0x2e4: {  	v2 =	vld [tilespmem:s18+$0x0];
	s25 =	sor.u32 s0, s19;
	s21 =	sadd.s32 s23, s15  }
0x2e5: {  	[tilespmem:s25+$0x0] =	vst.add.f32.msk $0xffff, v3;
	s26 =	sadd.s32 s0, s21  }
0x2e6: {  	s30 =	simm.s32 $0x2;
	s22 =	sor.u32 $0x18, s20;
	s2 =	sor.u32 s29, s19;
	v3 =	vld [tilespmem:s26+$0x0]  }
0x2e7: {  	s19 =	sor.u32 s31, s8;
	s18 =	sadd.s32 s31, s13;
	s1 =	sadd.s32 s29, s21;
	[tilespmem:s2+$0x0] =	vst.add.f32.msk $0xffff, v4  }
0x2e8: {  	s31 =	sor.u32 s31, s7;
	s15 =	simm.s32 $0x40;
	s7 =	sld [smem:$0x7F8];
	v4 =	vld [tilespmem:s1+$0x0]  }
.LBB2_9:
0x2e9: {  	_ = 	snop  }
0x2ea: {  	s30 =	sadd.s32 $0x2, s30;
	s1 =	rddreg [dreg:$0x1d];
	s2 =	sadd.s32 $0x6680, s17;
	[tilespmem:s19+$0x0] =	vst.add.f32.msk $0xffff, v2  }
0x2eb: {  	s4 =	sshll.u32 s30, $0x6;
	s13 =	sor.u32 s0, s2;
	s12 =	sadd.s32 s23, s7;
	v5 =	vld [tilespmem:s18+$0x0]  }
0x2ec: {  	s21 =	sand.u32 $0x60, s15;
	s8 =	sand.u32 $0xFFFFFE00, s4;
	s18 =	sadd.s32 s0, s12;
	[tilespmem:s13+$0x0] =	vst.add.f32.msk $0xffff, v3  }
0x2ed: {  	s2 =	sor.u32 s29, s2;
	s7 =	sor.u32 $0x10, s21;
	s1 =	sadd.s32 s8, s1;
	v2 =	vld [tilespmem:s18+$0x0]  }
0x2ee: {  	s25 =	sld [smem:$0x7F4];
	s19 =	sadd.s32 s21, s1;
	s1 =	sadd.s32 s7, s1;
	[tilespmem:s2+$0x0] =	vst.add.f32.msk $0xffff, v4  }
0x2ef: {  	v3 =	vld [tilespmem:s1+$0x0]  }
0x2f0: {  	s26 =	sadd.s32 s29, s12;
	s12 =	sshll.u32 s30, $0x7;
	s13 =	sadd.s32 $0x6700, s17;
	v4 =	vld [tilespmem:s19+$0x0]  }
0x2f1: {  	s4 =	sand.u32 $0x3FFFFC00, s12;
	v6 =	vld [tilespmem:s26+$0x0];
	s1 =	sadd.s32 s23, s25;
	s25 =	sor.u32 s0, s13  }
0x2f2: {  	s18 =	rddreg [dreg:$0x1e];
	s26 =	sadd.s32 $0x6480, s4;
	s19 =	sadd.s32 s0, s1;
	[tilespmem:s25+$0x0] =	vst.add.f32.msk $0xffff, v2  }
0x2f3: {  	s12 =	sadd.s32 s8, s18;
	s18 =	sor.u32 s7, s26;
	v2 =	vld [tilespmem:s19+$0x0]  }
0x2f4: {  	s25 =	sor.u32 s21, s26;
	[tilespmem:s18+$0x0] =	vst.add.f32.msk $0xffff, v3  }
0x2f5: {  	s2 =	sadd.s32 s21, s12;
	s12 =	sadd.s32 s7, s12;
	s26 =	sld [smem:$0x7F5];
	[tilespmem:s25+$0x0] =	vst.add.f32.msk $0xffff, v4  }
0x2f6: {  	v3 =	vld [tilespmem:s12+$0x0]  }
0x2f7: {  	s25 =	sadd.s32 $0x6780, s17;
	v4 =	vld [tilespmem:s2+$0x0]  }
0x2f8: {  	s19 =	sor.u32 s29, s25;
	s2 =	sadd.s32 s23, s26;
	s26 =	sor.u32 s0, s25  }
0x2f9: {  	s25 =	sadd.s32 $0x6500, s4;
	s18 =	sadd.s32 s29, s2;
	s2 =	sadd.s32 s0, s2;
	[tilespmem:s26+$0x0] =	vst.add.f32.msk $0xffff, v2  }
0x2fa: {  	s12 =	rddreg [dreg:$0x1f];
	s23 =	sor.u32 s7, s25;
	v2 =	vld [tilespmem:s2+$0x0]  }
0x2fb: {  	s12 =	sadd.s32 s8, s12;
	s26 =	sor.u32 s21, s25;
	[tilespmem:s23+$0x0] =	vst.add.f32.msk $0xffff, v3  }
0x2fc: {  	s25 =	sadd.s32 s21, s12;
	s12 =	sadd.s32 s7, s12;
	[tilespmem:s26+$0x0] =	vst.add.f32.msk $0xffff, v4  }
0x2fd: {  	s13 =	sor.u32 s29, s13;
	s1 =	sadd.s32 s29, s1;
	v3 =	vld [tilespmem:s12+$0x0]  }
0x2fe: {  	s23 =	smov.u32 s8;
	s8 =	sld [smem:$0x7F6];
	s26 =	sadd.s32 $0x6800, s17;
	v4 =	vld [tilespmem:s25+$0x0]  }
0x2ff: {  	s17 =	smov.u32 s4;
	s2 =	sor.u32 s29, s26;
	s12 =	sor.u32 s0, s26  }
0x300: {  	s29 =	smov.u32 s21;
	s4 =	sadd.s32 $0x6580, s17;
	s0 =	smov.u32 s7;
	[tilespmem:s13+$0x0] =	vst.add.f32.msk $0xffff, v6  }
0x301: {  	s25 =	sor.u32 s29, s4;
	s4 =	sor.u32 s0, s4;
	[tilespmem:s12+$0x0] =	vst.add.f32.msk $0xffff, v2  }
0x302: {  	s8 =	sadd.s32 s23, s8;
	[tilespmem:s4+$0x0] =	vst.add.f32.msk $0xffff, v3  }
0x303: {  	s26 =	sadd.s32 s29, s8;
	s8 =	sadd.s32 s0, s8;
	[tilespmem:s25+$0x0] =	vst.add.f32.msk $0xffff, v4  }
0x304: {  	v3 =	vld [tilespmem:s8+$0x0]  }
0x305: {  	v4 =	vld [tilespmem:s26+$0x0]  }
0x306: {  	s13 =	sld [smem:$0x7F7]  }
0x307: {  	p1 =	slt.u32 s30, $0x3E;
	s21 =	sadd.s32 $0x6600, s17;
	v2 =	vld [tilespmem:s1+$0x0]  }
.Ltmp3:
0x308: {  	s7 =	sor.u32 s0, s21;
	[tilespmem:s31+$0x0] =	vst.add.f32.msk $0xffff, v5;
	(pc) =	sbr.rel @p1 .LBB2_9-.Ltmp3, $4  }
0x309: {  	s25 =	sor.u32 s29, s21;
	s4 =	sadd.s32 s23, s13;
	[tilespmem:s7+$0x0] =	vst.add.f32.msk $0xffff, v3  }
0x30a: {  	s26 =	sadd.s32 s29, s4;
	s4 =	sadd.s32 s0, s4;
	[tilespmem:s25+$0x0] =	vst.add.f32.msk $0xffff, v4  }
0x30b: {  	v3 =	vld [tilespmem:s4+$0x0]  }
0x30c: {  	s15 =	sadd.s32 $0x20, s15;
	s31 =	smov.u32 s2;
	s7 =	sld [smem:$0x7F8];
	v4 =	vld [tilespmem:s26+$0x0]  }
0x30d: {  	_ = 	snop  }
0x30e: {  	s1 =	sadd.s32 $0x6680, s17  }
0x30f: {  	s4 =	sor.u32 s0, s1;
	s2 =	sadd.s32 s23, s7  }
0x310: {  	[tilespmem:s4+$0x0] =	vst.add.f32.msk $0xffff, v3;
	s13 =	sadd.s32 s0, s2  }
0x311: {  	s1 =	sor.u32 s29, s1;
	v3 =	vld [tilespmem:s13+$0x0]  }
0x312: {  	[tilespmem:s1+$0x0] =	vst.add.f32.msk $0xffff, v4  }
0x313: {  	s2 =	sadd.s32 s29, s2;
	s1 =	sld [smem:$0x7F4]  }
0x314: {  	v4 =	vld [tilespmem:s2+$0x0]  }
0x315: {  	s15 =	sadd.s32 $0x6700, s17  }
0x316: {  	s21 =	sor.u32 s0, s15;
	s1 =	sadd.s32 s23, s1  }
0x317: {  	[tilespmem:s21+$0x0] =	vst.add.f32.msk $0xffff, v3;
	s25 =	sadd.s32 s0, s1  }
0x318: {  	s2 =	sor.u32 s29, s15;
	v3 =	vld [tilespmem:s25+$0x0]  }
0x319: {  	s1 =	sadd.s32 s29, s1;
	s26 =	sld [smem:$0x7F5];
	[tilespmem:s2+$0x0] =	vst.add.f32.msk $0xffff, v4  }
0x31a: {  	v4 =	vld [tilespmem:s1+$0x0]  }
0x31b: {  	[tilespmem:s19+$0x0] =	vst.add.f32.msk $0xffff, v2;
	s2 =	sadd.s32 $0x6780, s17  }
0x31c: {  	v2 =	vld [tilespmem:s18+$0x0];
	s8 =	sor.u32 s0, s2;
	s7 =	sadd.s32 s23, s26  }
0x31d: {  	s12 =	sadd.s32 s0, s7;
	[tilespmem:s8+$0x0] =	vst.add.f32.msk $0xffff, v3  }
0x31e: {  	s1 =	sor.u32 s29, s2;
	v3 =	vld [tilespmem:s12+$0x0]  }
0x31f: {  	s2 =	sadd.s32 s29, s7;
	[tilespmem:s1+$0x0] =	vst.add.f32.msk $0xffff, v4  }
0x320: {  	v4 =	vld [tilespmem:s2+$0x0];
	_ =	sdelay $0x1  }
0x321: {  	s13 =	sadd.s32 $0x6800, s17  }
0x322: {  	s15 =	sor.u32 s0, s13;
	[tilespmem:s31+$0x0] =	vst.add.f32.msk $0xffff, v2;
	s17 =	sadd.s32 s5, s22  }
0x323: {  	s0 =	sshll.u32 s17, $0x7;
	s1 =	sor.u32 s29, s13;
	[tilespmem:s15+$0x0] =	vst.add.f32.msk $0xffff, v3  }
0x324: {  	s18 =	simm.s32 $0x6480;
	s0 =	sadd.s32 s6, s0;
	[tilespmem:s1+$0x0] =	vst.add.f32.msk $0xffff, v4  }
0x325: {  	[hbm4b:s0+s9] =	stream.linear.scatter [tilespmem:s18], [sflag:$0xC], $0x2000, $0x38;
	[tilespmem:$0x11480] =	vst v63  }
0x326: {  	v2 =	vld [tilespmem:s20+$0x220];
	_ =	sdelay $0x4  }
0x327: {  	(v2sf) =	vpush v2, $0x0  }
0x328: {  	(v2sf) =	vpush v2, $0x1  }
0x329: {  	(v2sf) =	vpush v2, $0x2  }
0x32a: {  	(v2sf) =	vpush v2, $0x3  }
0x32b: {  	(v2sf) =	vpush v2, $0x4  }
0x32c: {  	(v2sf) =	vpush v2, $0x5  }
0x32d: {  	(v2sf) =	vpush v2, $0x6  }
0x32e: {  	(v2sf) =	vpush v2, $0x7;
	_ =	sdelay $0x7  }
0x32f: {  	s19 =	spop (v2sf)  }
0x330: {  	s21 =	spop (v2sf)  }
0x331: {  	s22 =	spop (v2sf)  }
0x332: {  	s12 =	spop (v2sf)  }
0x333: {  	s13 =	spop (v2sf)  }
0x334: {  	s8 =	spop (v2sf)  }
0x335: {  	s7 =	spop (v2sf)  }
0x336: {  	s15 =	simm.s32 $0x5;
	s0 =	spop (v2sf)  }
0x337: {  	_ =	swait.ge [sflag:s15], $0x2000  }
0x338: {  	[sflag:s15] =	ssyncset.done $0x0  }
0x339: {  	s23 =	simm.s32 $0xB;
	[sflag:s15] =	ssyncadd.s32 $0xFFFFE000  }
0x33a: {  	_ =	swait.ge [sflag:s23], $0x2000  }
0x33b: {  	[sflag:s23] =	ssyncset.done $0x0  }
0x33c: {  	[sflag:s23] =	ssyncadd.s32 $0xFFFFE000  }
0x33d: {  	v2 =	vld.msk @!p0 [tilespmem:s24+$0x50], $0xff;
	_ =	sdelay $0x4  }
0x33e: {  	v3 =	vshll.u32 @!p0 v2, $0x3  }
0x33f: {  	v4 =	vlaneseq.u32 @!p0;
	v2 =	vand.u32 @!p0 $0x7, v2;
	v3 =	vand.u32 @!p0 $0xFFFFFFC0, v3  }
0x340: {  	v2 =	vor.u32 @!p0 v2, v3;
	v3 =	vand.u32 @!p0 $0x7, v4;
	v4 =	vshrl.u32 @!p0 v4, $0x3  }
0x341: {  	v2 =	vperm.xlane @!p0 v2, v3;
	v3 =	vmul.u32 @!p0 $0x8, v4;
	_ =	sdelay $0x1  }
0x342: {  	v2 =	vadd.s32 @!p0 v3, v2  }
0x343: {  	s17 =	simm.s32 @!p0 $0x4480;
	s1 =	sshll.u32 s19, $0x7  }
0x344: {  	s25 =	sshll.u32 s19, $0xA;
	s1 =	sand.u32 $0x180, s1;
	s2 =	sshll.u32 s21, $0x7  }
0x345: {  	s26 =	sshll.u32 s21, $0xA;
	s2 =	sand.u32 $0x180, s2;
	s4 =	sshll.u32 s22, $0x7  }
0x346: {  	s4 =	sand.u32 $0x180, s4;
	s15 =	simm.s32 @!p0 $0x0;
	s18 =	sld [smem:$0x7FC]  }
0x347: {  	[tilespmem:s17], [sflag:$0x3] =	stream.indirect_vreg.gather @!p0 [hbm4b:s28+s15], $0x80, v2, vm1, $0xb8;
	[tilespmem:$0x11480] =	vst v63  }
0x348: {  	s19 =	sshll.u32 s12, $0xA;
	s21 =	sshll.u32 s12, $0x7;
	s17 =	simm.s32 @!p0 $0x4C80  }
0x349: {  	[tilespmem:s17], [sflag:$0x3] =	stream.indirect_vreg.gather @!p0 [hbm4b:s18+s15], $0x80, v2, vm1, $0xb8;
	[tilespmem:$0x11480] =	vst v63  }
0x34a: {  	s12 =	sshll.u32 s7, $0xA;
	s7 =	sshll.u32 s7, $0x7;
	s17 =	simm.s32 @!p0 $0x5480  }
0x34b: {  	[tilespmem:s17], [sflag:$0x3] =	stream.indirect_vreg.gather @!p0 [hbm4b:s10+s15], $0x80, v2, vm1, $0xb8;
	[tilespmem:$0x11480] =	vst v63  }
0x34c: {  	s7 =	sand.u32 $0x180, s7;
	s23 =	sand.u32 $0x180, s21;
	s17 =	simm.s32 @!p0 $0x5C80  }
0x34d: {  	[tilespmem:s17], [sflag:$0x3] =	stream.indirect_vreg.gather @!p0 [hbm4b:s11+s15], $0x80, v2, vm1, $0xb8;
	[tilespmem:$0x11480] =	vst v63  }
0x34e: {  	s15 =	sand.u32 $0xFFFFF000, s25;
	s17 =	sshll.u32 s22, $0xA;
	s22 =	sand.u32 $0xFFFFF000, s19  }
0x34f: {  	s25 =	sshll.u32 s13, $0xA;
	s19 =	sshll.u32 s0, $0xA;
	s0 =	sshll.u32 s0, $0x7  }
0x350: {  	s1 =	sor.u32 s1, s15;
	s15 =	sand.u32 $0xFFFFF000, s26;
	s26 =	sshll.u32 s13, $0x7  }
0x351: {  	s13 =	sand.u32 $0xFFFFF000, s12;
	s0 =	sand.u32 $0x180, s0;
	s1 =	sadd.s32 $0x10480, s1  }
0x352: {  	[smem:$0x7EC] =	sst s1;
	s1 =	sor.u32 s2, s15;
	s2 =	sand.u32 $0xFFFFF000, s17  }
0x353: {  	s17 =	sor.u32 s7, s13;
	s1 =	sadd.s32 $0x10480, s1;
	s18 =	sor.u32 s4, s2  }
0x354: {  	s2 =	sand.u32 $0xFFFFF000, s25;
	s4 =	sand.u32 $0x180, s26;
	s21 =	sld [smem:$0x7EC]  }
0x355: {  	[smem:$0x7ED] =	sst s1;
	s1 =	sadd.s32 $0x10480, s18;
	s2 =	sor.u32 s4, s2  }
0x356: {  	s18 =	sadd.s32 $0x10480, s17;
	[smem:$0x7EF] =	sst s1;
	s1 =	sor.u32 s23, s22  }
0x357: {  	s4 =	sshll.u32 s8, $0xA;
	[smem:$0x7EE] =	sst s18;
	s1 =	sadd.s32 $0x10480, s1  }
0x358: {  	s8 =	sshll.u32 s8, $0x7;
	s22 =	simm.s32 $0x0;
	[smem:$0x7F1] =	sst s1  }
0x359: {  	s1 =	sadd.s32 $0x10480, s2;
	s2 =	sand.u32 $0xFFFFF000, s4;
	s4 =	sand.u32 $0x180, s8  }
0x35a: {  	s23 =	simm.s32 $0x0;
	s31 =	sand.u32 $0x60, s22;
	s2 =	sor.u32 s4, s2  }
0x35b: {  	[smem:$0x7F2] =	sst s1;
	s1 =	sand.u32 $0xFFFFF000, s19;
	s19 =	sand.u32 $0xFFFFFE00, s23  }
0x35c: {  	s15 =	sadd.s32 $0x10480, s2;
	s0 =	sor.u32 s0, s1;
	s25 =	sadd.s32 s19, s21  }
0x35d: {  	[smem:$0x7F3] =	sst s15;
	s0 =	sadd.s32 $0x10480, s0;
	s15 =	sor.u32 $0x10, s31  }
0x35e: {  	[smem:$0x7F0] =	sst s0;
	s26 =	sadd.s32 s15, s25  }
0x35f: {  	s2 =	sadd.s32 s31, s25;
	v2 =	vld [tilespmem:s26+$0x0]  }
0x360: {  	s4 =	simm.s32 $0x0;
	v3 =	vld [tilespmem:s2+$0x0]  }
0x361: {  	s7 =	sld [smem:$0x7ED];
	s18 =	sand.u32 $0x3FFFFC00, s4  }
0x362: {  	s8 =	sadd.s32 $0x8480, s18  }
0x363: {  	s13 =	sor.u32 s15, s8  }
0x364: {  	s12 =	sadd.s32 s19, s7;
	s0 =	sor.u32 s31, s8;
	[tilespmem:s13+$0x0] =	vst.add.f32.msk $0xffff, v2  }
0x365: {  	s17 =	sadd.s32 s15, s12;
	[tilespmem:s0+$0x0] =	vst.add.f32.msk $0xffff, v3  }
0x366: {  	s21 =	sadd.s32 s31, s12;
	v2 =	vld [tilespmem:s17+$0x0]  }
0x367: {  	v3 =	vld [tilespmem:s21+$0x0]  }
0x368: {  	s22 =	sld [smem:$0x7EF]  }
0x369: {  	s23 =	sadd.s32 $0x8500, s18  }
0x36a: {  	s25 =	sor.u32 s15, s23  }
0x36b: {  	s0 =	sor.u32 s31, s23;
	s1 =	sadd.s32 s19, s22;
	[tilespmem:s25+$0x0] =	vst.add.f32.msk $0xffff, v2  }
0x36c: {  	s26 =	sadd.s32 s15, s1;
	[tilespmem:s0+$0x0] =	vst.add.f32.msk $0xffff, v3  }
0x36d: {  	s4 =	sadd.s32 s31, s1;
	v2 =	vld [tilespmem:s26+$0x0]  }
0x36e: {  	v3 =	vld [tilespmem:s4+$0x0]  }
0x36f: {  	s7 =	sld [smem:$0x7F1]  }
0x370: {  	s8 =	sadd.s32 $0x8580, s18  }
0x371: {  	s12 =	sor.u32 s15, s8  }
0x372: {  	s0 =	sor.u32 s31, s8;
	s1 =	sadd.s32 s19, s7;
	[tilespmem:s12+$0x0] =	vst.add.f32.msk $0xffff, v2  }
0x373: {  	s13 =	sadd.s32 s15, s1;
	[tilespmem:s0+$0x0] =	vst.add.f32.msk $0xffff, v3  }
0x374: {  	v2 =	vld [tilespmem:s13+$0x0]  }
0x375: {  	s17 =	sadd.s32 s31, s1;
	s21 =	sld [smem:$0x7F2]  }
0x376: {  	v3 =	vld [tilespmem:s17+$0x0]  }
0x377: {  	s22 =	sadd.s32 $0x8600, s18  }
0x378: {  	s23 =	sor.u32 s15, s22;
	s1 =	sadd.s32 s19, s21  }
0x379: {  	s26 =	sld [smem:$0x7EC];
	s25 =	sadd.s32 s15, s1;
	[tilespmem:s23+$0x0] =	vst.add.f32.msk $0xffff, v2  }
0x37a: {  	s8 =	simm.s32 $0x80;
	s7 =	simm.s32 $0x20;
	s0 =	sor.u32 s31, s22;
	v2 =	vld [tilespmem:s25+$0x0]  }
0x37b: {  	s29 =	sand.u32 $0x60, s7;
	s1 =	sadd.s32 s31, s1;
	[tilespmem:s0+$0x0] =	vst.add.f32.msk $0xffff, v3;
	s23 =	sand.u32 $0xFFFFFE00, s8  }
0x37c: {  	s0 =	sor.u32 $0x10, s29;
	s12 =	sld [smem:$0x7F3];
	s2 =	sadd.s32 s23, s26  }
0x37d: {  	s13 =	sadd.s32 $0x8680, s18;
	v3 =	vld [tilespmem:s1+$0x0];
	s17 =	sadd.s32 s0, s2  }
0x37e: {  	s22 =	simm.s32 $0x100;
	s21 =	sor.u32 s15, s13;
	v4 =	vld [tilespmem:s17+$0x0]  }
0x37f: {  	s25 =	sld [smem:$0x7ED];
	s2 =	sadd.s32 s29, s2;
	s7 =	sadd.s32 s19, s12;
	[tilespmem:s21+$0x0] =	vst.add.f32.msk $0xffff, v2  }
0x380: {  	s17 =	sand.u32 $0x3FFFFC00, s22;
	s26 =	sadd.s32 s15, s7;
	v2 =	vld [tilespmem:s2+$0x0]  }
0x381: {  	s1 =	sor.u32 s31, s13;
	s13 =	sadd.s32 $0x8480, s17;
	v5 =	vld [tilespmem:s26+$0x0]  }
0x382: {  	s22 =	sor.u32 s0, s13;
	[tilespmem:s1+$0x0] =	vst.add.f32.msk $0xffff, v3;
	s21 =	sadd.s32 s23, s25  }
0x383: {  	s25 =	sld [smem:$0x7EE];
	s26 =	sadd.s32 s0, s21;
	[tilespmem:s22+$0x0] =	vst.add.f32.msk $0xffff, v4  }
0x384: {  	s12 =	sadd.s32 $0x8700, s18;
	s2 =	sor.u32 s29, s13;
	v3 =	vld [tilespmem:s26+$0x0]  }
0x385: {  	s13 =	sor.u32 s15, s12;
	[tilespmem:s2+$0x0] =	vst.add.f32.msk $0xffff, v2  }
0x386: {  	s1 =	sadd.s32 s29, s21;
	s2 =	sadd.s32 s19, s25;
	[tilespmem:s13+$0x0] =	vst.add.f32.msk $0xffff, v5;
	s21 =	sld [smem:$0x7EF]  }
0x387: {  	s8 =	sadd.s32 s15, s2;
	v2 =	vld [tilespmem:s1+$0x0]  }
0x388: {  	s22 =	sadd.s32 $0x8500, s17;
	v4 =	vld [tilespmem:s8+$0x0]  }
0x389: {  	s25 =	sor.u32 s0, s22;
	s4 =	sadd.s32 s23, s21  }
0x38a: {  	s26 =	sld [smem:$0x7F0];
	[tilespmem:s25+$0x0] =	vst.add.f32.msk $0xffff, v3;
	s21 =	sadd.s32 s0, s4  }
0x38b: {  	s1 =	sor.u32 s29, s22;
	s8 =	sadd.s32 $0x8780, s18;
	v3 =	vld [tilespmem:s21+$0x0]  }
0x38c: {  	s22 =	sor.u32 s15, s8;
	[tilespmem:s1+$0x0] =	vst.add.f32.msk $0xffff, v2  }
0x38d: {  	s13 =	sadd.s32 s19, s26;
	s25 =	sadd.s32 s29, s4;
	[tilespmem:s22+$0x0] =	vst.add.f32.msk $0xffff, v4;
	s26 =	sld [smem:$0x7F1]  }
0x38e: {  	s19 =	sadd.s32 s15, s13;
	v2 =	vld [tilespmem:s25+$0x0]  }
0x38f: {  	s7 =	sadd.s32 s31, s7;
	s21 =	sadd.s32 $0x8580, s17;
	v4 =	vld [tilespmem:s19+$0x0]  }
0x390: {  	v5 =	vld [tilespmem:s7+$0x0];
	s22 =	sor.u32 s0, s21;
	s4 =	sadd.s32 s23, s26  }
0x391: {  	[tilespmem:s22+$0x0] =	vst.add.f32.msk $0xffff, v3;
	s25 =	sadd.s32 s0, s4  }
0x392: {  	s7 =	sadd.s32 $0x8800, s18;
	s1 =	sor.u32 s29, s21;
	v3 =	vld [tilespmem:s25+$0x0]  }
0x393: {  	s26 =	sor.u32 s15, s7;
	[tilespmem:s1+$0x0] =	vst.add.f32.msk $0xffff, v2  }
0x394: {  	s4 =	sadd.s32 s29, s4;
	[tilespmem:s26+$0x0] =	vst.add.f32.msk $0xffff, v4;
	s15 =	sld [smem:$0x7F2]  }
0x395: {  	s12 =	sor.u32 s31, s12;
	v4 =	vld [tilespmem:s4+$0x0]  }
0x396: {  	s18 =	sadd.s32 s31, s2;
	[tilespmem:s12+$0x0] =	vst.add.f32.msk $0xffff, v5;
	s19 =	sadd.s32 $0x8600, s17  }
0x397: {  	v2 =	vld [tilespmem:s18+$0x0];
	s25 =	sor.u32 s0, s19;
	s21 =	sadd.s32 s23, s15  }
0x398: {  	[tilespmem:s25+$0x0] =	vst.add.f32.msk $0xffff, v3;
	s26 =	sadd.s32 s0, s21  }
0x399: {  	s2 =	sor.u32 s29, s19;
	v3 =	vld [tilespmem:s26+$0x0]  }
0x39a: {  	s19 =	sor.u32 s31, s8;
	s18 =	sadd.s32 s31, s13;
	[tilespmem:s2+$0x0] =	vst.add.f32.msk $0xffff, v4  }
0x39b: {  	s31 =	sor.u32 s31, s7;
	s1 =	sadd.s32 s29, s21;
	s7 =	sld [smem:$0x7F3]  }
0x39c: {  	s30 =	simm.s32 $0x2;
	s22 =	sor.u32 $0x20, s20;
	s15 =	simm.s32 $0x40;
	v4 =	vld [tilespmem:s1+$0x0]  }
.LBB2_11:
0x39d: {  	s30 =	sadd.s32 $0x2, s30;
	s1 =	sld [smem:$0x7EC];
	s2 =	sadd.s32 $0x8680, s17;
	[tilespmem:s19+$0x0] =	vst.add.f32.msk $0xffff, v2  }
0x39e: {  	s4 =	sshll.u32 s30, $0x6;
	s12 =	sadd.s32 s23, s7;
	s7 =	sor.u32 s0, s2;
	v5 =	vld [tilespmem:s18+$0x0]  }
0x39f: {  	s21 =	sand.u32 $0x60, s15;
	s8 =	sand.u32 $0xFFFFFE00, s4;
	[tilespmem:s7+$0x0] =	vst.add.f32.msk $0xffff, v3;
	s4 =	sadd.s32 s0, s12  }
0x3a0: {  	s2 =	sor.u32 s29, s2;
	s7 =	sor.u32 $0x10, s21;
	s1 =	sadd.s32 s8, s1;
	v2 =	vld [tilespmem:s4+$0x0]  }
0x3a1: {  	s4 =	sadd.s32 s21, s1;
	s1 =	sadd.s32 s7, s1;
	[tilespmem:s2+$0x0] =	vst.add.f32.msk $0xffff, v4;
	s2 =	sld [smem:$0x7EE]  }
0x3a2: {  	p1 =	slt.u32 s30, $0x3E;
	v3 =	vld [tilespmem:s1+$0x0];
	s1 =	sadd.s32 s29, s12  }
0x3a3: {  	s13 =	sadd.s32 $0x8700, s17;
	v4 =	vld [tilespmem:s4+$0x0];
	s4 =	sshll.u32 s30, $0x7;
	s12 =	sld [smem:$0x7ED]  }
0x3a4: {  	s4 =	sand.u32 $0x3FFFFC00, s4;
	v6 =	vld [tilespmem:s1+$0x0];
	s1 =	sadd.s32 s23, s2;
	s2 =	sor.u32 s0, s13  }
0x3a5: {  	s13 =	sor.u32 s29, s13;
	s18 =	sadd.s32 $0x8480, s4;
	[tilespmem:s2+$0x0] =	vst.add.f32.msk $0xffff, v2;
	s2 =	sadd.s32 s0, s1  }
0x3a6: {  	s19 =	sor.u32 s21, s18;
	s12 =	sadd.s32 s8, s12;
	s18 =	sor.u32 s7, s18;
	v2 =	vld [tilespmem:s2+$0x0]  }
0x3a7: {  	s2 =	sadd.s32 s21, s12;
	[tilespmem:s18+$0x0] =	vst.add.f32.msk $0xffff, v3;
	s12 =	sadd.s32 s7, s12;
	s18 =	sld [smem:$0x7F0]  }
0x3a8: {  	s1 =	sadd.s32 s29, s1;
	v3 =	vld [tilespmem:s12+$0x0]  }
0x3a9: {  	s25 =	sadd.s32 $0x8780, s17;
	[tilespmem:s19+$0x0] =	vst.add.f32.msk $0xffff, v4;
	s12 =	sld [smem:$0x7EF]  }
0x3aa: {  	s19 =	sor.u32 s29, s25;
	v4 =	vld [tilespmem:s2+$0x0];
	s2 =	sadd.s32 s23, s18;
	s23 =	sor.u32 s0, s25  }
0x3ab: {  	s25 =	sadd.s32 $0x8500, s4;
	s18 =	sadd.s32 s29, s2;
	[tilespmem:s23+$0x0] =	vst.add.f32.msk $0xffff, v2;
	s2 =	sadd.s32 s0, s2  }
0x3ac: {  	s26 =	sor.u32 s21, s25;
	s23 =	sor.u32 s7, s25;
	s12 =	sadd.s32 s8, s12;
	v2 =	vld [tilespmem:s2+$0x0]  }
0x3ad: {  	s2 =	sadd.s32 s21, s12;
	[tilespmem:s23+$0x0] =	vst.add.f32.msk $0xffff, v3;
	s12 =	sadd.s32 s7, s12;
	s23 =	smov.u32 s8  }
0x3ae: {  	v3 =	vld [tilespmem:s12+$0x0]  }
0x3af: {  	s12 =	sadd.s32 $0x8800, s17;
	s17 =	smov.u32 s4;
	[tilespmem:s26+$0x0] =	vst.add.f32.msk $0xffff, v4;
	s8 =	sld [smem:$0x7F1]  }
0x3b0: {  	s0 =	sor.u32 s0, s12;
	v4 =	vld [tilespmem:s2+$0x0];
	s2 =	sor.u32 s29, s12;
	s29 =	smov.u32 s21  }
0x3b1: {  	s4 =	sadd.s32 $0x8580, s17;
	[tilespmem:s0+$0x0] =	vst.add.f32.msk $0xffff, v2;
	s0 =	smov.u32 s7  }
0x3b2: {  	s7 =	sor.u32 s29, s4;
	s8 =	sadd.s32 s23, s8;
	s4 =	sor.u32 s0, s4;
	[tilespmem:s13+$0x0] =	vst.add.f32.msk $0xffff, v6  }
0x3b3: {  	s12 =	sadd.s32 s29, s8;
	[tilespmem:s4+$0x0] =	vst.add.f32.msk $0xffff, v3;
	s4 =	sadd.s32 s0, s8  }
0x3b4: {  	v3 =	vld [tilespmem:s4+$0x0]  }
0x3b5: {  	[tilespmem:s7+$0x0] =	vst.add.f32.msk $0xffff, v4;
	s4 =	sld [smem:$0x7F2]  }
0x3b6: {  	s7 =	sadd.s32 $0x8600, s17;
	v4 =	vld [tilespmem:s12+$0x0]  }
0x3b7: {  	v2 =	vld [tilespmem:s1+$0x0];
	s1 =	sor.u32 s29, s7  }
.Ltmp4:
0x3b8: {  	s7 =	sor.u32 s0, s7;
	s4 =	sadd.s32 s23, s4;
	[tilespmem:s31+$0x0] =	vst.add.f32.msk $0xffff, v5;
	(pc) =	sbr.rel @p1 .LBB2_11-.Ltmp4, $4  }
0x3b9: {  	s31 =	smov.u32 s2;
	s8 =	sadd.s32 s29, s4;
	[tilespmem:s7+$0x0] =	vst.add.f32.msk $0xffff, v3;
	s4 =	sadd.s32 s0, s4  }
0x3ba: {  	v3 =	vld [tilespmem:s4+$0x0]  }
0x3bb: {  	[tilespmem:s1+$0x0] =	vst.add.f32.msk $0xffff, v4;
	s7 =	sld [smem:$0x7F3]  }
0x3bc: {  	s15 =	sadd.s32 $0x20, s15;
	v4 =	vld [tilespmem:s8+$0x0]  }
0x3bd: {  	s1 =	sadd.s32 $0x8680, s17  }
0x3be: {  	s2 =	sadd.s32 s23, s7;
	s4 =	sor.u32 s0, s1  }
0x3bf: {  	[tilespmem:s4+$0x0] =	vst.add.f32.msk $0xffff, v3;
	s13 =	sadd.s32 s0, s2  }
0x3c0: {  	s1 =	sor.u32 s29, s1;
	v3 =	vld [tilespmem:s13+$0x0]  }
0x3c1: {  	[tilespmem:s1+$0x0] =	vst.add.f32.msk $0xffff, v4  }
0x3c2: {  	s2 =	sadd.s32 s29, s2;
	s1 =	sld [smem:$0x7EE]  }
0x3c3: {  	v4 =	vld [tilespmem:s2+$0x0]  }
0x3c4: {  	s15 =	sadd.s32 $0x8700, s17  }
0x3c5: {  	s21 =	sor.u32 s0, s15;
	s1 =	sadd.s32 s23, s1  }
0x3c6: {  	[tilespmem:s21+$0x0] =	vst.add.f32.msk $0xffff, v3;
	s25 =	sadd.s32 s0, s1  }
0x3c7: {  	s2 =	sor.u32 s29, s15;
	v3 =	vld [tilespmem:s25+$0x0]  }
0x3c8: {  	s26 =	sld [smem:$0x7F0];
	s1 =	sadd.s32 s29, s1;
	[tilespmem:s2+$0x0] =	vst.add.f32.msk $0xffff, v4  }
0x3c9: {  	v4 =	vld [tilespmem:s1+$0x0]  }
0x3ca: {  	[tilespmem:s19+$0x0] =	vst.add.f32.msk $0xffff, v2;
	s7 =	sadd.s32 $0x8780, s17  }
0x3cb: {  	v2 =	vld [tilespmem:s18+$0x0];
	s12 =	sor.u32 s0, s7;
	s8 =	sadd.s32 s23, s26  }
0x3cc: {  	s13 =	sadd.s32 s0, s8;
	[tilespmem:s12+$0x0] =	vst.add.f32.msk $0xffff, v3  }
0x3cd: {  	s1 =	sor.u32 s29, s7;
	v3 =	vld [tilespmem:s13+$0x0]  }
0x3ce: {  	s2 =	sadd.s32 s29, s8;
	[tilespmem:s1+$0x0] =	vst.add.f32.msk $0xffff, v4  }
0x3cf: {  	v4 =	vld [tilespmem:s2+$0x0];
	_ =	sdelay $0x1  }
0x3d0: {  	s15 =	sadd.s32 $0x8800, s17  }
0x3d1: {  	s18 =	sadd.s32 s5, s22;
	s17 =	sor.u32 s0, s15;
	[tilespmem:s31+$0x0] =	vst.add.f32.msk $0xffff, v2  }
0x3d2: {  	s0 =	sshll.u32 s18, $0x7;
	s1 =	sor.u32 s29, s15;
	[tilespmem:s17+$0x0] =	vst.add.f32.msk $0xffff, v3  }
0x3d3: {  	s19 =	simm.s32 $0x8480;
	s0 =	sadd.s32 s6, s0;
	[tilespmem:s1+$0x0] =	vst.add.f32.msk $0xffff, v4  }
0x3d4: {  	[hbm4b:s0+s9] =	stream.linear.scatter [tilespmem:s19], [sflag:$0xD], $0x2000, $0x38;
	[tilespmem:$0x11480] =	vst v63  }
0x3d5: {  	v2 =	vld [tilespmem:s20+$0x228];
	_ =	sdelay $0x4  }
0x3d6: {  	(v2sf) =	vpush v2, $0x0  }
0x3d7: {  	(v2sf) =	vpush v2, $0x1  }
0x3d8: {  	(v2sf) =	vpush v2, $0x2  }
0x3d9: {  	(v2sf) =	vpush v2, $0x3  }
0x3da: {  	(v2sf) =	vpush v2, $0x4  }
0x3db: {  	(v2sf) =	vpush v2, $0x5  }
0x3dc: {  	(v2sf) =	vpush v2, $0x6  }
0x3dd: {  	(v2sf) =	vpush v2, $0x7;
	_ =	sdelay $0x7  }
0x3de: {  	s21 =	spop (v2sf)  }
0x3df: {  	s22 =	spop (v2sf)  }
0x3e0: {  	s23 =	spop (v2sf)  }
0x3e1: {  	s12 =	spop (v2sf)  }
0x3e2: {  	s13 =	spop (v2sf)  }
0x3e3: {  	s8 =	spop (v2sf)  }
0x3e4: {  	s7 =	spop (v2sf)  }
0x3e5: {  	s15 =	simm.s32 $0x6;
	s0 =	spop (v2sf)  }
0x3e6: {  	_ =	swait.ge [sflag:s15], $0x2000  }
0x3e7: {  	[sflag:s15] =	ssyncset.done $0x0  }
0x3e8: {  	s25 =	simm.s32 $0xC;
	[sflag:s15] =	ssyncadd.s32 $0xFFFFE000  }
0x3e9: {  	_ =	swait.ge [sflag:s25], $0x2000  }
0x3ea: {  	[sflag:s25] =	ssyncset.done $0x0  }
0x3eb: {  	[sflag:s25] =	ssyncadd.s32 $0xFFFFE000  }
0x3ec: {  	v2 =	vld.msk @!p0 [tilespmem:s24+$0x58], $0xff;
	_ =	sdelay $0x4  }
0x3ed: {  	v3 =	vshll.u32 @!p0 v2, $0x3  }
0x3ee: {  	v4 =	vlaneseq.u32 @!p0;
	v2 =	vand.u32 @!p0 $0x7, v2;
	v3 =	vand.u32 @!p0 $0xFFFFFFC0, v3  }
0x3ef: {  	v2 =	vor.u32 @!p0 v2, v3;
	v3 =	vand.u32 @!p0 $0x7, v4;
	v4 =	vshrl.u32 @!p0 v4, $0x3  }
0x3f0: {  	v2 =	vperm.xlane @!p0 v2, v3;
	v3 =	vmul.u32 @!p0 $0x8, v4;
	_ =	sdelay $0x1  }
0x3f1: {  	v2 =	vadd.s32 @!p0 v3, v2  }
0x3f2: {  	s17 =	simm.s32 @!p0 $0x6480;
	s1 =	sshll.u32 s21, $0x7  }
0x3f3: {  	s26 =	sshll.u32 s21, $0xA;
	s1 =	sand.u32 $0x180, s1;
	s2 =	sshll.u32 s22, $0x7  }
0x3f4: {  	s31 =	sshll.u32 s22, $0xA;
	s2 =	sand.u32 $0x180, s2;
	s4 =	sshll.u32 s23, $0x7  }
0x3f5: {  	s4 =	sand.u32 $0x180, s4;
	s15 =	simm.s32 @!p0 $0x0;
	s18 =	sld [smem:$0x7FC]  }
0x3f6: {  	[tilespmem:s17], [sflag:$0x4] =	stream.indirect_vreg.gather @!p0 [hbm4b:s28+s15], $0x80, v2, vm1, $0xb8;
	[tilespmem:$0x11480] =	vst v63  }
0x3f7: {  	s21 =	sshll.u32 s12, $0xA;
	s22 =	sshll.u32 s12, $0x7;
	s17 =	simm.s32 @!p0 $0x6C80  }
0x3f8: {  	[tilespmem:s17], [sflag:$0x4] =	stream.indirect_vreg.gather @!p0 [hbm4b:s18+s15], $0x80, v2, vm1, $0xb8;
	[tilespmem:$0x11480] =	vst v63  }
0x3f9: {  	s12 =	sshll.u32 s7, $0xA;
	s7 =	sshll.u32 s7, $0x7;
	s17 =	simm.s32 @!p0 $0x7480  }
0x3fa: {  	[tilespmem:s17], [sflag:$0x4] =	stream.indirect_vreg.gather @!p0 [hbm4b:s10+s15], $0x80, v2, vm1, $0xb8;
	[tilespmem:$0x11480] =	vst v63  }
0x3fb: {  	s7 =	sand.u32 $0x180, s7;
	s25 =	sand.u32 $0x180, s22;
	s17 =	simm.s32 @!p0 $0x7C80  }
0x3fc: {  	[tilespmem:s17], [sflag:$0x4] =	stream.indirect_vreg.gather @!p0 [hbm4b:s11+s15], $0x80, v2, vm1, $0xb8;
	[tilespmem:$0x11480] =	vst v63  }
0x3fd: {  	s18 =	sshll.u32 s23, $0xA;
	s23 =	sand.u32 $0xFFFFF000, s21;
	s15 =	sand.u32 $0xFFFFF000, s26  }
0x3fe: {  	s17 =	sand.u32 $0xFFFFF000, s31;
	s26 =	sshll.u32 s13, $0xA;
	s1 =	sor.u32 s1, s15  }
0x3ff: {  	s31 =	sshll.u32 s13, $0x7;
	s13 =	sand.u32 $0xFFFFF000, s12;
	s1 =	sadd.s32 $0x10480, s1  }
0x400: {  	[smem:$0x7E4] =	sst s1;
	s1 =	sor.u32 s2, s17;
	s2 =	sand.u32 $0xFFFFF000, s18  }
0x401: {  	s17 =	sor.u32 s7, s13;
	s1 =	sadd.s32 $0x10480, s1;
	s19 =	sor.u32 s4, s2  }
0x402: {  	s2 =	sand.u32 $0xFFFFF000, s26;
	s4 =	sand.u32 $0x180, s31;
	s21 =	sld [smem:$0x7E4]  }
0x403: {  	s18 =	sadd.s32 $0x10480, s17;
	[smem:$0x7E5] =	sst s1;
	s1 =	sadd.s32 $0x10480, s19  }
0x404: {  	s2 =	sor.u32 s4, s2;
	s4 =	sshll.u32 s8, $0xA;
	[smem:$0x7E6] =	sst s18  }
0x405: {  	s8 =	sshll.u32 s8, $0x7;
	[smem:$0x7E7] =	sst s1;
	s1 =	sor.u32 s25, s23  }
0x406: {  	s19 =	sshll.u32 s0, $0xA;
	s0 =	sshll.u32 s0, $0x7;
	s1 =	sadd.s32 $0x10480, s1  }
0x407: {  	s0 =	sand.u32 $0x180, s0;
	s23 =	simm.s32 $0x0;
	[smem:$0x7E9] =	sst s1  }
0x408: {  	s1 =	sadd.s32 $0x10480, s2;
	s2 =	sand.u32 $0xFFFFF000, s4;
	s4 =	sand.u32 $0x180, s8  }
0x409: {  	s25 =	simm.s32 $0x0;
	s22 =	sand.u32 $0x60, s23;
	s2 =	sor.u32 s4, s2  }
0x40a: {  	[smem:$0x7EA] =	sst s1;
	s1 =	sand.u32 $0xFFFFF000, s19;
	s19 =	sand.u32 $0xFFFFFE00, s25  }
0x40b: {  	s15 =	sadd.s32 $0x10480, s2;
	s0 =	sor.u32 s0, s1;
	s26 =	sadd.s32 s19, s21  }
0x40c: {  	[smem:$0x7EB] =	sst s15;
	s0 =	sadd.s32 $0x10480, s0;
	s15 =	sor.u32 $0x10, s22  }
0x40d: {  	[smem:$0x7E8] =	sst s0;
	s31 =	sadd.s32 s15, s26  }
0x40e: {  	s2 =	sadd.s32 s22, s26;
	v2 =	vld [tilespmem:s31+$0x0]  }
0x40f: {  	s4 =	simm.s32 $0x0;
	v3 =	vld [tilespmem:s2+$0x0]  }
0x410: {  	s7 =	sld [smem:$0x7E5];
	s18 =	sand.u32 $0x3FFFFC00, s4  }
0x411: {  	s8 =	sadd.s32 $0xA480, s18  }
0x412: {  	s13 =	sor.u32 s15, s8  }
0x413: {  	s12 =	sadd.s32 s19, s7;
	s0 =	sor.u32 s22, s8;
	[tilespmem:s13+$0x0] =	vst.add.f32.msk $0xffff, v2  }
0x414: {  	s17 =	sadd.s32 s15, s12;
	[tilespmem:s0+$0x0] =	vst.add.f32.msk $0xffff, v3  }
0x415: {  	s21 =	sadd.s32 s22, s12;
	v2 =	vld [tilespmem:s17+$0x0]  }
0x416: {  	v3 =	vld [tilespmem:s21+$0x0]  }
0x417: {  	s23 =	sld [smem:$0x7E7]  }
0x418: {  	s25 =	sadd.s32 $0xA500, s18  }
0x419: {  	s26 =	sor.u32 s15, s25  }
0x41a: {  	s0 =	sor.u32 s22, s25;
	s1 =	sadd.s32 s19, s23;
	[tilespmem:s26+$0x0] =	vst.add.f32.msk $0xffff, v2  }
0x41b: {  	s31 =	sadd.s32 s15, s1;
	[tilespmem:s0+$0x0] =	vst.add.f32.msk $0xffff, v3  }
0x41c: {  	s4 =	sadd.s32 s22, s1;
	v2 =	vld [tilespmem:s31+$0x0]  }
0x41d: {  	v3 =	vld [tilespmem:s4+$0x0]  }
0x41e: {  	s7 =	sld [smem:$0x7E9]  }
0x41f: {  	s8 =	sadd.s32 $0xA580, s18  }
0x420: {  	s12 =	sor.u32 s15, s8  }
0x421: {  	s0 =	sor.u32 s22, s8;
	s1 =	sadd.s32 s19, s7;
	[tilespmem:s12+$0x0] =	vst.add.f32.msk $0xffff, v2  }
0x422: {  	s13 =	sadd.s32 s15, s1;
	[tilespmem:s0+$0x0] =	vst.add.f32.msk $0xffff, v3  }
0x423: {  	v2 =	vld [tilespmem:s13+$0x0]  }
0x424: {  	s17 =	sadd.s32 s22, s1;
	s21 =	sld [smem:$0x7EA]  }
0x425: {  	v3 =	vld [tilespmem:s17+$0x0]  }
0x426: {  	s23 =	sadd.s32 $0xA600, s18  }
0x427: {  	s25 =	sor.u32 s15, s23;
	s31 =	sld [smem:$0x7E4];
	s1 =	sadd.s32 s19, s21  }
0x428: {  	s8 =	simm.s32 $0x80;
	s26 =	sadd.s32 s15, s1;
	[tilespmem:s25+$0x0] =	vst.add.f32.msk $0xffff, v2  }
0x429: {  	s7 =	simm.s32 $0x20;
	s0 =	sor.u32 s22, s23;
	s23 =	sand.u32 $0xFFFFFE00, s8;
	v2 =	vld [tilespmem:s26+$0x0]  }
0x42a: {  	s29 =	sand.u32 $0x60, s7;
	s2 =	sadd.s32 s23, s31;
	[tilespmem:s0+$0x0] =	vst.add.f32.msk $0xffff, v3  }
0x42b: {  	s1 =	sadd.s32 s22, s1;
	s0 =	sor.u32 $0x10, s29;
	s12 =	sld [smem:$0x7EB]  }
0x42c: {  	s13 =	sadd.s32 $0xA680, s18;
	v3 =	vld [tilespmem:s1+$0x0];
	s17 =	sadd.s32 s0, s2  }
0x42d: {  	s21 =	sor.u32 s15, s13;
	s25 =	simm.s32 $0x100;
	v4 =	vld [tilespmem:s17+$0x0]  }
0x42e: {  	s2 =	sadd.s32 s29, s2;
	s26 =	sld [smem:$0x7E5];
	s7 =	sadd.s32 s19, s12;
	[tilespmem:s21+$0x0] =	vst.add.f32.msk $0xffff, v2  }
0x42f: {  	s17 =	sand.u32 $0x3FFFFC00, s25;
	s31 =	sadd.s32 s15, s7;
	v2 =	vld [tilespmem:s2+$0x0]  }
0x430: {  	s1 =	sor.u32 s22, s13;
	s13 =	sadd.s32 $0xA480, s17;
	v5 =	vld [tilespmem:s31+$0x0]  }
0x431: {  	s25 =	sor.u32 s0, s13;
	[tilespmem:s1+$0x0] =	vst.add.f32.msk $0xffff, v3;
	s21 =	sadd.s32 s23, s26  }
0x432: {  	s26 =	sld [smem:$0x7E6];
	[tilespmem:s25+$0x0] =	vst.add.f32.msk $0xffff, v4;
	s31 =	sadd.s32 s0, s21  }
0x433: {  	s12 =	sadd.s32 $0xA700, s18;
	s2 =	sor.u32 s29, s13;
	v3 =	vld [tilespmem:s31+$0x0]  }
0x434: {  	s13 =	sor.u32 s15, s12;
	[tilespmem:s2+$0x0] =	vst.add.f32.msk $0xffff, v2  }
0x435: {  	s1 =	sadd.s32 s29, s21;
	s2 =	sadd.s32 s19, s26;
	[tilespmem:s13+$0x0] =	vst.add.f32.msk $0xffff, v5;
	s21 =	sld [smem:$0x7E7]  }
0x436: {  	s8 =	sadd.s32 s15, s2;
	v2 =	vld [tilespmem:s1+$0x0]  }
0x437: {  	s25 =	sadd.s32 $0xA500, s17;
	v4 =	vld [tilespmem:s8+$0x0]  }
0x438: {  	s26 =	sor.u32 s0, s25;
	s4 =	sadd.s32 s23, s21  }
0x439: {  	s31 =	sld [smem:$0x7E8];
	[tilespmem:s26+$0x0] =	vst.add.f32.msk $0xffff, v3;
	s21 =	sadd.s32 s0, s4  }
0x43a: {  	s1 =	sor.u32 s29, s25;
	s8 =	sadd.s32 $0xA780, s18;
	v3 =	vld [tilespmem:s21+$0x0]  }
0x43b: {  	s25 =	sor.u32 s15, s8;
	[tilespmem:s1+$0x0] =	vst.add.f32.msk $0xffff, v2  }
0x43c: {  	s13 =	sadd.s32 s19, s31;
	s26 =	sadd.s32 s29, s4;
	[tilespmem:s25+$0x0] =	vst.add.f32.msk $0xffff, v4;
	s31 =	sld [smem:$0x7E9]  }
0x43d: {  	s19 =	sadd.s32 s15, s13;
	v2 =	vld [tilespmem:s26+$0x0]  }
0x43e: {  	s7 =	sadd.s32 s22, s7;
	s21 =	sadd.s32 $0xA580, s17;
	v4 =	vld [tilespmem:s19+$0x0]  }
0x43f: {  	v5 =	vld [tilespmem:s7+$0x0];
	s25 =	sor.u32 s0, s21;
	s4 =	sadd.s32 s23, s31  }
0x440: {  	[tilespmem:s25+$0x0] =	vst.add.f32.msk $0xffff, v3;
	s26 =	sadd.s32 s0, s4  }
0x441: {  	s7 =	sadd.s32 $0xA800, s18;
	s1 =	sor.u32 s29, s21;
	v3 =	vld [tilespmem:s26+$0x0]  }
0x442: {  	s31 =	sor.u32 s15, s7;
	[tilespmem:s1+$0x0] =	vst.add.f32.msk $0xffff, v2  }
0x443: {  	s4 =	sadd.s32 s29, s4;
	[tilespmem:s31+$0x0] =	vst.add.f32.msk $0xffff, v4;
	s15 =	sld [smem:$0x7EA]  }
0x444: {  	s18 =	sor.u32 s22, s12;
	v4 =	vld [tilespmem:s4+$0x0]  }
0x445: {  	s2 =	sadd.s32 s22, s2;
	[tilespmem:s18+$0x0] =	vst.add.f32.msk $0xffff, v5;
	s19 =	sadd.s32 $0xA600, s17  }
0x446: {  	s25 =	sor.u32 s0, s19;
	v2 =	vld [tilespmem:s2+$0x0];
	s21 =	sadd.s32 s23, s15  }
0x447: {  	[tilespmem:s25+$0x0] =	vst.add.f32.msk $0xffff, v3;
	s26 =	sadd.s32 s0, s21  }
0x448: {  	s1 =	sor.u32 s29, s19;
	v3 =	vld [tilespmem:s26+$0x0]  }
0x449: {  	s18 =	sadd.s32 s22, s13;
	s19 =	sor.u32 s22, s8;
	[tilespmem:s1+$0x0] =	vst.add.f32.msk $0xffff, v4  }
0x44a: {  	s22 =	sor.u32 s22, s7;
	s31 =	sadd.s32 s29, s21;
	s7 =	sld [smem:$0x7EB]  }
0x44b: {  	s30 =	simm.s32 $0x2;
	s20 =	sor.u32 $0x28, s20;
	s15 =	simm.s32 $0x40;
	v4 =	vld [tilespmem:s31+$0x0]  }
.LBB2_13:
0x44c: {  	s30 =	sadd.s32 $0x2, s30;
	s1 =	sld [smem:$0x7E4];
	s2 =	sadd.s32 $0xA680, s17;
	[tilespmem:s19+$0x0] =	vst.add.f32.msk $0xffff, v2  }
0x44d: {  	s4 =	sshll.u32 s30, $0x6;
	s12 =	sadd.s32 s23, s7;
	s7 =	sor.u32 s0, s2;
	v5 =	vld [tilespmem:s18+$0x0]  }
0x44e: {  	s21 =	sand.u32 $0x60, s15;
	s8 =	sand.u32 $0xFFFFFE00, s4;
	[tilespmem:s7+$0x0] =	vst.add.f32.msk $0xffff, v3;
	s4 =	sadd.s32 s0, s12  }
0x44f: {  	s2 =	sor.u32 s29, s2;
	s7 =	sor.u32 $0x10, s21;
	s1 =	sadd.s32 s8, s1;
	v2 =	vld [tilespmem:s4+$0x0]  }
0x450: {  	s4 =	sadd.s32 s21, s1;
	s1 =	sadd.s32 s7, s1;
	[tilespmem:s2+$0x0] =	vst.add.f32.msk $0xffff, v4;
	s2 =	sld [smem:$0x7E6]  }
0x451: {  	p1 =	slt.u32 s30, $0x3E;
	v3 =	vld [tilespmem:s1+$0x0];
	s1 =	sadd.s32 s29, s12  }
0x452: {  	s13 =	sadd.s32 $0xA700, s17;
	v4 =	vld [tilespmem:s4+$0x0];
	s4 =	sshll.u32 s30, $0x7;
	s12 =	sld [smem:$0x7E5]  }
0x453: {  	s4 =	sand.u32 $0x3FFFFC00, s4;
	v6 =	vld [tilespmem:s1+$0x0];
	s1 =	sadd.s32 s23, s2;
	s2 =	sor.u32 s0, s13  }
0x454: {  	s13 =	sor.u32 s29, s13;
	s18 =	sadd.s32 $0xA480, s4;
	[tilespmem:s2+$0x0] =	vst.add.f32.msk $0xffff, v2;
	s2 =	sadd.s32 s0, s1  }
0x455: {  	s19 =	sor.u32 s21, s18;
	s12 =	sadd.s32 s8, s12;
	s18 =	sor.u32 s7, s18;
	v2 =	vld [tilespmem:s2+$0x0]  }
0x456: {  	s2 =	sadd.s32 s21, s12;
	[tilespmem:s18+$0x0] =	vst.add.f32.msk $0xffff, v3;
	s12 =	sadd.s32 s7, s12;
	s18 =	sld [smem:$0x7E8]  }
0x457: {  	s1 =	sadd.s32 s29, s1;
	v3 =	vld [tilespmem:s12+$0x0]  }
0x458: {  	s25 =	sadd.s32 $0xA780, s17;
	[tilespmem:s19+$0x0] =	vst.add.f32.msk $0xffff, v4;
	s12 =	sld [smem:$0x7E7]  }
0x459: {  	s19 =	sor.u32 s29, s25;
	v4 =	vld [tilespmem:s2+$0x0];
	s2 =	sadd.s32 s23, s18;
	s23 =	sor.u32 s0, s25  }
0x45a: {  	s25 =	sadd.s32 $0xA500, s4;
	s18 =	sadd.s32 s29, s2;
	[tilespmem:s23+$0x0] =	vst.add.f32.msk $0xffff, v2;
	s2 =	sadd.s32 s0, s2  }
0x45b: {  	s26 =	sor.u32 s21, s25;
	s23 =	sor.u32 s7, s25;
	s12 =	sadd.s32 s8, s12;
	v2 =	vld [tilespmem:s2+$0x0]  }
0x45c: {  	s2 =	sadd.s32 s21, s12;
	[tilespmem:s23+$0x0] =	vst.add.f32.msk $0xffff, v3;
	s12 =	sadd.s32 s7, s12;
	s23 =	smov.u32 s8  }
0x45d: {  	v3 =	vld [tilespmem:s12+$0x0]  }
0x45e: {  	s12 =	sadd.s32 $0xA800, s17;
	s17 =	smov.u32 s4;
	[tilespmem:s26+$0x0] =	vst.add.f32.msk $0xffff, v4;
	s8 =	sld [smem:$0x7E9]  }
0x45f: {  	s0 =	sor.u32 s0, s12;
	v4 =	vld [tilespmem:s2+$0x0];
	s2 =	sor.u32 s29, s12;
	s29 =	smov.u32 s21  }
0x460: {  	s4 =	sadd.s32 $0xA580, s17;
	[tilespmem:s0+$0x0] =	vst.add.f32.msk $0xffff, v2;
	s0 =	smov.u32 s7  }
0x461: {  	s7 =	sor.u32 s29, s4;
	s8 =	sadd.s32 s23, s8;
	s4 =	sor.u32 s0, s4;
	[tilespmem:s13+$0x0] =	vst.add.f32.msk $0xffff, v6  }
0x462: {  	s12 =	sadd.s32 s29, s8;
	[tilespmem:s4+$0x0] =	vst.add.f32.msk $0xffff, v3;
	s4 =	sadd.s32 s0, s8  }
0x463: {  	v3 =	vld [tilespmem:s4+$0x0]  }
0x464: {  	[tilespmem:s7+$0x0] =	vst.add.f32.msk $0xffff, v4;
	s4 =	sld [smem:$0x7EA]  }
0x465: {  	s7 =	sadd.s32 $0xA600, s17;
	v4 =	vld [tilespmem:s12+$0x0]  }
0x466: {  	v2 =	vld [tilespmem:s1+$0x0];
	s1 =	sor.u32 s29, s7  }
.Ltmp5:
0x467: {  	s7 =	sor.u32 s0, s7;
	s4 =	sadd.s32 s23, s4;
	[tilespmem:s22+$0x0] =	vst.add.f32.msk $0xffff, v5;
	(pc) =	sbr.rel @p1 .LBB2_13-.Ltmp5, $4  }
0x468: {  	s22 =	smov.u32 s2;
	s8 =	sadd.s32 s29, s4;
	[tilespmem:s7+$0x0] =	vst.add.f32.msk $0xffff, v3;
	s4 =	sadd.s32 s0, s4  }
0x469: {  	v3 =	vld [tilespmem:s4+$0x0]  }
0x46a: {  	[tilespmem:s1+$0x0] =	vst.add.f32.msk $0xffff, v4;
	s7 =	sld [smem:$0x7EB]  }
0x46b: {  	s15 =	sadd.s32 $0x20, s15;
	v4 =	vld [tilespmem:s8+$0x0]  }
0x46c: {  	s1 =	sadd.s32 $0xA680, s17  }
0x46d: {  	s2 =	sadd.s32 s23, s7;
	s4 =	sor.u32 s0, s1  }
0x46e: {  	[tilespmem:s4+$0x0] =	vst.add.f32.msk $0xffff, v3;
	s31 =	sadd.s32 s0, s2  }
0x46f: {  	s1 =	sor.u32 s29, s1;
	v3 =	vld [tilespmem:s31+$0x0]  }
0x470: {  	[tilespmem:s1+$0x0] =	vst.add.f32.msk $0xffff, v4  }
0x471: {  	s2 =	sadd.s32 s29, s2;
	s1 =	sld [smem:$0x7E6]  }
0x472: {  	v4 =	vld [tilespmem:s2+$0x0]  }
0x473: {  	s7 =	sadd.s32 $0xA700, s17  }
0x474: {  	s8 =	sor.u32 s0, s7;
	s1 =	sadd.s32 s23, s1  }
0x475: {  	[tilespmem:s8+$0x0] =	vst.add.f32.msk $0xffff, v3;
	s12 =	sadd.s32 s0, s1  }
0x476: {  	s2 =	sor.u32 s29, s7;
	v3 =	vld [tilespmem:s12+$0x0]  }
0x477: {  	s13 =	sld [smem:$0x7E8];
	s1 =	sadd.s32 s29, s1;
	[tilespmem:s2+$0x0] =	vst.add.f32.msk $0xffff, v4  }
0x478: {  	v4 =	vld [tilespmem:s1+$0x0]  }
0x479: {  	[tilespmem:s19+$0x0] =	vst.add.f32.msk $0xffff, v2;
	s15 =	sadd.s32 $0xA780, s17  }
0x47a: {  	v2 =	vld [tilespmem:s18+$0x0];
	s21 =	sor.u32 s0, s15;
	s19 =	sadd.s32 s23, s13  }
0x47b: {  	s23 =	sadd.s32 s0, s19;
	[tilespmem:s21+$0x0] =	vst.add.f32.msk $0xffff, v3  }
0x47c: {  	s1 =	sor.u32 s29, s15;
	v3 =	vld [tilespmem:s23+$0x0]  }
0x47d: {  	s2 =	sadd.s32 s29, s19;
	[tilespmem:s1+$0x0] =	vst.add.f32.msk $0xffff, v4  }
0x47e: {  	v4 =	vld [tilespmem:s2+$0x0];
	_ =	sdelay $0x1  }
0x47f: {  	s25 =	sadd.s32 $0xA800, s17  }
0x480: {  	s30 =	sadd.s32 s5, s20;
	s26 =	sor.u32 s0, s25;
	[tilespmem:s22+$0x0] =	vst.add.f32.msk $0xffff, v2  }
0x481: {  	s0 =	sshll.u32 s30, $0x7;
	s1 =	sor.u32 s29, s25;
	[tilespmem:s26+$0x0] =	vst.add.f32.msk $0xffff, v3  }
0x482: {  	s31 =	simm.s32 $0xA480;
	s0 =	sadd.s32 s6, s0;
	[tilespmem:s1+$0x0] =	vst.add.f32.msk $0xffff, v4  }
0x483: {  	[hbm4b:s0+s9] =	stream.linear.scatter [tilespmem:s31], [sflag:$0xE], $0x2000, $0x38;
	[tilespmem:$0x11480] =	vst v63  }
0x484: {  	v2 =	vld [tilespmem:s16+$0x200];
	_ =	sdelay $0x4  }
0x485: {  	(v2sf) =	vpush v2, $0x0  }
0x486: {  	(v2sf) =	vpush v2, $0x1  }
0x487: {  	(v2sf) =	vpush v2, $0x2  }
0x488: {  	(v2sf) =	vpush v2, $0x3  }
0x489: {  	(v2sf) =	vpush v2, $0x4  }
0x48a: {  	(v2sf) =	vpush v2, $0x5  }
0x48b: {  	(v2sf) =	vpush v2, $0x6  }
0x48c: {  	(v2sf) =	vpush v2, $0x7;
	_ =	sdelay $0x7  }
0x48d: {  	s2 =	spop (v2sf)  }
0x48e: {  	s4 =	spop (v2sf)  }
0x48f: {  	s19 =	spop (v2sf)  }
0x490: {  	s12 =	spop (v2sf)  }
0x491: {  	s13 =	spop (v2sf)  }
0x492: {  	s8 =	spop (v2sf)  }
0x493: {  	s7 =	spop (v2sf)  }
0x494: {  	s15 =	simm.s32 $0x7;
	s0 =	spop (v2sf)  }
0x495: {  	_ =	swait.ge [sflag:s15], $0x2000  }
0x496: {  	[sflag:s15] =	ssyncset.done $0x0  }
0x497: {  	s20 =	simm.s32 $0xD;
	[sflag:s15] =	ssyncadd.s32 $0xFFFFE000  }
0x498: {  	_ =	swait.ge [sflag:s20], $0x2000  }
0x499: {  	[sflag:s20] =	ssyncset.done $0x0  }
0x49a: {  	[sflag:s20] =	ssyncadd.s32 $0xFFFFE000  }
0x49b: {  	v2 =	vld.msk @!p0 [tilespmem:s24+$0x60], $0xff;
	_ =	sdelay $0x4  }
0x49c: {  	v3 =	vshll.u32 @!p0 v2, $0x3  }
0x49d: {  	v4 =	vlaneseq.u32 @!p0;
	v2 =	vand.u32 @!p0 $0x7, v2;
	v3 =	vand.u32 @!p0 $0xFFFFFFC0, v3  }
0x49e: {  	v2 =	vor.u32 @!p0 v2, v3;
	v3 =	vand.u32 @!p0 $0x7, v4;
	v4 =	vshrl.u32 @!p0 v4, $0x3  }
0x49f: {  	v2 =	vperm.xlane @!p0 v2, v3;
	v3 =	vmul.u32 @!p0 $0x8, v4;
	_ =	sdelay $0x1  }
0x4a0: {  	v2 =	vadd.s32 @!p0 v3, v2  }
0x4a1: {  	s17 =	simm.s32 @!p0 $0x8480;
	s21 =	sshll.u32 s2, $0xA  }
0x4a2: {  	s1 =	sshll.u32 s2, $0x7;
	s22 =	sshll.u32 s4, $0xA;
	s2 =	sshll.u32 s4, $0x7  }
0x4a3: {  	s1 =	sand.u32 $0x180, s1;
	s23 =	sand.u32 $0xFFFFF000, s22;
	s2 =	sand.u32 $0x180, s2  }
0x4a4: {  	s4 =	sshll.u32 s19, $0x7;
	s15 =	simm.s32 @!p0 $0x0;
	s18 =	sld [smem:$0x7FC]  }
0x4a5: {  	[tilespmem:s17], [sflag:$0x5] =	stream.indirect_vreg.gather @!p0 [hbm4b:s28+s15], $0x80, v2, vm1, $0xb8;
	[tilespmem:$0x11480] =	vst v63  }
0x4a6: {  	s25 =	sshll.u32 s19, $0xA;
	s4 =	sand.u32 $0x180, s4;
	s17 =	simm.s32 @!p0 $0x8C80  }
0x4a7: {  	[tilespmem:s17], [sflag:$0x5] =	stream.indirect_vreg.gather @!p0 [hbm4b:s18+s15], $0x80, v2, vm1, $0xb8;
	[tilespmem:$0x11480] =	vst v63  }
0x4a8: {  	s30 =	sshll.u32 s12, $0xA;
	s31 =	sshll.u32 s12, $0x7;
	s17 =	simm.s32 @!p0 $0x9480  }
0x4a9: {  	[tilespmem:s17], [sflag:$0x5] =	stream.indirect_vreg.gather @!p0 [hbm4b:s10+s15], $0x80, v2, vm1, $0xb8;
	[tilespmem:$0x11480] =	vst v63  }
0x4aa: {  	s12 =	sshll.u32 s13, $0xA;
	s13 =	sshll.u32 s13, $0x7;
	s17 =	simm.s32 @!p0 $0x9C80  }
0x4ab: {  	[tilespmem:s17], [sflag:$0x5] =	stream.indirect_vreg.gather @!p0 [hbm4b:s11+s15], $0x80, v2, vm1, $0xb8;
	[tilespmem:$0x11480] =	vst v63  }
0x4ac: {  	s19 =	sshll.u32 s7, $0xA;
	s7 =	sshll.u32 s7, $0x7;
	s15 =	sand.u32 $0xFFFFF000, s21  }
0x4ad: {  	s7 =	sand.u32 $0x180, s7;
	s20 =	sand.u32 $0xFFFFF000, s19;
	s1 =	sor.u32 s1, s15  }
0x4ae: {  	s22 =	sor.u32 s7, s20;
	s18 =	sshll.u32 s8, $0x7;
	s1 =	sadd.s32 $0x10480, s1  }
0x4af: {  	s17 =	sshll.u32 s8, $0xA;
	[smem:$0x7DC] =	sst s1;
	s1 =	sor.u32 s2, s23  }
0x4b0: {  	s2 =	sand.u32 $0xFFFFF000, s25;
	s23 =	sadd.s32 $0x10480, s22;
	s25 =	sshll.u32 s0, $0xA  }
0x4b1: {  	s0 =	sshll.u32 s0, $0x7;
	s1 =	sadd.s32 $0x10480, s1;
	s26 =	sor.u32 s4, s2  }
0x4b2: {  	s2 =	sand.u32 $0xFFFFF000, s30;
	s4 =	sand.u32 $0x180, s31;
	[smem:$0x7DE] =	sst s23  }
0x4b3: {  	s0 =	sand.u32 $0x180, s0;
	s30 =	simm.s32 $0x0;
	[smem:$0x7DD] =	sst s1  }
0x4b4: {  	s31 =	simm.s32 $0x0;
	s1 =	sadd.s32 $0x10480, s26;
	s26 =	sld [smem:$0x7DC]  }
0x4b5: {  	s22 =	sand.u32 $0x60, s30;
	s19 =	sand.u32 $0xFFFFFE00, s31;
	[smem:$0x7DF] =	sst s1  }
0x4b6: {  	s1 =	sor.u32 s4, s2;
	s2 =	sand.u32 $0xFFFFF000, s12;
	s4 =	sand.u32 $0x180, s13  }
0x4b7: {  	s1 =	sadd.s32 $0x10480, s1;
	s15 =	sor.u32 s4, s2;
	s2 =	sand.u32 $0xFFFFF000, s17  }
0x4b8: {  	s4 =	sand.u32 $0x180, s18;
	[smem:$0x7E1] =	sst s1;
	s1 =	sadd.s32 $0x10480, s15  }
0x4b9: {  	s2 =	sor.u32 s4, s2;
	[smem:$0x7E2] =	sst s1;
	s1 =	sand.u32 $0xFFFFF000, s25  }
0x4ba: {  	s7 =	sadd.s32 s19, s26;
	s21 =	sadd.s32 $0x10480, s2;
	s0 =	sor.u32 s0, s1  }
0x4bb: {  	s15 =	sor.u32 $0x10, s22;
	[smem:$0x7E3] =	sst s21;
	s0 =	sadd.s32 $0x10480, s0  }
0x4bc: {  	s8 =	sadd.s32 s15, s7;
	[smem:$0x7E0] =	sst s0  }
0x4bd: {  	s12 =	sadd.s32 s22, s7;
	v2 =	vld [tilespmem:s8+$0x0]  }
0x4be: {  	s13 =	simm.s32 $0x0;
	v3 =	vld [tilespmem:s12+$0x0]  }
0x4bf: {  	s17 =	sld [smem:$0x7DD];
	s18 =	sand.u32 $0x3FFFFC00, s13  }
0x4c0: {  	s20 =	sadd.s32 $0xC480, s18  }
0x4c1: {  	s23 =	sor.u32 s15, s20  }
0x4c2: {  	s21 =	sadd.s32 s19, s17;
	s0 =	sor.u32 s22, s20;
	[tilespmem:s23+$0x0] =	vst.add.f32.msk $0xffff, v2  }
0x4c3: {  	s25 =	sadd.s32 s15, s21;
	[tilespmem:s0+$0x0] =	vst.add.f32.msk $0xffff, v3  }
0x4c4: {  	s26 =	sadd.s32 s22, s21;
	v2 =	vld [tilespmem:s25+$0x0]  }
0x4c5: {  	v3 =	vld [tilespmem:s26+$0x0]  }
0x4c6: {  	s30 =	sld [smem:$0x7DF]  }
0x4c7: {  	s31 =	sadd.s32 $0xC500, s18  }
0x4c8: {  	s4 =	sor.u32 s15, s31  }
0x4c9: {  	s0 =	sor.u32 s22, s31;
	s1 =	sadd.s32 s19, s30;
	[tilespmem:s4+$0x0] =	vst.add.f32.msk $0xffff, v2  }
0x4ca: {  	s7 =	sadd.s32 s15, s1;
	[tilespmem:s0+$0x0] =	vst.add.f32.msk $0xffff, v3  }
0x4cb: {  	s8 =	sadd.s32 s22, s1;
	v2 =	vld [tilespmem:s7+$0x0]  }
0x4cc: {  	v3 =	vld [tilespmem:s8+$0x0]  }
0x4cd: {  	s12 =	sld [smem:$0x7E1]  }
0x4ce: {  	s13 =	sadd.s32 $0xC580, s18  }
0x4cf: {  	s17 =	sor.u32 s15, s13  }
0x4d0: {  	s0 =	sor.u32 s22, s13;
	s1 =	sadd.s32 s19, s12;
	[tilespmem:s17+$0x0] =	vst.add.f32.msk $0xffff, v2  }
0x4d1: {  	s20 =	sadd.s32 s15, s1;
	[tilespmem:s0+$0x0] =	vst.add.f32.msk $0xffff, v3  }
0x4d2: {  	v2 =	vld [tilespmem:s20+$0x0]  }
0x4d3: {  	s21 =	sadd.s32 s22, s1;
	s23 =	sld [smem:$0x7E2]  }
0x4d4: {  	v3 =	vld [tilespmem:s21+$0x0]  }
0x4d5: {  	s25 =	sadd.s32 $0xC600, s18  }
0x4d6: {  	s26 =	sor.u32 s15, s25;
	s1 =	sadd.s32 s19, s23  }
0x4d7: {  	s31 =	sld [smem:$0x7DC];
	s30 =	sadd.s32 s15, s1;
	[tilespmem:s26+$0x0] =	vst.add.f32.msk $0xffff, v2  }
0x4d8: {  	s7 =	simm.s32 $0x20;
	s8 =	simm.s32 $0x80;
	s0 =	sor.u32 s22, s25;
	v2 =	vld [tilespmem:s30+$0x0]  }
0x4d9: {  	s20 =	sand.u32 $0x60, s7;
	s23 =	sand.u32 $0xFFFFFE00, s8;
	s1 =	sadd.s32 s22, s1;
	[tilespmem:s0+$0x0] =	vst.add.f32.msk $0xffff, v3  }
0x4da: {  	s2 =	sadd.s32 s23, s31;
	s0 =	sor.u32 $0x10, s20;
	s12 =	sld [smem:$0x7E3]  }
0x4db: {  	s13 =	sadd.s32 $0xC680, s18;
	v3 =	vld [tilespmem:s1+$0x0];
	s21 =	sadd.s32 s0, s2  }
0x4dc: {  	s25 =	sor.u32 s15, s13;
	s26 =	simm.s32 $0x100;
	v4 =	vld [tilespmem:s21+$0x0]  }
0x4dd: {  	s2 =	sadd.s32 s20, s2;
	s30 =	sld [smem:$0x7DD];
	s7 =	sadd.s32 s19, s12;
	[tilespmem:s25+$0x0] =	vst.add.f32.msk $0xffff, v2  }
0x4de: {  	s17 =	sand.u32 $0x3FFFFC00, s26;
	s31 =	sadd.s32 s15, s7;
	v2 =	vld [tilespmem:s2+$0x0]  }
0x4df: {  	s1 =	sor.u32 s22, s13;
	s13 =	sadd.s32 $0xC480, s17;
	v5 =	vld [tilespmem:s31+$0x0]  }
0x4e0: {  	s21 =	sadd.s32 s23, s30;
	[tilespmem:s1+$0x0] =	vst.add.f32.msk $0xffff, v3;
	s25 =	sor.u32 s0, s13  }
0x4e1: {  	s30 =	sadd.s32 s0, s21;
	s26 =	sld [smem:$0x7DE];
	[tilespmem:s25+$0x0] =	vst.add.f32.msk $0xffff, v4  }
0x4e2: {  	s12 =	sadd.s32 $0xC700, s18;
	s2 =	sor.u32 s20, s13;
	v3 =	vld [tilespmem:s30+$0x0]  }
0x4e3: {  	s31 =	sor.u32 s15, s12;
	[tilespmem:s2+$0x0] =	vst.add.f32.msk $0xffff, v2  }
0x4e4: {  	s1 =	sadd.s32 s20, s21;
	s2 =	sadd.s32 s19, s26;
	[tilespmem:s31+$0x0] =	vst.add.f32.msk $0xffff, v5;
	s13 =	sld [smem:$0x7DF]  }
0x4e5: {  	s8 =	sadd.s32 s15, s2;
	v2 =	vld [tilespmem:s1+$0x0]  }
0x4e6: {  	s21 =	sadd.s32 $0xC500, s17;
	v4 =	vld [tilespmem:s8+$0x0]  }
0x4e7: {  	s25 =	sor.u32 s0, s21;
	s4 =	sadd.s32 s23, s13  }
0x4e8: {  	s26 =	sld [smem:$0x7E0];
	[tilespmem:s25+$0x0] =	vst.add.f32.msk $0xffff, v3;
	s30 =	sadd.s32 s0, s4  }
0x4e9: {  	s1 =	sor.u32 s20, s21;
	s8 =	sadd.s32 $0xC780, s18;
	v3 =	vld [tilespmem:s30+$0x0]  }
0x4ea: {  	s31 =	sor.u32 s15, s8;
	[tilespmem:s1+$0x0] =	vst.add.f32.msk $0xffff, v2  }
0x4eb: {  	s13 =	sadd.s32 s19, s26;
	s4 =	sadd.s32 s20, s4;
	[tilespmem:s31+$0x0] =	vst.add.f32.msk $0xffff, v4;
	s19 =	sld [smem:$0x7E1]  }
0x4ec: {  	s21 =	sadd.s32 s15, s13;
	v2 =	vld [tilespmem:s4+$0x0]  }
0x4ed: {  	s7 =	sadd.s32 s22, s7;
	s25 =	sadd.s32 $0xC580, s17;
	v4 =	vld [tilespmem:s21+$0x0]  }
0x4ee: {  	v5 =	vld [tilespmem:s7+$0x0];
	s26 =	sor.u32 s0, s25;
	s4 =	sadd.s32 s23, s19  }
0x4ef: {  	[tilespmem:s26+$0x0] =	vst.add.f32.msk $0xffff, v3;
	s30 =	sadd.s32 s0, s4  }
0x4f0: {  	s7 =	sadd.s32 $0xC800, s18;
	s1 =	sor.u32 s20, s25;
	v3 =	vld [tilespmem:s30+$0x0]  }
0x4f1: {  	s31 =	sor.u32 s15, s7;
	[tilespmem:s1+$0x0] =	vst.add.f32.msk $0xffff, v2  }
0x4f2: {  	s15 =	sadd.s32 s20, s4;
	[tilespmem:s31+$0x0] =	vst.add.f32.msk $0xffff, v4;
	s18 =	sld [smem:$0x7E2]  }
0x4f3: {  	s19 =	sor.u32 s22, s12;
	v4 =	vld [tilespmem:s15+$0x0]  }
0x4f4: {  	s2 =	sadd.s32 s22, s2;
	s21 =	sadd.s32 $0xC600, s17;
	[tilespmem:s19+$0x0] =	vst.add.f32.msk $0xffff, v5  }
0x4f5: {  	s26 =	sor.u32 s0, s21;
	v2 =	vld [tilespmem:s2+$0x0];
	s25 =	sadd.s32 s23, s18  }
0x4f6: {  	[tilespmem:s26+$0x0] =	vst.add.f32.msk $0xffff, v3;
	s30 =	sadd.s32 s0, s25  }
0x4f7: {  	s1 =	sor.u32 s20, s21;
	v3 =	vld [tilespmem:s30+$0x0]  }
0x4f8: {  	s19 =	sor.u32 s22, s8;
	s18 =	sadd.s32 s22, s13;
	[tilespmem:s1+$0x0] =	vst.add.f32.msk $0xffff, v4  }
0x4f9: {  	s22 =	sor.u32 s22, s7;
	s31 =	sadd.s32 s20, s25;
	s7 =	sld [smem:$0x7E3]  }
0x4fa: {  	s29 =	simm.s32 $0x2;
	s15 =	simm.s32 $0x40;
	v4 =	vld [tilespmem:s31+$0x0]  }
.LBB2_15:
0x4fb: {  	s29 =	sadd.s32 $0x2, s29;
	s1 =	sld [smem:$0x7DC];
	s2 =	sadd.s32 $0xC680, s17;
	[tilespmem:s19+$0x0] =	vst.add.f32.msk $0xffff, v2  }
0x4fc: {  	s4 =	sshll.u32 s29, $0x6;
	s12 =	sadd.s32 s23, s7;
	s7 =	sor.u32 s0, s2;
	v5 =	vld [tilespmem:s18+$0x0]  }
0x4fd: {  	s21 =	sand.u32 $0x60, s15;
	s8 =	sand.u32 $0xFFFFFE00, s4;
	[tilespmem:s7+$0x0] =	vst.add.f32.msk $0xffff, v3;
	s4 =	sadd.s32 s0, s12  }
0x4fe: {  	s2 =	sor.u32 s20, s2;
	s7 =	sor.u32 $0x10, s21;
	s1 =	sadd.s32 s8, s1;
	v2 =	vld [tilespmem:s4+$0x0]  }
0x4ff: {  	s4 =	sadd.s32 s21, s1;
	s1 =	sadd.s32 s7, s1;
	[tilespmem:s2+$0x0] =	vst.add.f32.msk $0xffff, v4;
	s2 =	sld [smem:$0x7DE]  }
0x500: {  	p1 =	slt.u32 s29, $0x3E;
	v3 =	vld [tilespmem:s1+$0x0];
	s1 =	sadd.s32 s20, s12  }
0x501: {  	s13 =	sadd.s32 $0xC700, s17;
	v4 =	vld [tilespmem:s4+$0x0];
	s4 =	sshll.u32 s29, $0x7;
	s12 =	sld [smem:$0x7DD]  }
0x502: {  	s4 =	sand.u32 $0x3FFFFC00, s4;
	v6 =	vld [tilespmem:s1+$0x0];
	s1 =	sadd.s32 s23, s2;
	s2 =	sor.u32 s0, s13  }
0x503: {  	s13 =	sor.u32 s20, s13;
	s18 =	sadd.s32 $0xC480, s4;
	[tilespmem:s2+$0x0] =	vst.add.f32.msk $0xffff, v2;
	s2 =	sadd.s32 s0, s1  }
0x504: {  	s19 =	sor.u32 s21, s18;
	s12 =	sadd.s32 s8, s12;
	s18 =	sor.u32 s7, s18;
	v2 =	vld [tilespmem:s2+$0x0]  }
0x505: {  	s2 =	sadd.s32 s21, s12;
	[tilespmem:s18+$0x0] =	vst.add.f32.msk $0xffff, v3;
	s12 =	sadd.s32 s7, s12;
	s18 =	sld [smem:$0x7E0]  }
0x506: {  	s1 =	sadd.s32 s20, s1;
	v3 =	vld [tilespmem:s12+$0x0]  }
0x507: {  	s25 =	sadd.s32 $0xC780, s17;
	[tilespmem:s19+$0x0] =	vst.add.f32.msk $0xffff, v4;
	s12 =	sld [smem:$0x7DF]  }
0x508: {  	s19 =	sor.u32 s20, s25;
	v4 =	vld [tilespmem:s2+$0x0];
	s2 =	sadd.s32 s23, s18;
	s23 =	sor.u32 s0, s25  }
0x509: {  	s25 =	sadd.s32 $0xC500, s4;
	s18 =	sadd.s32 s20, s2;
	[tilespmem:s23+$0x0] =	vst.add.f32.msk $0xffff, v2;
	s2 =	sadd.s32 s0, s2  }
0x50a: {  	s26 =	sor.u32 s21, s25;
	s23 =	sor.u32 s7, s25;
	s12 =	sadd.s32 s8, s12;
	v2 =	vld [tilespmem:s2+$0x0]  }
0x50b: {  	s2 =	sadd.s32 s21, s12;
	[tilespmem:s23+$0x0] =	vst.add.f32.msk $0xffff, v3;
	s12 =	sadd.s32 s7, s12;
	s23 =	smov.u32 s8  }
0x50c: {  	v3 =	vld [tilespmem:s12+$0x0]  }
0x50d: {  	s12 =	sadd.s32 $0xC800, s17;
	s17 =	smov.u32 s4;
	[tilespmem:s26+$0x0] =	vst.add.f32.msk $0xffff, v4;
	s8 =	sld [smem:$0x7E1]  }
0x50e: {  	s0 =	sor.u32 s0, s12;
	v4 =	vld [tilespmem:s2+$0x0];
	s2 =	sor.u32 s20, s12;
	s20 =	smov.u32 s21  }
0x50f: {  	s4 =	sadd.s32 $0xC580, s17;
	[tilespmem:s0+$0x0] =	vst.add.f32.msk $0xffff, v2;
	s0 =	smov.u32 s7  }
0x510: {  	s7 =	sor.u32 s20, s4;
	s8 =	sadd.s32 s23, s8;
	s4 =	sor.u32 s0, s4;
	[tilespmem:s13+$0x0] =	vst.add.f32.msk $0xffff, v6  }
0x511: {  	s12 =	sadd.s32 s20, s8;
	[tilespmem:s4+$0x0] =	vst.add.f32.msk $0xffff, v3;
	s4 =	sadd.s32 s0, s8  }
0x512: {  	v3 =	vld [tilespmem:s4+$0x0]  }
0x513: {  	[tilespmem:s7+$0x0] =	vst.add.f32.msk $0xffff, v4;
	s4 =	sld [smem:$0x7E2]  }
0x514: {  	s7 =	sadd.s32 $0xC600, s17;
	v4 =	vld [tilespmem:s12+$0x0]  }
0x515: {  	v2 =	vld [tilespmem:s1+$0x0];
	s1 =	sor.u32 s20, s7  }
.Ltmp6:
0x516: {  	s7 =	sor.u32 s0, s7;
	s4 =	sadd.s32 s23, s4;
	[tilespmem:s22+$0x0] =	vst.add.f32.msk $0xffff, v5;
	(pc) =	sbr.rel @p1 .LBB2_15-.Ltmp6, $4  }
0x517: {  	s22 =	smov.u32 s2;
	s8 =	sadd.s32 s20, s4;
	[tilespmem:s7+$0x0] =	vst.add.f32.msk $0xffff, v3;
	s4 =	sadd.s32 s0, s4  }
0x518: {  	v3 =	vld [tilespmem:s4+$0x0]  }
0x519: {  	[tilespmem:s1+$0x0] =	vst.add.f32.msk $0xffff, v4;
	s7 =	sld [smem:$0x7E3]  }
0x51a: {  	s15 =	sadd.s32 $0x20, s15;
	v4 =	vld [tilespmem:s8+$0x0]  }
0x51b: {  	s1 =	sadd.s32 $0xC680, s17  }
0x51c: {  	s2 =	sadd.s32 s23, s7;
	s4 =	sor.u32 s0, s1  }
0x51d: {  	[tilespmem:s4+$0x0] =	vst.add.f32.msk $0xffff, v3;
	s26 =	sadd.s32 s0, s2  }
0x51e: {  	s1 =	sor.u32 s20, s1;
	v3 =	vld [tilespmem:s26+$0x0]  }
0x51f: {  	[tilespmem:s1+$0x0] =	vst.add.f32.msk $0xffff, v4  }
0x520: {  	s2 =	sadd.s32 s20, s2;
	s1 =	sld [smem:$0x7DE]  }
0x521: {  	v4 =	vld [tilespmem:s2+$0x0]  }
0x522: {  	s29 =	sadd.s32 $0xC700, s17  }
0x523: {  	s30 =	sor.u32 s0, s29;
	s1 =	sadd.s32 s23, s1  }
0x524: {  	[tilespmem:s30+$0x0] =	vst.add.f32.msk $0xffff, v3;
	s31 =	sadd.s32 s0, s1  }
0x525: {  	s2 =	sor.u32 s20, s29;
	v3 =	vld [tilespmem:s31+$0x0]  }
0x526: {  	s7 =	sld [smem:$0x7E0];
	s1 =	sadd.s32 s20, s1;
	[tilespmem:s2+$0x0] =	vst.add.f32.msk $0xffff, v4  }
0x527: {  	v4 =	vld [tilespmem:s1+$0x0]  }
0x528: {  	[tilespmem:s19+$0x0] =	vst.add.f32.msk $0xffff, v2;
	s8 =	sadd.s32 $0xC780, s17  }
0x529: {  	v2 =	vld [tilespmem:s18+$0x0];
	s13 =	sor.u32 s0, s8;
	s12 =	sadd.s32 s23, s7  }
0x52a: {  	s15 =	sadd.s32 s0, s12;
	[tilespmem:s13+$0x0] =	vst.add.f32.msk $0xffff, v3  }
0x52b: {  	s1 =	sor.u32 s20, s8;
	v3 =	vld [tilespmem:s15+$0x0]  }
0x52c: {  	s2 =	sadd.s32 s20, s12;
	[tilespmem:s1+$0x0] =	vst.add.f32.msk $0xffff, v4  }
0x52d: {  	v4 =	vld [tilespmem:s2+$0x0];
	_ =	sdelay $0x1  }
0x52e: {  	s18 =	sadd.s32 $0xC800, s17  }
0x52f: {  	s21 =	sadd.s32 s5, s16;
	s19 =	sor.u32 s0, s18;
	[tilespmem:s22+$0x0] =	vst.add.f32.msk $0xffff, v2  }
0x530: {  	s0 =	sshll.u32 s21, $0x7;
	s1 =	sor.u32 s20, s18;
	[tilespmem:s19+$0x0] =	vst.add.f32.msk $0xffff, v3  }
0x531: {  	s26 =	simm.s32 $0xC480;
	s0 =	sadd.s32 s6, s0;
	[tilespmem:s1+$0x0] =	vst.add.f32.msk $0xffff, v4  }
0x532: {  	[hbm4b:s0+s9] =	stream.linear.scatter [tilespmem:s26], [sflag:$0xF], $0x2000, $0x38;
	[tilespmem:$0x11480] =	vst v63  }
0x533: {  	v2 =	vld [tilespmem:s14+$0x200];
	_ =	sdelay $0x4  }
0x534: {  	(v2sf) =	vpush v2, $0x0  }
0x535: {  	(v2sf) =	vpush v2, $0x1  }
0x536: {  	(v2sf) =	vpush v2, $0x2  }
0x537: {  	(v2sf) =	vpush v2, $0x3  }
0x538: {  	(v2sf) =	vpush v2, $0x4  }
0x539: {  	(v2sf) =	vpush v2, $0x5  }
0x53a: {  	(v2sf) =	vpush v2, $0x6  }
0x53b: {  	(v2sf) =	vpush v2, $0x7;
	_ =	sdelay $0x7  }
0x53c: {  	s22 =	spop (v2sf)  }
0x53d: {  	s23 =	spop (v2sf)  }
0x53e: {  	s25 =	spop (v2sf)  }
0x53f: {  	s12 =	spop (v2sf)  }
0x540: {  	s13 =	spop (v2sf)  }
0x541: {  	s8 =	spop (v2sf)  }
0x542: {  	s7 =	spop (v2sf)  }
0x543: {  	s15 =	simm.s32 $0x8;
	s0 =	spop (v2sf)  }
0x544: {  	_ =	swait.ge [sflag:s15], $0x2000  }
0x545: {  	[sflag:s15] =	ssyncset.done $0x0  }
0x546: {  	s29 =	simm.s32 $0xE;
	[sflag:s15] =	ssyncadd.s32 $0xFFFFE000  }
0x547: {  	_ =	swait.ge [sflag:s29], $0x2000  }
0x548: {  	[sflag:s29] =	ssyncset.done $0x0  }
0x549: {  	[sflag:s29] =	ssyncadd.s32 $0xFFFFE000  }
0x54a: {  	v2 =	vld.msk @!p0 [tilespmem:s24+$0x68], $0xff;
	_ =	sdelay $0x4  }
0x54b: {  	v3 =	vshll.u32 @!p0 v2, $0x3  }
0x54c: {  	v4 =	vlaneseq.u32 @!p0;
	v2 =	vand.u32 @!p0 $0x7, v2;
	v3 =	vand.u32 @!p0 $0xFFFFFFC0, v3  }
0x54d: {  	v2 =	vor.u32 @!p0 v2, v3;
	v3 =	vand.u32 @!p0 $0x7, v4;
	v4 =	vshrl.u32 @!p0 v4, $0x3  }
0x54e: {  	v2 =	vperm.xlane @!p0 v2, v3;
	v3 =	vmul.u32 @!p0 $0x8, v4;
	_ =	sdelay $0x1  }
0x54f: {  	s16 =	simm.s32 @!p0 $0xA480;
	s1 =	sshll.u32 s22, $0x7;
	v2 =	vadd.s32 @!p0 v3, v2  }
0x550: {  	s30 =	sshll.u32 s22, $0xA;
	s1 =	sand.u32 $0x180, s1;
	s2 =	sshll.u32 s23, $0x7  }
0x551: {  	s31 =	sshll.u32 s23, $0xA;
	s2 =	sand.u32 $0x180, s2;
	s4 =	sshll.u32 s25, $0x7  }
0x552: {  	s4 =	sand.u32 $0x180, s4;
	s18 =	sshll.u32 s12, $0xA;
	s19 =	sshll.u32 s12, $0x7  }
0x553: {  	s20 =	sand.u32 $0xFFFFF000, s18;
	s15 =	simm.s32 @!p0 $0x0;
	s17 =	sld [smem:$0x7FC]  }
0x554: {  	[tilespmem:s16], [sflag:$0x6] =	stream.indirect_vreg.gather @!p0 [hbm4b:s28+s15], $0x80, v2, vm1, $0xb8;
	[tilespmem:$0x11480] =	vst v63  }
0x555: {  	s22 =	sshll.u32 s13, $0xA;
	s23 =	sshll.u32 s13, $0x7;
	s16 =	simm.s32 @!p0 $0xAC80  }
0x556: {  	[tilespmem:s16], [sflag:$0x6] =	stream.indirect_vreg.gather @!p0 [hbm4b:s17+s15], $0x80, v2, vm1, $0xb8;
	[tilespmem:$0x11480] =	vst v63  }
0x557: {  	s13 =	sshll.u32 s0, $0xA;
	s0 =	sshll.u32 s0, $0x7;
	s16 =	simm.s32 @!p0 $0xB480  }
0x558: {  	[tilespmem:s16], [sflag:$0x6] =	stream.indirect_vreg.gather @!p0 [hbm4b:s10+s15], $0x80, v2, vm1, $0xb8;
	[tilespmem:$0x11480] =	vst v63  }
0x559: {  	s21 =	sand.u32 $0x180, s19;
	s0 =	sand.u32 $0x180, s0;
	s16 =	simm.s32 @!p0 $0xBC80  }
0x55a: {  	[tilespmem:s16], [sflag:$0x6] =	stream.indirect_vreg.gather @!p0 [hbm4b:s11+s15], $0x80, v2, vm1, $0xb8;
	[tilespmem:$0x11480] =	vst v63  }
0x55b: {  	s29 =	sshll.u32 s8, $0x7;
	s15 =	sand.u32 $0xFFFFF000, s30;
	s16 =	sshll.u32 s25, $0xA  }
0x55c: {  	s30 =	sshll.u32 s7, $0xA;
	s7 =	sshll.u32 s7, $0x7;
	s1 =	sor.u32 s1, s15  }
0x55d: {  	s15 =	sand.u32 $0xFFFFF000, s31;
	s31 =	sand.u32 $0xFFFFF000, s30;
	s7 =	sand.u32 $0x180, s7  }
0x55e: {  	s25 =	sshll.u32 s8, $0xA;
	s1 =	sadd.s32 $0x10480, s1;
	s8 =	sor.u32 s7, s31  }
0x55f: {  	[smem:$0x7D4] =	sst s1;
	s1 =	sor.u32 s2, s15;
	s2 =	sand.u32 $0xFFFFF000, s16  }
0x560: {  	s12 =	sadd.s32 $0x10480, s8;
	s16 =	simm.s32 $0x0;
	s1 =	sadd.s32 $0x10480, s1  }
0x561: {  	s17 =	sor.u32 s4, s2;
	s2 =	sand.u32 $0xFFFFF000, s22;
	[smem:$0x7D6] =	sst s12  }
0x562: {  	s4 =	sand.u32 $0x180, s23;
	s15 =	sld [smem:$0x7D4];
	s22 =	sand.u32 $0x60, s16  }
0x563: {  	[smem:$0x7D5] =	sst s1;
	s1 =	sadd.s32 $0x10480, s17;
	s24 =	sor.u32 s4, s2  }
0x564: {  	s2 =	sand.u32 $0xFFFFF000, s25;
	[smem:$0x7D7] =	sst s1;
	s1 =	sor.u32 s21, s20  }
0x565: {  	s4 =	sand.u32 $0x180, s29;
	s17 =	simm.s32 $0x0;
	s1 =	sadd.s32 $0x10480, s1  }
0x566: {  	s2 =	sor.u32 s4, s2;
	[smem:$0x7D9] =	sst s1;
	s1 =	sadd.s32 $0x10480, s24  }
0x567: {  	s19 =	sand.u32 $0xFFFFFE00, s17;
	[smem:$0x7DA] =	sst s1;
	s1 =	sand.u32 $0xFFFFF000, s13  }
0x568: {  	s2 =	sadd.s32 $0x10480, s2;
	s18 =	sadd.s32 s19, s15;
	s0 =	sor.u32 s0, s1  }
0x569: {  	s15 =	sor.u32 $0x10, s22;
	[smem:$0x7DB] =	sst s2;
	s0 =	sadd.s32 $0x10480, s0  }
0x56a: {  	s20 =	sadd.s32 s15, s18;
	[smem:$0x7D8] =	sst s0  }
0x56b: {  	s21 =	sadd.s32 s22, s18;
	v2 =	vld [tilespmem:s20+$0x0]  }
0x56c: {  	s23 =	simm.s32 $0x0;
	v3 =	vld [tilespmem:s21+$0x0]  }
0x56d: {  	s24 =	sld [smem:$0x7D5];
	s18 =	sand.u32 $0x3FFFFC00, s23  }
0x56e: {  	s25 =	sadd.s32 $0xE480, s18  }
0x56f: {  	s30 =	sor.u32 s15, s25  }
0x570: {  	s29 =	sadd.s32 s19, s24;
	s0 =	sor.u32 s22, s25;
	[tilespmem:s30+$0x0] =	vst.add.f32.msk $0xffff, v2  }
0x571: {  	s31 =	sadd.s32 s15, s29;
	[tilespmem:s0+$0x0] =	vst.add.f32.msk $0xffff, v3  }
0x572: {  	s2 =	sadd.s32 s22, s29;
	v2 =	vld [tilespmem:s31+$0x0]  }
0x573: {  	v3 =	vld [tilespmem:s2+$0x0]  }
0x574: {  	s4 =	sld [smem:$0x7D7]  }
0x575: {  	s7 =	sadd.s32 $0xE500, s18  }
0x576: {  	s8 =	sor.u32 s15, s7  }
0x577: {  	s0 =	sor.u32 s22, s7;
	s1 =	sadd.s32 s19, s4;
	[tilespmem:s8+$0x0] =	vst.add.f32.msk $0xffff, v2  }
0x578: {  	s12 =	sadd.s32 s15, s1;
	[tilespmem:s0+$0x0] =	vst.add.f32.msk $0xffff, v3  }
0x579: {  	s13 =	sadd.s32 s22, s1;
	v2 =	vld [tilespmem:s12+$0x0]  }
0x57a: {  	v3 =	vld [tilespmem:s13+$0x0]  }
0x57b: {  	s16 =	sld [smem:$0x7D9]  }
0x57c: {  	s17 =	sadd.s32 $0xE580, s18  }
0x57d: {  	s20 =	sor.u32 s15, s17  }
0x57e: {  	s0 =	sor.u32 s22, s17;
	s1 =	sadd.s32 s19, s16;
	[tilespmem:s20+$0x0] =	vst.add.f32.msk $0xffff, v2  }
0x57f: {  	s21 =	sadd.s32 s15, s1;
	[tilespmem:s0+$0x0] =	vst.add.f32.msk $0xffff, v3  }
0x580: {  	v2 =	vld [tilespmem:s21+$0x0]  }
0x581: {  	s23 =	sadd.s32 s22, s1;
	s24 =	sld [smem:$0x7DA]  }
0x582: {  	v3 =	vld [tilespmem:s23+$0x0]  }
0x583: {  	s25 =	sadd.s32 $0xE600, s18  }
0x584: {  	s29 =	sor.u32 s15, s25;
	s31 =	sld [smem:$0x7D4];
	s1 =	sadd.s32 s19, s24  }
0x585: {  	s8 =	simm.s32 $0x80;
	s30 =	sadd.s32 s15, s1;
	[tilespmem:s29+$0x0] =	vst.add.f32.msk $0xffff, v2  }
0x586: {  	s7 =	simm.s32 $0x20;
	s0 =	sor.u32 s22, s25;
	s20 =	sand.u32 $0xFFFFFE00, s8;
	v2 =	vld [tilespmem:s30+$0x0]  }
0x587: {  	s16 =	sand.u32 $0x60, s7;
	s2 =	sadd.s32 s20, s31;
	[tilespmem:s0+$0x0] =	vst.add.f32.msk $0xffff, v3  }
0x588: {  	s1 =	sadd.s32 s22, s1;
	s0 =	sor.u32 $0x10, s16;
	s12 =	sld [smem:$0x7DB]  }
0x589: {  	s13 =	sadd.s32 $0xE680, s18;
	v3 =	vld [tilespmem:s1+$0x0];
	s21 =	sadd.s32 s0, s2  }
0x58a: {  	s25 =	sld [smem:$0x7D5];
	s23 =	sor.u32 s15, s13;
	v4 =	vld [tilespmem:s21+$0x0]  }
0x58b: {  	s24 =	simm.s32 $0x100;
	s2 =	sadd.s32 s16, s2;
	s7 =	sadd.s32 s19, s12;
	[tilespmem:s23+$0x0] =	vst.add.f32.msk $0xffff, v2  }
0x58c: {  	s17 =	sand.u32 $0x3FFFFC00, s24;
	s29 =	sadd.s32 s15, s7;
	v2 =	vld [tilespmem:s2+$0x0]  }
0x58d: {  	s1 =	sor.u32 s22, s13;
	s30 =	sadd.s32 $0xE480, s17;
	v5 =	vld [tilespmem:s29+$0x0]  }
0x58e: {  	s31 =	sadd.s32 s20, s25;
	s12 =	sor.u32 s0, s30;
	[tilespmem:s1+$0x0] =	vst.add.f32.msk $0xffff, v3  }
0x58f: {  	s21 =	sadd.s32 s0, s31;
	s13 =	sld [smem:$0x7D6];
	[tilespmem:s12+$0x0] =	vst.add.f32.msk $0xffff, v4  }
0x590: {  	s2 =	sor.u32 s16, s30;
	s12 =	sadd.s32 $0xE700, s18;
	v3 =	vld [tilespmem:s21+$0x0]  }
0x591: {  	s23 =	sor.u32 s15, s12;
	[tilespmem:s2+$0x0] =	vst.add.f32.msk $0xffff, v2  }
0x592: {  	s1 =	sadd.s32 s16, s31;
	s2 =	sadd.s32 s19, s13;
	[tilespmem:s23+$0x0] =	vst.add.f32.msk $0xffff, v5;
	s24 =	sld [smem:$0x7D7]  }
0x593: {  	s8 =	sadd.s32 s15, s2;
	v2 =	vld [tilespmem:s1+$0x0]  }
0x594: {  	s25 =	sadd.s32 $0xE500, s17;
	v4 =	vld [tilespmem:s8+$0x0]  }
0x595: {  	s29 =	sor.u32 s0, s25;
	s4 =	sadd.s32 s20, s24  }
0x596: {  	s30 =	sld [smem:$0x7D8];
	[tilespmem:s29+$0x0] =	vst.add.f32.msk $0xffff, v3;
	s31 =	sadd.s32 s0, s4  }
0x597: {  	s1 =	sor.u32 s16, s25;
	s8 =	sadd.s32 $0xE780, s18;
	v3 =	vld [tilespmem:s31+$0x0]  }
0x598: {  	s21 =	sor.u32 s15, s8;
	[tilespmem:s1+$0x0] =	vst.add.f32.msk $0xffff, v2  }
0x599: {  	s13 =	sadd.s32 s19, s30;
	s23 =	sadd.s32 s16, s4;
	[tilespmem:s21+$0x0] =	vst.add.f32.msk $0xffff, v4;
	s24 =	sld [smem:$0x7D9]  }
0x59a: {  	s25 =	sadd.s32 s15, s13;
	v2 =	vld [tilespmem:s23+$0x0]  }
0x59b: {  	s7 =	sadd.s32 s22, s7;
	s29 =	sadd.s32 $0xE580, s17;
	v4 =	vld [tilespmem:s25+$0x0]  }
0x59c: {  	v5 =	vld [tilespmem:s7+$0x0];
	s30 =	sor.u32 s0, s29;
	s4 =	sadd.s32 s20, s24  }
0x59d: {  	[tilespmem:s30+$0x0] =	vst.add.f32.msk $0xffff, v3;
	s31 =	sadd.s32 s0, s4  }
0x59e: {  	s7 =	sadd.s32 $0xE800, s18;
	s1 =	sor.u32 s16, s29;
	v3 =	vld [tilespmem:s31+$0x0]  }
0x59f: {  	s18 =	sor.u32 s15, s7;
	[tilespmem:s1+$0x0] =	vst.add.f32.msk $0xffff, v2  }
0x5a0: {  	s19 =	sadd.s32 s16, s4;
	[tilespmem:s18+$0x0] =	vst.add.f32.msk $0xffff, v4;
	s21 =	sld [smem:$0x7DA]  }
0x5a1: {  	s23 =	sor.u32 s22, s12;
	v4 =	vld [tilespmem:s19+$0x0]  }
0x5a2: {  	s2 =	sadd.s32 s22, s2;
	[tilespmem:s23+$0x0] =	vst.add.f32.msk $0xffff, v5;
	s24 =	sadd.s32 $0xE600, s17  }
0x5a3: {  	s29 =	sor.u32 s0, s24;
	v2 =	vld [tilespmem:s2+$0x0];
	s25 =	sadd.s32 s20, s21  }
0x5a4: {  	[tilespmem:s29+$0x0] =	vst.add.f32.msk $0xffff, v3;
	s30 =	sadd.s32 s0, s25  }
0x5a5: {  	s1 =	sor.u32 s16, s24;
	v3 =	vld [tilespmem:s30+$0x0]  }
0x5a6: {  	s19 =	sor.u32 s22, s8;
	s18 =	sadd.s32 s22, s13;
	[tilespmem:s1+$0x0] =	vst.add.f32.msk $0xffff, v4  }
0x5a7: {  	s22 =	sor.u32 s22, s7;
	s31 =	sadd.s32 s16, s25;
	s7 =	sld [smem:$0x7DB]  }
0x5a8: {  	s15 =	simm.s32 $0x40;
	s23 =	simm.s32 $0x2;
	v4 =	vld [tilespmem:s31+$0x0]  }
.LBB2_17:
0x5a9: {  	s23 =	sadd.s32 $0x2, s23;
	s1 =	sld [smem:$0x7D4];
	s2 =	sadd.s32 $0xE680, s17;
	[tilespmem:s19+$0x0] =	vst.add.f32.msk $0xffff, v2  }
0x5aa: {  	s4 =	sshll.u32 s23, $0x6;
	s12 =	sadd.s32 s20, s7;
	s7 =	sor.u32 s0, s2;
	v5 =	vld [tilespmem:s18+$0x0]  }
0x5ab: {  	s21 =	sand.u32 $0x60, s15;
	s8 =	sand.u32 $0xFFFFFE00, s4;
	[tilespmem:s7+$0x0] =	vst.add.f32.msk $0xffff, v3;
	s4 =	sadd.s32 s0, s12  }
0x5ac: {  	s2 =	sor.u32 s16, s2;
	s7 =	sor.u32 $0x10, s21;
	s1 =	sadd.s32 s8, s1;
	v2 =	vld [tilespmem:s4+$0x0]  }
0x5ad: {  	s4 =	sadd.s32 s21, s1;
	s1 =	sadd.s32 s7, s1;
	[tilespmem:s2+$0x0] =	vst.add.f32.msk $0xffff, v4;
	s2 =	sld [smem:$0x7D6]  }
0x5ae: {  	p0 =	slt.u32 s23, $0x3E;
	v3 =	vld [tilespmem:s1+$0x0];
	s1 =	sadd.s32 s16, s12  }
0x5af: {  	s13 =	sadd.s32 $0xE700, s17;
	v4 =	vld [tilespmem:s4+$0x0];
	s4 =	sshll.u32 s23, $0x7;
	s12 =	sld [smem:$0x7D5]  }
0x5b0: {  	s4 =	sand.u32 $0x3FFFFC00, s4;
	v6 =	vld [tilespmem:s1+$0x0];
	s1 =	sadd.s32 s20, s2;
	s2 =	sor.u32 s0, s13  }
0x5b1: {  	s13 =	sor.u32 s16, s13;
	s18 =	sadd.s32 $0xE480, s4;
	[tilespmem:s2+$0x0] =	vst.add.f32.msk $0xffff, v2;
	s2 =	sadd.s32 s0, s1  }
0x5b2: {  	s19 =	sor.u32 s21, s18;
	s12 =	sadd.s32 s8, s12;
	s18 =	sor.u32 s7, s18;
	v2 =	vld [tilespmem:s2+$0x0]  }
0x5b3: {  	s2 =	sadd.s32 s21, s12;
	[tilespmem:s18+$0x0] =	vst.add.f32.msk $0xffff, v3;
	s12 =	sadd.s32 s7, s12;
	s18 =	sld [smem:$0x7D8]  }
0x5b4: {  	s1 =	sadd.s32 s16, s1;
	v3 =	vld [tilespmem:s12+$0x0]  }
0x5b5: {  	s24 =	sadd.s32 $0xE780, s17;
	[tilespmem:s19+$0x0] =	vst.add.f32.msk $0xffff, v4;
	s12 =	sld [smem:$0x7D7]  }
0x5b6: {  	s19 =	sor.u32 s16, s24;
	v4 =	vld [tilespmem:s2+$0x0];
	s2 =	sadd.s32 s20, s18;
	s20 =	sor.u32 s0, s24  }
0x5b7: {  	s24 =	sadd.s32 $0xE500, s4;
	s18 =	sadd.s32 s16, s2;
	[tilespmem:s20+$0x0] =	vst.add.f32.msk $0xffff, v2;
	s2 =	sadd.s32 s0, s2  }
0x5b8: {  	s25 =	sor.u32 s21, s24;
	s20 =	sor.u32 s7, s24;
	s12 =	sadd.s32 s8, s12;
	v2 =	vld [tilespmem:s2+$0x0]  }
0x5b9: {  	s2 =	sadd.s32 s21, s12;
	[tilespmem:s20+$0x0] =	vst.add.f32.msk $0xffff, v3;
	s12 =	sadd.s32 s7, s12;
	s20 =	smov.u32 s8  }
0x5ba: {  	v3 =	vld [tilespmem:s12+$0x0]  }
0x5bb: {  	s12 =	sadd.s32 $0xE800, s17;
	s17 =	smov.u32 s4;
	[tilespmem:s25+$0x0] =	vst.add.f32.msk $0xffff, v4;
	s8 =	sld [smem:$0x7D9]  }
0x5bc: {  	s0 =	sor.u32 s0, s12;
	v4 =	vld [tilespmem:s2+$0x0];
	s2 =	sor.u32 s16, s12;
	s16 =	smov.u32 s21  }
0x5bd: {  	s4 =	sadd.s32 $0xE580, s17;
	[tilespmem:s0+$0x0] =	vst.add.f32.msk $0xffff, v2;
	s0 =	smov.u32 s7  }
0x5be: {  	s7 =	sor.u32 s16, s4;
	s8 =	sadd.s32 s20, s8;
	s4 =	sor.u32 s0, s4;
	[tilespmem:s13+$0x0] =	vst.add.f32.msk $0xffff, v6  }
0x5bf: {  	s12 =	sadd.s32 s16, s8;
	[tilespmem:s4+$0x0] =	vst.add.f32.msk $0xffff, v3;
	s4 =	sadd.s32 s0, s8  }
0x5c0: {  	v3 =	vld [tilespmem:s4+$0x0]  }
0x5c1: {  	[tilespmem:s7+$0x0] =	vst.add.f32.msk $0xffff, v4;
	s4 =	sld [smem:$0x7DA]  }
0x5c2: {  	s7 =	sadd.s32 $0xE600, s17;
	v4 =	vld [tilespmem:s12+$0x0]  }
0x5c3: {  	v2 =	vld [tilespmem:s1+$0x0];
	s1 =	sor.u32 s16, s7  }
.Ltmp7:
0x5c4: {  	s7 =	sor.u32 s0, s7;
	s4 =	sadd.s32 s20, s4;
	[tilespmem:s22+$0x0] =	vst.add.f32.msk $0xffff, v5;
	(pc) =	sbr.rel @p0 .LBB2_17-.Ltmp7, $4  }
0x5c5: {  	s22 =	smov.u32 s2;
	s8 =	sadd.s32 s16, s4;
	[tilespmem:s7+$0x0] =	vst.add.f32.msk $0xffff, v3;
	s4 =	sadd.s32 s0, s4  }
0x5c6: {  	v3 =	vld [tilespmem:s4+$0x0]  }
0x5c7: {  	[tilespmem:s1+$0x0] =	vst.add.f32.msk $0xffff, v4;
	s7 =	sld [smem:$0x7DB]  }
0x5c8: {  	s15 =	sadd.s32 $0x20, s15;
	v4 =	vld [tilespmem:s8+$0x0]  }
0x5c9: {  	s1 =	sadd.s32 $0xE680, s17  }
0x5ca: {  	s2 =	sadd.s32 s20, s7;
	s4 =	sor.u32 s0, s1  }
0x5cb: {  	[tilespmem:s4+$0x0] =	vst.add.f32.msk $0xffff, v3;
	s7 =	sadd.s32 s0, s2  }
0x5cc: {  	s1 =	sor.u32 s16, s1;
	v3 =	vld [tilespmem:s7+$0x0]  }
0x5cd: {  	[tilespmem:s1+$0x0] =	vst.add.f32.msk $0xffff, v4  }
0x5ce: {  	s2 =	sadd.s32 s16, s2;
	s1 =	sld [smem:$0x7D6]  }
0x5cf: {  	v4 =	vld [tilespmem:s2+$0x0]  }
0x5d0: {  	s8 =	sadd.s32 $0xE700, s17  }
0x5d1: {  	s12 =	sor.u32 s0, s8;
	s1 =	sadd.s32 s20, s1  }
0x5d2: {  	[tilespmem:s12+$0x0] =	vst.add.f32.msk $0xffff, v3;
	s13 =	sadd.s32 s0, s1  }
0x5d3: {  	s2 =	sor.u32 s16, s8;
	v3 =	vld [tilespmem:s13+$0x0]  }
0x5d4: {  	s15 =	sld [smem:$0x7D8];
	s1 =	sadd.s32 s16, s1;
	[tilespmem:s2+$0x0] =	vst.add.f32.msk $0xffff, v4  }
0x5d5: {  	v4 =	vld [tilespmem:s1+$0x0]  }
0x5d6: {  	[tilespmem:s19+$0x0] =	vst.add.f32.msk $0xffff, v2;
	s19 =	sadd.s32 $0xE780, s17  }
0x5d7: {  	v2 =	vld [tilespmem:s18+$0x0];
	s23 =	sor.u32 s0, s19;
	s21 =	sadd.s32 s20, s15  }
0x5d8: {  	s24 =	sadd.s32 s0, s21;
	[tilespmem:s23+$0x0] =	vst.add.f32.msk $0xffff, v3  }
0x5d9: {  	s1 =	sor.u32 s16, s19;
	v3 =	vld [tilespmem:s24+$0x0]  }
0x5da: {  	s2 =	sadd.s32 s16, s21;
	[tilespmem:s1+$0x0] =	vst.add.f32.msk $0xffff, v4  }
0x5db: {  	s3 =	sadd.s32 $0x1, s3;
	v4 =	vld [tilespmem:s2+$0x0]  }
0x5dc: {  	p0 =	sne.s32 s3, $0x8  }
.Ltmp8:
0x5dd: {  	s25 =	sadd.s32 $0xE800, s17;
	(pc) =	sbr.rel @p0 .LBB2_2-.Ltmp8, $4  }
0x5de: {  	s30 =	sadd.s32 s5, s14;
	s29 =	sor.u32 s0, s25;
	[tilespmem:s22+$0x0] =	vst.add.f32.msk $0xffff, v2  }
0x5df: {  	s0 =	sshll.u32 s30, $0x7;
	s1 =	sor.u32 s16, s25;
	[tilespmem:s29+$0x0] =	vst.add.f32.msk $0xffff, v3  }
0x5e0: {  	s31 =	simm.s32 $0xE480;
	s0 =	sadd.s32 s6, s0;
	[tilespmem:s1+$0x0] =	vst.add.f32.msk $0xffff, v4  }
0x5e1: {  	[hbm4b:s0+s9] =	stream.linear.scatter [tilespmem:s31], [sflag:$0x10], $0x2000, $0x38;
	[tilespmem:$0x11480] =	vst v63  }
0x5e2: {  	s0 =	simm.s32 $0xF  }
0x5e3: {  	_ =	swait.ge [sflag:s0], $0x2000  }
0x5e4: {  	[sflag:s0] =	ssyncset.done $0x0  }
0x5e5: {  	s1 =	simm.s32 $0x10;
	[sflag:s0] =	ssyncadd.s32 $0xFFFFE000  }
0x5e6: {  	_ =	swait.ge [sflag:s1], $0x2000  }
0x5e7: {  	s2 =	sld [smem:$0x7F9]  }
0x5e8: {  	s31 =	sld [smem:$0x7FD];
	_ =	sdelay $0x1  }
0x5e9: {  	s2 =	sadd.s32 $0x1, s2  }
0x5ea: {  	p0 =	sne.s32 s2, s31  }
.Ltmp9:
0x5eb: {  	_ = 	snop;
	(pc) =	sbr.rel @p0 .LBB2_1-.Ltmp9, $3  }
0x5ec: {  	_ =	sdelay $0x1  }
0x5ed: {  	[sflag:s1] =	ssyncset.done $0x0  }
0x5ee: {  	[sflag:s1] =	ssyncadd.s32 $0xFFFFE000  }
0x5ef: {  	_ =	sfence.sel $0x180000  }
0x5f0: {  	[bflag:$0x0] =	sbarrier.arrive $0xFFFF  }
0x5f1: {  	_ =	strace $0x90000047  }
0x5f2: {  	s0 =	stileid.u32;
	[bflag:$0x2] =	sbarrier.arrive $0xFFFF  }
0x5f3: {  	p0 =	sne.s32 s0, $0x0;
	s0 =	rddreg [dreg:$0x4]  }
0x5f4: {  	s0 =	sadd.s32 @!p0 $0x100000, s0  }
0x5f5: {  	[sflag:s0] =	ssyncadd.tile.s32 @!p0 $0x1;
	_ =	shalt  }
.Lfunc_end2:
_tile_overlayer_lowered:
.L_overlay_start_2:
0x5f6: {  	(tag) =	ssettag $0x2  }
0x5f7: {  	s0 =	rddreg [dreg:$0x0];
	s2 =	stileid.u32  }
0x5f8: {  	s1 =	rddreg [dreg:$0x1];
	p0 =	sne.s32 s2, $0x0  }
0x5f9: {  	s3 =	rddreg [dreg:$0x2];
	[bflag:$0x3] =	sbarrier.arrive $0xFFFF;
	s2 =	simm.s32 @!p0 $0x1C11  }
0x5fa: {  	[timem:s3], [sflag:s2] =	dma.local @!p0 [hbm:s0], s1  }
0x5fb: {  	s0 =	simm.s32 @!p0 $0x11  }
0x5fc: {  	_ =	swait.ge @!p0 [sflag:s0], s1  }
0x5fd: {  	s1 =	ssub.s32 @!p0 $0x0, s1;
	[sflag:s0] =	ssyncset.done @!p0 $0x0  }
0x5fe: {  	[sflag:s0] =	ssyncadd.s32 @!p0 s1  }
0x5ff: {  	[bflag:$0x3] =	sbarrier.arrive $0xFFFF  }
0x600: {  	_ =	shalt  }

</sc_bundles>
